<compile_context>
chip_gen: v7x
topology: tpu7x:2x2x1
jax: 0.10.2.dev20260603
libtpu: 0.0.44.dev20260713+nightly
codegen_flags: <defaults>
</compile_context>

<pallas_src>
import functools

import jax
import jax.numpy as jnp
from jax import lax
from jax.experimental import pallas as pl
from jax.experimental.pallas import tpu as pltpu
from jax.experimental.pallas import tpu_sc as plsc

N_NODES = 10000
N_EDGES = 160000
F = 256
NBR = 16
OUT = 512
EPS = 1e-5

NC = 2
NS = 16
NW = NC * NS

SB = 128
GB = 40
CH_W = N_EDGES // NW
NSTEP_W = CH_W // GB
PAIRS_W = NSTEP_W // 2
CH_T = N_EDGES // NS
MB = SB
NFULL_T = CH_T // MB
TAIL_T = CH_T - NFULL_T * MB
CHALF = F // NC
DR = 624

EBLK = 2000
NBLK = 2000



def _proj_body(a_ref, ws_ref, wn_ref, ps_ref, pn_ref):
    a = a_ref[...]
    ps_ref[...] = jnp.dot(a, ws_ref[...], preferred_element_type=jnp.float32)
    pn_ref[...] = jnp.dot(a, wn_ref[...], preferred_element_type=jnp.float32)


def _project(atom, ws, wn):
    return pl.pallas_call(
        _proj_body,
        grid=(N_NODES // NBLK,),
        in_specs=[
            pl.BlockSpec((NBLK, F), lambda i: (i, 0)),
            pl.BlockSpec((F, OUT), lambda i: (0, 0)),
            pl.BlockSpec((F, OUT), lambda i: (0, 0)),
        ],
        out_specs=[
            pl.BlockSpec((NBLK, OUT), lambda i: (i, 0)),
            pl.BlockSpec((NBLK, OUT), lambda i: (i, 0)),
        ],
        out_shape=[jax.ShapeDtypeStruct((N_NODES, OUT), jnp.float32)] * 2,
    )(atom, ws, wn)


def _gather_body(ps_hbm, pn_hbm, sidx_hbm, nidx_hbm, xp_hbm,
                 sidx_v, nidx_v, a0, b0, a1, b1,
                 sga0, sgb0, sga1, sgb1, sst0, sst1):
    wid = lax.axis_index("s") * NC + lax.axis_index("c")
    base = wid * CH_W
    pltpu.sync_copy(sidx_hbm.at[pl.ds(base, CH_W)], sidx_v)
    pltpu.sync_copy(nidx_hbm.at[pl.ds(base, CH_W)], nidx_v)

    A = (a0, a1)
    B = (b0, b1)
    SGA = (sga0, sga1)
    SGB = (sgb0, sgb1)
    SST = (sst0, sst1)

    def issue_g(off, p):
        pltpu.async_copy(ps_hbm.at[sidx_v.at[pl.ds(off, GB)]], A[p], SGA[p])
        pltpu.async_copy(pn_hbm.at[nidx_v.at[pl.ds(off, GB)]], B[p], SGB[p])

    def wait_g(off, p):
        pltpu.make_async_copy(
            ps_hbm.at[sidx_v.at[pl.ds(off, GB)]], A[p], SGA[p]).wait()
        pltpu.make_async_copy(
            pn_hbm.at[nidx_v.at[pl.ds(off, GB)]], B[p], SGB[p]).wait()

    def wait_st(off, p):
        pltpu.make_async_copy(
            A[p], xp_hbm.at[pl.ds(base + off, GB)], SST[p]).wait()

    def do_step(i, q, guard=False, last=False):
        off = i * GB

        if guard:
            @pl.when(i > 0)
            def _wait_prev_store():
                wait_st(off - GB, 1 - q)
        else:
            wait_st(off - GB, 1 - q)

        if not last:
            issue_g(off + GB, 1 - q)
        wait_g(off, q)

        def rbody(r, carry):
            for j in range(OUT // 16):
                sl = pl.ds(16 * j, 16)
                A[q][r, sl] = A[q][r, sl] + B[q][r, sl]
            return carry

        lax.fori_loop(0, GB, rbody, 0)
        pltpu.async_copy(A[q], xp_hbm.at[pl.ds(base + off, GB)], SST[q])

    issue_g(0, 0)

    def pair(k, carry):
        do_step(2 * k, 0, guard=True)
        do_step(2 * k + 1, 1)
        return carry

    lax.fori_loop(0, PAIRS_W, pair, 0)
    do_step(NSTEP_W - 1, 0, last=True)
    wait_st((NSTEP_W - 1) * GB, 0)


@functools.cache
def _gather_edges_call():
    return pl.kernel(
        _gather_body,
        out_type=jax.ShapeDtypeStruct((N_EDGES, OUT), jnp.float32),
        mesh=plsc.VectorSubcoreMesh(core_axis_name="c", subcore_axis_name="s"),
        scratch_types=[
            pltpu.VMEM((CH_W,), jnp.int32),
            pltpu.VMEM((CH_W,), jnp.int32),
            pltpu.VMEM((GB, OUT), jnp.float32),
            pltpu.VMEM((GB, OUT), jnp.float32),
            pltpu.VMEM((GB, OUT), jnp.float32),
            pltpu.VMEM((GB, OUT), jnp.float32),
            pltpu.SemaphoreType.DMA,
            pltpu.SemaphoreType.DMA,
            pltpu.SemaphoreType.DMA,
            pltpu.SemaphoreType.DMA,
            pltpu.SemaphoreType.DMA,
            pltpu.SemaphoreType.DMA,
        ],
    )


def _stats1_body(xp_ref, nbr_ref, we_ref, b_ref, st_ref):
    @pl.when(pl.program_id(0) == 0)
    def _init():
        st_ref[...] = jnp.zeros_like(st_ref)

    x = (xp_ref[...]
         + jnp.dot(nbr_ref[...], we_ref[...], preferred_element_type=jnp.float32)
         + b_ref[...])
    st_ref[...] += jnp.concatenate(
        [jnp.sum(x, axis=0, keepdims=True),
         jnp.sum(x * x, axis=0, keepdims=True)], axis=0)


def _stats1(xp, nbr_fea, we, b2d):
    return pl.pallas_call(
        _stats1_body,
        grid=(N_EDGES // EBLK,),
        in_specs=[
            pl.BlockSpec((EBLK, OUT), lambda i: (i, 0)),
            pl.BlockSpec((EBLK, NBR), lambda i: (i, 0)),
            pl.BlockSpec((NBR, OUT), lambda i: (0, 0)),
            pl.BlockSpec((1, OUT), lambda i: (0, 0)),
        ],
        out_specs=pl.BlockSpec((2, OUT), lambda i: (0, 0)),
        out_shape=jax.ShapeDtypeStruct((2, OUT), jnp.float32),
    )(xp, nbr_fea, we, b2d)


def _msg_body(xp_ref, nbr_ref, we_ref, b_ref, st_ref, g1_ref, b1_ref, msg_ref):
    x = (xp_ref[...]
         + jnp.dot(nbr_ref[...], we_ref[...], preferred_element_type=jnp.float32)
         + b_ref[...])
    mu = st_ref[0:1, :] * (1.0 / N_EDGES)
    var = st_ref[1:2, :] * (1.0 / N_EDGES) - mu * mu
    xh = (x - mu) * lax.rsqrt(var + EPS) * g1_ref[...] + b1_ref[...]
    filt = jax.nn.sigmoid(xh[:, :F])
    core = jax.nn.softplus(xh[:, F:])
    msg_ref[...] = filt * core


def _messages(xp, nbr_fea, we, b2d, st, g1, b1):
    return pl.pallas_call(
        _msg_body,
        grid=(N_EDGES // EBLK,),
        in_specs=[
            pl.BlockSpec((EBLK, OUT), lambda i: (i, 0)),
            pl.BlockSpec((EBLK, NBR), lambda i: (i, 0)),
            pl.BlockSpec((NBR, OUT), lambda i: (0, 0)),
            pl.BlockSpec((1, OUT), lambda i: (0, 0)),
            pl.BlockSpec((2, OUT), lambda i: (0, 0)),
            pl.BlockSpec((1, OUT), lambda i: (0, 0)),
            pl.BlockSpec((1, OUT), lambda i: (0, 0)),
        ],
        out_specs=pl.BlockSpec((EBLK, F), lambda i: (i, 0)),
        out_shape=jax.ShapeDtypeStruct((N_EDGES, F), jnp.float32),
    )(xp, nbr_fea, we, b2d, st, g1, b1)


def _segsum_body(msg_hbm, sidx_hbm, zero_hbm, pooled_hbm,
                 shared, m0, m1, i0, i1, it, sm0, sm1, si0, si1, sit):
    cid = lax.axis_index("c")
    sid = lax.axis_index("s")
    c0 = cid * CHALF
    n0 = sid * DR
    base = sid * CH_T
    MBUF = (m0, m1)
    IBUF = (i0, i1)
    SM = (sm0, sm1)
    SI = (si0, si1)

    def issue_ld(off, p):
        e0 = base + off
        pltpu.async_copy(
            msg_hbm.at[pl.ds(e0, MB), pl.ds(c0, CHALF)], MBUF[p], SM[p])
        pltpu.async_copy(sidx_hbm.at[pl.ds(e0, SB)], IBUF[p].at[0], SI[p])

    def wait_ld(off, p):
        e0 = base + off
        pltpu.make_async_copy(
            msg_hbm.at[pl.ds(e0, MB), pl.ds(c0, CHALF)], MBUF[p], SM[p]).wait()
        pltpu.make_async_copy(
            sidx_hbm.at[pl.ds(e0, SB)], IBUF[p].at[0], SI[p]).wait()

    issue_ld(0, 0)
    pltpu.sync_copy(zero_hbm, shared.at[pl.ds(n0, DR)])

    @pl.when(sid == NS - 1)
    def _zero_rest():
        pltpu.sync_copy(zero_hbm.at[pl.ds(0, N_NODES - NS * DR)],
                        shared.at[pl.ds(NS * DR, N_NODES - NS * DR)])

    plsc.subcore_barrier()

    def do_step(i, q, last=False):
        off = i * MB
        if not last:
            issue_ld(off + MB, 1 - q)
        wait_ld(off, q)
        pltpu.sync_copy(MBUF[q], shared.at[IBUF[q].at[0]], add=True)

    def pair(k, carry):
        do_step(2 * k, 0)
        do_step(2 * k + 1, 1)
        return carry

    lax.fori_loop(0, NFULL_T // 2 - 1, pair, 0)
    do_step(NFULL_T - 2, 0)
    do_step(NFULL_T - 1, 1, last=True)

    e0 = base + NFULL_T * MB
    pltpu.sync_copy(sidx_hbm.at[pl.ds(e0, TAIL_T)], it.at[0])
    pltpu.async_copy(
        msg_hbm.at[pl.ds(e0, TAIL_T), pl.ds(c0, CHALF)],
        m1.at[pl.ds(0, TAIL_T)], sm1).wait()
    pltpu.sync_copy(m1.at[pl.ds(0, TAIL_T)], shared.at[it.at[0]], add=True)

    plsc.subcore_barrier()
    pltpu.sync_copy(shared.at[pl.ds(n0, DR)],
                    pooled_hbm.at[pl.ds(n0, DR), pl.ds(c0, CHALF)])

    @pl.when(sid == NS - 1)
    def _drain_rest():
        nr = N_NODES - NS * DR
        pltpu.sync_copy(shared.at[pl.ds(NS * DR, nr)],
                        pooled_hbm.at[pl.ds(NS * DR, nr), pl.ds(c0, CHALF)])


@functools.cache
def _segment_sum_call():
    return pl.kernel(
        _segsum_body,
        out_type=jax.ShapeDtypeStruct((N_NODES, F), jnp.float32),
        mesh=plsc.VectorSubcoreMesh(core_axis_name="c", subcore_axis_name="s"),
        scratch_types=[
            pltpu.VMEM_SHARED((N_NODES, CHALF), jnp.float32),
            pltpu.VMEM((MB, CHALF), jnp.float32),
            pltpu.VMEM((MB, CHALF), jnp.float32),
            pltpu.VMEM((1, SB), jnp.int32),
            pltpu.VMEM((1, SB), jnp.int32),
            pltpu.VMEM((1, TAIL_T), jnp.int32),
            pltpu.SemaphoreType.DMA,
            pltpu.SemaphoreType.DMA,
            pltpu.SemaphoreType.DMA,
            pltpu.SemaphoreType.DMA,
            pltpu.SemaphoreType.DMA,
        ],
    )


def _stats2_body(p_ref, st_ref):
    @pl.when(pl.program_id(0) == 0)
    def _init():
        st_ref[...] = jnp.zeros_like(st_ref)

    x = p_ref[...]
    st_ref[...] += jnp.concatenate(
        [jnp.sum(x, axis=0, keepdims=True),
         jnp.sum(x * x, axis=0, keepdims=True)], axis=0)


def _stats2(pooled):
    return pl.pallas_call(
        _stats2_body,
        grid=(N_NODES // NBLK,),
        in_specs=[pl.BlockSpec((NBLK, F), lambda i: (i, 0))],
        out_specs=pl.BlockSpec((2, F), lambda i: (0, 0)),
        out_shape=jax.ShapeDtypeStruct((2, F), jnp.float32),
    )(pooled)


def _final_body(p_ref, a_ref, st_ref, g2_ref, b2_ref, o_ref):
    mu = st_ref[0:1, :] * (1.0 / N_NODES)
    var = st_ref[1:2, :] * (1.0 / N_NODES) - mu * mu
    y = (p_ref[...] - mu) * lax.rsqrt(var + EPS) * g2_ref[...] + b2_ref[...]
    o_ref[...] = jax.nn.softplus(a_ref[...] + y)


def _finalize(pooled, atom, st2, g2, b2):
    return pl.pallas_call(
        _final_body,
        grid=(N_NODES // NBLK,),
        in_specs=[
            pl.BlockSpec((NBLK, F), lambda i: (i, 0)),
            pl.BlockSpec((NBLK, F), lambda i: (i, 0)),
            pl.BlockSpec((2, F), lambda i: (0, 0)),
            pl.BlockSpec((1, F), lambda i: (0, 0)),
            pl.BlockSpec((1, F), lambda i: (0, 0)),
        ],
        out_specs=pl.BlockSpec((NBLK, F), lambda i: (i, 0)),
        out_shape=jax.ShapeDtypeStruct((N_NODES, F), jnp.float32),
    )(pooled, atom, st2, g2, b2)


def kernel(atom_in_fea, nbr_fea, self_fea_idx, nbr_fea_idx, W, b,
           bn1_g, bn1_b, bn2_g, bn2_b):
    sidx = self_fea_idx.astype(jnp.int32)
    nidx = nbr_fea_idx.astype(jnp.int32)
    ws = W[:F]
    wn = W[F:2 * F]
    we = W[2 * F:]
    b2d = b.reshape(1, OUT)
    g1 = bn1_g.reshape(1, OUT)
    b1 = bn1_b.reshape(1, OUT)
    g2 = bn2_g.reshape(1, F)
    b2 = bn2_b.reshape(1, F)
    zero = jnp.zeros((DR, CHALF), jnp.float32)

    ps, pn = _project(atom_in_fea, ws, wn)
    xp = _gather_edges_call()(ps, pn, sidx, nidx)
    st1 = _stats1(xp, nbr_fea, we, b2d)
    msg = _messages(xp, nbr_fea, we, b2d, st1, g1, b1)
    pooled = _segment_sum_call()(msg, sidx, zero)
    st2 = _stats2(pooled)
    return _finalize(pooled, atom_in_fea, st2, g2, b2)

# --- scband reference (transcript-rebuilt; emitter-appended) ---
"""Pipeline reference for scband-conv-layer-12189117186414 (READ-ONLY COPY).

The authoritative reference and input builder live on the scoring server;
editing this copy changes nothing except your own understanding.
"""

import jax, jax.numpy as jnp
import numpy as np

N_NODES = 10000
N_EDGES = 160000
ATOM_FEA = 256
NBR_FEA = 16
EPS = 1e-5

def setup_inputs(seed: int = 0) -> dict:
    key = jax.random.key(seed)
    k1, k2, k3, k4, k5, k6 = jax.random.split(key, 6)
    atom_in_fea = jax.random.normal(k1, (N_NODES, ATOM_FEA), dtype=jnp.float32)
    nbr_fea = jax.random.normal(k2, (N_EDGES, NBR_FEA), dtype=jnp.float32)
    self_fea_idx = jnp.sort(jax.random.randint(k3, (N_EDGES,), 0, N_NODES, dtype=jnp.int64))
    nbr_fea_idx = jax.random.randint(k4, (N_EDGES,), 0, N_NODES, dtype=jnp.int64)
    in_dim = 2 * ATOM_FEA + NBR_FEA
    out_dim = 2 * ATOM_FEA
    bound = 1.0 / np.sqrt(in_dim)
    W = jax.random.uniform(k5, (in_dim, out_dim), dtype=jnp.float32, minval=-bound, maxval=bound)
    b = jax.random.uniform(k6, (out_dim,), dtype=jnp.float32, minval=-bound, maxval=bound)
    bn1_g = jnp.ones((out_dim,), dtype=jnp.float32)
    bn1_b = jnp.zeros((out_dim,), dtype=jnp.float32)
    bn2_g = jnp.ones((ATOM_FEA,), dtype=jnp.float32)
    bn2_b = jnp.zeros((ATOM_FEA,), dtype=jnp.float32)
    return {"atom_in_fea": atom_in_fea, "nbr_fea": nbr_fea, "self_fea_idx": self_fea_idx,
            "nbr_fea_idx": nbr_fea_idx, "W": W, "b": b,
            "bn1_g": bn1_g, "bn1_b": bn1_b, "bn2_g": bn2_g, "bn2_b": bn2_b}

def reference(atom_in_fea, nbr_fea, self_fea_idx, nbr_fea_idx, W, b, bn1_g, bn1_b, bn2_g, bn2_b):
    # gather node features along edges
    atom_nbr_fea = jnp.take(atom_in_fea, nbr_fea_idx, axis=0)
    atom_self_fea = jnp.take(atom_in_fea, self_fea_idx, axis=0)
    total_fea = jnp.concatenate([atom_self_fea, atom_nbr_fea, nbr_fea], axis=1)
    total_fea = total_fea @ W + b
    # BatchNorm1d in training mode: biased batch statistics
    mu1 = jnp.mean(total_fea, axis=0)
    var1 = jnp.var(total_fea, axis=0)
    total_fea = (total_fea - mu1) / jnp.sqrt(var1 + EPS) * bn1_g + bn1_b
    filter_fea, core_fea = jnp.split(total_fea, 2, axis=1)
    filter_fea = jax.nn.sigmoid(filter_fea)
    core_fea = jax.nn.softplus(core_fea)
    nbr_msg = filter_fea * core_fea
    # scatter-add pooling back to atoms
    nbr_sumed = jax.ops.segment_sum(nbr_msg, self_fea_idx, num_segments=atom_in_fea.shape[0])
    mu2 = jnp.mean(nbr_sumed, axis=0)
    var2 = jnp.var(nbr_sumed, axis=0)
    nbr_sumed = (nbr_sumed - mu2) / jnp.sqrt(var2 + EPS) * bn2_g + bn2_b
    out = jax.nn.softplus(atom_in_fea + nbr_sumed)
    return out

if __name__ == "__main__":
    import jax
    _d = setup_inputs()
    print(jax.jit(kernel)(*tuple(_d.values())))

</pallas_src>

<mosaic_0001>
#map = affine_map<(d0, d1) -> (0, 0)>
#map1 = affine_map<(d0, d1) -> (0)>
module attributes {stable_mosaic.version = 14 : i64} {
  func.func @_gather_body(%arg0: i32, %arg1: i32, %arg2: memref<10000x512xf32, #tpu.memory_space<hbm>>, %arg3: memref<10000x512xf32, #tpu.memory_space<hbm>>, %arg4: memref<160000xi32, #tpu.memory_space<hbm>>, %arg5: memref<160000xi32, #tpu.memory_space<hbm>>, %arg6: memref<160000x512xf32, #tpu.memory_space<hbm>>, %arg7: memref<5000xi32, #tpu.memory_space<vmem>>, %arg8: memref<5000xi32, #tpu.memory_space<vmem>>, %arg9: memref<40x512xf32, #tpu.memory_space<vmem>>, %arg10: memref<40x512xf32, #tpu.memory_space<vmem>>, %arg11: memref<40x512xf32, #tpu.memory_space<vmem>>, %arg12: memref<40x512xf32, #tpu.memory_space<vmem>>, %arg13: memref<!tpu.dma_semaphore, #tpu.memory_space<semaphore_mem>>, %arg14: memref<!tpu.dma_semaphore, #tpu.memory_space<semaphore_mem>>, %arg15: memref<!tpu.dma_semaphore, #tpu.memory_space<semaphore_mem>>, %arg16: memref<!tpu.dma_semaphore, #tpu.memory_space<semaphore_mem>>, %arg17: memref<!tpu.dma_semaphore, #tpu.memory_space<semaphore_mem>>, %arg18: memref<!tpu.dma_semaphore, #tpu.memory_space<semaphore_mem>>) attributes {dimension_semantics = [#tpu.dimension_semantics<core_parallel>, #tpu.dimension_semantics<subcore_parallel>], iteration_bounds = array<i64: 2, 16>, scalar_prefetch = 0 : i64, scratch_operands = 12 : i64, tpu.core_type = #tpu.core_type<sc_vector_subcore>, window_params = [{transform_indices = #map}, {transform_indices = #map}, {transform_indices = #map1}, {transform_indices = #map1}, {transform_indices = #map}]} {
    %mul3A = arith.constant 2 : i32
    %mul3A_0 = arith.muli %arg1, %mul3A : i32
    %add3A = arith.addi %mul3A_0, %arg0 : i32
    %mul3A_1 = arith.constant 5000 : i32
    %mul3A_2 = arith.muli %add3A, %mul3A_1 : i32
    "tpu.region"() ({
      %run_scoped3A = tpu.sem_alloc : memref<!tpu.dma_semaphore, #tpu.memory_space<semaphore_mem>>
      %dma_start3A_50 = tpu.memref_slice %arg4[%mul3A_2] : memref<160000xi32, #tpu.memory_space<hbm>> -> memref<5000xi32, #tpu.memory_space<hbm>>
      %dma_start3A_51 = tpu.memref_slice %arg4[%mul3A_2] : memref<160000xi32, #tpu.memory_space<hbm>> -> memref<5000xi32, #tpu.memory_space<hbm>>
      tpu.enqueue_dma source(%dma_start3A_51 : memref<5000xi32, #tpu.memory_space<hbm>>) target(%arg7 : memref<5000xi32, #tpu.memory_space<vmem>>) target_semaphore(%run_scoped3A : memref<!tpu.dma_semaphore, #tpu.memory_space<semaphore_mem>>)
      %dma_wait3A_52 = tpu.memref_slice %arg4[%mul3A_2] : memref<160000xi32, #tpu.memory_space<hbm>> -> memref<5000xi32, #tpu.memory_space<hbm>>
      %dma_wait3A_53 = tpu.memref_slice %arg4[%mul3A_2] : memref<160000xi32, #tpu.memory_space<hbm>> -> memref<5000xi32, #tpu.memory_space<hbm>>
      tpu.wait_dma2 semaphore(%run_scoped3A : memref<!tpu.dma_semaphore, #tpu.memory_space<semaphore_mem>>) src(%dma_wait3A_53 : memref<5000xi32, #tpu.memory_space<hbm>>) dst(%arg7 : memref<5000xi32, #tpu.memory_space<vmem>>)
      tpu.yield
    }) : () -> ()
    "tpu.region"() ({
      %run_scoped3A = tpu.sem_alloc : memref<!tpu.dma_semaphore, #tpu.memory_space<semaphore_mem>>
      %dma_start3A_50 = tpu.memref_slice %arg5[%mul3A_2] : memref<160000xi32, #tpu.memory_space<hbm>> -> memref<5000xi32, #tpu.memory_space<hbm>>
      %dma_start3A_51 = tpu.memref_slice %arg5[%mul3A_2] : memref<160000xi32, #tpu.memory_space<hbm>> -> memref<5000xi32, #tpu.memory_space<hbm>>
      tpu.enqueue_dma source(%dma_start3A_51 : memref<5000xi32, #tpu.memory_space<hbm>>) target(%arg8 : memref<5000xi32, #tpu.memory_space<vmem>>) target_semaphore(%run_scoped3A : memref<!tpu.dma_semaphore, #tpu.memory_space<semaphore_mem>>)
      %dma_wait3A_52 = tpu.memref_slice %arg5[%mul3A_2] : memref<160000xi32, #tpu.memory_space<hbm>> -> memref<5000xi32, #tpu.memory_space<hbm>>
      %dma_wait3A_53 = tpu.memref_slice %arg5[%mul3A_2] : memref<160000xi32, #tpu.memory_space<hbm>> -> memref<5000xi32, #tpu.memory_space<hbm>>
      tpu.wait_dma2 semaphore(%run_scoped3A : memref<!tpu.dma_semaphore, #tpu.memory_space<semaphore_mem>>) src(%dma_wait3A_53 : memref<5000xi32, #tpu.memory_space<hbm>>) dst(%arg8 : memref<5000xi32, #tpu.memory_space<vmem>>)
      tpu.yield
    }) : () -> ()
    %dma_start3A = arith.constant 0 : i32
    %dma_start3A_3 = tpu.memref_slice %arg7[%dma_start3A] : memref<5000xi32, #tpu.memory_space<vmem>> -> memref<40xi32, #tpu.memory_space<vmem>>
    %dma_start3A_4 = arith.constant 0 : i32
    %dma_start3A_5 = arith.constant 0 : i32
    %dma_start3A_6 = tpu.memref_slice %arg2[%dma_start3A_4, %dma_start3A_5] : memref<10000x512xf32, #tpu.memory_space<hbm>> -> memref<10000x512xf32, #tpu.memory_space<hbm>>
    tpu.enqueue_indirect_dma source(%dma_start3A_6 : memref<10000x512xf32, #tpu.memory_space<hbm>>) target(%arg9 : memref<40x512xf32, #tpu.memory_space<vmem>>) offsets(%dma_start3A_3 : memref<40xi32, #tpu.memory_space<vmem>>) semaphore(%arg13 : memref<!tpu.dma_semaphore, #tpu.memory_space<semaphore_mem>>)
    %dma_start3A_7 = arith.constant 0 : i32
    %dma_start3A_8 = tpu.memref_slice %arg8[%dma_start3A_7] : memref<5000xi32, #tpu.memory_space<vmem>> -> memref<40xi32, #tpu.memory_space<vmem>>
    %dma_start3A_9 = arith.constant 0 : i32
    %dma_start3A_10 = arith.constant 0 : i32
    %dma_start3A_11 = tpu.memref_slice %arg3[%dma_start3A_9, %dma_start3A_10] : memref<10000x512xf32, #tpu.memory_space<hbm>> -> memref<10000x512xf32, #tpu.memory_space<hbm>>
    tpu.enqueue_indirect_dma source(%dma_start3A_11 : memref<10000x512xf32, #tpu.memory_space<hbm>>) target(%arg10 : memref<40x512xf32, #tpu.memory_space<vmem>>) offsets(%dma_start3A_8 : memref<40xi32, #tpu.memory_space<vmem>>) semaphore(%arg14 : memref<!tpu.dma_semaphore, #tpu.memory_space<semaphore_mem>>)
    %scan3A = arith.constant 0 : i32
    %scan3A_12 = arith.constant 0 : i32
    %scan3A_13 = arith.constant 62 : i32
    %scan3A_14 = arith.addi %scan3A_12, %scan3A_13 : i32
    %scan3A_15 = arith.constant 1 : i32
    scf.for %scan3A_50 = %scan3A_12 to %scan3A_14 step %scan3A_15  : i32 {
      %mul3A_51 = arith.constant 2 : i32
      %mul3A_52 = arith.muli %mul3A_51, %scan3A_50 : i32
      %mul3A_53 = arith.constant 40 : i32
      %mul3A_54 = arith.muli %mul3A_52, %mul3A_53 : i32
      %gt3A = arith.constant 0 : i32
      %gt3A_55 = arith.cmpi sgt, %mul3A_52, %gt3A : i32
      %convert_element_type3A = arith.extui %gt3A_55 : i1 to i32
      %cond3A = arith.constant 0 : i32
      %cond3A_56 = arith.cmpi ne, %convert_element_type3A, %cond3A : i32
      scf.if %cond3A_56 {
        %sub3A_127 = arith.constant 40 : i32
        %sub3A_128 = arith.subi %mul3A_54, %sub3A_127 : i32
        %add3A_129 = arith.addi %mul3A_2, %sub3A_128 : i32
        %dma_wait3A_130 = arith.constant 0 : i32
        %dma_wait3A_131 = tpu.memref_slice %arg6[%add3A_129, %dma_wait3A_130] : memref<160000x512xf32, #tpu.memory_space<hbm>> -> memref<40x512xf32, #tpu.memory_space<hbm>>
        %dma_wait3A_132 = arith.constant 0 : i32
        %dma_wait3A_133 = tpu.memref_slice %arg6[%add3A_129, %dma_wait3A_132] : memref<160000x512xf32, #tpu.memory_space<hbm>> -> memref<40x512xf32, #tpu.memory_space<hbm>>
        tpu.wait_dma2 semaphore(%arg18 : memref<!tpu.dma_semaphore, #tpu.memory_space<semaphore_mem>>) src(%arg11 : memref<40x512xf32, #tpu.memory_space<vmem>>) dst(%dma_wait3A_133 : memref<40x512xf32, #tpu.memory_space<hbm>>)
      } else {
      }
      %add3A_57 = arith.constant 40 : i32
      %add3A_58 = arith.addi %mul3A_54, %add3A_57 : i32
      %dma_start3A_59 = tpu.memref_slice %arg7[%add3A_58] : memref<5000xi32, #tpu.memory_space<vmem>> -> memref<40xi32, #tpu.memory_space<vmem>>
      %dma_start3A_60 = arith.constant 0 : i32
      %dma_start3A_61 = arith.constant 0 : i32
      %dma_start3A_62 = tpu.memref_slice %arg2[%dma_start3A_60, %dma_start3A_61] : memref<10000x512xf32, #tpu.memory_space<hbm>> -> memref<10000x512xf32, #tpu.memory_space<hbm>>
      tpu.enqueue_indirect_dma source(%dma_start3A_62 : memref<10000x512xf32, #tpu.memory_space<hbm>>) target(%arg11 : memref<40x512xf32, #tpu.memory_space<vmem>>) offsets(%dma_start3A_59 : memref<40xi32, #tpu.memory_space<vmem>>) semaphore(%arg15 : memref<!tpu.dma_semaphore, #tpu.memory_space<semaphore_mem>>)
      %dma_start3A_63 = tpu.memref_slice %arg8[%add3A_58] : memref<5000xi32, #tpu.memory_space<vmem>> -> memref<40xi32, #tpu.memory_space<vmem>>
      %dma_start3A_64 = arith.constant 0 : i32
      %dma_start3A_65 = arith.constant 0 : i32
      %dma_start3A_66 = tpu.memref_slice %arg3[%dma_start3A_64, %dma_start3A_65] : memref<10000x512xf32, #tpu.memory_space<hbm>> -> memref<10000x512xf32, #tpu.memory_space<hbm>>
      tpu.enqueue_indirect_dma source(%dma_start3A_66 : memref<10000x512xf32, #tpu.memory_space<hbm>>) target(%arg12 : memref<40x512xf32, #tpu.memory_space<vmem>>) offsets(%dma_start3A_63 : memref<40xi32, #tpu.memory_space<vmem>>) semaphore(%arg16 : memref<!tpu.dma_semaphore, #tpu.memory_space<semaphore_mem>>)
      %dma_wait3A_67 = tpu.memref_slice %arg7[%mul3A_54] : memref<5000xi32, #tpu.memory_space<vmem>> -> memref<40xi32, #tpu.memory_space<vmem>>
      %dma_wait3A_68 = arith.constant 0 : i32
      %dma_wait3A_69 = arith.constant 0 : i32
      %dma_wait3A_70 = tpu.memref_slice %arg2[%dma_wait3A_68, %dma_wait3A_69] : memref<10000x512xf32, #tpu.memory_space<hbm>> -> memref<10000x512xf32, #tpu.memory_space<hbm>>
      tpu.wait_indirect_dma semaphore(%arg13 : memref<!tpu.dma_semaphore, #tpu.memory_space<semaphore_mem>>) src(%dma_wait3A_70 : memref<10000x512xf32, #tpu.memory_space<hbm>>) dst(%arg9 : memref<40x512xf32, #tpu.memory_space<vmem>>)
      %dma_wait3A_71 = tpu.memref_slice %arg8[%mul3A_54] : memref<5000xi32, #tpu.memory_space<vmem>> -> memref<40xi32, #tpu.memory_space<vmem>>
      %dma_wait3A_72 = arith.constant 0 : i32
      %dma_wait3A_73 = arith.constant 0 : i32
      %dma_wait3A_74 = tpu.memref_slice %arg3[%dma_wait3A_72, %dma_wait3A_73] : memref<10000x512xf32, #tpu.memory_space<hbm>> -> memref<10000x512xf32, #tpu.memory_space<hbm>>
      tpu.wait_indirect_dma semaphore(%arg14 : memref<!tpu.dma_semaphore, #tpu.memory_space<semaphore_mem>>) src(%dma_wait3A_74 : memref<10000x512xf32, #tpu.memory_space<hbm>>) dst(%arg10 : memref<40x512xf32, #tpu.memory_space<vmem>>)
      %scan3A_75 = arith.constant 0 : i32
      %scan3A_76 = arith.constant 0 : i32
      %scan3A_77 = arith.constant 40 : i32
      %scan3A_78 = arith.addi %scan3A_76, %scan3A_77 : i32
      %scan3A_79 = arith.constant 1 : i32
      scf.for %scan3A_127 = %scan3A_76 to %scan3A_78 step %scan3A_79  : i32 {
        %get3A = arith.index_cast %scan3A_127 : i32 to index
        %get3A_128 = arith.constant 0 : index
        %get3A_129 = tpu.vector_load %arg9[%get3A, %get3A_128] {strides = array<i32>} : memref<40x512xf32, #tpu.memory_space<vmem>>, vector<1x16xf32>,
        %get3A_130 = vector.shape_cast %get3A_129 : vector<1x16xf32> to vector<16xf32>
        %get3A_131 = arith.index_cast %scan3A_127 : i32 to index
        %get3A_132 = arith.constant 0 : index
        %get3A_133 = tpu.vector_load %arg10[%get3A_131, %get3A_132] {strides = array<i32>} : memref<40x512xf32, #tpu.memory_space<vmem>>, vector<1x16xf32>,
        %get3A_134 = vector.shape_cast %get3A_133 : vector<1x16xf32> to vector<16xf32>
        %add3A_135 = arith.addf %get3A_130, %get3A_134 : vector<16xf32>
        %swap3A = arith.index_cast %scan3A_127 : i32 to index
        %swap3A_136 = arith.constant 0 : index
        %swap3A_137 = tpu.vector_load %arg9[%swap3A, %swap3A_136] {strides = array<i32>} : memref<40x512xf32, #tpu.memory_space<vmem>>, vector<1x16xf32>,
        %swap3A_138 = vector.shape_cast %swap3A_137 : vector<1x16xf32> to vector<16xf32>
        %swap3A_139 = vector.shape_cast %add3A_135 : vector<16xf32> to vector<1x16xf32>
        tpu.vector_store %arg9[%swap3A, %swap3A_136], %swap3A_139 {strides = array<i32>} : memref<40x512xf32, #tpu.memory_space<vmem>>, vector<1x16xf32>,
        %get3A_140 = arith.index_cast %scan3A_127 : i32 to index
        %get3A_141 = arith.constant 16 : index
        %get3A_142 = tpu.vector_load %arg9[%get3A_140, %get3A_141] {strides = array<i32>} : memref<40x512xf32, #tpu.memory_space<vmem>>, vector<1x16xf32>,
        %get3A_143 = vector.shape_cast %get3A_142 : vector<1x16xf32> to vector<16xf32>
        %get3A_144 = arith.index_cast %scan3A_127 : i32 to index
        %get3A_145 = arith.constant 16 : index
        %get3A_146 = tpu.vector_load %arg10[%get3A_144, %get3A_145] {strides = array<i32>} : memref<40x512xf32, #tpu.memory_space<vmem>>, vector<1x16xf32>,
        %get3A_147 = vector.shape_cast %get3A_146 : vector<1x16xf32> to vector<16xf32>
        %add3A_148 = arith.addf %get3A_143, %get3A_147 : vector<16xf32>
        %swap3A_149 = arith.index_cast %scan3A_127 : i32 to index
        %swap3A_150 = arith.constant 16 : index
        %swap3A_151 = tpu.vector_load %arg9[%swap3A_149, %swap3A_150] {strides = array<i32>} : memref<40x512xf32, #tpu.memory_space<vmem>>, vector<1x16xf32>,
        %swap3A_152 = vector.shape_cast %swap3A_151 : vector<1x16xf32> to vector<16xf32>
        %swap3A_153 = vector.shape_cast %add3A_148 : vector<16xf32> to vector<1x16xf32>
        tpu.vector_store %arg9[%swap3A_149, %swap3A_150], %swap3A_153 {strides = array<i32>} : memref<40x512xf32, #tpu.memory_space<vmem>>, vector<1x16xf32>,
        %get3A_154 = arith.index_cast %scan3A_127 : i32 to index
        %get3A_155 = arith.constant 32 : index
        %get3A_156 = tpu.vector_load %arg9[%get3A_154, %get3A_155] {strides = array<i32>} : memref<40x512xf32, #tpu.memory_space<vmem>>, vector<1x16xf32>,
        %get3A_157 = vector.shape_cast %get3A_156 : vector<1x16xf32> to vector<16xf32>
        %get3A_158 = arith.index_cast %scan3A_127 : i32 to index
        %get3A_159 = arith.constant 32 : index
        %get3A_160 = tpu.vector_load %arg10[%get3A_158, %get3A_159] {strides = array<i32>} : memref<40x512xf32, #tpu.memory_space<vmem>>, vector<1x16xf32>,
        %get3A_161 = vector.shape_cast %get3A_160 : vector<1x16xf32> to vector<16xf32>
        %add3A_162 = arith.addf %get3A_157, %get3A_161 : vector<16xf32>
        %swap3A_163 = arith.index_cast %scan3A_127 : i32 to index
        %swap3A_164 = arith.constant 32 : index
        %swap3A_165 = tpu.vector_load %arg9[%swap3A_163, %swap3A_164] {strides = array<i32>} : memref<40x512xf32, #tpu.memory_space<vmem>>, vector<1x16xf32>,
        %swap3A_166 = vector.shape_cast %swap3A_165 : vector<1x16xf32> to vector<16xf32>
        %swap3A_167 = vector.shape_cast %add3A_162 : vector<16xf32> to vector<1x16xf32>
        tpu.vector_store %arg9[%swap3A_163, %swap3A_164], %swap3A_167 {strides = array<i32>} : memref<40x512xf32, #tpu.memory_space<vmem>>, vector<1x16xf32>,
        %get3A_168 = arith.index_cast %scan3A_127 : i32 to index
        %get3A_169 = arith.constant 48 : index
        %get3A_170 = tpu.vector_load %arg9[%get3A_168, %get3A_169] {strides = array<i32>} : memref<40x512xf32, #tpu.memory_space<vmem>>, vector<1x16xf32>,
        %get3A_171 = vector.shape_cast %get3A_170 : vector<1x16xf32> to vector<16xf32>
        %get3A_172 = arith.index_cast %scan3A_127 : i32 to index
        %get3A_173 = arith.constant 48 : index
        %get3A_174 = tpu.vector_load %arg10[%get3A_172, %get3A_173] {strides = array<i32>} : memref<40x512xf32, #tpu.memory_space<vmem>>, vector<1x16xf32>,
        %get3A_175 = vector.shape_cast %get3A_174 : vector<1x16xf32> to vector<16xf32>
        %add3A_176 = arith.addf %get3A_171, %get3A_175 : vector<16xf32>
        %swap3A_177 = arith.index_cast %scan3A_127 : i32 to index
        %swap3A_178 = arith.constant 48 : index
        %swap3A_179 = tpu.vector_load %arg9[%swap3A_177, %swap3A_178] {strides = array<i32>} : memref<40x512xf32, #tpu.memory_space<vmem>>, vector<1x16xf32>,
        %swap3A_180 = vector.shape_cast %swap3A_179 : vector<1x16xf32> to vector<16xf32>
        %swap3A_181 = vector.shape_cast %add3A_176 : vector<16xf32> to vector<1x16xf32>
        tpu.vector_store %arg9[%swap3A_177, %swap3A_178], %swap3A_181 {strides = array<i32>} : memref<40x512xf32, #tpu.memory_space<vmem>>, vector<1x16xf32>,
        %get3A_182 = arith.index_cast %scan3A_127 : i32 to index
        %get3A_183 = arith.constant 64 : index
        %get3A_184 = tpu.vector_load %arg9[%get3A_182, %get3A_183] {strides = array<i32>} : memref<40x512xf32, #tpu.memory_space<vmem>>, vector<1x16xf32>,
        %get3A_185 = vector.shape_cast %get3A_184 : vector<1x16xf32> to vector<16xf32>
        %get3A_186 = arith.index_cast %scan3A_127 : i32 to index
        %get3A_187 = arith.constant 64 : index
        %get3A_188 = tpu.vector_load %arg10[%get3A_186, %get3A_187] {strides = array<i32>} : memref<40x512xf32, #tpu.memory_space<vmem>>, vector<1x16xf32>,
        %get3A_189 = vector.shape_cast %get3A_188 : vector<1x16xf32> to vector<16xf32>
        %add3A_190 = arith.addf %get3A_185, %get3A_189 : vector<16xf32>
        %swap3A_191 = arith.index_cast %scan3A_127 : i32 to index
        %swap3A_192 = arith.constant 64 : index
        %swap3A_193 = tpu.vector_load %arg9[%swap3A_191, %swap3A_192] {strides = array<i32>} : memref<40x512xf32, #tpu.memory_space<vmem>>, vector<1x16xf32>,
        %swap3A_194 = vector.shape_cast %swap3A_193 : vector<1x16xf32> to vector<16xf32>
        %swap3A_195 = vector.shape_cast %add3A_190 : vector<16xf32> to vector<1x16xf32>
        tpu.vector_store %arg9[%swap3A_191, %swap3A_192], %swap3A_195 {strides = array<i32>} : memref<40x512xf32, #tpu.memory_space<vmem>>, vector<1x16xf32>,
        %get3A_196 = arith.index_cast %scan3A_127 : i32 to index
        %get3A_197 = arith.constant 80 : index
        %get3A_198 = tpu.vector_load %arg9[%get3A_196, %get3A_197] {strides = array<i32>} : memref<40x512xf32, #tpu.memory_space<vmem>>, vector<1x16xf32>,
        %get3A_199 = vector.shape_cast %get3A_198 : vector<1x16xf32> to vector<16xf32>
        %get3A_200 = arith.index_cast %scan3A_127 : i32 to index
        %get3A_201 = arith.constant 80 : index
        %get3A_202 = tpu.vector_load %arg10[%get3A_200, %get3A_201] {strides = array<i32>} : memref<40x512xf32, #tpu.memory_space<vmem>>, vector<1x16xf32>,
        %get3A_203 = vector.shape_cast %get3A_202 : vector<1x16xf32> to vector<16xf32>
        %add3A_204 = arith.addf %get3A_199, %get3A_203 : vector<16xf32>
        %swap3A_205 = arith.index_cast %scan3A_127 : i32 to index
        %swap3A_206 = arith.constant 80 : index
        %swap3A_207 = tpu.vector_load %arg9[%swap3A_205, %swap3A_206] {strides = array<i32>} : memref<40x512xf32, #tpu.memory_space<vmem>>, vector<1x16xf32>,
        %swap3A_208 = vector.shape_cast %swap3A_207 : vector<1x16xf32> to vector<16xf32>
        %swap3A_209 = vector.shape_cast %add3A_204 : vector<16xf32> to vector<1x16xf32>
        tpu.vector_store %arg9[%swap3A_205, %swap3A_206], %swap3A_209 {strides = array<i32>} : memref<40x512xf32, #tpu.memory_space<vmem>>, vector<1x16xf32>,
        %get3A_210 = arith.index_cast %scan3A_127 : i32 to index
        %get3A_211 = arith.constant 96 : index
        %get3A_212 = tpu.vector_load %arg9[%get3A_210, %get3A_211] {strides = array<i32>} : memref<40x512xf32, #tpu.memory_space<vmem>>, vector<1x16xf32>,
        %get3A_213 = vector.shape_cast %get3A_212 : vector<1x16xf32> to vector<16xf32>
        %get3A_214 = arith.index_cast %scan3A_127 : i32 to index
        %get3A_215 = arith.constant 96 : index
        %get3A_216 = tpu.vector_load %arg10[%get3A_214, %get3A_215] {strides = array<i32>} : memref<40x512xf32, #tpu.memory_space<vmem>>, vector<1x16xf32>,
        %get3A_217 = vector.shape_cast %get3A_216 : vector<1x16xf32> to vector<16xf32>
        %add3A_218 = arith.addf %get3A_213, %get3A_217 : vector<16xf32>
        %swap3A_219 = arith.index_cast %scan3A_127 : i32 to index
        %swap3A_220 = arith.constant 96 : index
        %swap3A_221 = tpu.vector_load %arg9[%swap3A_219, %swap3A_220] {strides = array<i32>} : memref<40x512xf32, #tpu.memory_space<vmem>>, vector<1x16xf32>,
        %swap3A_222 = vector.shape_cast %swap3A_221 : vector<1x16xf32> to vector<16xf32>
        %swap3A_223 = vector.shape_cast %add3A_218 : vector<16xf32> to vector<1x16xf32>
        tpu.vector_store %arg9[%swap3A_219, %swap3A_220], %swap3A_223 {strides = array<i32>} : memref<40x512xf32, #tpu.memory_space<vmem>>, vector<1x16xf32>,
        %get3A_224 = arith.index_cast %scan3A_127 : i32 to index
        %get3A_225 = arith.constant 112 : index
        %get3A_226 = tpu.vector_load %arg9[%get3A_224, %get3A_225] {strides = array<i32>} : memref<40x512xf32, #tpu.memory_space<vmem>>, vector<1x16xf32>,
        %get3A_227 = vector.shape_cast %get3A_226 : vector<1x16xf32> to vector<16xf32>
        %get3A_228 = arith.index_cast %scan3A_127 : i32 to index
        %get3A_229 = arith.constant 112 : index
        %get3A_230 = tpu.vector_load %arg10[%get3A_228, %get3A_229] {strides = array<i32>} : memref<40x512xf32, #tpu.memory_space<vmem>>, vector<1x16xf32>,
        %get3A_231 = vector.shape_cast %get3A_230 : vector<1x16xf32> to vector<16xf32>
        %add3A_232 = arith.addf %get3A_227, %get3A_231 : vector<16xf32>
        %swap3A_233 = arith.index_cast %scan3A_127 : i32 to index
        %swap3A_234 = arith.constant 112 : index
        %swap3A_235 = tpu.vector_load %arg9[%swap3A_233, %swap3A_234] {strides = array<i32>} : memref<40x512xf32, #tpu.memory_space<vmem>>, vector<1x16xf32>,
        %swap3A_236 = vector.shape_cast %swap3A_235 : vector<1x16xf32> to vector<16xf32>
        %swap3A_237 = vector.shape_cast %add3A_232 : vector<16xf32> to vector<1x16xf32>
        tpu.vector_store %arg9[%swap3A_233, %swap3A_234], %swap3A_237 {strides = array<i32>} : memref<40x512xf32, #tpu.memory_space<vmem>>, vector<1x16xf32>,
        %get3A_238 = arith.index_cast %scan3A_127 : i32 to index
        %get3A_239 = arith.constant 128 : index
        %get3A_240 = tpu.vector_load %arg9[%get3A_238, %get3A_239] {strides = array<i32>} : memref<40x512xf32, #tpu.memory_space<vmem>>, vector<1x16xf32>,
        %get3A_241 = vector.shape_cast %get3A_240 : vector<1x16xf32> to vector<16xf32>
        %get3A_242 = arith.index_cast %scan3A_127 : i32 to index
        %get3A_243 = arith.constant 128 : index
        %get3A_244 = tpu.vector_load %arg10[%get3A_242, %get3A_243] {strides = array<i32>} : memref<40x512xf32, #tpu.memory_space<vmem>>, vector<1x16xf32>,
        %get3A_245 = vector.shape_cast %get3A_244 : vector<1x16xf32> to vector<16xf32>
        %add3A_246 = arith.addf %get3A_241, %get3A_245 : vector<16xf32>
        %swap3A_247 = arith.index_cast %scan3A_127 : i32 to index
        %swap3A_248 = arith.constant 128 : index
        %swap3A_249 = tpu.vector_load %arg9[%swap3A_247, %swap3A_248] {strides = array<i32>} : memref<40x512xf32, #tpu.memory_space<vmem>>, vector<1x16xf32>,
        %swap3A_250 = vector.shape_cast %swap3A_249 : vector<1x16xf32> to vector<16xf32>
        %swap3A_251 = vector.shape_cast %add3A_246 : vector<16xf32> to vector<1x16xf32>
        tpu.vector_store %arg9[%swap3A_247, %swap3A_248], %swap3A_251 {strides = array<i32>} : memref<40x512xf32, #tpu.memory_space<vmem>>, vector<1x16xf32>,
        %get3A_252 = arith.index_cast %scan3A_127 : i32 to index
        %get3A_253 = arith.constant 144 : index
        %get3A_254 = tpu.vector_load %arg9[%get3A_252, %get3A_253] {strides = array<i32>} : memref<40x512xf32, #tpu.memory_space<vmem>>, vector<1x16xf32>,
        %get3A_255 = vector.shape_cast %get3A_254 : vector<1x16xf32> to vector<16xf32>
        %get3A_256 = arith.index_cast %scan3A_127 : i32 to index
        %get3A_257 = arith.constant 144 : index
        %get3A_258 = tpu.vector_load %arg10[%get3A_256, %get3A_257] {strides = array<i32>} : memref<40x512xf32, #tpu.memory_space<vmem>>, vector<1x16xf32>,
        %get3A_259 = vector.shape_cast %get3A_258 : vector<1x16xf32> to vector<16xf32>
        %add3A_260 = arith.addf %get3A_255, %get3A_259 : vector<16xf32>
        %swap3A_261 = arith.index_cast %scan3A_127 : i32 to index
        %swap3A_262 = arith.constant 144 : index
        %swap3A_263 = tpu.vector_load %arg9[%swap3A_261, %swap3A_262] {strides = array<i32>} : memref<40x512xf32, #tpu.memory_space<vmem>>, vector<1x16xf32>,
        %swap3A_264 = vector.shape_cast %swap3A_263 : vector<1x16xf32> to vector<16xf32>
        %swap3A_265 = vector.shape_cast %add3A_260 : vector<16xf32> to vector<1x16xf32>
        tpu.vector_store %arg9[%swap3A_261, %swap3A_262], %swap3A_265 {strides = array<i32>} : memref<40x512xf32, #tpu.memory_space<vmem>>, vector<1x16xf32>,
        %get3A_266 = arith.index_cast %scan3A_127 : i32 to index
        %get3A_267 = arith.constant 160 : index
        %get3A_268 = tpu.vector_load %arg9[%get3A_266, %get3A_267] {strides = array<i32>} : memref<40x512xf32, #tpu.memory_space<vmem>>, vector<1x16xf32>,
        %get3A_269 = vector.shape_cast %get3A_268 : vector<1x16xf32> to vector<16xf32>
        %get3A_270 = arith.index_cast %scan3A_127 : i32 to index
        %get3A_271 = arith.constant 160 : index
        %get3A_272 = tpu.vector_load %arg10[%get3A_270, %get3A_271] {strides = array<i32>} : memref<40x512xf32, #tpu.memory_space<vmem>>, vector<1x16xf32>,
        %get3A_273 = vector.shape_cast %get3A_272 : vector<1x16xf32> to vector<16xf32>
        %add3A_274 = arith.addf %get3A_269, %get3A_273 : vector<16xf32>
        %swap3A_275 = arith.index_cast %scan3A_127 : i32 to index
        %swap3A_276 = arith.constant 160 : index
        %swap3A_277 = tpu.vector_load %arg9[%swap3A_275, %swap3A_276] {strides = array<i32>} : memref<40x512xf32, #tpu.memory_space<vmem>>, vector<1x16xf32>,
        %swap3A_278 = vector.shape_cast %swap3A_277 : vector<1x16xf32> to vector<16xf32>
        %swap3A_279 = vector.shape_cast %add3A_274 : vector<16xf32> to vector<1x16xf32>
        tpu.vector_store %arg9[%swap3A_275, %swap3A_276], %swap3A_279 {strides = array<i32>} : memref<40x512xf32, #tpu.memory_space<vmem>>, vector<1x16xf32>,
        %get3A_280 = arith.index_cast %scan3A_127 : i32 to index
        %get3A_281 = arith.constant 176 : index
        %get3A_282 = tpu.vector_load %arg9[%get3A_280, %get3A_281] {strides = array<i32>} : memref<40x512xf32, #tpu.memory_space<vmem>>, vector<1x16xf32>,
        %get3A_283 = vector.shape_cast %get3A_282 : vector<1x16xf32> to vector<16xf32>
        %get3A_284 = arith.index_cast %scan3A_127 : i32 to index
        %get3A_285 = arith.constant 176 : index
        %get3A_286 = tpu.vector_load %arg10[%get3A_284, %get3A_285] {strides = array<i32>} : memref<40x512xf32, #tpu.memory_space<vmem>>, vector<1x16xf32>,
        %get3A_287 = vector.shape_cast %get3A_286 : vector<1x16xf32> to vector<16xf32>
        %add3A_288 = arith.addf %get3A_283, %get3A_287 : vector<16xf32>
        %swap3A_289 = arith.index_cast %scan3A_127 : i32 to index
        %swap3A_290 = arith.constant 176 : index
        %swap3A_291 = tpu.vector_load %arg9[%swap3A_289, %swap3A_290] {strides = array<i32>} : memref<40x512xf32, #tpu.memory_space<vmem>>, vector<1x16xf32>,
        %swap3A_292 = vector.shape_cast %swap3A_291 : vector<1x16xf32> to vector<16xf32>
        %swap3A_293 = vector.shape_cast %add3A_288 : vector<16xf32> to vector<1x16xf32>
        tpu.vector_store %arg9[%swap3A_289, %swap3A_290], %swap3A_293 {strides = array<i32>} : memref<40x512xf32, #tpu.memory_space<vmem>>, vector<1x16xf32>,
        %get3A_294 = arith.index_cast %scan3A_127 : i32 to index
        %get3A_295 = arith.constant 192 : index
        %get3A_296 = tpu.vector_load %arg9[%get3A_294, %get3A_295] {strides = array<i32>} : memref<40x512xf32, #tpu.memory_space<vmem>>, vector<1x16xf32>,
        %get3A_297 = vector.shape_cast %get3A_296 : vector<1x16xf32> to vector<16xf32>
        %get3A_298 = arith.index_cast %scan3A_127 : i32 to index
        %get3A_299 = arith.constant 192 : index
        %get3A_300 = tpu.vector_load %arg10[%get3A_298, %get3A_299] {strides = array<i32>} : memref<40x512xf32, #tpu.memory_space<vmem>>, vector<1x16xf32>,
        %get3A_301 = vector.shape_cast %get3A_300 : vector<1x16xf32> to vector<16xf32>
        %add3A_302 = arith.addf %get3A_297, %get3A_301 : vector<16xf32>
        %swap3A_303 = arith.index_cast %scan3A_127 : i32 to index
        %swap3A_304 = arith.constant 192 : index
        %swap3A_305 = tpu.vector_load %arg9[%swap3A_303, %swap3A_304] {strides = array<i32>} : memref<40x512xf32, #tpu.memory_space<vmem>>, vector<1x16xf32>,
        %swap3A_306 = vector.shape_cast %swap3A_305 : vector<1x16xf32> to vector<16xf32>
        %swap3A_307 = vector.shape_cast %add3A_302 : vector<16xf32> to vector<1x16xf32>
        tpu.vector_store %arg9[%swap3A_303, %swap3A_304], %swap3A_307 {strides = array<i32>} : memref<40x512xf32, #tpu.memory_space<vmem>>, vector<1x16xf32>,
        %get3A_308 = arith.index_cast %scan3A_127 : i32 to index
        %get3A_309 = arith.constant 208 : index
        %get3A_310 = tpu.vector_load %arg9[%get3A_308, %get3A_309] {strides = array<i32>} : memref<40x512xf32, #tpu.memory_space<vmem>>, vector<1x16xf32>,
        %get3A_311 = vector.shape_cast %get3A_310 : vector<1x16xf32> to vector<16xf32>
        %get3A_312 = arith.index_cast %scan3A_127 : i32 to index
        %get3A_313 = arith.constant 208 : index
        %get3A_314 = tpu.vector_load %arg10[%get3A_312, %get3A_313] {strides = array<i32>} : memref<40x512xf32, #tpu.memory_space<vmem>>, vector<1x16xf32>,
        %get3A_315 = vector.shape_cast %get3A_314 : vector<1x16xf32> to vector<16xf32>
        %add3A_316 = arith.addf %get3A_311, %get3A_315 : vector<16xf32>
        %swap3A_317 = arith.index_cast %scan3A_127 : i32 to index
        %swap3A_318 = arith.constant 208 : index
        %swap3A_319 = tpu.vector_load %arg9[%swap3A_317, %swap3A_318] {strides = array<i32>} : memref<40x512xf32, #tpu.memory_space<vmem>>, vector<1x16xf32>,
        %swap3A_320 = vector.shape_cast %swap3A_319 : vector<1x16xf32> to vector<16xf32>
        %swap3A_321 = vector.shape_cast %add3A_316 : vector<16xf32> to vector<1x16xf32>
        tpu.vector_store %arg9[%swap3A_317, %swap3A_318], %swap3A_321 {strides = array<i32>} : memref<40x512xf32, #tpu.memory_space<vmem>>, vector<1x16xf32>,
        %get3A_322 = arith.index_cast %scan3A_127 : i32 to index
        %get3A_323 = arith.constant 224 : index
        %get3A_324 = tpu.vector_load %arg9[%get3A_322, %get3A_323] {strides = array<i32>} : memref<40x512xf32, #tpu.memory_space<vmem>>, vector<1x16xf32>,
        %get3A_325 = vector.shape_cast %get3A_324 : vector<1x16xf32> to vector<16xf32>
        %get3A_326 = arith.index_cast %scan3A_127 : i32 to index
        %get3A_327 = arith.constant 224 : index
        %get3A_328 = tpu.vector_load %arg10[%get3A_326, %get3A_327] {strides = array<i32>} : memref<40x512xf32, #tpu.memory_space<vmem>>, vector<1x16xf32>,
        %get3A_329 = vector.shape_cast %get3A_328 : vector<1x16xf32> to vector<16xf32>
        %add3A_330 = arith.addf %get3A_325, %get3A_329 : vector<16xf32>
        %swap3A_331 = arith.index_cast %scan3A_127 : i32 to index
        %swap3A_332 = arith.constant 224 : index
        %swap3A_333 = tpu.vector_load %arg9[%swap3A_331, %swap3A_332] {strides = array<i32>} : memref<40x512xf32, #tpu.memory_space<vmem>>, vector<1x16xf32>,
        %swap3A_334 = vector.shape_cast %swap3A_333 : vector<1x16xf32> to vector<16xf32>
        %swap3A_335 = vector.shape_cast %add3A_330 : vector<16xf32> to vector<1x16xf32>
        tpu.vector_store %arg9[%swap3A_331, %swap3A_332], %swap3A_335 {strides = array<i32>} : memref<40x512xf32, #tpu.memory_space<vmem>>, vector<1x16xf32>,
        %get3A_336 = arith.index_cast %scan3A_127 : i32 to index
        %get3A_337 = arith.constant 240 : index
        %get3A_338 = tpu.vector_load %arg9[%get3A_336, %get3A_337] {strides = array<i32>} : memref<40x512xf32, #tpu.memory_space<vmem>>, vector<1x16xf32>,
        %get3A_339 = vector.shape_cast %get3A_338 : vector<1x16xf32> to vector<16xf32>
        %get3A_340 = arith.index_cast %scan3A_127 : i32 to index
        %get3A_341 = arith.constant 240 : index
        %get3A_342 = tpu.vector_load %arg10[%get3A_340, %get3A_341] {strides = array<i32>} : memref<40x512xf32, #tpu.memory_space<vmem>>, vector<1x16xf32>,
        %get3A_343 = vector.shape_cast %get3A_342 : vector<1x16xf32> to vector<16xf32>
        %add3A_344 = arith.addf %get3A_339, %get3A_343 : vector<16xf32>
        %swap3A_345 = arith.index_cast %scan3A_127 : i32 to index
        %swap3A_346 = arith.constant 240 : index
        %swap3A_347 = tpu.vector_load %arg9[%swap3A_345, %swap3A_346] {strides = array<i32>} : memref<40x512xf32, #tpu.memory_space<vmem>>, vector<1x16xf32>,
        %swap3A_348 = vector.shape_cast %swap3A_347 : vector<1x16xf32> to vector<16xf32>
        %swap3A_349 = vector.shape_cast %add3A_344 : vector<16xf32> to vector<1x16xf32>
        tpu.vector_store %arg9[%swap3A_345, %swap3A_346], %swap3A_349 {strides = array<i32>} : memref<40x512xf32, #tpu.memory_space<vmem>>, vector<1x16xf32>,
        %get3A_350 = arith.index_cast %scan3A_127 : i32 to index
        %get3A_351 = arith.constant 256 : index
        %get3A_352 = tpu.vector_load %arg9[%get3A_350, %get3A_351] {strides = array<i32>} : memref<40x512xf32, #tpu.memory_space<vmem>>, vector<1x16xf32>,
        %get3A_353 = vector.shape_cast %get3A_352 : vector<1x16xf32> to vector<16xf32>
        %get3A_354 = arith.index_cast %scan3A_127 : i32 to index
        %get3A_355 = arith.constant 256 : index
        %get3A_356 = tpu.vector_load %arg10[%get3A_354, %get3A_355] {strides = array<i32>} : memref<40x512xf32, #tpu.memory_space<vmem>>, vector<1x16xf32>,
        %get3A_357 = vector.shape_cast %get3A_356 : vector<1x16xf32> to vector<16xf32>
        %add3A_358 = arith.addf %get3A_353, %get3A_357 : vector<16xf32>
        %swap3A_359 = arith.index_cast %scan3A_127 : i32 to index
        %swap3A_360 = arith.constant 256 : index
        %swap3A_361 = tpu.vector_load %arg9[%swap3A_359, %swap3A_360] {strides = array<i32>} : memref<40x512xf32, #tpu.memory_space<vmem>>, vector<1x16xf32>,
        %swap3A_362 = vector.shape_cast %swap3A_361 : vector<1x16xf32> to vector<16xf32>
        %swap3A_363 = vector.shape_cast %add3A_358 : vector<16xf32> to vector<1x16xf32>
        tpu.vector_store %arg9[%swap3A_359, %swap3A_360], %swap3A_363 {strides = array<i32>} : memref<40x512xf32, #tpu.memory_space<vmem>>, vector<1x16xf32>,
        %get3A_364 = arith.index_cast %scan3A_127 : i32 to index
        %get3A_365 = arith.constant 272 : index
        %get3A_366 = tpu.vector_load %arg9[%get3A_364, %get3A_365] {strides = array<i32>} : memref<40x512xf32, #tpu.memory_space<vmem>>, vector<1x16xf32>,
        %get3A_367 = vector.shape_cast %get3A_366 : vector<1x16xf32> to vector<16xf32>
        %get3A_368 = arith.index_cast %scan3A_127 : i32 to index
        %get3A_369 = arith.constant 272 : index
        %get3A_370 = tpu.vector_load %arg10[%get3A_368, %get3A_369] {strides = array<i32>} : memref<40x512xf32, #tpu.memory_space<vmem>>, vector<1x16xf32>,
        %get3A_371 = vector.shape_cast %get3A_370 : vector<1x16xf32> to vector<16xf32>
        %add3A_372 = arith.addf %get3A_367, %get3A_371 : vector<16xf32>
        %swap3A_373 = arith.index_cast %scan3A_127 : i32 to index
        %swap3A_374 = arith.constant 272 : index
        %swap3A_375 = tpu.vector_load %arg9[%swap3A_373, %swap3A_374] {strides = array<i32>} : memref<40x512xf32, #tpu.memory_space<vmem>>, vector<1x16xf32>,
        %swap3A_376 = vector.shape_cast %swap3A_375 : vector<1x16xf32> to vector<16xf32>
        %swap3A_377 = vector.shape_cast %add3A_372 : vector<16xf32> to vector<1x16xf32>
        tpu.vector_store %arg9[%swap3A_373, %swap3A_374], %swap3A_377 {strides = array<i32>} : memref<40x512xf32, #tpu.memory_space<vmem>>, vector<1x16xf32>,
        %get3A_378 = arith.index_cast %scan3A_127 : i32 to index
        %get3A_379 = arith.constant 288 : index
        %get3A_380 = tpu.vector_load %arg9[%get3A_378, %get3A_379] {strides = array<i32>} : memref<40x512xf32, #tpu.memory_space<vmem>>, vector<1x16xf32>,
        %get3A_381 = vector.shape_cast %get3A_380 : vector<1x16xf32> to vector<16xf32>
        %get3A_382 = arith.index_cast %scan3A_127 : i32 to index
        %get3A_383 = arith.constant 288 : index
        %get3A_384 = tpu.vector_load %arg10[%get3A_382, %get3A_383] {strides = array<i32>} : memref<40x512xf32, #tpu.memory_space<vmem>>, vector<1x16xf32>,
        %get3A_385 = vector.shape_cast %get3A_384 : vector<1x16xf32> to vector<16xf32>
        %add3A_386 = arith.addf %get3A_381, %get3A_385 : vector<16xf32>
        %swap3A_387 = arith.index_cast %scan3A_127 : i32 to index
        %swap3A_388 = arith.constant 288 : index
        %swap3A_389 = tpu.vector_load %arg9[%swap3A_387, %swap3A_388] {strides = array<i32>} : memref<40x512xf32, #tpu.memory_space<vmem>>, vector<1x16xf32>,
        %swap3A_390 = vector.shape_cast %swap3A_389 : vector<1x16xf32> to vector<16xf32>
        %swap3A_391 = vector.shape_cast %add3A_386 : vector<16xf32> to vector<1x16xf32>
        tpu.vector_store %arg9[%swap3A_387, %swap3A_388], %swap3A_391 {strides = array<i32>} : memref<40x512xf32, #tpu.memory_space<vmem>>, vector<1x16xf32>,
        %get3A_392 = arith.index_cast %scan3A_127 : i32 to index
        %get3A_393 = arith.constant 304 : index
        %get3A_394 = tpu.vector_load %arg9[%get3A_392, %get3A_393] {strides = array<i32>} : memref<40x512xf32, #tpu.memory_space<vmem>>, vector<1x16xf32>,
        %get3A_395 = vector.shape_cast %get3A_394 : vector<1x16xf32> to vector<16xf32>
        %get3A_396 = arith.index_cast %scan3A_127 : i32 to index
        %get3A_397 = arith.constant 304 : index
        %get3A_398 = tpu.vector_load %arg10[%get3A_396, %get3A_397] {strides = array<i32>} : memref<40x512xf32, #tpu.memory_space<vmem>>, vector<1x16xf32>,
        %get3A_399 = vector.shape_cast %get3A_398 : vector<1x16xf32> to vector<16xf32>
        %add3A_400 = arith.addf %get3A_395, %get3A_399 : vector<16xf32>
        %swap3A_401 = arith.index_cast %scan3A_127 : i32 to index
        %swap3A_402 = arith.constant 304 : index
        %swap3A_403 = tpu.vector_load %arg9[%swap3A_401, %swap3A_402] {strides = array<i32>} : memref<40x512xf32, #tpu.memory_space<vmem>>, vector<1x16xf32>,
        %swap3A_404 = vector.shape_cast %swap3A_403 : vector<1x16xf32> to vector<16xf32>
        %swap3A_405 = vector.shape_cast %add3A_400 : vector<16xf32> to vector<1x16xf32>
        tpu.vector_store %arg9[%swap3A_401, %swap3A_402], %swap3A_405 {strides = array<i32>} : memref<40x512xf32, #tpu.memory_space<vmem>>, vector<1x16xf32>,
        %get3A_406 = arith.index_cast %scan3A_127 : i32 to index
        %get3A_407 = arith.constant 320 : index
        %get3A_408 = tpu.vector_load %arg9[%get3A_406, %get3A_407] {strides = array<i32>} : memref<40x512xf32, #tpu.memory_space<vmem>>, vector<1x16xf32>,
        %get3A_409 = vector.shape_cast %get3A_408 : vector<1x16xf32> to vector<16xf32>
        %get3A_410 = arith.index_cast %scan3A_127 : i32 to index
        %get3A_411 = arith.constant 320 : index
        %get3A_412 = tpu.vector_load %arg10[%get3A_410, %get3A_411] {strides = array<i32>} : memref<40x512xf32, #tpu.memory_space<vmem>>, vector<1x16xf32>,
        %get3A_413 = vector.shape_cast %get3A_412 : vector<1x16xf32> to vector<16xf32>
        %add3A_414 = arith.addf %get3A_409, %get3A_413 : vector<16xf32>
        %swap3A_415 = arith.index_cast %scan3A_127 : i32 to index
        %swap3A_416 = arith.constant 320 : index
        %swap3A_417 = tpu.vector_load %arg9[%swap3A_415, %swap3A_416] {strides = array<i32>} : memref<40x512xf32, #tpu.memory_space<vmem>>, vector<1x16xf32>,
        %swap3A_418 = vector.shape_cast %swap3A_417 : vector<1x16xf32> to vector<16xf32>
        %swap3A_419 = vector.shape_cast %add3A_414 : vector<16xf32> to vector<1x16xf32>
        tpu.vector_store %arg9[%swap3A_415, %swap3A_416], %swap3A_419 {strides = array<i32>} : memref<40x512xf32, #tpu.memory_space<vmem>>, vector<1x16xf32>,
        %get3A_420 = arith.index_cast %scan3A_127 : i32 to index
        %get3A_421 = arith.constant 336 : index
        %get3A_422 = tpu.vector_load %arg9[%get3A_420, %get3A_421] {strides = array<i32>} : memref<40x512xf32, #tpu.memory_space<vmem>>, vector<1x16xf32>,
        %get3A_423 = vector.shape_cast %get3A_422 : vector<1x16xf32> to vector<16xf32>
        %get3A_424 = arith.index_cast %scan3A_127 : i32 to index
        %get3A_425 = arith.constant 336 : index
        %get3A_426 = tpu.vector_load %arg10[%get3A_424, %get3A_425] {strides = array<i32>} : memref<40x512xf32, #tpu.memory_space<vmem>>, vector<1x16xf32>,
        %get3A_427 = vector.shape_cast %get3A_426 : vector<1x16xf32> to vector<16xf32>
        %add3A_428 = arith.addf %get3A_423, %get3A_427 : vector<16xf32>
        %swap3A_429 = arith.index_cast %scan3A_127 : i32 to index
        %swap3A_430 = arith.constant 336 : index
        %swap3A_431 = tpu.vector_load %arg9[%swap3A_429, %swap3A_430] {strides = array<i32>} : memref<40x512xf32, #tpu.memory_space<vmem>>, vector<1x16xf32>,
        %swap3A_432 = vector.shape_cast %swap3A_431 : vector<1x16xf32> to vector<16xf32>
        %swap3A_433 = vector.shape_cast %add3A_428 : vector<16xf32> to vector<1x16xf32>
        tpu.vector_store %arg9[%swap3A_429, %swap3A_430], %swap3A_433 {strides = array<i32>} : memref<40x512xf32, #tpu.memory_space<vmem>>, vector<1x16xf32>,
        %get3A_434 = arith.index_cast %scan3A_127 : i32 to index
        %get3A_435 = arith.constant 352 : index
        %get3A_436 = tpu.vector_load %arg9[%get3A_434, %get3A_435] {strides = array<i32>} : memref<40x512xf32, #tpu.memory_space<vmem>>, vector<1x16xf32>,
        %get3A_437 = vector.shape_cast %get3A_436 : vector<1x16xf32> to vector<16xf32>
        %get3A_438 = arith.index_cast %scan3A_127 : i32 to index
        %get3A_439 = arith.constant 352 : index
        %get3A_440 = tpu.vector_load %arg10[%get3A_438, %get3A_439] {strides = array<i32>} : memref<40x512xf32, #tpu.memory_space<vmem>>, vector<1x16xf32>,
        %get3A_441 = vector.shape_cast %get3A_440 : vector<1x16xf32> to vector<16xf32>
        %add3A_442 = arith.addf %get3A_437, %get3A_441 : vector<16xf32>
        %swap3A_443 = arith.index_cast %scan3A_127 : i32 to index
        %swap3A_444 = arith.constant 352 : index
        %swap3A_445 = tpu.vector_load %arg9[%swap3A_443, %swap3A_444] {strides = array<i32>} : memref<40x512xf32, #tpu.memory_space<vmem>>, vector<1x16xf32>,
        %swap3A_446 = vector.shape_cast %swap3A_445 : vector<1x16xf32> to vector<16xf32>
        %swap3A_447 = vector.shape_cast %add3A_442 : vector<16xf32> to vector<1x16xf32>
        tpu.vector_store %arg9[%swap3A_443, %swap3A_444], %swap3A_447 {strides = array<i32>} : memref<40x512xf32, #tpu.memory_space<vmem>>, vector<1x16xf32>,
        %get3A_448 = arith.index_cast %scan3A_127 : i32 to index
        %get3A_449 = arith.constant 368 : index
        %get3A_450 = tpu.vector_load %arg9[%get3A_448, %get3A_449] {strides = array<i32>} : memref<40x512xf32, #tpu.memory_space<vmem>>, vector<1x16xf32>,
        %get3A_451 = vector.shape_cast %get3A_450 : vector<1x16xf32> to vector<16xf32>
        %get3A_452 = arith.index_cast %scan3A_127 : i32 to index
        %get3A_453 = arith.constant 368 : index
        %get3A_454 = tpu.vector_load %arg10[%get3A_452, %get3A_453] {strides = array<i32>} : memref<40x512xf32, #tpu.memory_space<vmem>>, vector<1x16xf32>,
        %get3A_455 = vector.shape_cast %get3A_454 : vector<1x16xf32> to vector<16xf32>
        %add3A_456 = arith.addf %get3A_451, %get3A_455 : vector<16xf32>
        %swap3A_457 = arith.index_cast %scan3A_127 : i32 to index
        %swap3A_458 = arith.constant 368 : index
        %swap3A_459 = tpu.vector_load %arg9[%swap3A_457, %swap3A_458] {strides = array<i32>} : memref<40x512xf32, #tpu.memory_space<vmem>>, vector<1x16xf32>,
        %swap3A_460 = vector.shape_cast %swap3A_459 : vector<1x16xf32> to vector<16xf32>
        %swap3A_461 = vector.shape_cast %add3A_456 : vector<16xf32> to vector<1x16xf32>
        tpu.vector_store %arg9[%swap3A_457, %swap3A_458], %swap3A_461 {strides = array<i32>} : memref<40x512xf32, #tpu.memory_space<vmem>>, vector<1x16xf32>,
        %get3A_462 = arith.index_cast %scan3A_127 : i32 to index
        %get3A_463 = arith.constant 384 : index
        %get3A_464 = tpu.vector_load %arg9[%get3A_462, %get3A_463] {strides = array<i32>} : memref<40x512xf32, #tpu.memory_space<vmem>>, vector<1x16xf32>,
        %get3A_465 = vector.shape_cast %get3A_464 : vector<1x16xf32> to vector<16xf32>
        %get3A_466 = arith.index_cast %scan3A_127 : i32 to index
        %get3A_467 = arith.constant 384 : index
        %get3A_468 = tpu.vector_load %arg10[%get3A_466, %get3A_467] {strides = array<i32>} : memref<40x512xf32, #tpu.memory_space<vmem>>, vector<1x16xf32>,
        %get3A_469 = vector.shape_cast %get3A_468 : vector<1x16xf32> to vector<16xf32>
        %add3A_470 = arith.addf %get3A_465, %get3A_469 : vector<16xf32>
        %swap3A_471 = arith.index_cast %scan3A_127 : i32 to index
        %swap3A_472 = arith.constant 384 : index
        %swap3A_473 = tpu.vector_load %arg9[%swap3A_471, %swap3A_472] {strides = array<i32>} : memref<40x512xf32, #tpu.memory_space<vmem>>, vector<1x16xf32>,
        %swap3A_474 = vector.shape_cast %swap3A_473 : vector<1x16xf32> to vector<16xf32>
        %swap3A_475 = vector.shape_cast %add3A_470 : vector<16xf32> to vector<1x16xf32>
        tpu.vector_store %arg9[%swap3A_471, %swap3A_472], %swap3A_475 {strides = array<i32>} : memref<40x512xf32, #tpu.memory_space<vmem>>, vector<1x16xf32>,
        %get3A_476 = arith.index_cast %scan3A_127 : i32 to index
        %get3A_477 = arith.constant 400 : index
        %get3A_478 = tpu.vector_load %arg9[%get3A_476, %get3A_477] {strides = array<i32>} : memref<40x512xf32, #tpu.memory_space<vmem>>, vector<1x16xf32>,
        %get3A_479 = vector.shape_cast %get3A_478 : vector<1x16xf32> to vector<16xf32>
        %get3A_480 = arith.index_cast %scan3A_127 : i32 to index
        %get3A_481 = arith.constant 400 : index
        %get3A_482 = tpu.vector_load %arg10[%get3A_480, %get3A_481] {strides = array<i32>} : memref<40x512xf32, #tpu.memory_space<vmem>>, vector<1x16xf32>,
        %get3A_483 = vector.shape_cast %get3A_482 : vector<1x16xf32> to vector<16xf32>
        %add3A_484 = arith.addf %get3A_479, %get3A_483 : vector<16xf32>
        %swap3A_485 = arith.index_cast %scan3A_127 : i32 to index
        %swap3A_486 = arith.constant 400 : index
        %swap3A_487 = tpu.vector_load %arg9[%swap3A_485, %swap3A_486] {strides = array<i32>} : memref<40x512xf32, #tpu.memory_space<vmem>>, vector<1x16xf32>,
        %swap3A_488 = vector.shape_cast %swap3A_487 : vector<1x16xf32> to vector<16xf32>
        %swap3A_489 = vector.shape_cast %add3A_484 : vector<16xf32> to vector<1x16xf32>
        tpu.vector_store %arg9[%swap3A_485, %swap3A_486], %swap3A_489 {strides = array<i32>} : memref<40x512xf32, #tpu.memory_space<vmem>>, vector<1x16xf32>,
        %get3A_490 = arith.index_cast %scan3A_127 : i32 to index
        %get3A_491 = arith.constant 416 : index
        %get3A_492 = tpu.vector_load %arg9[%get3A_490, %get3A_491] {strides = array<i32>} : memref<40x512xf32, #tpu.memory_space<vmem>>, vector<1x16xf32>,
        %get3A_493 = vector.shape_cast %get3A_492 : vector<1x16xf32> to vector<16xf32>
        %get3A_494 = arith.index_cast %scan3A_127 : i32 to index
        %get3A_495 = arith.constant 416 : index
        %get3A_496 = tpu.vector_load %arg10[%get3A_494, %get3A_495] {strides = array<i32>} : memref<40x512xf32, #tpu.memory_space<vmem>>, vector<1x16xf32>,
        %get3A_497 = vector.shape_cast %get3A_496 : vector<1x16xf32> to vector<16xf32>
        %add3A_498 = arith.addf %get3A_493, %get3A_497 : vector<16xf32>
        %swap3A_499 = arith.index_cast %scan3A_127 : i32 to index
        %swap3A_500 = arith.constant 416 : index
        %swap3A_501 = tpu.vector_load %arg9[%swap3A_499, %swap3A_500] {strides = array<i32>} : memref<40x512xf32, #tpu.memory_space<vmem>>, vector<1x16xf32>,
        %swap3A_502 = vector.shape_cast %swap3A_501 : vector<1x16xf32> to vector<16xf32>
        %swap3A_503 = vector.shape_cast %add3A_498 : vector<16xf32> to vector<1x16xf32>
        tpu.vector_store %arg9[%swap3A_499, %swap3A_500], %swap3A_503 {strides = array<i32>} : memref<40x512xf32, #tpu.memory_space<vmem>>, vector<1x16xf32>,
        %get3A_504 = arith.index_cast %scan3A_127 : i32 to index
        %get3A_505 = arith.constant 432 : index
        %get3A_506 = tpu.vector_load %arg9[%get3A_504, %get3A_505] {strides = array<i32>} : memref<40x512xf32, #tpu.memory_space<vmem>>, vector<1x16xf32>,
        %get3A_507 = vector.shape_cast %get3A_506 : vector<1x16xf32> to vector<16xf32>
        %get3A_508 = arith.index_cast %scan3A_127 : i32 to index
        %get3A_509 = arith.constant 432 : index
        %get3A_510 = tpu.vector_load %arg10[%get3A_508, %get3A_509] {strides = array<i32>} : memref<40x512xf32, #tpu.memory_space<vmem>>, vector<1x16xf32>,
        %get3A_511 = vector.shape_cast %get3A_510 : vector<1x16xf32> to vector<16xf32>
        %add3A_512 = arith.addf %get3A_507, %get3A_511 : vector<16xf32>
        %swap3A_513 = arith.index_cast %scan3A_127 : i32 to index
        %swap3A_514 = arith.constant 432 : index
        %swap3A_515 = tpu.vector_load %arg9[%swap3A_513, %swap3A_514] {strides = array<i32>} : memref<40x512xf32, #tpu.memory_space<vmem>>, vector<1x16xf32>,
        %swap3A_516 = vector.shape_cast %swap3A_515 : vector<1x16xf32> to vector<16xf32>
        %swap3A_517 = vector.shape_cast %add3A_512 : vector<16xf32> to vector<1x16xf32>
        tpu.vector_store %arg9[%swap3A_513, %swap3A_514], %swap3A_517 {strides = array<i32>} : memref<40x512xf32, #tpu.memory_space<vmem>>, vector<1x16xf32>,
        %get3A_518 = arith.index_cast %scan3A_127 : i32 to index
        %get3A_519 = arith.constant 448 : index
        %get3A_520 = tpu.vector_load %arg9[%get3A_518, %get3A_519] {strides = array<i32>} : memref<40x512xf32, #tpu.memory_space<vmem>>, vector<1x16xf32>,
        %get3A_521 = vector.shape_cast %get3A_520 : vector<1x16xf32> to vector<16xf32>
        %get3A_522 = arith.index_cast %scan3A_127 : i32 to index
        %get3A_523 = arith.constant 448 : index
        %get3A_524 = tpu.vector_load %arg10[%get3A_522, %get3A_523] {strides = array<i32>} : memref<40x512xf32, #tpu.memory_space<vmem>>, vector<1x16xf32>,
        %get3A_525 = vector.shape_cast %get3A_524 : vector<1x16xf32> to vector<16xf32>
        %add3A_526 = arith.addf %get3A_521, %get3A_525 : vector<16xf32>
        %swap3A_527 = arith.index_cast %scan3A_127 : i32 to index
        %swap3A_528 = arith.constant 448 : index
        %swap3A_529 = tpu.vector_load %arg9[%swap3A_527, %swap3A_528] {strides = array<i32>} : memref<40x512xf32, #tpu.memory_space<vmem>>, vector<1x16xf32>,
        %swap3A_530 = vector.shape_cast %swap3A_529 : vector<1x16xf32> to vector<16xf32>
        %swap3A_531 = vector.shape_cast %add3A_526 : vector<16xf32> to vector<1x16xf32>
        tpu.vector_store %arg9[%swap3A_527, %swap3A_528], %swap3A_531 {strides = array<i32>} : memref<40x512xf32, #tpu.memory_space<vmem>>, vector<1x16xf32>,
        %get3A_532 = arith.index_cast %scan3A_127 : i32 to index
        %get3A_533 = arith.constant 464 : index
        %get3A_534 = tpu.vector_load %arg9[%get3A_532, %get3A_533] {strides = array<i32>} : memref<40x512xf32, #tpu.memory_space<vmem>>, vector<1x16xf32>,
        %get3A_535 = vector.shape_cast %get3A_534 : vector<1x16xf32> to vector<16xf32>
        %get3A_536 = arith.index_cast %scan3A_127 : i32 to index
        %get3A_537 = arith.constant 464 : index
        %get3A_538 = tpu.vector_load %arg10[%get3A_536, %get3A_537] {strides = array<i32>} : memref<40x512xf32, #tpu.memory_space<vmem>>, vector<1x16xf32>,
        %get3A_539 = vector.shape_cast %get3A_538 : vector<1x16xf32> to vector<16xf32>
        %add3A_540 = arith.addf %get3A_535, %get3A_539 : vector<16xf32>
        %swap3A_541 = arith.index_cast %scan3A_127 : i32 to index
        %swap3A_542 = arith.constant 464 : index
        %swap3A_543 = tpu.vector_load %arg9[%swap3A_541, %swap3A_542] {strides = array<i32>} : memref<40x512xf32, #tpu.memory_space<vmem>>, vector<1x16xf32>,
        %swap3A_544 = vector.shape_cast %swap3A_543 : vector<1x16xf32> to vector<16xf32>
        %swap3A_545 = vector.shape_cast %add3A_540 : vector<16xf32> to vector<1x16xf32>
        tpu.vector_store %arg9[%swap3A_541, %swap3A_542], %swap3A_545 {strides = array<i32>} : memref<40x512xf32, #tpu.memory_space<vmem>>, vector<1x16xf32>,
        %get3A_546 = arith.index_cast %scan3A_127 : i32 to index
        %get3A_547 = arith.constant 480 : index
        %get3A_548 = tpu.vector_load %arg9[%get3A_546, %get3A_547] {strides = array<i32>} : memref<40x512xf32, #tpu.memory_space<vmem>>, vector<1x16xf32>,
        %get3A_549 = vector.shape_cast %get3A_548 : vector<1x16xf32> to vector<16xf32>
        %get3A_550 = arith.index_cast %scan3A_127 : i32 to index
        %get3A_551 = arith.constant 480 : index
        %get3A_552 = tpu.vector_load %arg10[%get3A_550, %get3A_551] {strides = array<i32>} : memref<40x512xf32, #tpu.memory_space<vmem>>, vector<1x16xf32>,
        %get3A_553 = vector.shape_cast %get3A_552 : vector<1x16xf32> to vector<16xf32>
        %add3A_554 = arith.addf %get3A_549, %get3A_553 : vector<16xf32>
        %swap3A_555 = arith.index_cast %scan3A_127 : i32 to index
        %swap3A_556 = arith.constant 480 : index
        %swap3A_557 = tpu.vector_load %arg9[%swap3A_555, %swap3A_556] {strides = array<i32>} : memref<40x512xf32, #tpu.memory_space<vmem>>, vector<1x16xf32>,
        %swap3A_558 = vector.shape_cast %swap3A_557 : vector<1x16xf32> to vector<16xf32>
        %swap3A_559 = vector.shape_cast %add3A_554 : vector<16xf32> to vector<1x16xf32>
        tpu.vector_store %arg9[%swap3A_555, %swap3A_556], %swap3A_559 {strides = array<i32>} : memref<40x512xf32, #tpu.memory_space<vmem>>, vector<1x16xf32>,
        %get3A_560 = arith.index_cast %scan3A_127 : i32 to index
        %get3A_561 = arith.constant 496 : index
        %get3A_562 = tpu.vector_load %arg9[%get3A_560, %get3A_561] {strides = array<i32>} : memref<40x512xf32, #tpu.memory_space<vmem>>, vector<1x16xf32>,
        %get3A_563 = vector.shape_cast %get3A_562 : vector<1x16xf32> to vector<16xf32>
        %get3A_564 = arith.index_cast %scan3A_127 : i32 to index
        %get3A_565 = arith.constant 496 : index
        %get3A_566 = tpu.vector_load %arg10[%get3A_564, %get3A_565] {strides = array<i32>} : memref<40x512xf32, #tpu.memory_space<vmem>>, vector<1x16xf32>,
        %get3A_567 = vector.shape_cast %get3A_566 : vector<1x16xf32> to vector<16xf32>
        %add3A_568 = arith.addf %get3A_563, %get3A_567 : vector<16xf32>
        %swap3A_569 = arith.index_cast %scan3A_127 : i32 to index
        %swap3A_570 = arith.constant 496 : index
        %swap3A_571 = tpu.vector_load %arg9[%swap3A_569, %swap3A_570] {strides = array<i32>} : memref<40x512xf32, #tpu.memory_space<vmem>>, vector<1x16xf32>,
        %swap3A_572 = vector.shape_cast %swap3A_571 : vector<1x16xf32> to vector<16xf32>
        %swap3A_573 = vector.shape_cast %add3A_568 : vector<16xf32> to vector<1x16xf32>
        tpu.vector_store %arg9[%swap3A_569, %swap3A_570], %swap3A_573 {strides = array<i32>} : memref<40x512xf32, #tpu.memory_space<vmem>>, vector<1x16xf32>,
      }
      %scan3A_80 = arith.constant 40 : i32
      %add3A_81 = arith.addi %mul3A_2, %mul3A_54 : i32
      %dma_start3A_82 = arith.constant 0 : i32
      %dma_start3A_83 = tpu.memref_slice %arg6[%add3A_81, %dma_start3A_82] : memref<160000x512xf32, #tpu.memory_space<hbm>> -> memref<40x512xf32, #tpu.memory_space<hbm>>
      %dma_start3A_84 = arith.constant 0 : i32
      %dma_start3A_85 = tpu.memref_slice %arg6[%add3A_81, %dma_start3A_84] : memref<160000x512xf32, #tpu.memory_space<hbm>> -> memref<40x512xf32, #tpu.memory_space<hbm>>
      tpu.enqueue_dma source(%arg9 : memref<40x512xf32, #tpu.memory_space<vmem>>) target(%dma_start3A_85 : memref<40x512xf32, #tpu.memory_space<hbm>>) target_semaphore(%arg17 : memref<!tpu.dma_semaphore, #tpu.memory_space<semaphore_mem>>)
      %mul3A_86 = arith.constant 2 : i32
      %mul3A_87 = arith.muli %mul3A_86, %scan3A_50 : i32
      %add3A_88 = arith.constant 1 : i32
      %add3A_89 = arith.addi %mul3A_87, %add3A_88 : i32
      %mul3A_90 = arith.constant 40 : i32
      %mul3A_91 = arith.muli %add3A_89, %mul3A_90 : i32
      %sub3A = arith.constant 40 : i32
      %sub3A_92 = arith.subi %mul3A_91, %sub3A : i32
      %add3A_93 = arith.addi %mul3A_2, %sub3A_92 : i32
      %dma_wait3A_94 = arith.constant 0 : i32
      %dma_wait3A_95 = tpu.memref_slice %arg6[%add3A_93, %dma_wait3A_94] : memref<160000x512xf32, #tpu.memory_space<hbm>> -> memref<40x512xf32, #tpu.memory_space<hbm>>
      %dma_wait3A_96 = arith.constant 0 : i32
      %dma_wait3A_97 = tpu.memref_slice %arg6[%add3A_93, %dma_wait3A_96] : memref<160000x512xf32, #tpu.memory_space<hbm>> -> memref<40x512xf32, #tpu.memory_space<hbm>>
      tpu.wait_dma2 semaphore(%arg17 : memref<!tpu.dma_semaphore, #tpu.memory_space<semaphore_mem>>) src(%arg9 : memref<40x512xf32, #tpu.memory_space<vmem>>) dst(%dma_wait3A_97 : memref<40x512xf32, #tpu.memory_space<hbm>>)
      %add3A_98 = arith.constant 40 : i32
      %add3A_99 = arith.addi %mul3A_91, %add3A_98 : i32
      %dma_start3A_100 = tpu.memref_slice %arg7[%add3A_99] : memref<5000xi32, #tpu.memory_space<vmem>> -> memref<40xi32, #tpu.memory_space<vmem>>
      %dma_start3A_101 = arith.constant 0 : i32
      %dma_start3A_102 = arith.constant 0 : i32
      %dma_start3A_103 = tpu.memref_slice %arg2[%dma_start3A_101, %dma_start3A_102] : memref<10000x512xf32, #tpu.memory_space<hbm>> -> memref<10000x512xf32, #tpu.memory_space<hbm>>
      tpu.enqueue_indirect_dma source(%dma_start3A_103 : memref<10000x512xf32, #tpu.memory_space<hbm>>) target(%arg9 : memref<40x512xf32, #tpu.memory_space<vmem>>) offsets(%dma_start3A_100 : memref<40xi32, #tpu.memory_space<vmem>>) semaphore(%arg13 : memref<!tpu.dma_semaphore, #tpu.memory_space<semaphore_mem>>)
      %dma_start3A_104 = tpu.memref_slice %arg8[%add3A_99] : memref<5000xi32, #tpu.memory_space<vmem>> -> memref<40xi32, #tpu.memory_space<vmem>>
      %dma_start3A_105 = arith.constant 0 : i32
      %dma_start3A_106 = arith.constant 0 : i32
      %dma_start3A_107 = tpu.memref_slice %arg3[%dma_start3A_105, %dma_start3A_106] : memref<10000x512xf32, #tpu.memory_space<hbm>> -> memref<10000x512xf32, #tpu.memory_space<hbm>>
      tpu.enqueue_indirect_dma source(%dma_start3A_107 : memref<10000x512xf32, #tpu.memory_space<hbm>>) target(%arg10 : memref<40x512xf32, #tpu.memory_space<vmem>>) offsets(%dma_start3A_104 : memref<40xi32, #tpu.memory_space<vmem>>) semaphore(%arg14 : memref<!tpu.dma_semaphore, #tpu.memory_space<semaphore_mem>>)
      %dma_wait3A_108 = tpu.memref_slice %arg7[%mul3A_91] : memref<5000xi32, #tpu.memory_space<vmem>> -> memref<40xi32, #tpu.memory_space<vmem>>
      %dma_wait3A_109 = arith.constant 0 : i32
      %dma_wait3A_110 = arith.constant 0 : i32
      %dma_wait3A_111 = tpu.memref_slice %arg2[%dma_wait3A_109, %dma_wait3A_110] : memref<10000x512xf32, #tpu.memory_space<hbm>> -> memref<10000x512xf32, #tpu.memory_space<hbm>>
      tpu.wait_indirect_dma semaphore(%arg15 : memref<!tpu.dma_semaphore, #tpu.memory_space<semaphore_mem>>) src(%dma_wait3A_111 : memref<10000x512xf32, #tpu.memory_space<hbm>>) dst(%arg11 : memref<40x512xf32, #tpu.memory_space<vmem>>)
      %dma_wait3A_112 = tpu.memref_slice %arg8[%mul3A_91] : memref<5000xi32, #tpu.memory_space<vmem>> -> memref<40xi32, #tpu.memory_space<vmem>>
      %dma_wait3A_113 = arith.constant 0 : i32
      %dma_wait3A_114 = arith.constant 0 : i32
      %dma_wait3A_115 = tpu.memref_slice %arg3[%dma_wait3A_113, %dma_wait3A_114] : memref<10000x512xf32, #tpu.memory_space<hbm>> -> memref<10000x512xf32, #tpu.memory_space<hbm>>
      tpu.wait_indirect_dma semaphore(%arg16 : memref<!tpu.dma_semaphore, #tpu.memory_space<semaphore_mem>>) src(%dma_wait3A_115 : memref<10000x512xf32, #tpu.memory_space<hbm>>) dst(%arg12 : memref<40x512xf32, #tpu.memory_space<vmem>>)
      %scan3A_116 = arith.constant 0 : i32
      %scan3A_117 = arith.constant 0 : i32
      %scan3A_118 = arith.constant 40 : i32
      %scan3A_119 = arith.addi %scan3A_117, %scan3A_118 : i32
      %scan3A_120 = arith.constant 1 : i32
      scf.for %scan3A_127 = %scan3A_117 to %scan3A_119 step %scan3A_120  : i32 {
        %get3A = arith.index_cast %scan3A_127 : i32 to index
        %get3A_128 = arith.constant 0 : index
        %get3A_129 = tpu.vector_load %arg11[%get3A, %get3A_128] {strides = array<i32>} : memref<40x512xf32, #tpu.memory_space<vmem>>, vector<1x16xf32>,
        %get3A_130 = vector.shape_cast %get3A_129 : vector<1x16xf32> to vector<16xf32>
        %get3A_131 = arith.index_cast %scan3A_127 : i32 to index
        %get3A_132 = arith.constant 0 : index
        %get3A_133 = tpu.vector_load %arg12[%get3A_131, %get3A_132] {strides = array<i32>} : memref<40x512xf32, #tpu.memory_space<vmem>>, vector<1x16xf32>,
        %get3A_134 = vector.shape_cast %get3A_133 : vector<1x16xf32> to vector<16xf32>
        %add3A_135 = arith.addf %get3A_130, %get3A_134 : vector<16xf32>
        %swap3A = arith.index_cast %scan3A_127 : i32 to index
        %swap3A_136 = arith.constant 0 : index
        %swap3A_137 = tpu.vector_load %arg11[%swap3A, %swap3A_136] {strides = array<i32>} : memref<40x512xf32, #tpu.memory_space<vmem>>, vector<1x16xf32>,
        %swap3A_138 = vector.shape_cast %swap3A_137 : vector<1x16xf32> to vector<16xf32>
        %swap3A_139 = vector.shape_cast %add3A_135 : vector<16xf32> to vector<1x16xf32>
        tpu.vector_store %arg11[%swap3A, %swap3A_136], %swap3A_139 {strides = array<i32>} : memref<40x512xf32, #tpu.memory_space<vmem>>, vector<1x16xf32>,
        %get3A_140 = arith.index_cast %scan3A_127 : i32 to index
        %get3A_141 = arith.constant 16 : index
        %get3A_142 = tpu.vector_load %arg11[%get3A_140, %get3A_141] {strides = array<i32>} : memref<40x512xf32, #tpu.memory_space<vmem>>, vector<1x16xf32>,
        %get3A_143 = vector.shape_cast %get3A_142 : vector<1x16xf32> to vector<16xf32>
        %get3A_144 = arith.index_cast %scan3A_127 : i32 to index
        %get3A_145 = arith.constant 16 : index
        %get3A_146 = tpu.vector_load %arg12[%get3A_144, %get3A_145] {strides = array<i32>} : memref<40x512xf32, #tpu.memory_space<vmem>>, vector<1x16xf32>,
        %get3A_147 = vector.shape_cast %get3A_146 : vector<1x16xf32> to vector<16xf32>
        %add3A_148 = arith.addf %get3A_143, %get3A_147 : vector<16xf32>
        %swap3A_149 = arith.index_cast %scan3A_127 : i32 to index
        %swap3A_150 = arith.constant 16 : index
        %swap3A_151 = tpu.vector_load %arg11[%swap3A_149, %swap3A_150] {strides = array<i32>} : memref<40x512xf32, #tpu.memory_space<vmem>>, vector<1x16xf32>,
        %swap3A_152 = vector.shape_cast %swap3A_151 : vector<1x16xf32> to vector<16xf32>
        %swap3A_153 = vector.shape_cast %add3A_148 : vector<16xf32> to vector<1x16xf32>
        tpu.vector_store %arg11[%swap3A_149, %swap3A_150], %swap3A_153 {strides = array<i32>} : memref<40x512xf32, #tpu.memory_space<vmem>>, vector<1x16xf32>,
        %get3A_154 = arith.index_cast %scan3A_127 : i32 to index
        %get3A_155 = arith.constant 32 : index
        %get3A_156 = tpu.vector_load %arg11[%get3A_154, %get3A_155] {strides = array<i32>} : memref<40x512xf32, #tpu.memory_space<vmem>>, vector<1x16xf32>,
        %get3A_157 = vector.shape_cast %get3A_156 : vector<1x16xf32> to vector<16xf32>
        %get3A_158 = arith.index_cast %scan3A_127 : i32 to index
        %get3A_159 = arith.constant 32 : index
        %get3A_160 = tpu.vector_load %arg12[%get3A_158, %get3A_159] {strides = array<i32>} : memref<40x512xf32, #tpu.memory_space<vmem>>, vector<1x16xf32>,
        %get3A_161 = vector.shape_cast %get3A_160 : vector<1x16xf32> to vector<16xf32>
        %add3A_162 = arith.addf %get3A_157, %get3A_161 : vector<16xf32>
        %swap3A_163 = arith.index_cast %scan3A_127 : i32 to index
        %swap3A_164 = arith.constant 32 : index
        %swap3A_165 = tpu.vector_load %arg11[%swap3A_163, %swap3A_164] {strides = array<i32>} : memref<40x512xf32, #tpu.memory_space<vmem>>, vector<1x16xf32>,
        %swap3A_166 = vector.shape_cast %swap3A_165 : vector<1x16xf32> to vector<16xf32>
        %swap3A_167 = vector.shape_cast %add3A_162 : vector<16xf32> to vector<1x16xf32>
        tpu.vector_store %arg11[%swap3A_163, %swap3A_164], %swap3A_167 {strides = array<i32>} : memref<40x512xf32, #tpu.memory_space<vmem>>, vector<1x16xf32>,
        %get3A_168 = arith.index_cast %scan3A_127 : i32 to index
        %get3A_169 = arith.constant 48 : index
        %get3A_170 = tpu.vector_load %arg11[%get3A_168, %get3A_169] {strides = array<i32>} : memref<40x512xf32, #tpu.memory_space<vmem>>, vector<1x16xf32>,
        %get3A_171 = vector.shape_cast %get3A_170 : vector<1x16xf32> to vector<16xf32>
        %get3A_172 = arith.index_cast %scan3A_127 : i32 to index
        %get3A_173 = arith.constant 48 : index
        %get3A_174 = tpu.vector_load %arg12[%get3A_172, %get3A_173] {strides = array<i32>} : memref<40x512xf32, #tpu.memory_space<vmem>>, vector<1x16xf32>,
        %get3A_175 = vector.shape_cast %get3A_174 : vector<1x16xf32> to vector<16xf32>
        %add3A_176 = arith.addf %get3A_171, %get3A_175 : vector<16xf32>
        %swap3A_177 = arith.index_cast %scan3A_127 : i32 to index
        %swap3A_178 = arith.constant 48 : index
        %swap3A_179 = tpu.vector_load %arg11[%swap3A_177, %swap3A_178] {strides = array<i32>} : memref<40x512xf32, #tpu.memory_space<vmem>>, vector<1x16xf32>,
        %swap3A_180 = vector.shape_cast %swap3A_179 : vector<1x16xf32> to vector<16xf32>
        %swap3A_181 = vector.shape_cast %add3A_176 : vector<16xf32> to vector<1x16xf32>
        tpu.vector_store %arg11[%swap3A_177, %swap3A_178], %swap3A_181 {strides = array<i32>} : memref<40x512xf32, #tpu.memory_space<vmem>>, vector<1x16xf32>,
        %get3A_182 = arith.index_cast %scan3A_127 : i32 to index
        %get3A_183 = arith.constant 64 : index
        %get3A_184 = tpu.vector_load %arg11[%get3A_182, %get3A_183] {strides = array<i32>} : memref<40x512xf32, #tpu.memory_space<vmem>>, vector<1x16xf32>,
        %get3A_185 = vector.shape_cast %get3A_184 : vector<1x16xf32> to vector<16xf32>
        %get3A_186 = arith.index_cast %scan3A_127 : i32 to index
        %get3A_187 = arith.constant 64 : index
        %get3A_188 = tpu.vector_load %arg12[%get3A_186, %get3A_187] {strides = array<i32>} : memref<40x512xf32, #tpu.memory_space<vmem>>, vector<1x16xf32>,
        %get3A_189 = vector.shape_cast %get3A_188 : vector<1x16xf32> to vector<16xf32>
        %add3A_190 = arith.addf %get3A_185, %get3A_189 : vector<16xf32>
        %swap3A_191 = arith.index_cast %scan3A_127 : i32 to index
        %swap3A_192 = arith.constant 64 : index
        %swap3A_193 = tpu.vector_load %arg11[%swap3A_191, %swap3A_192] {strides = array<i32>} : memref<40x512xf32, #tpu.memory_space<vmem>>, vector<1x16xf32>,
        %swap3A_194 = vector.shape_cast %swap3A_193 : vector<1x16xf32> to vector<16xf32>
        %swap3A_195 = vector.shape_cast %add3A_190 : vector<16xf32> to vector<1x16xf32>
        tpu.vector_store %arg11[%swap3A_191, %swap3A_192], %swap3A_195 {strides = array<i32>} : memref<40x512xf32, #tpu.memory_space<vmem>>, vector<1x16xf32>,
        %get3A_196 = arith.index_cast %scan3A_127 : i32 to index
        %get3A_197 = arith.constant 80 : index
        %get3A_198 = tpu.vector_load %arg11[%get3A_196, %get3A_197] {strides = array<i32>} : memref<40x512xf32, #tpu.memory_space<vmem>>, vector<1x16xf32>,
        %get3A_199 = vector.shape_cast %get3A_198 : vector<1x16xf32> to vector<16xf32>
        %get3A_200 = arith.index_cast %scan3A_127 : i32 to index
        %get3A_201 = arith.constant 80 : index
        %get3A_202 = tpu.vector_load %arg12[%get3A_200, %get3A_201] {strides = array<i32>} : memref<40x512xf32, #tpu.memory_space<vmem>>, vector<1x16xf32>,
        %get3A_203 = vector.shape_cast %get3A_202 : vector<1x16xf32> to vector<16xf32>
        %add3A_204 = arith.addf %get3A_199, %get3A_203 : vector<16xf32>
        %swap3A_205 = arith.index_cast %scan3A_127 : i32 to index
        %swap3A_206 = arith.constant 80 : index
        %swap3A_207 = tpu.vector_load %arg11[%swap3A_205, %swap3A_206] {strides = array<i32>} : memref<40x512xf32, #tpu.memory_space<vmem>>, vector<1x16xf32>,
        %swap3A_208 = vector.shape_cast %swap3A_207 : vector<1x16xf32> to vector<16xf32>
        %swap3A_209 = vector.shape_cast %add3A_204 : vector<16xf32> to vector<1x16xf32>
        tpu.vector_store %arg11[%swap3A_205, %swap3A_206], %swap3A_209 {strides = array<i32>} : memref<40x512xf32, #tpu.memory_space<vmem>>, vector<1x16xf32>,
        %get3A_210 = arith.index_cast %scan3A_127 : i32 to index
        %get3A_211 = arith.constant 96 : index
        %get3A_212 = tpu.vector_load %arg11[%get3A_210, %get3A_211] {strides = array<i32>} : memref<40x512xf32, #tpu.memory_space<vmem>>, vector<1x16xf32>,
        %get3A_213 = vector.shape_cast %get3A_212 : vector<1x16xf32> to vector<16xf32>
        %get3A_214 = arith.index_cast %scan3A_127 : i32 to index
        %get3A_215 = arith.constant 96 : index
        %get3A_216 = tpu.vector_load %arg12[%get3A_214, %get3A_215] {strides = array<i32>} : memref<40x512xf32, #tpu.memory_space<vmem>>, vector<1x16xf32>,
        %get3A_217 = vector.shape_cast %get3A_216 : vector<1x16xf32> to vector<16xf32>
        %add3A_218 = arith.addf %get3A_213, %get3A_217 : vector<16xf32>
        %swap3A_219 = arith.index_cast %scan3A_127 : i32 to index
        %swap3A_220 = arith.constant 96 : index
        %swap3A_221 = tpu.vector_load %arg11[%swap3A_219, %swap3A_220] {strides = array<i32>} : memref<40x512xf32, #tpu.memory_space<vmem>>, vector<1x16xf32>,
        %swap3A_222 = vector.shape_cast %swap3A_221 : vector<1x16xf32> to vector<16xf32>
        %swap3A_223 = vector.shape_cast %add3A_218 : vector<16xf32> to vector<1x16xf32>
        tpu.vector_store %arg11[%swap3A_219, %swap3A_220], %swap3A_223 {strides = array<i32>} : memref<40x512xf32, #tpu.memory_space<vmem>>, vector<1x16xf32>,
        %get3A_224 = arith.index_cast %scan3A_127 : i32 to index
        %get3A_225 = arith.constant 112 : index
        %get3A_226 = tpu.vector_load %arg11[%get3A_224, %get3A_225] {strides = array<i32>} : memref<40x512xf32, #tpu.memory_space<vmem>>, vector<1x16xf32>,
        %get3A_227 = vector.shape_cast %get3A_226 : vector<1x16xf32> to vector<16xf32>
        %get3A_228 = arith.index_cast %scan3A_127 : i32 to index
        %get3A_229 = arith.constant 112 : index
        %get3A_230 = tpu.vector_load %arg12[%get3A_228, %get3A_229] {strides = array<i32>} : memref<40x512xf32, #tpu.memory_space<vmem>>, vector<1x16xf32>,
        %get3A_231 = vector.shape_cast %get3A_230 : vector<1x16xf32> to vector<16xf32>
        %add3A_232 = arith.addf %get3A_227, %get3A_231 : vector<16xf32>
        %swap3A_233 = arith.index_cast %scan3A_127 : i32 to index
        %swap3A_234 = arith.constant 112 : index
        %swap3A_235 = tpu.vector_load %arg11[%swap3A_233, %swap3A_234] {strides = array<i32>} : memref<40x512xf32, #tpu.memory_space<vmem>>, vector<1x16xf32>,
        %swap3A_236 = vector.shape_cast %swap3A_235 : vector<1x16xf32> to vector<16xf32>
        %swap3A_237 = vector.shape_cast %add3A_232 : vector<16xf32> to vector<1x16xf32>
        tpu.vector_store %arg11[%swap3A_233, %swap3A_234], %swap3A_237 {strides = array<i32>} : memref<40x512xf32, #tpu.memory_space<vmem>>, vector<1x16xf32>,
        %get3A_238 = arith.index_cast %scan3A_127 : i32 to index
        %get3A_239 = arith.constant 128 : index
        %get3A_240 = tpu.vector_load %arg11[%get3A_238, %get3A_239] {strides = array<i32>} : memref<40x512xf32, #tpu.memory_space<vmem>>, vector<1x16xf32>,
        %get3A_241 = vector.shape_cast %get3A_240 : vector<1x16xf32> to vector<16xf32>
        %get3A_242 = arith.index_cast %scan3A_127 : i32 to index
        %get3A_243 = arith.constant 128 : index
        %get3A_244 = tpu.vector_load %arg12[%get3A_242, %get3A_243] {strides = array<i32>} : memref<40x512xf32, #tpu.memory_space<vmem>>, vector<1x16xf32>,
        %get3A_245 = vector.shape_cast %get3A_244 : vector<1x16xf32> to vector<16xf32>
        %add3A_246 = arith.addf %get3A_241, %get3A_245 : vector<16xf32>
        %swap3A_247 = arith.index_cast %scan3A_127 : i32 to index
        %swap3A_248 = arith.constant 128 : index
        %swap3A_249 = tpu.vector_load %arg11[%swap3A_247, %swap3A_248] {strides = array<i32>} : memref<40x512xf32, #tpu.memory_space<vmem>>, vector<1x16xf32>,
        %swap3A_250 = vector.shape_cast %swap3A_249 : vector<1x16xf32> to vector<16xf32>
        %swap3A_251 = vector.shape_cast %add3A_246 : vector<16xf32> to vector<1x16xf32>
        tpu.vector_store %arg11[%swap3A_247, %swap3A_248], %swap3A_251 {strides = array<i32>} : memref<40x512xf32, #tpu.memory_space<vmem>>, vector<1x16xf32>,
        %get3A_252 = arith.index_cast %scan3A_127 : i32 to index
        %get3A_253 = arith.constant 144 : index
        %get3A_254 = tpu.vector_load %arg11[%get3A_252, %get3A_253] {strides = array<i32>} : memref<40x512xf32, #tpu.memory_space<vmem>>, vector<1x16xf32>,
        %get3A_255 = vector.shape_cast %get3A_254 : vector<1x16xf32> to vector<16xf32>
        %get3A_256 = arith.index_cast %scan3A_127 : i32 to index
        %get3A_257 = arith.constant 144 : index
        %get3A_258 = tpu.vector_load %arg12[%get3A_256, %get3A_257] {strides = array<i32>} : memref<40x512xf32, #tpu.memory_space<vmem>>, vector<1x16xf32>,
        %get3A_259 = vector.shape_cast %get3A_258 : vector<1x16xf32> to vector<16xf32>
        %add3A_260 = arith.addf %get3A_255, %get3A_259 : vector<16xf32>
        %swap3A_261 = arith.index_cast %scan3A_127 : i32 to index
        %swap3A_262 = arith.constant 144 : index
        %swap3A_263 = tpu.vector_load %arg11[%swap3A_261, %swap3A_262] {strides = array<i32>} : memref<40x512xf32, #tpu.memory_space<vmem>>, vector<1x16xf32>,
        %swap3A_264 = vector.shape_cast %swap3A_263 : vector<1x16xf32> to vector<16xf32>
        %swap3A_265 = vector.shape_cast %add3A_260 : vector<16xf32> to vector<1x16xf32>
        tpu.vector_store %arg11[%swap3A_261, %swap3A_262], %swap3A_265 {strides = array<i32>} : memref<40x512xf32, #tpu.memory_space<vmem>>, vector<1x16xf32>,
        %get3A_266 = arith.index_cast %scan3A_127 : i32 to index
        %get3A_267 = arith.constant 160 : index
        %get3A_268 = tpu.vector_load %arg11[%get3A_266, %get3A_267] {strides = array<i32>} : memref<40x512xf32, #tpu.memory_space<vmem>>, vector<1x16xf32>,
        %get3A_269 = vector.shape_cast %get3A_268 : vector<1x16xf32> to vector<16xf32>
        %get3A_270 = arith.index_cast %scan3A_127 : i32 to index
        %get3A_271 = arith.constant 160 : index
        %get3A_272 = tpu.vector_load %arg12[%get3A_270, %get3A_271] {strides = array<i32>} : memref<40x512xf32, #tpu.memory_space<vmem>>, vector<1x16xf32>,
        %get3A_273 = vector.shape_cast %get3A_272 : vector<1x16xf32> to vector<16xf32>
        %add3A_274 = arith.addf %get3A_269, %get3A_273 : vector<16xf32>
        %swap3A_275 = arith.index_cast %scan3A_127 : i32 to index
        %swap3A_276 = arith.constant 160 : index
        %swap3A_277 = tpu.vector_load %arg11[%swap3A_275, %swap3A_276] {strides = array<i32>} : memref<40x512xf32, #tpu.memory_space<vmem>>, vector<1x16xf32>,
        %swap3A_278 = vector.shape_cast %swap3A_277 : vector<1x16xf32> to vector<16xf32>
        %swap3A_279 = vector.shape_cast %add3A_274 : vector<16xf32> to vector<1x16xf32>
        tpu.vector_store %arg11[%swap3A_275, %swap3A_276], %swap3A_279 {strides = array<i32>} : memref<40x512xf32, #tpu.memory_space<vmem>>, vector<1x16xf32>,
        %get3A_280 = arith.index_cast %scan3A_127 : i32 to index
        %get3A_281 = arith.constant 176 : index
        %get3A_282 = tpu.vector_load %arg11[%get3A_280, %get3A_281] {strides = array<i32>} : memref<40x512xf32, #tpu.memory_space<vmem>>, vector<1x16xf32>,
        %get3A_283 = vector.shape_cast %get3A_282 : vector<1x16xf32> to vector<16xf32>
        %get3A_284 = arith.index_cast %scan3A_127 : i32 to index
        %get3A_285 = arith.constant 176 : index
        %get3A_286 = tpu.vector_load %arg12[%get3A_284, %get3A_285] {strides = array<i32>} : memref<40x512xf32, #tpu.memory_space<vmem>>, vector<1x16xf32>,
        %get3A_287 = vector.shape_cast %get3A_286 : vector<1x16xf32> to vector<16xf32>
        %add3A_288 = arith.addf %get3A_283, %get3A_287 : vector<16xf32>
        %swap3A_289 = arith.index_cast %scan3A_127 : i32 to index
        %swap3A_290 = arith.constant 176 : index
        %swap3A_291 = tpu.vector_load %arg11[%swap3A_289, %swap3A_290] {strides = array<i32>} : memref<40x512xf32, #tpu.memory_space<vmem>>, vector<1x16xf32>,
        %swap3A_292 = vector.shape_cast %swap3A_291 : vector<1x16xf32> to vector<16xf32>
        %swap3A_293 = vector.shape_cast %add3A_288 : vector<16xf32> to vector<1x16xf32>
        tpu.vector_store %arg11[%swap3A_289, %swap3A_290], %swap3A_293 {strides = array<i32>} : memref<40x512xf32, #tpu.memory_space<vmem>>, vector<1x16xf32>,
        %get3A_294 = arith.index_cast %scan3A_127 : i32 to index
        %get3A_295 = arith.constant 192 : index
        %get3A_296 = tpu.vector_load %arg11[%get3A_294, %get3A_295] {strides = array<i32>} : memref<40x512xf32, #tpu.memory_space<vmem>>, vector<1x16xf32>,
        %get3A_297 = vector.shape_cast %get3A_296 : vector<1x16xf32> to vector<16xf32>
        %get3A_298 = arith.index_cast %scan3A_127 : i32 to index
        %get3A_299 = arith.constant 192 : index
        %get3A_300 = tpu.vector_load %arg12[%get3A_298, %get3A_299] {strides = array<i32>} : memref<40x512xf32, #tpu.memory_space<vmem>>, vector<1x16xf32>,
        %get3A_301 = vector.shape_cast %get3A_300 : vector<1x16xf32> to vector<16xf32>
        %add3A_302 = arith.addf %get3A_297, %get3A_301 : vector<16xf32>
        %swap3A_303 = arith.index_cast %scan3A_127 : i32 to index
        %swap3A_304 = arith.constant 192 : index
        %swap3A_305 = tpu.vector_load %arg11[%swap3A_303, %swap3A_304] {strides = array<i32>} : memref<40x512xf32, #tpu.memory_space<vmem>>, vector<1x16xf32>,
        %swap3A_306 = vector.shape_cast %swap3A_305 : vector<1x16xf32> to vector<16xf32>
        %swap3A_307 = vector.shape_cast %add3A_302 : vector<16xf32> to vector<1x16xf32>
        tpu.vector_store %arg11[%swap3A_303, %swap3A_304], %swap3A_307 {strides = array<i32>} : memref<40x512xf32, #tpu.memory_space<vmem>>, vector<1x16xf32>,
        %get3A_308 = arith.index_cast %scan3A_127 : i32 to index
        %get3A_309 = arith.constant 208 : index
        %get3A_310 = tpu.vector_load %arg11[%get3A_308, %get3A_309] {strides = array<i32>} : memref<40x512xf32, #tpu.memory_space<vmem>>, vector<1x16xf32>,
        %get3A_311 = vector.shape_cast %get3A_310 : vector<1x16xf32> to vector<16xf32>
        %get3A_312 = arith.index_cast %scan3A_127 : i32 to index
        %get3A_313 = arith.constant 208 : index
        %get3A_314 = tpu.vector_load %arg12[%get3A_312, %get3A_313] {strides = array<i32>} : memref<40x512xf32, #tpu.memory_space<vmem>>, vector<1x16xf32>,
        %get3A_315 = vector.shape_cast %get3A_314 : vector<1x16xf32> to vector<16xf32>
        %add3A_316 = arith.addf %get3A_311, %get3A_315 : vector<16xf32>
        %swap3A_317 = arith.index_cast %scan3A_127 : i32 to index
        %swap3A_318 = arith.constant 208 : index
        %swap3A_319 = tpu.vector_load %arg11[%swap3A_317, %swap3A_318] {strides = array<i32>} : memref<40x512xf32, #tpu.memory_space<vmem>>, vector<1x16xf32>,
        %swap3A_320 = vector.shape_cast %swap3A_319 : vector<1x16xf32> to vector<16xf32>
        %swap3A_321 = vector.shape_cast %add3A_316 : vector<16xf32> to vector<1x16xf32>
        tpu.vector_store %arg11[%swap3A_317, %swap3A_318], %swap3A_321 {strides = array<i32>} : memref<40x512xf32, #tpu.memory_space<vmem>>, vector<1x16xf32>,
        %get3A_322 = arith.index_cast %scan3A_127 : i32 to index
        %get3A_323 = arith.constant 224 : index
        %get3A_324 = tpu.vector_load %arg11[%get3A_322, %get3A_323] {strides = array<i32>} : memref<40x512xf32, #tpu.memory_space<vmem>>, vector<1x16xf32>,
        %get3A_325 = vector.shape_cast %get3A_324 : vector<1x16xf32> to vector<16xf32>
        %get3A_326 = arith.index_cast %scan3A_127 : i32 to index
        %get3A_327 = arith.constant 224 : index
        %get3A_328 = tpu.vector_load %arg12[%get3A_326, %get3A_327] {strides = array<i32>} : memref<40x512xf32, #tpu.memory_space<vmem>>, vector<1x16xf32>,
        %get3A_329 = vector.shape_cast %get3A_328 : vector<1x16xf32> to vector<16xf32>
        %add3A_330 = arith.addf %get3A_325, %get3A_329 : vector<16xf32>
        %swap3A_331 = arith.index_cast %scan3A_127 : i32 to index
        %swap3A_332 = arith.constant 224 : index
        %swap3A_333 = tpu.vector_load %arg11[%swap3A_331, %swap3A_332] {strides = array<i32>} : memref<40x512xf32, #tpu.memory_space<vmem>>, vector<1x16xf32>,
        %swap3A_334 = vector.shape_cast %swap3A_333 : vector<1x16xf32> to vector<16xf32>
        %swap3A_335 = vector.shape_cast %add3A_330 : vector<16xf32> to vector<1x16xf32>
        tpu.vector_store %arg11[%swap3A_331, %swap3A_332], %swap3A_335 {strides = array<i32>} : memref<40x512xf32, #tpu.memory_space<vmem>>, vector<1x16xf32>,
        %get3A_336 = arith.index_cast %scan3A_127 : i32 to index
        %get3A_337 = arith.constant 240 : index
        %get3A_338 = tpu.vector_load %arg11[%get3A_336, %get3A_337] {strides = array<i32>} : memref<40x512xf32, #tpu.memory_space<vmem>>, vector<1x16xf32>,
        %get3A_339 = vector.shape_cast %get3A_338 : vector<1x16xf32> to vector<16xf32>
        %get3A_340 = arith.index_cast %scan3A_127 : i32 to index
        %get3A_341 = arith.constant 240 : index
        %get3A_342 = tpu.vector_load %arg12[%get3A_340, %get3A_341] {strides = array<i32>} : memref<40x512xf32, #tpu.memory_space<vmem>>, vector<1x16xf32>,
        %get3A_343 = vector.shape_cast %get3A_342 : vector<1x16xf32> to vector<16xf32>
        %add3A_344 = arith.addf %get3A_339, %get3A_343 : vector<16xf32>
        %swap3A_345 = arith.index_cast %scan3A_127 : i32 to index
        %swap3A_346 = arith.constant 240 : index
        %swap3A_347 = tpu.vector_load %arg11[%swap3A_345, %swap3A_346] {strides = array<i32>} : memref<40x512xf32, #tpu.memory_space<vmem>>, vector<1x16xf32>,
        %swap3A_348 = vector.shape_cast %swap3A_347 : vector<1x16xf32> to vector<16xf32>
        %swap3A_349 = vector.shape_cast %add3A_344 : vector<16xf32> to vector<1x16xf32>
        tpu.vector_store %arg11[%swap3A_345, %swap3A_346], %swap3A_349 {strides = array<i32>} : memref<40x512xf32, #tpu.memory_space<vmem>>, vector<1x16xf32>,
        %get3A_350 = arith.index_cast %scan3A_127 : i32 to index
        %get3A_351 = arith.constant 256 : index
        %get3A_352 = tpu.vector_load %arg11[%get3A_350, %get3A_351] {strides = array<i32>} : memref<40x512xf32, #tpu.memory_space<vmem>>, vector<1x16xf32>,
        %get3A_353 = vector.shape_cast %get3A_352 : vector<1x16xf32> to vector<16xf32>
        %get3A_354 = arith.index_cast %scan3A_127 : i32 to index
        %get3A_355 = arith.constant 256 : index
        %get3A_356 = tpu.vector_load %arg12[%get3A_354, %get3A_355] {strides = array<i32>} : memref<40x512xf32, #tpu.memory_space<vmem>>, vector<1x16xf32>,
        %get3A_357 = vector.shape_cast %get3A_356 : vector<1x16xf32> to vector<16xf32>
        %add3A_358 = arith.addf %get3A_353, %get3A_357 : vector<16xf32>
        %swap3A_359 = arith.index_cast %scan3A_127 : i32 to index
        %swap3A_360 = arith.constant 256 : index
        %swap3A_361 = tpu.vector_load %arg11[%swap3A_359, %swap3A_360] {strides = array<i32>} : memref<40x512xf32, #tpu.memory_space<vmem>>, vector<1x16xf32>,
        %swap3A_362 = vector.shape_cast %swap3A_361 : vector<1x16xf32> to vector<16xf32>
        %swap3A_363 = vector.shape_cast %add3A_358 : vector<16xf32> to vector<1x16xf32>
        tpu.vector_store %arg11[%swap3A_359, %swap3A_360], %swap3A_363 {strides = array<i32>} : memref<40x512xf32, #tpu.memory_space<vmem>>, vector<1x16xf32>,
        %get3A_364 = arith.index_cast %scan3A_127 : i32 to index
        %get3A_365 = arith.constant 272 : index
        %get3A_366 = tpu.vector_load %arg11[%get3A_364, %get3A_365] {strides = array<i32>} : memref<40x512xf32, #tpu.memory_space<vmem>>, vector<1x16xf32>,
        %get3A_367 = vector.shape_cast %get3A_366 : vector<1x16xf32> to vector<16xf32>
        %get3A_368 = arith.index_cast %scan3A_127 : i32 to index
        %get3A_369 = arith.constant 272 : index
        %get3A_370 = tpu.vector_load %arg12[%get3A_368, %get3A_369] {strides = array<i32>} : memref<40x512xf32, #tpu.memory_space<vmem>>, vector<1x16xf32>,
        %get3A_371 = vector.shape_cast %get3A_370 : vector<1x16xf32> to vector<16xf32>
        %add3A_372 = arith.addf %get3A_367, %get3A_371 : vector<16xf32>
        %swap3A_373 = arith.index_cast %scan3A_127 : i32 to index
        %swap3A_374 = arith.constant 272 : index
        %swap3A_375 = tpu.vector_load %arg11[%swap3A_373, %swap3A_374] {strides = array<i32>} : memref<40x512xf32, #tpu.memory_space<vmem>>, vector<1x16xf32>,
        %swap3A_376 = vector.shape_cast %swap3A_375 : vector<1x16xf32> to vector<16xf32>
        %swap3A_377 = vector.shape_cast %add3A_372 : vector<16xf32> to vector<1x16xf32>
        tpu.vector_store %arg11[%swap3A_373, %swap3A_374], %swap3A_377 {strides = array<i32>} : memref<40x512xf32, #tpu.memory_space<vmem>>, vector<1x16xf32>,
        %get3A_378 = arith.index_cast %scan3A_127 : i32 to index
        %get3A_379 = arith.constant 288 : index
        %get3A_380 = tpu.vector_load %arg11[%get3A_378, %get3A_379] {strides = array<i32>} : memref<40x512xf32, #tpu.memory_space<vmem>>, vector<1x16xf32>,
        %get3A_381 = vector.shape_cast %get3A_380 : vector<1x16xf32> to vector<16xf32>
        %get3A_382 = arith.index_cast %scan3A_127 : i32 to index
        %get3A_383 = arith.constant 288 : index
        %get3A_384 = tpu.vector_load %arg12[%get3A_382, %get3A_383] {strides = array<i32>} : memref<40x512xf32, #tpu.memory_space<vmem>>, vector<1x16xf32>,
        %get3A_385 = vector.shape_cast %get3A_384 : vector<1x16xf32> to vector<16xf32>
        %add3A_386 = arith.addf %get3A_381, %get3A_385 : vector<16xf32>
        %swap3A_387 = arith.index_cast %scan3A_127 : i32 to index
        %swap3A_388 = arith.constant 288 : index
        %swap3A_389 = tpu.vector_load %arg11[%swap3A_387, %swap3A_388] {strides = array<i32>} : memref<40x512xf32, #tpu.memory_space<vmem>>, vector<1x16xf32>,
        %swap3A_390 = vector.shape_cast %swap3A_389 : vector<1x16xf32> to vector<16xf32>
        %swap3A_391 = vector.shape_cast %add3A_386 : vector<16xf32> to vector<1x16xf32>
        tpu.vector_store %arg11[%swap3A_387, %swap3A_388], %swap3A_391 {strides = array<i32>} : memref<40x512xf32, #tpu.memory_space<vmem>>, vector<1x16xf32>,
        %get3A_392 = arith.index_cast %scan3A_127 : i32 to index
        %get3A_393 = arith.constant 304 : index
        %get3A_394 = tpu.vector_load %arg11[%get3A_392, %get3A_393] {strides = array<i32>} : memref<40x512xf32, #tpu.memory_space<vmem>>, vector<1x16xf32>,
        %get3A_395 = vector.shape_cast %get3A_394 : vector<1x16xf32> to vector<16xf32>
        %get3A_396 = arith.index_cast %scan3A_127 : i32 to index
        %get3A_397 = arith.constant 304 : index
        %get3A_398 = tpu.vector_load %arg12[%get3A_396, %get3A_397] {strides = array<i32>} : memref<40x512xf32, #tpu.memory_space<vmem>>, vector<1x16xf32>,
        %get3A_399 = vector.shape_cast %get3A_398 : vector<1x16xf32> to vector<16xf32>
        %add3A_400 = arith.addf %get3A_395, %get3A_399 : vector<16xf32>
        %swap3A_401 = arith.index_cast %scan3A_127 : i32 to index
        %swap3A_402 = arith.constant 304 : index
        %swap3A_403 = tpu.vector_load %arg11[%swap3A_401, %swap3A_402] {strides = array<i32>} : memref<40x512xf32, #tpu.memory_space<vmem>>, vector<1x16xf32>,
        %swap3A_404 = vector.shape_cast %swap3A_403 : vector<1x16xf32> to vector<16xf32>
        %swap3A_405 = vector.shape_cast %add3A_400 : vector<16xf32> to vector<1x16xf32>
        tpu.vector_store %arg11[%swap3A_401, %swap3A_402], %swap3A_405 {strides = array<i32>} : memref<40x512xf32, #tpu.memory_space<vmem>>, vector<1x16xf32>,
        %get3A_406 = arith.index_cast %scan3A_127 : i32 to index
        %get3A_407 = arith.constant 320 : index
        %get3A_408 = tpu.vector_load %arg11[%get3A_406, %get3A_407] {strides = array<i32>} : memref<40x512xf32, #tpu.memory_space<vmem>>, vector<1x16xf32>,
        %get3A_409 = vector.shape_cast %get3A_408 : vector<1x16xf32> to vector<16xf32>
        %get3A_410 = arith.index_cast %scan3A_127 : i32 to index
        %get3A_411 = arith.constant 320 : index
        %get3A_412 = tpu.vector_load %arg12[%get3A_410, %get3A_411] {strides = array<i32>} : memref<40x512xf32, #tpu.memory_space<vmem>>, vector<1x16xf32>,
        %get3A_413 = vector.shape_cast %get3A_412 : vector<1x16xf32> to vector<16xf32>
        %add3A_414 = arith.addf %get3A_409, %get3A_413 : vector<16xf32>
        %swap3A_415 = arith.index_cast %scan3A_127 : i32 to index
        %swap3A_416 = arith.constant 320 : index
        %swap3A_417 = tpu.vector_load %arg11[%swap3A_415, %swap3A_416] {strides = array<i32>} : memref<40x512xf32, #tpu.memory_space<vmem>>, vector<1x16xf32>,
        %swap3A_418 = vector.shape_cast %swap3A_417 : vector<1x16xf32> to vector<16xf32>
        %swap3A_419 = vector.shape_cast %add3A_414 : vector<16xf32> to vector<1x16xf32>
        tpu.vector_store %arg11[%swap3A_415, %swap3A_416], %swap3A_419 {strides = array<i32>} : memref<40x512xf32, #tpu.memory_space<vmem>>, vector<1x16xf32>,
        %get3A_420 = arith.index_cast %scan3A_127 : i32 to index
        %get3A_421 = arith.constant 336 : index
        %get3A_422 = tpu.vector_load %arg11[%get3A_420, %get3A_421] {strides = array<i32>} : memref<40x512xf32, #tpu.memory_space<vmem>>, vector<1x16xf32>,
        %get3A_423 = vector.shape_cast %get3A_422 : vector<1x16xf32> to vector<16xf32>
        %get3A_424 = arith.index_cast %scan3A_127 : i32 to index
        %get3A_425 = arith.constant 336 : index
        %get3A_426 = tpu.vector_load %arg12[%get3A_424, %get3A_425] {strides = array<i32>} : memref<40x512xf32, #tpu.memory_space<vmem>>, vector<1x16xf32>,
        %get3A_427 = vector.shape_cast %get3A_426 : vector<1x16xf32> to vector<16xf32>
        %add3A_428 = arith.addf %get3A_423, %get3A_427 : vector<16xf32>
        %swap3A_429 = arith.index_cast %scan3A_127 : i32 to index
        %swap3A_430 = arith.constant 336 : index
        %swap3A_431 = tpu.vector_load %arg11[%swap3A_429, %swap3A_430] {strides = array<i32>} : memref<40x512xf32, #tpu.memory_space<vmem>>, vector<1x16xf32>,
        %swap3A_432 = vector.shape_cast %swap3A_431 : vector<1x16xf32> to vector<16xf32>
        %swap3A_433 = vector.shape_cast %add3A_428 : vector<16xf32> to vector<1x16xf32>
        tpu.vector_store %arg11[%swap3A_429, %swap3A_430], %swap3A_433 {strides = array<i32>} : memref<40x512xf32, #tpu.memory_space<vmem>>, vector<1x16xf32>,
        %get3A_434 = arith.index_cast %scan3A_127 : i32 to index
        %get3A_435 = arith.constant 352 : index
        %get3A_436 = tpu.vector_load %arg11[%get3A_434, %get3A_435] {strides = array<i32>} : memref<40x512xf32, #tpu.memory_space<vmem>>, vector<1x16xf32>,
        %get3A_437 = vector.shape_cast %get3A_436 : vector<1x16xf32> to vector<16xf32>
        %get3A_438 = arith.index_cast %scan3A_127 : i32 to index
        %get3A_439 = arith.constant 352 : index
        %get3A_440 = tpu.vector_load %arg12[%get3A_438, %get3A_439] {strides = array<i32>} : memref<40x512xf32, #tpu.memory_space<vmem>>, vector<1x16xf32>,
        %get3A_441 = vector.shape_cast %get3A_440 : vector<1x16xf32> to vector<16xf32>
        %add3A_442 = arith.addf %get3A_437, %get3A_441 : vector<16xf32>
        %swap3A_443 = arith.index_cast %scan3A_127 : i32 to index
        %swap3A_444 = arith.constant 352 : index
        %swap3A_445 = tpu.vector_load %arg11[%swap3A_443, %swap3A_444] {strides = array<i32>} : memref<40x512xf32, #tpu.memory_space<vmem>>, vector<1x16xf32>,
        %swap3A_446 = vector.shape_cast %swap3A_445 : vector<1x16xf32> to vector<16xf32>
        %swap3A_447 = vector.shape_cast %add3A_442 : vector<16xf32> to vector<1x16xf32>
        tpu.vector_store %arg11[%swap3A_443, %swap3A_444], %swap3A_447 {strides = array<i32>} : memref<40x512xf32, #tpu.memory_space<vmem>>, vector<1x16xf32>,
        %get3A_448 = arith.index_cast %scan3A_127 : i32 to index
        %get3A_449 = arith.constant 368 : index
        %get3A_450 = tpu.vector_load %arg11[%get3A_448, %get3A_449] {strides = array<i32>} : memref<40x512xf32, #tpu.memory_space<vmem>>, vector<1x16xf32>,
        %get3A_451 = vector.shape_cast %get3A_450 : vector<1x16xf32> to vector<16xf32>
        %get3A_452 = arith.index_cast %scan3A_127 : i32 to index
        %get3A_453 = arith.constant 368 : index
        %get3A_454 = tpu.vector_load %arg12[%get3A_452, %get3A_453] {strides = array<i32>} : memref<40x512xf32, #tpu.memory_space<vmem>>, vector<1x16xf32>,
        %get3A_455 = vector.shape_cast %get3A_454 : vector<1x16xf32> to vector<16xf32>
        %add3A_456 = arith.addf %get3A_451, %get3A_455 : vector<16xf32>
        %swap3A_457 = arith.index_cast %scan3A_127 : i32 to index
        %swap3A_458 = arith.constant 368 : index
        %swap3A_459 = tpu.vector_load %arg11[%swap3A_457, %swap3A_458] {strides = array<i32>} : memref<40x512xf32, #tpu.memory_space<vmem>>, vector<1x16xf32>,
        %swap3A_460 = vector.shape_cast %swap3A_459 : vector<1x16xf32> to vector<16xf32>
        %swap3A_461 = vector.shape_cast %add3A_456 : vector<16xf32> to vector<1x16xf32>
        tpu.vector_store %arg11[%swap3A_457, %swap3A_458], %swap3A_461 {strides = array<i32>} : memref<40x512xf32, #tpu.memory_space<vmem>>, vector<1x16xf32>,
        %get3A_462 = arith.index_cast %scan3A_127 : i32 to index
        %get3A_463 = arith.constant 384 : index
        %get3A_464 = tpu.vector_load %arg11[%get3A_462, %get3A_463] {strides = array<i32>} : memref<40x512xf32, #tpu.memory_space<vmem>>, vector<1x16xf32>,
        %get3A_465 = vector.shape_cast %get3A_464 : vector<1x16xf32> to vector<16xf32>
        %get3A_466 = arith.index_cast %scan3A_127 : i32 to index
        %get3A_467 = arith.constant 384 : index
        %get3A_468 = tpu.vector_load %arg12[%get3A_466, %get3A_467] {strides = array<i32>} : memref<40x512xf32, #tpu.memory_space<vmem>>, vector<1x16xf32>,
        %get3A_469 = vector.shape_cast %get3A_468 : vector<1x16xf32> to vector<16xf32>
        %add3A_470 = arith.addf %get3A_465, %get3A_469 : vector<16xf32>
        %swap3A_471 = arith.index_cast %scan3A_127 : i32 to index
        %swap3A_472 = arith.constant 384 : index
        %swap3A_473 = tpu.vector_load %arg11[%swap3A_471, %swap3A_472] {strides = array<i32>} : memref<40x512xf32, #tpu.memory_space<vmem>>, vector<1x16xf32>,
        %swap3A_474 = vector.shape_cast %swap3A_473 : vector<1x16xf32> to vector<16xf32>
        %swap3A_475 = vector.shape_cast %add3A_470 : vector<16xf32> to vector<1x16xf32>
        tpu.vector_store %arg11[%swap3A_471, %swap3A_472], %swap3A_475 {strides = array<i32>} : memref<40x512xf32, #tpu.memory_space<vmem>>, vector<1x16xf32>,
        %get3A_476 = arith.index_cast %scan3A_127 : i32 to index
        %get3A_477 = arith.constant 400 : index
        %get3A_478 = tpu.vector_load %arg11[%get3A_476, %get3A_477] {strides = array<i32>} : memref<40x512xf32, #tpu.memory_space<vmem>>, vector<1x16xf32>,
        %get3A_479 = vector.shape_cast %get3A_478 : vector<1x16xf32> to vector<16xf32>
        %get3A_480 = arith.index_cast %scan3A_127 : i32 to index
        %get3A_481 = arith.constant 400 : index
        %get3A_482 = tpu.vector_load %arg12[%get3A_480, %get3A_481] {strides = array<i32>} : memref<40x512xf32, #tpu.memory_space<vmem>>, vector<1x16xf32>,
        %get3A_483 = vector.shape_cast %get3A_482 : vector<1x16xf32> to vector<16xf32>
        %add3A_484 = arith.addf %get3A_479, %get3A_483 : vector<16xf32>
        %swap3A_485 = arith.index_cast %scan3A_127 : i32 to index
        %swap3A_486 = arith.constant 400 : index
        %swap3A_487 = tpu.vector_load %arg11[%swap3A_485, %swap3A_486] {strides = array<i32>} : memref<40x512xf32, #tpu.memory_space<vmem>>, vector<1x16xf32>,
        %swap3A_488 = vector.shape_cast %swap3A_487 : vector<1x16xf32> to vector<16xf32>
        %swap3A_489 = vector.shape_cast %add3A_484 : vector<16xf32> to vector<1x16xf32>
        tpu.vector_store %arg11[%swap3A_485, %swap3A_486], %swap3A_489 {strides = array<i32>} : memref<40x512xf32, #tpu.memory_space<vmem>>, vector<1x16xf32>,
        %get3A_490 = arith.index_cast %scan3A_127 : i32 to index
        %get3A_491 = arith.constant 416 : index
        %get3A_492 = tpu.vector_load %arg11[%get3A_490, %get3A_491] {strides = array<i32>} : memref<40x512xf32, #tpu.memory_space<vmem>>, vector<1x16xf32>,
        %get3A_493 = vector.shape_cast %get3A_492 : vector<1x16xf32> to vector<16xf32>
        %get3A_494 = arith.index_cast %scan3A_127 : i32 to index
        %get3A_495 = arith.constant 416 : index
        %get3A_496 = tpu.vector_load %arg12[%get3A_494, %get3A_495] {strides = array<i32>} : memref<40x512xf32, #tpu.memory_space<vmem>>, vector<1x16xf32>,
        %get3A_497 = vector.shape_cast %get3A_496 : vector<1x16xf32> to vector<16xf32>
        %add3A_498 = arith.addf %get3A_493, %get3A_497 : vector<16xf32>
        %swap3A_499 = arith.index_cast %scan3A_127 : i32 to index
        %swap3A_500 = arith.constant 416 : index
        %swap3A_501 = tpu.vector_load %arg11[%swap3A_499, %swap3A_500] {strides = array<i32>} : memref<40x512xf32, #tpu.memory_space<vmem>>, vector<1x16xf32>,
        %swap3A_502 = vector.shape_cast %swap3A_501 : vector<1x16xf32> to vector<16xf32>
        %swap3A_503 = vector.shape_cast %add3A_498 : vector<16xf32> to vector<1x16xf32>
        tpu.vector_store %arg11[%swap3A_499, %swap3A_500], %swap3A_503 {strides = array<i32>} : memref<40x512xf32, #tpu.memory_space<vmem>>, vector<1x16xf32>,
        %get3A_504 = arith.index_cast %scan3A_127 : i32 to index
        %get3A_505 = arith.constant 432 : index
        %get3A_506 = tpu.vector_load %arg11[%get3A_504, %get3A_505] {strides = array<i32>} : memref<40x512xf32, #tpu.memory_space<vmem>>, vector<1x16xf32>,
        %get3A_507 = vector.shape_cast %get3A_506 : vector<1x16xf32> to vector<16xf32>
        %get3A_508 = arith.index_cast %scan3A_127 : i32 to index
        %get3A_509 = arith.constant 432 : index
        %get3A_510 = tpu.vector_load %arg12[%get3A_508, %get3A_509] {strides = array<i32>} : memref<40x512xf32, #tpu.memory_space<vmem>>, vector<1x16xf32>,
        %get3A_511 = vector.shape_cast %get3A_510 : vector<1x16xf32> to vector<16xf32>
        %add3A_512 = arith.addf %get3A_507, %get3A_511 : vector<16xf32>
        %swap3A_513 = arith.index_cast %scan3A_127 : i32 to index
        %swap3A_514 = arith.constant 432 : index
        %swap3A_515 = tpu.vector_load %arg11[%swap3A_513, %swap3A_514] {strides = array<i32>} : memref<40x512xf32, #tpu.memory_space<vmem>>, vector<1x16xf32>,
        %swap3A_516 = vector.shape_cast %swap3A_515 : vector<1x16xf32> to vector<16xf32>
        %swap3A_517 = vector.shape_cast %add3A_512 : vector<16xf32> to vector<1x16xf32>
        tpu.vector_store %arg11[%swap3A_513, %swap3A_514], %swap3A_517 {strides = array<i32>} : memref<40x512xf32, #tpu.memory_space<vmem>>, vector<1x16xf32>,
        %get3A_518 = arith.index_cast %scan3A_127 : i32 to index
        %get3A_519 = arith.constant 448 : index
        %get3A_520 = tpu.vector_load %arg11[%get3A_518, %get3A_519] {strides = array<i32>} : memref<40x512xf32, #tpu.memory_space<vmem>>, vector<1x16xf32>,
        %get3A_521 = vector.shape_cast %get3A_520 : vector<1x16xf32> to vector<16xf32>
        %get3A_522 = arith.index_cast %scan3A_127 : i32 to index
        %get3A_523 = arith.constant 448 : index
        %get3A_524 = tpu.vector_load %arg12[%get3A_522, %get3A_523] {strides = array<i32>} : memref<40x512xf32, #tpu.memory_space<vmem>>, vector<1x16xf32>,
        %get3A_525 = vector.shape_cast %get3A_524 : vector<1x16xf32> to vector<16xf32>
        %add3A_526 = arith.addf %get3A_521, %get3A_525 : vector<16xf32>
        %swap3A_527 = arith.index_cast %scan3A_127 : i32 to index
        %swap3A_528 = arith.constant 448 : index
        %swap3A_529 = tpu.vector_load %arg11[%swap3A_527, %swap3A_528] {strides = array<i32>} : memref<40x512xf32, #tpu.memory_space<vmem>>, vector<1x16xf32>,
        %swap3A_530 = vector.shape_cast %swap3A_529 : vector<1x16xf32> to vector<16xf32>
        %swap3A_531 = vector.shape_cast %add3A_526 : vector<16xf32> to vector<1x16xf32>
        tpu.vector_store %arg11[%swap3A_527, %swap3A_528], %swap3A_531 {strides = array<i32>} : memref<40x512xf32, #tpu.memory_space<vmem>>, vector<1x16xf32>,
        %get3A_532 = arith.index_cast %scan3A_127 : i32 to index
        %get3A_533 = arith.constant 464 : index
        %get3A_534 = tpu.vector_load %arg11[%get3A_532, %get3A_533] {strides = array<i32>} : memref<40x512xf32, #tpu.memory_space<vmem>>, vector<1x16xf32>,
        %get3A_535 = vector.shape_cast %get3A_534 : vector<1x16xf32> to vector<16xf32>
        %get3A_536 = arith.index_cast %scan3A_127 : i32 to index
        %get3A_537 = arith.constant 464 : index
        %get3A_538 = tpu.vector_load %arg12[%get3A_536, %get3A_537] {strides = array<i32>} : memref<40x512xf32, #tpu.memory_space<vmem>>, vector<1x16xf32>,
        %get3A_539 = vector.shape_cast %get3A_538 : vector<1x16xf32> to vector<16xf32>
        %add3A_540 = arith.addf %get3A_535, %get3A_539 : vector<16xf32>
        %swap3A_541 = arith.index_cast %scan3A_127 : i32 to index
        %swap3A_542 = arith.constant 464 : index
        %swap3A_543 = tpu.vector_load %arg11[%swap3A_541, %swap3A_542] {strides = array<i32>} : memref<40x512xf32, #tpu.memory_space<vmem>>, vector<1x16xf32>,
        %swap3A_544 = vector.shape_cast %swap3A_543 : vector<1x16xf32> to vector<16xf32>
        %swap3A_545 = vector.shape_cast %add3A_540 : vector<16xf32> to vector<1x16xf32>
        tpu.vector_store %arg11[%swap3A_541, %swap3A_542], %swap3A_545 {strides = array<i32>} : memref<40x512xf32, #tpu.memory_space<vmem>>, vector<1x16xf32>,
        %get3A_546 = arith.index_cast %scan3A_127 : i32 to index
        %get3A_547 = arith.constant 480 : index
        %get3A_548 = tpu.vector_load %arg11[%get3A_546, %get3A_547] {strides = array<i32>} : memref<40x512xf32, #tpu.memory_space<vmem>>, vector<1x16xf32>,
        %get3A_549 = vector.shape_cast %get3A_548 : vector<1x16xf32> to vector<16xf32>
        %get3A_550 = arith.index_cast %scan3A_127 : i32 to index
        %get3A_551 = arith.constant 480 : index
        %get3A_552 = tpu.vector_load %arg12[%get3A_550, %get3A_551] {strides = array<i32>} : memref<40x512xf32, #tpu.memory_space<vmem>>, vector<1x16xf32>,
        %get3A_553 = vector.shape_cast %get3A_552 : vector<1x16xf32> to vector<16xf32>
        %add3A_554 = arith.addf %get3A_549, %get3A_553 : vector<16xf32>
        %swap3A_555 = arith.index_cast %scan3A_127 : i32 to index
        %swap3A_556 = arith.constant 480 : index
        %swap3A_557 = tpu.vector_load %arg11[%swap3A_555, %swap3A_556] {strides = array<i32>} : memref<40x512xf32, #tpu.memory_space<vmem>>, vector<1x16xf32>,
        %swap3A_558 = vector.shape_cast %swap3A_557 : vector<1x16xf32> to vector<16xf32>
        %swap3A_559 = vector.shape_cast %add3A_554 : vector<16xf32> to vector<1x16xf32>
        tpu.vector_store %arg11[%swap3A_555, %swap3A_556], %swap3A_559 {strides = array<i32>} : memref<40x512xf32, #tpu.memory_space<vmem>>, vector<1x16xf32>,
        %get3A_560 = arith.index_cast %scan3A_127 : i32 to index
        %get3A_561 = arith.constant 496 : index
        %get3A_562 = tpu.vector_load %arg11[%get3A_560, %get3A_561] {strides = array<i32>} : memref<40x512xf32, #tpu.memory_space<vmem>>, vector<1x16xf32>,
        %get3A_563 = vector.shape_cast %get3A_562 : vector<1x16xf32> to vector<16xf32>
        %get3A_564 = arith.index_cast %scan3A_127 : i32 to index
        %get3A_565 = arith.constant 496 : index
        %get3A_566 = tpu.vector_load %arg12[%get3A_564, %get3A_565] {strides = array<i32>} : memref<40x512xf32, #tpu.memory_space<vmem>>, vector<1x16xf32>,
        %get3A_567 = vector.shape_cast %get3A_566 : vector<1x16xf32> to vector<16xf32>
        %add3A_568 = arith.addf %get3A_563, %get3A_567 : vector<16xf32>
        %swap3A_569 = arith.index_cast %scan3A_127 : i32 to index
        %swap3A_570 = arith.constant 496 : index
        %swap3A_571 = tpu.vector_load %arg11[%swap3A_569, %swap3A_570] {strides = array<i32>} : memref<40x512xf32, #tpu.memory_space<vmem>>, vector<1x16xf32>,
        %swap3A_572 = vector.shape_cast %swap3A_571 : vector<1x16xf32> to vector<16xf32>
        %swap3A_573 = vector.shape_cast %add3A_568 : vector<16xf32> to vector<1x16xf32>
        tpu.vector_store %arg11[%swap3A_569, %swap3A_570], %swap3A_573 {strides = array<i32>} : memref<40x512xf32, #tpu.memory_space<vmem>>, vector<1x16xf32>,
      }
      %scan3A_121 = arith.constant 40 : i32
      %add3A_122 = arith.addi %mul3A_2, %mul3A_91 : i32
      %dma_start3A_123 = arith.constant 0 : i32
      %dma_start3A_124 = tpu.memref_slice %arg6[%add3A_122, %dma_start3A_123] : memref<160000x512xf32, #tpu.memory_space<hbm>> -> memref<40x512xf32, #tpu.memory_space<hbm>>
      %dma_start3A_125 = arith.constant 0 : i32
      %dma_start3A_126 = tpu.memref_slice %arg6[%add3A_122, %dma_start3A_125] : memref<160000x512xf32, #tpu.memory_space<hbm>> -> memref<40x512xf32, #tpu.memory_space<hbm>>
      tpu.enqueue_dma source(%arg11 : memref<40x512xf32, #tpu.memory_space<vmem>>) target(%dma_start3A_126 : memref<40x512xf32, #tpu.memory_space<hbm>>) target_semaphore(%arg18 : memref<!tpu.dma_semaphore, #tpu.memory_space<semaphore_mem>>)
    }
    %scan3A_16 = arith.constant 62 : i32
    %add3A_17 = arith.constant 4920 : i32
    %add3A_18 = arith.addi %mul3A_2, %add3A_17 : i32
    %dma_wait3A = arith.constant 0 : i32
    %dma_wait3A_19 = tpu.memref_slice %arg6[%add3A_18, %dma_wait3A] : memref<160000x512xf32, #tpu.memory_space<hbm>> -> memref<40x512xf32, #tpu.memory_space<hbm>>
    %dma_wait3A_20 = arith.constant 0 : i32
    %dma_wait3A_21 = tpu.memref_slice %arg6[%add3A_18, %dma_wait3A_20] : memref<160000x512xf32, #tpu.memory_space<hbm>> -> memref<40x512xf32, #tpu.memory_space<hbm>>
    tpu.wait_dma2 semaphore(%arg18 : memref<!tpu.dma_semaphore, #tpu.memory_space<semaphore_mem>>) src(%arg11 : memref<40x512xf32, #tpu.memory_space<vmem>>) dst(%dma_wait3A_21 : memref<40x512xf32, #tpu.memory_space<hbm>>)
    %dma_wait3A_22 = arith.constant 4960 : i32
    %dma_wait3A_23 = tpu.memref_slice %arg7[%dma_wait3A_22] : memref<5000xi32, #tpu.memory_space<vmem>> -> memref<40xi32, #tpu.memory_space<vmem>>
    %dma_wait3A_24 = arith.constant 0 : i32
    %dma_wait3A_25 = arith.constant 0 : i32
    %dma_wait3A_26 = tpu.memref_slice %arg2[%dma_wait3A_24, %dma_wait3A_25] : memref<10000x512xf32, #tpu.memory_space<hbm>> -> memref<10000x512xf32, #tpu.memory_space<hbm>>
    tpu.wait_indirect_dma semaphore(%arg13 : memref<!tpu.dma_semaphore, #tpu.memory_space<semaphore_mem>>) src(%dma_wait3A_26 : memref<10000x512xf32, #tpu.memory_space<hbm>>) dst(%arg9 : memref<40x512xf32, #tpu.memory_space<vmem>>)
    %dma_wait3A_27 = arith.constant 4960 : i32
    %dma_wait3A_28 = tpu.memref_slice %arg8[%dma_wait3A_27] : memref<5000xi32, #tpu.memory_space<vmem>> -> memref<40xi32, #tpu.memory_space<vmem>>
    %dma_wait3A_29 = arith.constant 0 : i32
    %dma_wait3A_30 = arith.constant 0 : i32
    %dma_wait3A_31 = tpu.memref_slice %arg3[%dma_wait3A_29, %dma_wait3A_30] : memref<10000x512xf32, #tpu.memory_space<hbm>> -> memref<10000x512xf32, #tpu.memory_space<hbm>>
    tpu.wait_indirect_dma semaphore(%arg14 : memref<!tpu.dma_semaphore, #tpu.memory_space<semaphore_mem>>) src(%dma_wait3A_31 : memref<10000x512xf32, #tpu.memory_space<hbm>>) dst(%arg10 : memref<40x512xf32, #tpu.memory_space<vmem>>)
    %scan3A_32 = arith.constant 0 : i32
    %scan3A_33 = arith.constant 0 : i32
    %scan3A_34 = arith.constant 40 : i32
    %scan3A_35 = arith.addi %scan3A_33, %scan3A_34 : i32
    %scan3A_36 = arith.constant 1 : i32
    scf.for %scan3A_50 = %scan3A_33 to %scan3A_35 step %scan3A_36  : i32 {
      %get3A = arith.index_cast %scan3A_50 : i32 to index
      %get3A_51 = arith.constant 0 : index
      %get3A_52 = tpu.vector_load %arg9[%get3A, %get3A_51] {strides = array<i32>} : memref<40x512xf32, #tpu.memory_space<vmem>>, vector<1x16xf32>,
      %get3A_53 = vector.shape_cast %get3A_52 : vector<1x16xf32> to vector<16xf32>
      %get3A_54 = arith.index_cast %scan3A_50 : i32 to index
      %get3A_55 = arith.constant 0 : index
      %get3A_56 = tpu.vector_load %arg10[%get3A_54, %get3A_55] {strides = array<i32>} : memref<40x512xf32, #tpu.memory_space<vmem>>, vector<1x16xf32>,
      %get3A_57 = vector.shape_cast %get3A_56 : vector<1x16xf32> to vector<16xf32>
      %add3A_58 = arith.addf %get3A_53, %get3A_57 : vector<16xf32>
      %swap3A = arith.index_cast %scan3A_50 : i32 to index
      %swap3A_59 = arith.constant 0 : index
      %swap3A_60 = tpu.vector_load %arg9[%swap3A, %swap3A_59] {strides = array<i32>} : memref<40x512xf32, #tpu.memory_space<vmem>>, vector<1x16xf32>,
      %swap3A_61 = vector.shape_cast %swap3A_60 : vector<1x16xf32> to vector<16xf32>
      %swap3A_62 = vector.shape_cast %add3A_58 : vector<16xf32> to vector<1x16xf32>
      tpu.vector_store %arg9[%swap3A, %swap3A_59], %swap3A_62 {strides = array<i32>} : memref<40x512xf32, #tpu.memory_space<vmem>>, vector<1x16xf32>,
      %get3A_63 = arith.index_cast %scan3A_50 : i32 to index
      %get3A_64 = arith.constant 16 : index
      %get3A_65 = tpu.vector_load %arg9[%get3A_63, %get3A_64] {strides = array<i32>} : memref<40x512xf32, #tpu.memory_space<vmem>>, vector<1x16xf32>,
      %get3A_66 = vector.shape_cast %get3A_65 : vector<1x16xf32> to vector<16xf32>
      %get3A_67 = arith.index_cast %scan3A_50 : i32 to index
      %get3A_68 = arith.constant 16 : index
      %get3A_69 = tpu.vector_load %arg10[%get3A_67, %get3A_68] {strides = array<i32>} : memref<40x512xf32, #tpu.memory_space<vmem>>, vector<1x16xf32>,
      %get3A_70 = vector.shape_cast %get3A_69 : vector<1x16xf32> to vector<16xf32>
      %add3A_71 = arith.addf %get3A_66, %get3A_70 : vector<16xf32>
      %swap3A_72 = arith.index_cast %scan3A_50 : i32 to index
      %swap3A_73 = arith.constant 16 : index
      %swap3A_74 = tpu.vector_load %arg9[%swap3A_72, %swap3A_73] {strides = array<i32>} : memref<40x512xf32, #tpu.memory_space<vmem>>, vector<1x16xf32>,
      %swap3A_75 = vector.shape_cast %swap3A_74 : vector<1x16xf32> to vector<16xf32>
      %swap3A_76 = vector.shape_cast %add3A_71 : vector<16xf32> to vector<1x16xf32>
      tpu.vector_store %arg9[%swap3A_72, %swap3A_73], %swap3A_76 {strides = array<i32>} : memref<40x512xf32, #tpu.memory_space<vmem>>, vector<1x16xf32>,
      %get3A_77 = arith.index_cast %scan3A_50 : i32 to index
      %get3A_78 = arith.constant 32 : index
      %get3A_79 = tpu.vector_load %arg9[%get3A_77, %get3A_78] {strides = array<i32>} : memref<40x512xf32, #tpu.memory_space<vmem>>, vector<1x16xf32>,
      %get3A_80 = vector.shape_cast %get3A_79 : vector<1x16xf32> to vector<16xf32>
      %get3A_81 = arith.index_cast %scan3A_50 : i32 to index
      %get3A_82 = arith.constant 32 : index
      %get3A_83 = tpu.vector_load %arg10[%get3A_81, %get3A_82] {strides = array<i32>} : memref<40x512xf32, #tpu.memory_space<vmem>>, vector<1x16xf32>,
      %get3A_84 = vector.shape_cast %get3A_83 : vector<1x16xf32> to vector<16xf32>
      %add3A_85 = arith.addf %get3A_80, %get3A_84 : vector<16xf32>
      %swap3A_86 = arith.index_cast %scan3A_50 : i32 to index
      %swap3A_87 = arith.constant 32 : index
      %swap3A_88 = tpu.vector_load %arg9[%swap3A_86, %swap3A_87] {strides = array<i32>} : memref<40x512xf32, #tpu.memory_space<vmem>>, vector<1x16xf32>,
      %swap3A_89 = vector.shape_cast %swap3A_88 : vector<1x16xf32> to vector<16xf32>
      %swap3A_90 = vector.shape_cast %add3A_85 : vector<16xf32> to vector<1x16xf32>
      tpu.vector_store %arg9[%swap3A_86, %swap3A_87], %swap3A_90 {strides = array<i32>} : memref<40x512xf32, #tpu.memory_space<vmem>>, vector<1x16xf32>,
      %get3A_91 = arith.index_cast %scan3A_50 : i32 to index
      %get3A_92 = arith.constant 48 : index
      %get3A_93 = tpu.vector_load %arg9[%get3A_91, %get3A_92] {strides = array<i32>} : memref<40x512xf32, #tpu.memory_space<vmem>>, vector<1x16xf32>,
      %get3A_94 = vector.shape_cast %get3A_93 : vector<1x16xf32> to vector<16xf32>
      %get3A_95 = arith.index_cast %scan3A_50 : i32 to index
      %get3A_96 = arith.constant 48 : index
      %get3A_97 = tpu.vector_load %arg10[%get3A_95, %get3A_96] {strides = array<i32>} : memref<40x512xf32, #tpu.memory_space<vmem>>, vector<1x16xf32>,
      %get3A_98 = vector.shape_cast %get3A_97 : vector<1x16xf32> to vector<16xf32>
      %add3A_99 = arith.addf %get3A_94, %get3A_98 : vector<16xf32>
      %swap3A_100 = arith.index_cast %scan3A_50 : i32 to index
      %swap3A_101 = arith.constant 48 : index
      %swap3A_102 = tpu.vector_load %arg9[%swap3A_100, %swap3A_101] {strides = array<i32>} : memref<40x512xf32, #tpu.memory_space<vmem>>, vector<1x16xf32>,
      %swap3A_103 = vector.shape_cast %swap3A_102 : vector<1x16xf32> to vector<16xf32>
      %swap3A_104 = vector.shape_cast %add3A_99 : vector<16xf32> to vector<1x16xf32>
      tpu.vector_store %arg9[%swap3A_100, %swap3A_101], %swap3A_104 {strides = array<i32>} : memref<40x512xf32, #tpu.memory_space<vmem>>, vector<1x16xf32>,
      %get3A_105 = arith.index_cast %scan3A_50 : i32 to index
      %get3A_106 = arith.constant 64 : index
      %get3A_107 = tpu.vector_load %arg9[%get3A_105, %get3A_106] {strides = array<i32>} : memref<40x512xf32, #tpu.memory_space<vmem>>, vector<1x16xf32>,
      %get3A_108 = vector.shape_cast %get3A_107 : vector<1x16xf32> to vector<16xf32>
      %get3A_109 = arith.index_cast %scan3A_50 : i32 to index
      %get3A_110 = arith.constant 64 : index
      %get3A_111 = tpu.vector_load %arg10[%get3A_109, %get3A_110] {strides = array<i32>} : memref<40x512xf32, #tpu.memory_space<vmem>>, vector<1x16xf32>,
      %get3A_112 = vector.shape_cast %get3A_111 : vector<1x16xf32> to vector<16xf32>
      %add3A_113 = arith.addf %get3A_108, %get3A_112 : vector<16xf32>
      %swap3A_114 = arith.index_cast %scan3A_50 : i32 to index
      %swap3A_115 = arith.constant 64 : index
      %swap3A_116 = tpu.vector_load %arg9[%swap3A_114, %swap3A_115] {strides = array<i32>} : memref<40x512xf32, #tpu.memory_space<vmem>>, vector<1x16xf32>,
      %swap3A_117 = vector.shape_cast %swap3A_116 : vector<1x16xf32> to vector<16xf32>
      %swap3A_118 = vector.shape_cast %add3A_113 : vector<16xf32> to vector<1x16xf32>
      tpu.vector_store %arg9[%swap3A_114, %swap3A_115], %swap3A_118 {strides = array<i32>} : memref<40x512xf32, #tpu.memory_space<vmem>>, vector<1x16xf32>,
      %get3A_119 = arith.index_cast %scan3A_50 : i32 to index
      %get3A_120 = arith.constant 80 : index
      %get3A_121 = tpu.vector_load %arg9[%get3A_119, %get3A_120] {strides = array<i32>} : memref<40x512xf32, #tpu.memory_space<vmem>>, vector<1x16xf32>,
      %get3A_122 = vector.shape_cast %get3A_121 : vector<1x16xf32> to vector<16xf32>
      %get3A_123 = arith.index_cast %scan3A_50 : i32 to index
      %get3A_124 = arith.constant 80 : index
      %get3A_125 = tpu.vector_load %arg10[%get3A_123, %get3A_124] {strides = array<i32>} : memref<40x512xf32, #tpu.memory_space<vmem>>, vector<1x16xf32>,
      %get3A_126 = vector.shape_cast %get3A_125 : vector<1x16xf32> to vector<16xf32>
      %add3A_127 = arith.addf %get3A_122, %get3A_126 : vector<16xf32>
      %swap3A_128 = arith.index_cast %scan3A_50 : i32 to index
      %swap3A_129 = arith.constant 80 : index
      %swap3A_130 = tpu.vector_load %arg9[%swap3A_128, %swap3A_129] {strides = array<i32>} : memref<40x512xf32, #tpu.memory_space<vmem>>, vector<1x16xf32>,
      %swap3A_131 = vector.shape_cast %swap3A_130 : vector<1x16xf32> to vector<16xf32>
      %swap3A_132 = vector.shape_cast %add3A_127 : vector<16xf32> to vector<1x16xf32>
      tpu.vector_store %arg9[%swap3A_128, %swap3A_129], %swap3A_132 {strides = array<i32>} : memref<40x512xf32, #tpu.memory_space<vmem>>, vector<1x16xf32>,
      %get3A_133 = arith.index_cast %scan3A_50 : i32 to index
      %get3A_134 = arith.constant 96 : index
      %get3A_135 = tpu.vector_load %arg9[%get3A_133, %get3A_134] {strides = array<i32>} : memref<40x512xf32, #tpu.memory_space<vmem>>, vector<1x16xf32>,
      %get3A_136 = vector.shape_cast %get3A_135 : vector<1x16xf32> to vector<16xf32>
      %get3A_137 = arith.index_cast %scan3A_50 : i32 to index
      %get3A_138 = arith.constant 96 : index
      %get3A_139 = tpu.vector_load %arg10[%get3A_137, %get3A_138] {strides = array<i32>} : memref<40x512xf32, #tpu.memory_space<vmem>>, vector<1x16xf32>,
      %get3A_140 = vector.shape_cast %get3A_139 : vector<1x16xf32> to vector<16xf32>
      %add3A_141 = arith.addf %get3A_136, %get3A_140 : vector<16xf32>
      %swap3A_142 = arith.index_cast %scan3A_50 : i32 to index
      %swap3A_143 = arith.constant 96 : index
      %swap3A_144 = tpu.vector_load %arg9[%swap3A_142, %swap3A_143] {strides = array<i32>} : memref<40x512xf32, #tpu.memory_space<vmem>>, vector<1x16xf32>,
      %swap3A_145 = vector.shape_cast %swap3A_144 : vector<1x16xf32> to vector<16xf32>
      %swap3A_146 = vector.shape_cast %add3A_141 : vector<16xf32> to vector<1x16xf32>
      tpu.vector_store %arg9[%swap3A_142, %swap3A_143], %swap3A_146 {strides = array<i32>} : memref<40x512xf32, #tpu.memory_space<vmem>>, vector<1x16xf32>,
      %get3A_147 = arith.index_cast %scan3A_50 : i32 to index
      %get3A_148 = arith.constant 112 : index
      %get3A_149 = tpu.vector_load %arg9[%get3A_147, %get3A_148] {strides = array<i32>} : memref<40x512xf32, #tpu.memory_space<vmem>>, vector<1x16xf32>,
      %get3A_150 = vector.shape_cast %get3A_149 : vector<1x16xf32> to vector<16xf32>
      %get3A_151 = arith.index_cast %scan3A_50 : i32 to index
      %get3A_152 = arith.constant 112 : index
      %get3A_153 = tpu.vector_load %arg10[%get3A_151, %get3A_152] {strides = array<i32>} : memref<40x512xf32, #tpu.memory_space<vmem>>, vector<1x16xf32>,
      %get3A_154 = vector.shape_cast %get3A_153 : vector<1x16xf32> to vector<16xf32>
      %add3A_155 = arith.addf %get3A_150, %get3A_154 : vector<16xf32>
      %swap3A_156 = arith.index_cast %scan3A_50 : i32 to index
      %swap3A_157 = arith.constant 112 : index
      %swap3A_158 = tpu.vector_load %arg9[%swap3A_156, %swap3A_157] {strides = array<i32>} : memref<40x512xf32, #tpu.memory_space<vmem>>, vector<1x16xf32>,
      %swap3A_159 = vector.shape_cast %swap3A_158 : vector<1x16xf32> to vector<16xf32>
      %swap3A_160 = vector.shape_cast %add3A_155 : vector<16xf32> to vector<1x16xf32>
      tpu.vector_store %arg9[%swap3A_156, %swap3A_157], %swap3A_160 {strides = array<i32>} : memref<40x512xf32, #tpu.memory_space<vmem>>, vector<1x16xf32>,
      %get3A_161 = arith.index_cast %scan3A_50 : i32 to index
      %get3A_162 = arith.constant 128 : index
      %get3A_163 = tpu.vector_load %arg9[%get3A_161, %get3A_162] {strides = array<i32>} : memref<40x512xf32, #tpu.memory_space<vmem>>, vector<1x16xf32>,
      %get3A_164 = vector.shape_cast %get3A_163 : vector<1x16xf32> to vector<16xf32>
      %get3A_165 = arith.index_cast %scan3A_50 : i32 to index
      %get3A_166 = arith.constant 128 : index
      %get3A_167 = tpu.vector_load %arg10[%get3A_165, %get3A_166] {strides = array<i32>} : memref<40x512xf32, #tpu.memory_space<vmem>>, vector<1x16xf32>,
      %get3A_168 = vector.shape_cast %get3A_167 : vector<1x16xf32> to vector<16xf32>
      %add3A_169 = arith.addf %get3A_164, %get3A_168 : vector<16xf32>
      %swap3A_170 = arith.index_cast %scan3A_50 : i32 to index
      %swap3A_171 = arith.constant 128 : index
      %swap3A_172 = tpu.vector_load %arg9[%swap3A_170, %swap3A_171] {strides = array<i32>} : memref<40x512xf32, #tpu.memory_space<vmem>>, vector<1x16xf32>,
      %swap3A_173 = vector.shape_cast %swap3A_172 : vector<1x16xf32> to vector<16xf32>
      %swap3A_174 = vector.shape_cast %add3A_169 : vector<16xf32> to vector<1x16xf32>
      tpu.vector_store %arg9[%swap3A_170, %swap3A_171], %swap3A_174 {strides = array<i32>} : memref<40x512xf32, #tpu.memory_space<vmem>>, vector<1x16xf32>,
      %get3A_175 = arith.index_cast %scan3A_50 : i32 to index
      %get3A_176 = arith.constant 144 : index
      %get3A_177 = tpu.vector_load %arg9[%get3A_175, %get3A_176] {strides = array<i32>} : memref<40x512xf32, #tpu.memory_space<vmem>>, vector<1x16xf32>,
      %get3A_178 = vector.shape_cast %get3A_177 : vector<1x16xf32> to vector<16xf32>
      %get3A_179 = arith.index_cast %scan3A_50 : i32 to index
      %get3A_180 = arith.constant 144 : index
      %get3A_181 = tpu.vector_load %arg10[%get3A_179, %get3A_180] {strides = array<i32>} : memref<40x512xf32, #tpu.memory_space<vmem>>, vector<1x16xf32>,
      %get3A_182 = vector.shape_cast %get3A_181 : vector<1x16xf32> to vector<16xf32>
      %add3A_183 = arith.addf %get3A_178, %get3A_182 : vector<16xf32>
      %swap3A_184 = arith.index_cast %scan3A_50 : i32 to index
      %swap3A_185 = arith.constant 144 : index
      %swap3A_186 = tpu.vector_load %arg9[%swap3A_184, %swap3A_185] {strides = array<i32>} : memref<40x512xf32, #tpu.memory_space<vmem>>, vector<1x16xf32>,
      %swap3A_187 = vector.shape_cast %swap3A_186 : vector<1x16xf32> to vector<16xf32>
      %swap3A_188 = vector.shape_cast %add3A_183 : vector<16xf32> to vector<1x16xf32>
      tpu.vector_store %arg9[%swap3A_184, %swap3A_185], %swap3A_188 {strides = array<i32>} : memref<40x512xf32, #tpu.memory_space<vmem>>, vector<1x16xf32>,
      %get3A_189 = arith.index_cast %scan3A_50 : i32 to index
      %get3A_190 = arith.constant 160 : index
      %get3A_191 = tpu.vector_load %arg9[%get3A_189, %get3A_190] {strides = array<i32>} : memref<40x512xf32, #tpu.memory_space<vmem>>, vector<1x16xf32>,
      %get3A_192 = vector.shape_cast %get3A_191 : vector<1x16xf32> to vector<16xf32>
      %get3A_193 = arith.index_cast %scan3A_50 : i32 to index
      %get3A_194 = arith.constant 160 : index
      %get3A_195 = tpu.vector_load %arg10[%get3A_193, %get3A_194] {strides = array<i32>} : memref<40x512xf32, #tpu.memory_space<vmem>>, vector<1x16xf32>,
      %get3A_196 = vector.shape_cast %get3A_195 : vector<1x16xf32> to vector<16xf32>
      %add3A_197 = arith.addf %get3A_192, %get3A_196 : vector<16xf32>
      %swap3A_198 = arith.index_cast %scan3A_50 : i32 to index
      %swap3A_199 = arith.constant 160 : index
      %swap3A_200 = tpu.vector_load %arg9[%swap3A_198, %swap3A_199] {strides = array<i32>} : memref<40x512xf32, #tpu.memory_space<vmem>>, vector<1x16xf32>,
      %swap3A_201 = vector.shape_cast %swap3A_200 : vector<1x16xf32> to vector<16xf32>
      %swap3A_202 = vector.shape_cast %add3A_197 : vector<16xf32> to vector<1x16xf32>
      tpu.vector_store %arg9[%swap3A_198, %swap3A_199], %swap3A_202 {strides = array<i32>} : memref<40x512xf32, #tpu.memory_space<vmem>>, vector<1x16xf32>,
      %get3A_203 = arith.index_cast %scan3A_50 : i32 to index
      %get3A_204 = arith.constant 176 : index
      %get3A_205 = tpu.vector_load %arg9[%get3A_203, %get3A_204] {strides = array<i32>} : memref<40x512xf32, #tpu.memory_space<vmem>>, vector<1x16xf32>,
      %get3A_206 = vector.shape_cast %get3A_205 : vector<1x16xf32> to vector<16xf32>
      %get3A_207 = arith.index_cast %scan3A_50 : i32 to index
      %get3A_208 = arith.constant 176 : index
      %get3A_209 = tpu.vector_load %arg10[%get3A_207, %get3A_208] {strides = array<i32>} : memref<40x512xf32, #tpu.memory_space<vmem>>, vector<1x16xf32>,
      %get3A_210 = vector.shape_cast %get3A_209 : vector<1x16xf32> to vector<16xf32>
      %add3A_211 = arith.addf %get3A_206, %get3A_210 : vector<16xf32>
      %swap3A_212 = arith.index_cast %scan3A_50 : i32 to index
      %swap3A_213 = arith.constant 176 : index
      %swap3A_214 = tpu.vector_load %arg9[%swap3A_212, %swap3A_213] {strides = array<i32>} : memref<40x512xf32, #tpu.memory_space<vmem>>, vector<1x16xf32>,
      %swap3A_215 = vector.shape_cast %swap3A_214 : vector<1x16xf32> to vector<16xf32>
      %swap3A_216 = vector.shape_cast %add3A_211 : vector<16xf32> to vector<1x16xf32>
      tpu.vector_store %arg9[%swap3A_212, %swap3A_213], %swap3A_216 {strides = array<i32>} : memref<40x512xf32, #tpu.memory_space<vmem>>, vector<1x16xf32>,
      %get3A_217 = arith.index_cast %scan3A_50 : i32 to index
      %get3A_218 = arith.constant 192 : index
      %get3A_219 = tpu.vector_load %arg9[%get3A_217, %get3A_218] {strides = array<i32>} : memref<40x512xf32, #tpu.memory_space<vmem>>, vector<1x16xf32>,
      %get3A_220 = vector.shape_cast %get3A_219 : vector<1x16xf32> to vector<16xf32>
      %get3A_221 = arith.index_cast %scan3A_50 : i32 to index
      %get3A_222 = arith.constant 192 : index
      %get3A_223 = tpu.vector_load %arg10[%get3A_221, %get3A_222] {strides = array<i32>} : memref<40x512xf32, #tpu.memory_space<vmem>>, vector<1x16xf32>,
      %get3A_224 = vector.shape_cast %get3A_223 : vector<1x16xf32> to vector<16xf32>
      %add3A_225 = arith.addf %get3A_220, %get3A_224 : vector<16xf32>
      %swap3A_226 = arith.index_cast %scan3A_50 : i32 to index
      %swap3A_227 = arith.constant 192 : index
      %swap3A_228 = tpu.vector_load %arg9[%swap3A_226, %swap3A_227] {strides = array<i32>} : memref<40x512xf32, #tpu.memory_space<vmem>>, vector<1x16xf32>,
      %swap3A_229 = vector.shape_cast %swap3A_228 : vector<1x16xf32> to vector<16xf32>
      %swap3A_230 = vector.shape_cast %add3A_225 : vector<16xf32> to vector<1x16xf32>
      tpu.vector_store %arg9[%swap3A_226, %swap3A_227], %swap3A_230 {strides = array<i32>} : memref<40x512xf32, #tpu.memory_space<vmem>>, vector<1x16xf32>,
      %get3A_231 = arith.index_cast %scan3A_50 : i32 to index
      %get3A_232 = arith.constant 208 : index
      %get3A_233 = tpu.vector_load %arg9[%get3A_231, %get3A_232] {strides = array<i32>} : memref<40x512xf32, #tpu.memory_space<vmem>>, vector<1x16xf32>,
      %get3A_234 = vector.shape_cast %get3A_233 : vector<1x16xf32> to vector<16xf32>
      %get3A_235 = arith.index_cast %scan3A_50 : i32 to index
      %get3A_236 = arith.constant 208 : index
      %get3A_237 = tpu.vector_load %arg10[%get3A_235, %get3A_236] {strides = array<i32>} : memref<40x512xf32, #tpu.memory_space<vmem>>, vector<1x16xf32>,
      %get3A_238 = vector.shape_cast %get3A_237 : vector<1x16xf32> to vector<16xf32>
      %add3A_239 = arith.addf %get3A_234, %get3A_238 : vector<16xf32>
      %swap3A_240 = arith.index_cast %scan3A_50 : i32 to index
      %swap3A_241 = arith.constant 208 : index
      %swap3A_242 = tpu.vector_load %arg9[%swap3A_240, %swap3A_241] {strides = array<i32>} : memref<40x512xf32, #tpu.memory_space<vmem>>, vector<1x16xf32>,
      %swap3A_243 = vector.shape_cast %swap3A_242 : vector<1x16xf32> to vector<16xf32>
      %swap3A_244 = vector.shape_cast %add3A_239 : vector<16xf32> to vector<1x16xf32>
      tpu.vector_store %arg9[%swap3A_240, %swap3A_241], %swap3A_244 {strides = array<i32>} : memref<40x512xf32, #tpu.memory_space<vmem>>, vector<1x16xf32>,
      %get3A_245 = arith.index_cast %scan3A_50 : i32 to index
      %get3A_246 = arith.constant 224 : index
      %get3A_247 = tpu.vector_load %arg9[%get3A_245, %get3A_246] {strides = array<i32>} : memref<40x512xf32, #tpu.memory_space<vmem>>, vector<1x16xf32>,
      %get3A_248 = vector.shape_cast %get3A_247 : vector<1x16xf32> to vector<16xf32>
      %get3A_249 = arith.index_cast %scan3A_50 : i32 to index
      %get3A_250 = arith.constant 224 : index
      %get3A_251 = tpu.vector_load %arg10[%get3A_249, %get3A_250] {strides = array<i32>} : memref<40x512xf32, #tpu.memory_space<vmem>>, vector<1x16xf32>,
      %get3A_252 = vector.shape_cast %get3A_251 : vector<1x16xf32> to vector<16xf32>
      %add3A_253 = arith.addf %get3A_248, %get3A_252 : vector<16xf32>
      %swap3A_254 = arith.index_cast %scan3A_50 : i32 to index
      %swap3A_255 = arith.constant 224 : index
      %swap3A_256 = tpu.vector_load %arg9[%swap3A_254, %swap3A_255] {strides = array<i32>} : memref<40x512xf32, #tpu.memory_space<vmem>>, vector<1x16xf32>,
      %swap3A_257 = vector.shape_cast %swap3A_256 : vector<1x16xf32> to vector<16xf32>
      %swap3A_258 = vector.shape_cast %add3A_253 : vector<16xf32> to vector<1x16xf32>
      tpu.vector_store %arg9[%swap3A_254, %swap3A_255], %swap3A_258 {strides = array<i32>} : memref<40x512xf32, #tpu.memory_space<vmem>>, vector<1x16xf32>,
      %get3A_259 = arith.index_cast %scan3A_50 : i32 to index
      %get3A_260 = arith.constant 240 : index
      %get3A_261 = tpu.vector_load %arg9[%get3A_259, %get3A_260] {strides = array<i32>} : memref<40x512xf32, #tpu.memory_space<vmem>>, vector<1x16xf32>,
      %get3A_262 = vector.shape_cast %get3A_261 : vector<1x16xf32> to vector<16xf32>
      %get3A_263 = arith.index_cast %scan3A_50 : i32 to index
      %get3A_264 = arith.constant 240 : index
      %get3A_265 = tpu.vector_load %arg10[%get3A_263, %get3A_264] {strides = array<i32>} : memref<40x512xf32, #tpu.memory_space<vmem>>, vector<1x16xf32>,
      %get3A_266 = vector.shape_cast %get3A_265 : vector<1x16xf32> to vector<16xf32>
      %add3A_267 = arith.addf %get3A_262, %get3A_266 : vector<16xf32>
      %swap3A_268 = arith.index_cast %scan3A_50 : i32 to index
      %swap3A_269 = arith.constant 240 : index
      %swap3A_270 = tpu.vector_load %arg9[%swap3A_268, %swap3A_269] {strides = array<i32>} : memref<40x512xf32, #tpu.memory_space<vmem>>, vector<1x16xf32>,
      %swap3A_271 = vector.shape_cast %swap3A_270 : vector<1x16xf32> to vector<16xf32>
      %swap3A_272 = vector.shape_cast %add3A_267 : vector<16xf32> to vector<1x16xf32>
      tpu.vector_store %arg9[%swap3A_268, %swap3A_269], %swap3A_272 {strides = array<i32>} : memref<40x512xf32, #tpu.memory_space<vmem>>, vector<1x16xf32>,
      %get3A_273 = arith.index_cast %scan3A_50 : i32 to index
      %get3A_274 = arith.constant 256 : index
      %get3A_275 = tpu.vector_load %arg9[%get3A_273, %get3A_274] {strides = array<i32>} : memref<40x512xf32, #tpu.memory_space<vmem>>, vector<1x16xf32>,
      %get3A_276 = vector.shape_cast %get3A_275 : vector<1x16xf32> to vector<16xf32>
      %get3A_277 = arith.index_cast %scan3A_50 : i32 to index
      %get3A_278 = arith.constant 256 : index
      %get3A_279 = tpu.vector_load %arg10[%get3A_277, %get3A_278] {strides = array<i32>} : memref<40x512xf32, #tpu.memory_space<vmem>>, vector<1x16xf32>,
      %get3A_280 = vector.shape_cast %get3A_279 : vector<1x16xf32> to vector<16xf32>
      %add3A_281 = arith.addf %get3A_276, %get3A_280 : vector<16xf32>
      %swap3A_282 = arith.index_cast %scan3A_50 : i32 to index
      %swap3A_283 = arith.constant 256 : index
      %swap3A_284 = tpu.vector_load %arg9[%swap3A_282, %swap3A_283] {strides = array<i32>} : memref<40x512xf32, #tpu.memory_space<vmem>>, vector<1x16xf32>,
      %swap3A_285 = vector.shape_cast %swap3A_284 : vector<1x16xf32> to vector<16xf32>
      %swap3A_286 = vector.shape_cast %add3A_281 : vector<16xf32> to vector<1x16xf32>
      tpu.vector_store %arg9[%swap3A_282, %swap3A_283], %swap3A_286 {strides = array<i32>} : memref<40x512xf32, #tpu.memory_space<vmem>>, vector<1x16xf32>,
      %get3A_287 = arith.index_cast %scan3A_50 : i32 to index
      %get3A_288 = arith.constant 272 : index
      %get3A_289 = tpu.vector_load %arg9[%get3A_287, %get3A_288] {strides = array<i32>} : memref<40x512xf32, #tpu.memory_space<vmem>>, vector<1x16xf32>,
      %get3A_290 = vector.shape_cast %get3A_289 : vector<1x16xf32> to vector<16xf32>
      %get3A_291 = arith.index_cast %scan3A_50 : i32 to index
      %get3A_292 = arith.constant 272 : index
      %get3A_293 = tpu.vector_load %arg10[%get3A_291, %get3A_292] {strides = array<i32>} : memref<40x512xf32, #tpu.memory_space<vmem>>, vector<1x16xf32>,
      %get3A_294 = vector.shape_cast %get3A_293 : vector<1x16xf32> to vector<16xf32>
      %add3A_295 = arith.addf %get3A_290, %get3A_294 : vector<16xf32>
      %swap3A_296 = arith.index_cast %scan3A_50 : i32 to index
      %swap3A_297 = arith.constant 272 : index
      %swap3A_298 = tpu.vector_load %arg9[%swap3A_296, %swap3A_297] {strides = array<i32>} : memref<40x512xf32, #tpu.memory_space<vmem>>, vector<1x16xf32>,
      %swap3A_299 = vector.shape_cast %swap3A_298 : vector<1x16xf32> to vector<16xf32>
      %swap3A_300 = vector.shape_cast %add3A_295 : vector<16xf32> to vector<1x16xf32>
      tpu.vector_store %arg9[%swap3A_296, %swap3A_297], %swap3A_300 {strides = array<i32>} : memref<40x512xf32, #tpu.memory_space<vmem>>, vector<1x16xf32>,
      %get3A_301 = arith.index_cast %scan3A_50 : i32 to index
      %get3A_302 = arith.constant 288 : index
      %get3A_303 = tpu.vector_load %arg9[%get3A_301, %get3A_302] {strides = array<i32>} : memref<40x512xf32, #tpu.memory_space<vmem>>, vector<1x16xf32>,
      %get3A_304 = vector.shape_cast %get3A_303 : vector<1x16xf32> to vector<16xf32>
      %get3A_305 = arith.index_cast %scan3A_50 : i32 to index
      %get3A_306 = arith.constant 288 : index
      %get3A_307 = tpu.vector_load %arg10[%get3A_305, %get3A_306] {strides = array<i32>} : memref<40x512xf32, #tpu.memory_space<vmem>>, vector<1x16xf32>,
      %get3A_308 = vector.shape_cast %get3A_307 : vector<1x16xf32> to vector<16xf32>
      %add3A_309 = arith.addf %get3A_304, %get3A_308 : vector<16xf32>
      %swap3A_310 = arith.index_cast %scan3A_50 : i32 to index
      %swap3A_311 = arith.constant 288 : index
      %swap3A_312 = tpu.vector_load %arg9[%swap3A_310, %swap3A_311] {strides = array<i32>} : memref<40x512xf32, #tpu.memory_space<vmem>>, vector<1x16xf32>,
      %swap3A_313 = vector.shape_cast %swap3A_312 : vector<1x16xf32> to vector<16xf32>
      %swap3A_314 = vector.shape_cast %add3A_309 : vector<16xf32> to vector<1x16xf32>
      tpu.vector_store %arg9[%swap3A_310, %swap3A_311], %swap3A_314 {strides = array<i32>} : memref<40x512xf32, #tpu.memory_space<vmem>>, vector<1x16xf32>,
      %get3A_315 = arith.index_cast %scan3A_50 : i32 to index
      %get3A_316 = arith.constant 304 : index
      %get3A_317 = tpu.vector_load %arg9[%get3A_315, %get3A_316] {strides = array<i32>} : memref<40x512xf32, #tpu.memory_space<vmem>>, vector<1x16xf32>,
      %get3A_318 = vector.shape_cast %get3A_317 : vector<1x16xf32> to vector<16xf32>
      %get3A_319 = arith.index_cast %scan3A_50 : i32 to index
      %get3A_320 = arith.constant 304 : index
      %get3A_321 = tpu.vector_load %arg10[%get3A_319, %get3A_320] {strides = array<i32>} : memref<40x512xf32, #tpu.memory_space<vmem>>, vector<1x16xf32>,
      %get3A_322 = vector.shape_cast %get3A_321 : vector<1x16xf32> to vector<16xf32>
      %add3A_323 = arith.addf %get3A_318, %get3A_322 : vector<16xf32>
      %swap3A_324 = arith.index_cast %scan3A_50 : i32 to index
      %swap3A_325 = arith.constant 304 : index
      %swap3A_326 = tpu.vector_load %arg9[%swap3A_324, %swap3A_325] {strides = array<i32>} : memref<40x512xf32, #tpu.memory_space<vmem>>, vector<1x16xf32>,
      %swap3A_327 = vector.shape_cast %swap3A_326 : vector<1x16xf32> to vector<16xf32>
      %swap3A_328 = vector.shape_cast %add3A_323 : vector<16xf32> to vector<1x16xf32>
      tpu.vector_store %arg9[%swap3A_324, %swap3A_325], %swap3A_328 {strides = array<i32>} : memref<40x512xf32, #tpu.memory_space<vmem>>, vector<1x16xf32>,
      %get3A_329 = arith.index_cast %scan3A_50 : i32 to index
      %get3A_330 = arith.constant 320 : index
      %get3A_331 = tpu.vector_load %arg9[%get3A_329, %get3A_330] {strides = array<i32>} : memref<40x512xf32, #tpu.memory_space<vmem>>, vector<1x16xf32>,
      %get3A_332 = vector.shape_cast %get3A_331 : vector<1x16xf32> to vector<16xf32>
      %get3A_333 = arith.index_cast %scan3A_50 : i32 to index
      %get3A_334 = arith.constant 320 : index
      %get3A_335 = tpu.vector_load %arg10[%get3A_333, %get3A_334] {strides = array<i32>} : memref<40x512xf32, #tpu.memory_space<vmem>>, vector<1x16xf32>,
      %get3A_336 = vector.shape_cast %get3A_335 : vector<1x16xf32> to vector<16xf32>
      %add3A_337 = arith.addf %get3A_332, %get3A_336 : vector<16xf32>
      %swap3A_338 = arith.index_cast %scan3A_50 : i32 to index
      %swap3A_339 = arith.constant 320 : index
      %swap3A_340 = tpu.vector_load %arg9[%swap3A_338, %swap3A_339] {strides = array<i32>} : memref<40x512xf32, #tpu.memory_space<vmem>>, vector<1x16xf32>,
      %swap3A_341 = vector.shape_cast %swap3A_340 : vector<1x16xf32> to vector<16xf32>
      %swap3A_342 = vector.shape_cast %add3A_337 : vector<16xf32> to vector<1x16xf32>
      tpu.vector_store %arg9[%swap3A_338, %swap3A_339], %swap3A_342 {strides = array<i32>} : memref<40x512xf32, #tpu.memory_space<vmem>>, vector<1x16xf32>,
      %get3A_343 = arith.index_cast %scan3A_50 : i32 to index
      %get3A_344 = arith.constant 336 : index
      %get3A_345 = tpu.vector_load %arg9[%get3A_343, %get3A_344] {strides = array<i32>} : memref<40x512xf32, #tpu.memory_space<vmem>>, vector<1x16xf32>,
      %get3A_346 = vector.shape_cast %get3A_345 : vector<1x16xf32> to vector<16xf32>
      %get3A_347 = arith.index_cast %scan3A_50 : i32 to index
      %get3A_348 = arith.constant 336 : index
      %get3A_349 = tpu.vector_load %arg10[%get3A_347, %get3A_348] {strides = array<i32>} : memref<40x512xf32, #tpu.memory_space<vmem>>, vector<1x16xf32>,
      %get3A_350 = vector.shape_cast %get3A_349 : vector<1x16xf32> to vector<16xf32>
      %add3A_351 = arith.addf %get3A_346, %get3A_350 : vector<16xf32>
      %swap3A_352 = arith.index_cast %scan3A_50 : i32 to index
      %swap3A_353 = arith.constant 336 : index
      %swap3A_354 = tpu.vector_load %arg9[%swap3A_352, %swap3A_353] {strides = array<i32>} : memref<40x512xf32, #tpu.memory_space<vmem>>, vector<1x16xf32>,
      %swap3A_355 = vector.shape_cast %swap3A_354 : vector<1x16xf32> to vector<16xf32>
      %swap3A_356 = vector.shape_cast %add3A_351 : vector<16xf32> to vector<1x16xf32>
      tpu.vector_store %arg9[%swap3A_352, %swap3A_353], %swap3A_356 {strides = array<i32>} : memref<40x512xf32, #tpu.memory_space<vmem>>, vector<1x16xf32>,
      %get3A_357 = arith.index_cast %scan3A_50 : i32 to index
      %get3A_358 = arith.constant 352 : index
      %get3A_359 = tpu.vector_load %arg9[%get3A_357, %get3A_358] {strides = array<i32>} : memref<40x512xf32, #tpu.memory_space<vmem>>, vector<1x16xf32>,
      %get3A_360 = vector.shape_cast %get3A_359 : vector<1x16xf32> to vector<16xf32>
      %get3A_361 = arith.index_cast %scan3A_50 : i32 to index
      %get3A_362 = arith.constant 352 : index
      %get3A_363 = tpu.vector_load %arg10[%get3A_361, %get3A_362] {strides = array<i32>} : memref<40x512xf32, #tpu.memory_space<vmem>>, vector<1x16xf32>,
      %get3A_364 = vector.shape_cast %get3A_363 : vector<1x16xf32> to vector<16xf32>
      %add3A_365 = arith.addf %get3A_360, %get3A_364 : vector<16xf32>
      %swap3A_366 = arith.index_cast %scan3A_50 : i32 to index
      %swap3A_367 = arith.constant 352 : index
      %swap3A_368 = tpu.vector_load %arg9[%swap3A_366, %swap3A_367] {strides = array<i32>} : memref<40x512xf32, #tpu.memory_space<vmem>>, vector<1x16xf32>,
      %swap3A_369 = vector.shape_cast %swap3A_368 : vector<1x16xf32> to vector<16xf32>
      %swap3A_370 = vector.shape_cast %add3A_365 : vector<16xf32> to vector<1x16xf32>
      tpu.vector_store %arg9[%swap3A_366, %swap3A_367], %swap3A_370 {strides = array<i32>} : memref<40x512xf32, #tpu.memory_space<vmem>>, vector<1x16xf32>,
      %get3A_371 = arith.index_cast %scan3A_50 : i32 to index
      %get3A_372 = arith.constant 368 : index
      %get3A_373 = tpu.vector_load %arg9[%get3A_371, %get3A_372] {strides = array<i32>} : memref<40x512xf32, #tpu.memory_space<vmem>>, vector<1x16xf32>,
      %get3A_374 = vector.shape_cast %get3A_373 : vector<1x16xf32> to vector<16xf32>
      %get3A_375 = arith.index_cast %scan3A_50 : i32 to index
      %get3A_376 = arith.constant 368 : index
      %get3A_377 = tpu.vector_load %arg10[%get3A_375, %get3A_376] {strides = array<i32>} : memref<40x512xf32, #tpu.memory_space<vmem>>, vector<1x16xf32>,
      %get3A_378 = vector.shape_cast %get3A_377 : vector<1x16xf32> to vector<16xf32>
      %add3A_379 = arith.addf %get3A_374, %get3A_378 : vector<16xf32>
      %swap3A_380 = arith.index_cast %scan3A_50 : i32 to index
      %swap3A_381 = arith.constant 368 : index
      %swap3A_382 = tpu.vector_load %arg9[%swap3A_380, %swap3A_381] {strides = array<i32>} : memref<40x512xf32, #tpu.memory_space<vmem>>, vector<1x16xf32>,
      %swap3A_383 = vector.shape_cast %swap3A_382 : vector<1x16xf32> to vector<16xf32>
      %swap3A_384 = vector.shape_cast %add3A_379 : vector<16xf32> to vector<1x16xf32>
      tpu.vector_store %arg9[%swap3A_380, %swap3A_381], %swap3A_384 {strides = array<i32>} : memref<40x512xf32, #tpu.memory_space<vmem>>, vector<1x16xf32>,
      %get3A_385 = arith.index_cast %scan3A_50 : i32 to index
      %get3A_386 = arith.constant 384 : index
      %get3A_387 = tpu.vector_load %arg9[%get3A_385, %get3A_386] {strides = array<i32>} : memref<40x512xf32, #tpu.memory_space<vmem>>, vector<1x16xf32>,
      %get3A_388 = vector.shape_cast %get3A_387 : vector<1x16xf32> to vector<16xf32>
      %get3A_389 = arith.index_cast %scan3A_50 : i32 to index
      %get3A_390 = arith.constant 384 : index
      %get3A_391 = tpu.vector_load %arg10[%get3A_389, %get3A_390] {strides = array<i32>} : memref<40x512xf32, #tpu.memory_space<vmem>>, vector<1x16xf32>,
      %get3A_392 = vector.shape_cast %get3A_391 : vector<1x16xf32> to vector<16xf32>
      %add3A_393 = arith.addf %get3A_388, %get3A_392 : vector<16xf32>
      %swap3A_394 = arith.index_cast %scan3A_50 : i32 to index
      %swap3A_395 = arith.constant 384 : index
      %swap3A_396 = tpu.vector_load %arg9[%swap3A_394, %swap3A_395] {strides = array<i32>} : memref<40x512xf32, #tpu.memory_space<vmem>>, vector<1x16xf32>,
      %swap3A_397 = vector.shape_cast %swap3A_396 : vector<1x16xf32> to vector<16xf32>
      %swap3A_398 = vector.shape_cast %add3A_393 : vector<16xf32> to vector<1x16xf32>
      tpu.vector_store %arg9[%swap3A_394, %swap3A_395], %swap3A_398 {strides = array<i32>} : memref<40x512xf32, #tpu.memory_space<vmem>>, vector<1x16xf32>,
      %get3A_399 = arith.index_cast %scan3A_50 : i32 to index
      %get3A_400 = arith.constant 400 : index
      %get3A_401 = tpu.vector_load %arg9[%get3A_399, %get3A_400] {strides = array<i32>} : memref<40x512xf32, #tpu.memory_space<vmem>>, vector<1x16xf32>,
      %get3A_402 = vector.shape_cast %get3A_401 : vector<1x16xf32> to vector<16xf32>
      %get3A_403 = arith.index_cast %scan3A_50 : i32 to index
      %get3A_404 = arith.constant 400 : index
      %get3A_405 = tpu.vector_load %arg10[%get3A_403, %get3A_404] {strides = array<i32>} : memref<40x512xf32, #tpu.memory_space<vmem>>, vector<1x16xf32>,
      %get3A_406 = vector.shape_cast %get3A_405 : vector<1x16xf32> to vector<16xf32>
      %add3A_407 = arith.addf %get3A_402, %get3A_406 : vector<16xf32>
      %swap3A_408 = arith.index_cast %scan3A_50 : i32 to index
      %swap3A_409 = arith.constant 400 : index
      %swap3A_410 = tpu.vector_load %arg9[%swap3A_408, %swap3A_409] {strides = array<i32>} : memref<40x512xf32, #tpu.memory_space<vmem>>, vector<1x16xf32>,
      %swap3A_411 = vector.shape_cast %swap3A_410 : vector<1x16xf32> to vector<16xf32>
      %swap3A_412 = vector.shape_cast %add3A_407 : vector<16xf32> to vector<1x16xf32>
      tpu.vector_store %arg9[%swap3A_408, %swap3A_409], %swap3A_412 {strides = array<i32>} : memref<40x512xf32, #tpu.memory_space<vmem>>, vector<1x16xf32>,
      %get3A_413 = arith.index_cast %scan3A_50 : i32 to index
      %get3A_414 = arith.constant 416 : index
      %get3A_415 = tpu.vector_load %arg9[%get3A_413, %get3A_414] {strides = array<i32>} : memref<40x512xf32, #tpu.memory_space<vmem>>, vector<1x16xf32>,
      %get3A_416 = vector.shape_cast %get3A_415 : vector<1x16xf32> to vector<16xf32>
      %get3A_417 = arith.index_cast %scan3A_50 : i32 to index
      %get3A_418 = arith.constant 416 : index
      %get3A_419 = tpu.vector_load %arg10[%get3A_417, %get3A_418] {strides = array<i32>} : memref<40x512xf32, #tpu.memory_space<vmem>>, vector<1x16xf32>,
      %get3A_420 = vector.shape_cast %get3A_419 : vector<1x16xf32> to vector<16xf32>
      %add3A_421 = arith.addf %get3A_416, %get3A_420 : vector<16xf32>
      %swap3A_422 = arith.index_cast %scan3A_50 : i32 to index
      %swap3A_423 = arith.constant 416 : index
      %swap3A_424 = tpu.vector_load %arg9[%swap3A_422, %swap3A_423] {strides = array<i32>} : memref<40x512xf32, #tpu.memory_space<vmem>>, vector<1x16xf32>,
      %swap3A_425 = vector.shape_cast %swap3A_424 : vector<1x16xf32> to vector<16xf32>
      %swap3A_426 = vector.shape_cast %add3A_421 : vector<16xf32> to vector<1x16xf32>
      tpu.vector_store %arg9[%swap3A_422, %swap3A_423], %swap3A_426 {strides = array<i32>} : memref<40x512xf32, #tpu.memory_space<vmem>>, vector<1x16xf32>,
      %get3A_427 = arith.index_cast %scan3A_50 : i32 to index
      %get3A_428 = arith.constant 432 : index
      %get3A_429 = tpu.vector_load %arg9[%get3A_427, %get3A_428] {strides = array<i32>} : memref<40x512xf32, #tpu.memory_space<vmem>>, vector<1x16xf32>,
      %get3A_430 = vector.shape_cast %get3A_429 : vector<1x16xf32> to vector<16xf32>
      %get3A_431 = arith.index_cast %scan3A_50 : i32 to index
      %get3A_432 = arith.constant 432 : index
      %get3A_433 = tpu.vector_load %arg10[%get3A_431, %get3A_432] {strides = array<i32>} : memref<40x512xf32, #tpu.memory_space<vmem>>, vector<1x16xf32>,
      %get3A_434 = vector.shape_cast %get3A_433 : vector<1x16xf32> to vector<16xf32>
      %add3A_435 = arith.addf %get3A_430, %get3A_434 : vector<16xf32>
      %swap3A_436 = arith.index_cast %scan3A_50 : i32 to index
      %swap3A_437 = arith.constant 432 : index
      %swap3A_438 = tpu.vector_load %arg9[%swap3A_436, %swap3A_437] {strides = array<i32>} : memref<40x512xf32, #tpu.memory_space<vmem>>, vector<1x16xf32>,
      %swap3A_439 = vector.shape_cast %swap3A_438 : vector<1x16xf32> to vector<16xf32>
      %swap3A_440 = vector.shape_cast %add3A_435 : vector<16xf32> to vector<1x16xf32>
      tpu.vector_store %arg9[%swap3A_436, %swap3A_437], %swap3A_440 {strides = array<i32>} : memref<40x512xf32, #tpu.memory_space<vmem>>, vector<1x16xf32>,
      %get3A_441 = arith.index_cast %scan3A_50 : i32 to index
      %get3A_442 = arith.constant 448 : index
      %get3A_443 = tpu.vector_load %arg9[%get3A_441, %get3A_442] {strides = array<i32>} : memref<40x512xf32, #tpu.memory_space<vmem>>, vector<1x16xf32>,
      %get3A_444 = vector.shape_cast %get3A_443 : vector<1x16xf32> to vector<16xf32>
      %get3A_445 = arith.index_cast %scan3A_50 : i32 to index
      %get3A_446 = arith.constant 448 : index
      %get3A_447 = tpu.vector_load %arg10[%get3A_445, %get3A_446] {strides = array<i32>} : memref<40x512xf32, #tpu.memory_space<vmem>>, vector<1x16xf32>,
      %get3A_448 = vector.shape_cast %get3A_447 : vector<1x16xf32> to vector<16xf32>
      %add3A_449 = arith.addf %get3A_444, %get3A_448 : vector<16xf32>
      %swap3A_450 = arith.index_cast %scan3A_50 : i32 to index
      %swap3A_451 = arith.constant 448 : index
      %swap3A_452 = tpu.vector_load %arg9[%swap3A_450, %swap3A_451] {strides = array<i32>} : memref<40x512xf32, #tpu.memory_space<vmem>>, vector<1x16xf32>,
      %swap3A_453 = vector.shape_cast %swap3A_452 : vector<1x16xf32> to vector<16xf32>
      %swap3A_454 = vector.shape_cast %add3A_449 : vector<16xf32> to vector<1x16xf32>
      tpu.vector_store %arg9[%swap3A_450, %swap3A_451], %swap3A_454 {strides = array<i32>} : memref<40x512xf32, #tpu.memory_space<vmem>>, vector<1x16xf32>,
      %get3A_455 = arith.index_cast %scan3A_50 : i32 to index
      %get3A_456 = arith.constant 464 : index
      %get3A_457 = tpu.vector_load %arg9[%get3A_455, %get3A_456] {strides = array<i32>} : memref<40x512xf32, #tpu.memory_space<vmem>>, vector<1x16xf32>,
      %get3A_458 = vector.shape_cast %get3A_457 : vector<1x16xf32> to vector<16xf32>
      %get3A_459 = arith.index_cast %scan3A_50 : i32 to index
      %get3A_460 = arith.constant 464 : index
      %get3A_461 = tpu.vector_load %arg10[%get3A_459, %get3A_460] {strides = array<i32>} : memref<40x512xf32, #tpu.memory_space<vmem>>, vector<1x16xf32>,
      %get3A_462 = vector.shape_cast %get3A_461 : vector<1x16xf32> to vector<16xf32>
      %add3A_463 = arith.addf %get3A_458, %get3A_462 : vector<16xf32>
      %swap3A_464 = arith.index_cast %scan3A_50 : i32 to index
      %swap3A_465 = arith.constant 464 : index
      %swap3A_466 = tpu.vector_load %arg9[%swap3A_464, %swap3A_465] {strides = array<i32>} : memref<40x512xf32, #tpu.memory_space<vmem>>, vector<1x16xf32>,
      %swap3A_467 = vector.shape_cast %swap3A_466 : vector<1x16xf32> to vector<16xf32>
      %swap3A_468 = vector.shape_cast %add3A_463 : vector<16xf32> to vector<1x16xf32>
      tpu.vector_store %arg9[%swap3A_464, %swap3A_465], %swap3A_468 {strides = array<i32>} : memref<40x512xf32, #tpu.memory_space<vmem>>, vector<1x16xf32>,
      %get3A_469 = arith.index_cast %scan3A_50 : i32 to index
      %get3A_470 = arith.constant 480 : index
      %get3A_471 = tpu.vector_load %arg9[%get3A_469, %get3A_470] {strides = array<i32>} : memref<40x512xf32, #tpu.memory_space<vmem>>, vector<1x16xf32>,
      %get3A_472 = vector.shape_cast %get3A_471 : vector<1x16xf32> to vector<16xf32>
      %get3A_473 = arith.index_cast %scan3A_50 : i32 to index
      %get3A_474 = arith.constant 480 : index
      %get3A_475 = tpu.vector_load %arg10[%get3A_473, %get3A_474] {strides = array<i32>} : memref<40x512xf32, #tpu.memory_space<vmem>>, vector<1x16xf32>,
      %get3A_476 = vector.shape_cast %get3A_475 : vector<1x16xf32> to vector<16xf32>
      %add3A_477 = arith.addf %get3A_472, %get3A_476 : vector<16xf32>
      %swap3A_478 = arith.index_cast %scan3A_50 : i32 to index
      %swap3A_479 = arith.constant 480 : index
      %swap3A_480 = tpu.vector_load %arg9[%swap3A_478, %swap3A_479] {strides = array<i32>} : memref<40x512xf32, #tpu.memory_space<vmem>>, vector<1x16xf32>,
      %swap3A_481 = vector.shape_cast %swap3A_480 : vector<1x16xf32> to vector<16xf32>
      %swap3A_482 = vector.shape_cast %add3A_477 : vector<16xf32> to vector<1x16xf32>
      tpu.vector_store %arg9[%swap3A_478, %swap3A_479], %swap3A_482 {strides = array<i32>} : memref<40x512xf32, #tpu.memory_space<vmem>>, vector<1x16xf32>,
      %get3A_483 = arith.index_cast %scan3A_50 : i32 to index
      %get3A_484 = arith.constant 496 : index
      %get3A_485 = tpu.vector_load %arg9[%get3A_483, %get3A_484] {strides = array<i32>} : memref<40x512xf32, #tpu.memory_space<vmem>>, vector<1x16xf32>,
      %get3A_486 = vector.shape_cast %get3A_485 : vector<1x16xf32> to vector<16xf32>
      %get3A_487 = arith.index_cast %scan3A_50 : i32 to index
      %get3A_488 = arith.constant 496 : index
      %get3A_489 = tpu.vector_load %arg10[%get3A_487, %get3A_488] {strides = array<i32>} : memref<40x512xf32, #tpu.memory_space<vmem>>, vector<1x16xf32>,
      %get3A_490 = vector.shape_cast %get3A_489 : vector<1x16xf32> to vector<16xf32>
      %add3A_491 = arith.addf %get3A_486, %get3A_490 : vector<16xf32>
      %swap3A_492 = arith.index_cast %scan3A_50 : i32 to index
      %swap3A_493 = arith.constant 496 : index
      %swap3A_494 = tpu.vector_load %arg9[%swap3A_492, %swap3A_493] {strides = array<i32>} : memref<40x512xf32, #tpu.memory_space<vmem>>, vector<1x16xf32>,
      %swap3A_495 = vector.shape_cast %swap3A_494 : vector<1x16xf32> to vector<16xf32>
      %swap3A_496 = vector.shape_cast %add3A_491 : vector<16xf32> to vector<1x16xf32>
      tpu.vector_store %arg9[%swap3A_492, %swap3A_493], %swap3A_496 {strides = array<i32>} : memref<40x512xf32, #tpu.memory_space<vmem>>, vector<1x16xf32>,
    }
    %scan3A_37 = arith.constant 40 : i32
    %add3A_38 = arith.constant 4960 : i32
    %add3A_39 = arith.addi %mul3A_2, %add3A_38 : i32
    %dma_start3A_40 = arith.constant 0 : i32
    %dma_start3A_41 = tpu.memref_slice %arg6[%add3A_39, %dma_start3A_40] : memref<160000x512xf32, #tpu.memory_space<hbm>> -> memref<40x512xf32, #tpu.memory_space<hbm>>
    %dma_start3A_42 = arith.constant 0 : i32
    %dma_start3A_43 = tpu.memref_slice %arg6[%add3A_39, %dma_start3A_42] : memref<160000x512xf32, #tpu.memory_space<hbm>> -> memref<40x512xf32, #tpu.memory_space<hbm>>
    tpu.enqueue_dma source(%arg9 : memref<40x512xf32, #tpu.memory_space<vmem>>) target(%dma_start3A_43 : memref<40x512xf32, #tpu.memory_space<hbm>>) target_semaphore(%arg17 : memref<!tpu.dma_semaphore, #tpu.memory_space<semaphore_mem>>)
    %add3A_44 = arith.constant 4960 : i32
    %add3A_45 = arith.addi %mul3A_2, %add3A_44 : i32
    %dma_wait3A_46 = arith.constant 0 : i32
    %dma_wait3A_47 = tpu.memref_slice %arg6[%add3A_45, %dma_wait3A_46] : memref<160000x512xf32, #tpu.memory_space<hbm>> -> memref<40x512xf32, #tpu.memory_space<hbm>>
    %dma_wait3A_48 = arith.constant 0 : i32
    %dma_wait3A_49 = tpu.memref_slice %arg6[%add3A_45, %dma_wait3A_48] : memref<160000x512xf32, #tpu.memory_space<hbm>> -> memref<40x512xf32, #tpu.memory_space<hbm>>
    tpu.wait_dma2 semaphore(%arg17 : memref<!tpu.dma_semaphore, #tpu.memory_space<semaphore_mem>>) src(%arg9 : memref<40x512xf32, #tpu.memory_space<vmem>>) dst(%dma_wait3A_49 : memref<40x512xf32, #tpu.memory_space<hbm>>)
    return
  }
}

#map = affine_map<(d0, d1) -> (0, 0)>
#map1 = affine_map<(d0, d1) -> (0)>
module attributes {stable_mosaic.version = 14 : i64} {
  func.func @_segsum_body(%arg0: i32, %arg1: i32, %arg2: memref<160000x256xf32, #tpu.memory_space<hbm>>, %arg3: memref<160000xi32, #tpu.memory_space<hbm>>, %arg4: memref<624x128xf32, #tpu.memory_space<hbm>>, %arg5: memref<10000x256xf32, #tpu.memory_space<hbm>>, %arg6: memref<10000x128xf32, #tpu.memory_space<vmem_shared>>, %arg7: memref<128x128xf32, #tpu.memory_space<vmem>>, %arg8: memref<128x128xf32, #tpu.memory_space<vmem>>, %arg9: memref<1x128xi32, #tpu.memory_space<vmem>>, %arg10: memref<1x128xi32, #tpu.memory_space<vmem>>, %arg11: memref<1x16xi32, #tpu.memory_space<vmem>>, %arg12: memref<!tpu.dma_semaphore, #tpu.memory_space<semaphore_mem>>, %arg13: memref<!tpu.dma_semaphore, #tpu.memory_space<semaphore_mem>>, %arg14: memref<!tpu.dma_semaphore, #tpu.memory_space<semaphore_mem>>, %arg15: memref<!tpu.dma_semaphore, #tpu.memory_space<semaphore_mem>>, %arg16: memref<!tpu.dma_semaphore, #tpu.memory_space<semaphore_mem>>) attributes {dimension_semantics = [#tpu.dimension_semantics<core_parallel>, #tpu.dimension_semantics<subcore_parallel>], iteration_bounds = array<i64: 2, 16>, scalar_prefetch = 0 : i64, scratch_operands = 11 : i64, tpu.core_type = #tpu.core_type<sc_vector_subcore>, window_params = [{transform_indices = #map}, {transform_indices = #map1}, {transform_indices = #map}, {transform_indices = #map}]} {
    %mul3A = arith.constant 128 : i32
    %mul3A_0 = arith.muli %arg0, %mul3A : i32
    %mul3A_1 = arith.constant 624 : i32
    %mul3A_2 = arith.muli %arg1, %mul3A_1 : i32
    %mul3A_3 = arith.constant 10000 : i32
    %mul3A_4 = arith.muli %arg1, %mul3A_3 : i32
    %add3A = arith.constant 0 : i32
    %add3A_5 = arith.addi %mul3A_4, %add3A : i32
    %dma_start3A = tpu.memref_slice %arg2[%add3A_5, %mul3A_0] : memref<160000x256xf32, #tpu.memory_space<hbm>> -> memref<128x128xf32, #tpu.memory_space<hbm>>
    %dma_start3A_6 = tpu.memref_slice %arg2[%add3A_5, %mul3A_0] : memref<160000x256xf32, #tpu.memory_space<hbm>> -> memref<128x128xf32, #tpu.memory_space<hbm>>
    tpu.enqueue_dma source(%dma_start3A_6 : memref<128x128xf32, #tpu.memory_space<hbm>>) target(%arg7 : memref<128x128xf32, #tpu.memory_space<vmem>>) target_semaphore(%arg12 : memref<!tpu.dma_semaphore, #tpu.memory_space<semaphore_mem>>)
    %dma_start3A_7 = arith.constant 0 : i32
    %dma_start3A_8 = arith.constant 0 : i32
    %dma_start3A_9 = tpu.memref_slice %arg9[%dma_start3A_7, %dma_start3A_8] : memref<1x128xi32, #tpu.memory_space<vmem>> -> memref<1x128xi32, #tpu.memory_space<vmem>>
    %dma_start3A_10 = tpu.memref_squeeze %dma_start3A_9 : memref<1x128xi32, #tpu.memory_space<vmem>> -> memref<128xi32, #tpu.memory_space<vmem>>
    %dma_start3A_11 = tpu.memref_slice %arg3[%add3A_5] : memref<160000xi32, #tpu.memory_space<hbm>> -> memref<128xi32, #tpu.memory_space<hbm>>
    %dma_start3A_12 = arith.constant 0 : i32
    %dma_start3A_13 = tpu.memref_slice %arg9[%dma_start3A_7, %dma_start3A_12] : memref<1x128xi32, #tpu.memory_space<vmem>> -> memref<1x128xi32, #tpu.memory_space<vmem>>
    %dma_start3A_14 = tpu.memref_squeeze %dma_start3A_13 : memref<1x128xi32, #tpu.memory_space<vmem>> -> memref<128xi32, #tpu.memory_space<vmem>>
    %dma_start3A_15 = tpu.memref_slice %arg3[%add3A_5] : memref<160000xi32, #tpu.memory_space<hbm>> -> memref<128xi32, #tpu.memory_space<hbm>>
    tpu.enqueue_dma source(%dma_start3A_15 : memref<128xi32, #tpu.memory_space<hbm>>) target(%dma_start3A_14 : memref<128xi32, #tpu.memory_space<vmem>>) target_semaphore(%arg14 : memref<!tpu.dma_semaphore, #tpu.memory_space<semaphore_mem>>)
    "tpu.region"() ({
      %run_scoped3A_88 = tpu.sem_alloc : memref<!tpu.dma_semaphore, #tpu.memory_space<semaphore_mem>>
      %dma_start3A_89 = arith.constant 0 : i32
      %dma_start3A_90 = tpu.memref_slice %arg6[%mul3A_2, %dma_start3A_89] : memref<10000x128xf32, #tpu.memory_space<vmem_shared>> -> memref<624x128xf32, #tpu.memory_space<vmem_shared>>
      tpu.enqueue_dma source(%arg4 : memref<624x128xf32, #tpu.memory_space<hbm>>) target(%dma_start3A_90 : memref<624x128xf32, #tpu.memory_space<vmem_shared>>) target_semaphore(%run_scoped3A_88 : memref<!tpu.dma_semaphore, #tpu.memory_space<semaphore_mem>>)
      %dma_wait3A_91 = arith.constant 0 : i32
      %dma_wait3A_92 = tpu.memref_slice %arg6[%mul3A_2, %dma_wait3A_91] : memref<10000x128xf32, #tpu.memory_space<vmem_shared>> -> memref<624x128xf32, #tpu.memory_space<vmem_shared>>
      tpu.wait_dma2 semaphore(%run_scoped3A_88 : memref<!tpu.dma_semaphore, #tpu.memory_space<semaphore_mem>>) src(%arg4 : memref<624x128xf32, #tpu.memory_space<hbm>>) dst(%dma_wait3A_92 : memref<624x128xf32, #tpu.memory_space<vmem_shared>>)
      tpu.yield
    }) : () -> ()
    %eq3A = arith.constant 15 : i32
    %eq3A_16 = arith.cmpi eq, %arg1, %eq3A : i32
    %convert_element_type3A = arith.extui %eq3A_16 : i1 to i32
    %cond3A = arith.constant 0 : i32
    %cond3A_17 = arith.cmpi ne, %convert_element_type3A, %cond3A : i32
    scf.if %cond3A_17 {
      "tpu.region"() ({
        %run_scoped3A_88 = tpu.sem_alloc : memref<!tpu.dma_semaphore, #tpu.memory_space<semaphore_mem>>
        %dma_start3A_89 = arith.constant 9984 : i32
        %dma_start3A_90 = arith.constant 0 : i32
        %dma_start3A_91 = tpu.memref_slice %arg6[%dma_start3A_89, %dma_start3A_90] : memref<10000x128xf32, #tpu.memory_space<vmem_shared>> -> memref<16x128xf32, #tpu.memory_space<vmem_shared>>
        %dma_start3A_92 = arith.constant 0 : i32
        %dma_start3A_93 = arith.constant 0 : i32
        %dma_start3A_94 = tpu.memref_slice %arg4[%dma_start3A_92, %dma_start3A_93] : memref<624x128xf32, #tpu.memory_space<hbm>> -> memref<16x128xf32, #tpu.memory_space<hbm>>
        tpu.enqueue_dma source(%dma_start3A_94 : memref<16x128xf32, #tpu.memory_space<hbm>>) target(%dma_start3A_91 : memref<16x128xf32, #tpu.memory_space<vmem_shared>>) target_semaphore(%run_scoped3A_88 : memref<!tpu.dma_semaphore, #tpu.memory_space<semaphore_mem>>)
        %dma_wait3A_95 = arith.constant 9984 : i32
        %dma_wait3A_96 = arith.constant 0 : i32
        %dma_wait3A_97 = tpu.memref_slice %arg6[%dma_wait3A_95, %dma_wait3A_96] : memref<10000x128xf32, #tpu.memory_space<vmem_shared>> -> memref<16x128xf32, #tpu.memory_space<vmem_shared>>
        %dma_wait3A_98 = arith.constant 0 : i32
        %dma_wait3A_99 = arith.constant 0 : i32
        %dma_wait3A_100 = tpu.memref_slice %arg4[%dma_wait3A_98, %dma_wait3A_99] : memref<624x128xf32, #tpu.memory_space<hbm>> -> memref<16x128xf32, #tpu.memory_space<hbm>>
        tpu.wait_dma2 semaphore(%run_scoped3A_88 : memref<!tpu.dma_semaphore, #tpu.memory_space<semaphore_mem>>) src(%dma_wait3A_100 : memref<16x128xf32, #tpu.memory_space<hbm>>) dst(%dma_wait3A_97 : memref<16x128xf32, #tpu.memory_space<vmem_shared>>)
        tpu.yield
      }) : () -> ()
    } else {
    }
    %barrier3A = arith.constant 0 : index
    tpu.barrier barrier_id(%barrier3A)
    %scan3A = arith.constant 0 : i32
    %scan3A_18 = arith.constant 0 : i32
    %scan3A_19 = arith.constant 38 : i32
    %scan3A_20 = arith.addi %scan3A_18, %scan3A_19 : i32
    %scan3A_21 = arith.constant 1 : i32
    scf.for %scan3A_88 = %scan3A_18 to %scan3A_20 step %scan3A_21  : i32 {
      %mul3A_89 = arith.constant 2 : i32
      %mul3A_90 = arith.muli %mul3A_89, %scan3A_88 : i32
      %mul3A_91 = arith.constant 128 : i32
      %mul3A_92 = arith.muli %mul3A_90, %mul3A_91 : i32
      %add3A_93 = arith.constant 128 : i32
      %add3A_94 = arith.addi %mul3A_92, %add3A_93 : i32
      %add3A_95 = arith.addi %mul3A_4, %add3A_94 : i32
      %dma_start3A_96 = tpu.memref_slice %arg2[%add3A_95, %mul3A_0] : memref<160000x256xf32, #tpu.memory_space<hbm>> -> memref<128x128xf32, #tpu.memory_space<hbm>>
      %dma_start3A_97 = tpu.memref_slice %arg2[%add3A_95, %mul3A_0] : memref<160000x256xf32, #tpu.memory_space<hbm>> -> memref<128x128xf32, #tpu.memory_space<hbm>>
      tpu.enqueue_dma source(%dma_start3A_97 : memref<128x128xf32, #tpu.memory_space<hbm>>) target(%arg8 : memref<128x128xf32, #tpu.memory_space<vmem>>) target_semaphore(%arg13 : memref<!tpu.dma_semaphore, #tpu.memory_space<semaphore_mem>>)
      %dma_start3A_98 = arith.constant 0 : i32
      %dma_start3A_99 = arith.constant 0 : i32
      %dma_start3A_100 = tpu.memref_slice %arg10[%dma_start3A_98, %dma_start3A_99] : memref<1x128xi32, #tpu.memory_space<vmem>> -> memref<1x128xi32, #tpu.memory_space<vmem>>
      %dma_start3A_101 = tpu.memref_squeeze %dma_start3A_100 : memref<1x128xi32, #tpu.memory_space<vmem>> -> memref<128xi32, #tpu.memory_space<vmem>>
      %dma_start3A_102 = tpu.memref_slice %arg3[%add3A_95] : memref<160000xi32, #tpu.memory_space<hbm>> -> memref<128xi32, #tpu.memory_space<hbm>>
      %dma_start3A_103 = arith.constant 0 : i32
      %dma_start3A_104 = tpu.memref_slice %arg10[%dma_start3A_98, %dma_start3A_103] : memref<1x128xi32, #tpu.memory_space<vmem>> -> memref<1x128xi32, #tpu.memory_space<vmem>>
      %dma_start3A_105 = tpu.memref_squeeze %dma_start3A_104 : memref<1x128xi32, #tpu.memory_space<vmem>> -> memref<128xi32, #tpu.memory_space<vmem>>
      %dma_start3A_106 = tpu.memref_slice %arg3[%add3A_95] : memref<160000xi32, #tpu.memory_space<hbm>> -> memref<128xi32, #tpu.memory_space<hbm>>
      tpu.enqueue_dma source(%dma_start3A_106 : memref<128xi32, #tpu.memory_space<hbm>>) target(%dma_start3A_105 : memref<128xi32, #tpu.memory_space<vmem>>) target_semaphore(%arg15 : memref<!tpu.dma_semaphore, #tpu.memory_space<semaphore_mem>>)
      %add3A_107 = arith.addi %mul3A_4, %mul3A_92 : i32
      %dma_wait3A_108 = tpu.memref_slice %arg2[%add3A_107, %mul3A_0] : memref<160000x256xf32, #tpu.memory_space<hbm>> -> memref<128x128xf32, #tpu.memory_space<hbm>>
      %dma_wait3A_109 = tpu.memref_slice %arg2[%add3A_107, %mul3A_0] : memref<160000x256xf32, #tpu.memory_space<hbm>> -> memref<128x128xf32, #tpu.memory_space<hbm>>
      tpu.wait_dma2 semaphore(%arg12 : memref<!tpu.dma_semaphore, #tpu.memory_space<semaphore_mem>>) src(%dma_wait3A_109 : memref<128x128xf32, #tpu.memory_space<hbm>>) dst(%arg7 : memref<128x128xf32, #tpu.memory_space<vmem>>)
      %dma_wait3A_110 = arith.constant 0 : i32
      %dma_wait3A_111 = arith.constant 0 : i32
      %dma_wait3A_112 = tpu.memref_slice %arg9[%dma_wait3A_110, %dma_wait3A_111] : memref<1x128xi32, #tpu.memory_space<vmem>> -> memref<1x128xi32, #tpu.memory_space<vmem>>
      %dma_wait3A_113 = tpu.memref_squeeze %dma_wait3A_112 : memref<1x128xi32, #tpu.memory_space<vmem>> -> memref<128xi32, #tpu.memory_space<vmem>>
      %dma_wait3A_114 = tpu.memref_slice %arg3[%add3A_107] : memref<160000xi32, #tpu.memory_space<hbm>> -> memref<128xi32, #tpu.memory_space<hbm>>
      %dma_wait3A_115 = arith.constant 0 : i32
      %dma_wait3A_116 = tpu.memref_slice %arg9[%dma_wait3A_110, %dma_wait3A_115] : memref<1x128xi32, #tpu.memory_space<vmem>> -> memref<1x128xi32, #tpu.memory_space<vmem>>
      %dma_wait3A_117 = tpu.memref_squeeze %dma_wait3A_116 : memref<1x128xi32, #tpu.memory_space<vmem>> -> memref<128xi32, #tpu.memory_space<vmem>>
      %dma_wait3A_118 = tpu.memref_slice %arg3[%add3A_107] : memref<160000xi32, #tpu.memory_space<hbm>> -> memref<128xi32, #tpu.memory_space<hbm>>
      tpu.wait_dma2 semaphore(%arg14 : memref<!tpu.dma_semaphore, #tpu.memory_space<semaphore_mem>>) src(%dma_wait3A_118 : memref<128xi32, #tpu.memory_space<hbm>>) dst(%dma_wait3A_117 : memref<128xi32, #tpu.memory_space<vmem>>)
      %run_scoped3A_119 = arith.constant 0 : i32
      "tpu.region"() ({
        %run_scoped3A_153 = tpu.sem_alloc : memref<!tpu.dma_semaphore, #tpu.memory_space<semaphore_mem>>
        %dma_start3A_154 = arith.constant 0 : i32
        %dma_start3A_155 = tpu.memref_slice %arg9[%run_scoped3A_119, %dma_start3A_154] : memref<1x128xi32, #tpu.memory_space<vmem>> -> memref<1x128xi32, #tpu.memory_space<vmem>>
        %dma_start3A_156 = tpu.memref_squeeze %dma_start3A_155 : memref<1x128xi32, #tpu.memory_space<vmem>> -> memref<128xi32, #tpu.memory_space<vmem>>
        %dma_start3A_157 = arith.constant 0 : i32
        %dma_start3A_158 = arith.constant 0 : i32
        %dma_start3A_159 = tpu.memref_slice %arg6[%dma_start3A_157, %dma_start3A_158] : memref<10000x128xf32, #tpu.memory_space<vmem_shared>> -> memref<10000x128xf32, #tpu.memory_space<vmem_shared>>
        tpu.enqueue_indirect_dma source(%arg7 : memref<128x128xf32, #tpu.memory_space<vmem>>) target(%dma_start3A_159 : memref<10000x128xf32, #tpu.memory_space<vmem_shared>>) offsets(%dma_start3A_156 : memref<128xi32, #tpu.memory_space<vmem>>) semaphore(%run_scoped3A_153 : memref<!tpu.dma_semaphore, #tpu.memory_space<semaphore_mem>>) {add = true}
        %dma_wait3A_160 = arith.constant 0 : i32
        %dma_wait3A_161 = tpu.memref_slice %arg9[%run_scoped3A_119, %dma_wait3A_160] : memref<1x128xi32, #tpu.memory_space<vmem>> -> memref<1x128xi32, #tpu.memory_space<vmem>>
        %dma_wait3A_162 = tpu.memref_squeeze %dma_wait3A_161 : memref<1x128xi32, #tpu.memory_space<vmem>> -> memref<128xi32, #tpu.memory_space<vmem>>
        %dma_wait3A_163 = arith.constant 0 : i32
        %dma_wait3A_164 = arith.constant 0 : i32
        %dma_wait3A_165 = tpu.memref_slice %arg6[%dma_wait3A_163, %dma_wait3A_164] : memref<10000x128xf32, #tpu.memory_space<vmem_shared>> -> memref<10000x128xf32, #tpu.memory_space<vmem_shared>>
        tpu.wait_indirect_dma semaphore(%run_scoped3A_153 : memref<!tpu.dma_semaphore, #tpu.memory_space<semaphore_mem>>) src(%arg7 : memref<128x128xf32, #tpu.memory_space<vmem>>) dst(%dma_wait3A_165 : memref<10000x128xf32, #tpu.memory_space<vmem_shared>>)
        tpu.yield
      }) : () -> ()
      %mul3A_120 = arith.constant 2 : i32
      %mul3A_121 = arith.muli %mul3A_120, %scan3A_88 : i32
      %add3A_122 = arith.constant 1 : i32
      %add3A_123 = arith.addi %mul3A_121, %add3A_122 : i32
      %mul3A_124 = arith.constant 128 : i32
      %mul3A_125 = arith.muli %add3A_123, %mul3A_124 : i32
      %add3A_126 = arith.constant 128 : i32
      %add3A_127 = arith.addi %mul3A_125, %add3A_126 : i32
      %add3A_128 = arith.addi %mul3A_4, %add3A_127 : i32
      %dma_start3A_129 = tpu.memref_slice %arg2[%add3A_128, %mul3A_0] : memref<160000x256xf32, #tpu.memory_space<hbm>> -> memref<128x128xf32, #tpu.memory_space<hbm>>
      %dma_start3A_130 = tpu.memref_slice %arg2[%add3A_128, %mul3A_0] : memref<160000x256xf32, #tpu.memory_space<hbm>> -> memref<128x128xf32, #tpu.memory_space<hbm>>
      tpu.enqueue_dma source(%dma_start3A_130 : memref<128x128xf32, #tpu.memory_space<hbm>>) target(%arg7 : memref<128x128xf32, #tpu.memory_space<vmem>>) target_semaphore(%arg12 : memref<!tpu.dma_semaphore, #tpu.memory_space<semaphore_mem>>)
      %dma_start3A_131 = arith.constant 0 : i32
      %dma_start3A_132 = arith.constant 0 : i32
      %dma_start3A_133 = tpu.memref_slice %arg9[%dma_start3A_131, %dma_start3A_132] : memref<1x128xi32, #tpu.memory_space<vmem>> -> memref<1x128xi32, #tpu.memory_space<vmem>>
      %dma_start3A_134 = tpu.memref_squeeze %dma_start3A_133 : memref<1x128xi32, #tpu.memory_space<vmem>> -> memref<128xi32, #tpu.memory_space<vmem>>
      %dma_start3A_135 = tpu.memref_slice %arg3[%add3A_128] : memref<160000xi32, #tpu.memory_space<hbm>> -> memref<128xi32, #tpu.memory_space<hbm>>
      %dma_start3A_136 = arith.constant 0 : i32
      %dma_start3A_137 = tpu.memref_slice %arg9[%dma_start3A_131, %dma_start3A_136] : memref<1x128xi32, #tpu.memory_space<vmem>> -> memref<1x128xi32, #tpu.memory_space<vmem>>
      %dma_start3A_138 = tpu.memref_squeeze %dma_start3A_137 : memref<1x128xi32, #tpu.memory_space<vmem>> -> memref<128xi32, #tpu.memory_space<vmem>>
      %dma_start3A_139 = tpu.memref_slice %arg3[%add3A_128] : memref<160000xi32, #tpu.memory_space<hbm>> -> memref<128xi32, #tpu.memory_space<hbm>>
      tpu.enqueue_dma source(%dma_start3A_139 : memref<128xi32, #tpu.memory_space<hbm>>) target(%dma_start3A_138 : memref<128xi32, #tpu.memory_space<vmem>>) target_semaphore(%arg14 : memref<!tpu.dma_semaphore, #tpu.memory_space<semaphore_mem>>)
      %add3A_140 = arith.addi %mul3A_4, %mul3A_125 : i32
      %dma_wait3A_141 = tpu.memref_slice %arg2[%add3A_140, %mul3A_0] : memref<160000x256xf32, #tpu.memory_space<hbm>> -> memref<128x128xf32, #tpu.memory_space<hbm>>
      %dma_wait3A_142 = tpu.memref_slice %arg2[%add3A_140, %mul3A_0] : memref<160000x256xf32, #tpu.memory_space<hbm>> -> memref<128x128xf32, #tpu.memory_space<hbm>>
      tpu.wait_dma2 semaphore(%arg13 : memref<!tpu.dma_semaphore, #tpu.memory_space<semaphore_mem>>) src(%dma_wait3A_142 : memref<128x128xf32, #tpu.memory_space<hbm>>) dst(%arg8 : memref<128x128xf32, #tpu.memory_space<vmem>>)
      %dma_wait3A_143 = arith.constant 0 : i32
      %dma_wait3A_144 = arith.constant 0 : i32
      %dma_wait3A_145 = tpu.memref_slice %arg10[%dma_wait3A_143, %dma_wait3A_144] : memref<1x128xi32, #tpu.memory_space<vmem>> -> memref<1x128xi32, #tpu.memory_space<vmem>>
      %dma_wait3A_146 = tpu.memref_squeeze %dma_wait3A_145 : memref<1x128xi32, #tpu.memory_space<vmem>> -> memref<128xi32, #tpu.memory_space<vmem>>
      %dma_wait3A_147 = tpu.memref_slice %arg3[%add3A_140] : memref<160000xi32, #tpu.memory_space<hbm>> -> memref<128xi32, #tpu.memory_space<hbm>>
      %dma_wait3A_148 = arith.constant 0 : i32
      %dma_wait3A_149 = tpu.memref_slice %arg10[%dma_wait3A_143, %dma_wait3A_148] : memref<1x128xi32, #tpu.memory_space<vmem>> -> memref<1x128xi32, #tpu.memory_space<vmem>>
      %dma_wait3A_150 = tpu.memref_squeeze %dma_wait3A_149 : memref<1x128xi32, #tpu.memory_space<vmem>> -> memref<128xi32, #tpu.memory_space<vmem>>
      %dma_wait3A_151 = tpu.memref_slice %arg3[%add3A_140] : memref<160000xi32, #tpu.memory_space<hbm>> -> memref<128xi32, #tpu.memory_space<hbm>>
      tpu.wait_dma2 semaphore(%arg15 : memref<!tpu.dma_semaphore, #tpu.memory_space<semaphore_mem>>) src(%dma_wait3A_151 : memref<128xi32, #tpu.memory_space<hbm>>) dst(%dma_wait3A_150 : memref<128xi32, #tpu.memory_space<vmem>>)
      %run_scoped3A_152 = arith.constant 0 : i32
      "tpu.region"() ({
        %run_scoped3A_153 = tpu.sem_alloc : memref<!tpu.dma_semaphore, #tpu.memory_space<semaphore_mem>>
        %dma_start3A_154 = arith.constant 0 : i32
        %dma_start3A_155 = tpu.memref_slice %arg10[%run_scoped3A_152, %dma_start3A_154] : memref<1x128xi32, #tpu.memory_space<vmem>> -> memref<1x128xi32, #tpu.memory_space<vmem>>
        %dma_start3A_156 = tpu.memref_squeeze %dma_start3A_155 : memref<1x128xi32, #tpu.memory_space<vmem>> -> memref<128xi32, #tpu.memory_space<vmem>>
        %dma_start3A_157 = arith.constant 0 : i32
        %dma_start3A_158 = arith.constant 0 : i32
        %dma_start3A_159 = tpu.memref_slice %arg6[%dma_start3A_157, %dma_start3A_158] : memref<10000x128xf32, #tpu.memory_space<vmem_shared>> -> memref<10000x128xf32, #tpu.memory_space<vmem_shared>>
        tpu.enqueue_indirect_dma source(%arg8 : memref<128x128xf32, #tpu.memory_space<vmem>>) target(%dma_start3A_159 : memref<10000x128xf32, #tpu.memory_space<vmem_shared>>) offsets(%dma_start3A_156 : memref<128xi32, #tpu.memory_space<vmem>>) semaphore(%run_scoped3A_153 : memref<!tpu.dma_semaphore, #tpu.memory_space<semaphore_mem>>) {add = true}
        %dma_wait3A_160 = arith.constant 0 : i32
        %dma_wait3A_161 = tpu.memref_slice %arg10[%run_scoped3A_152, %dma_wait3A_160] : memref<1x128xi32, #tpu.memory_space<vmem>> -> memref<1x128xi32, #tpu.memory_space<vmem>>
        %dma_wait3A_162 = tpu.memref_squeeze %dma_wait3A_161 : memref<1x128xi32, #tpu.memory_space<vmem>> -> memref<128xi32, #tpu.memory_space<vmem>>
        %dma_wait3A_163 = arith.constant 0 : i32
        %dma_wait3A_164 = arith.constant 0 : i32
        %dma_wait3A_165 = tpu.memref_slice %arg6[%dma_wait3A_163, %dma_wait3A_164] : memref<10000x128xf32, #tpu.memory_space<vmem_shared>> -> memref<10000x128xf32, #tpu.memory_space<vmem_shared>>
        tpu.wait_indirect_dma semaphore(%run_scoped3A_153 : memref<!tpu.dma_semaphore, #tpu.memory_space<semaphore_mem>>) src(%arg8 : memref<128x128xf32, #tpu.memory_space<vmem>>) dst(%dma_wait3A_165 : memref<10000x128xf32, #tpu.memory_space<vmem_shared>>)
        tpu.yield
      }) : () -> ()
    }
    %scan3A_22 = arith.constant 38 : i32
    %add3A_23 = arith.constant 9856 : i32
    %add3A_24 = arith.addi %mul3A_4, %add3A_23 : i32
    %dma_start3A_25 = tpu.memref_slice %arg2[%add3A_24, %mul3A_0] : memref<160000x256xf32, #tpu.memory_space<hbm>> -> memref<128x128xf32, #tpu.memory_space<hbm>>
    %dma_start3A_26 = tpu.memref_slice %arg2[%add3A_24, %mul3A_0] : memref<160000x256xf32, #tpu.memory_space<hbm>> -> memref<128x128xf32, #tpu.memory_space<hbm>>
    tpu.enqueue_dma source(%dma_start3A_26 : memref<128x128xf32, #tpu.memory_space<hbm>>) target(%arg8 : memref<128x128xf32, #tpu.memory_space<vmem>>) target_semaphore(%arg13 : memref<!tpu.dma_semaphore, #tpu.memory_space<semaphore_mem>>)
    %dma_start3A_27 = arith.constant 0 : i32
    %dma_start3A_28 = arith.constant 0 : i32
    %dma_start3A_29 = tpu.memref_slice %arg10[%dma_start3A_27, %dma_start3A_28] : memref<1x128xi32, #tpu.memory_space<vmem>> -> memref<1x128xi32, #tpu.memory_space<vmem>>
    %dma_start3A_30 = tpu.memref_squeeze %dma_start3A_29 : memref<1x128xi32, #tpu.memory_space<vmem>> -> memref<128xi32, #tpu.memory_space<vmem>>
    %dma_start3A_31 = tpu.memref_slice %arg3[%add3A_24] : memref<160000xi32, #tpu.memory_space<hbm>> -> memref<128xi32, #tpu.memory_space<hbm>>
    %dma_start3A_32 = arith.constant 0 : i32
    %dma_start3A_33 = tpu.memref_slice %arg10[%dma_start3A_27, %dma_start3A_32] : memref<1x128xi32, #tpu.memory_space<vmem>> -> memref<1x128xi32, #tpu.memory_space<vmem>>
    %dma_start3A_34 = tpu.memref_squeeze %dma_start3A_33 : memref<1x128xi32, #tpu.memory_space<vmem>> -> memref<128xi32, #tpu.memory_space<vmem>>
    %dma_start3A_35 = tpu.memref_slice %arg3[%add3A_24] : memref<160000xi32, #tpu.memory_space<hbm>> -> memref<128xi32, #tpu.memory_space<hbm>>
    tpu.enqueue_dma source(%dma_start3A_35 : memref<128xi32, #tpu.memory_space<hbm>>) target(%dma_start3A_34 : memref<128xi32, #tpu.memory_space<vmem>>) target_semaphore(%arg15 : memref<!tpu.dma_semaphore, #tpu.memory_space<semaphore_mem>>)
    %add3A_36 = arith.constant 9728 : i32
    %add3A_37 = arith.addi %mul3A_4, %add3A_36 : i32
    %dma_wait3A = tpu.memref_slice %arg2[%add3A_37, %mul3A_0] : memref<160000x256xf32, #tpu.memory_space<hbm>> -> memref<128x128xf32, #tpu.memory_space<hbm>>
    %dma_wait3A_38 = tpu.memref_slice %arg2[%add3A_37, %mul3A_0] : memref<160000x256xf32, #tpu.memory_space<hbm>> -> memref<128x128xf32, #tpu.memory_space<hbm>>
    tpu.wait_dma2 semaphore(%arg12 : memref<!tpu.dma_semaphore, #tpu.memory_space<semaphore_mem>>) src(%dma_wait3A_38 : memref<128x128xf32, #tpu.memory_space<hbm>>) dst(%arg7 : memref<128x128xf32, #tpu.memory_space<vmem>>)
    %dma_wait3A_39 = arith.constant 0 : i32
    %dma_wait3A_40 = arith.constant 0 : i32
    %dma_wait3A_41 = tpu.memref_slice %arg9[%dma_wait3A_39, %dma_wait3A_40] : memref<1x128xi32, #tpu.memory_space<vmem>> -> memref<1x128xi32, #tpu.memory_space<vmem>>
    %dma_wait3A_42 = tpu.memref_squeeze %dma_wait3A_41 : memref<1x128xi32, #tpu.memory_space<vmem>> -> memref<128xi32, #tpu.memory_space<vmem>>
    %dma_wait3A_43 = tpu.memref_slice %arg3[%add3A_37] : memref<160000xi32, #tpu.memory_space<hbm>> -> memref<128xi32, #tpu.memory_space<hbm>>
    %dma_wait3A_44 = arith.constant 0 : i32
    %dma_wait3A_45 = tpu.memref_slice %arg9[%dma_wait3A_39, %dma_wait3A_44] : memref<1x128xi32, #tpu.memory_space<vmem>> -> memref<1x128xi32, #tpu.memory_space<vmem>>
    %dma_wait3A_46 = tpu.memref_squeeze %dma_wait3A_45 : memref<1x128xi32, #tpu.memory_space<vmem>> -> memref<128xi32, #tpu.memory_space<vmem>>
    %dma_wait3A_47 = tpu.memref_slice %arg3[%add3A_37] : memref<160000xi32, #tpu.memory_space<hbm>> -> memref<128xi32, #tpu.memory_space<hbm>>
    tpu.wait_dma2 semaphore(%arg14 : memref<!tpu.dma_semaphore, #tpu.memory_space<semaphore_mem>>) src(%dma_wait3A_47 : memref<128xi32, #tpu.memory_space<hbm>>) dst(%dma_wait3A_46 : memref<128xi32, #tpu.memory_space<vmem>>)
    %run_scoped3A = arith.constant 0 : i32
    "tpu.region"() ({
      %run_scoped3A_88 = tpu.sem_alloc : memref<!tpu.dma_semaphore, #tpu.memory_space<semaphore_mem>>
      %dma_start3A_89 = arith.constant 0 : i32
      %dma_start3A_90 = tpu.memref_slice %arg9[%run_scoped3A, %dma_start3A_89] : memref<1x128xi32, #tpu.memory_space<vmem>> -> memref<1x128xi32, #tpu.memory_space<vmem>>
      %dma_start3A_91 = tpu.memref_squeeze %dma_start3A_90 : memref<1x128xi32, #tpu.memory_space<vmem>> -> memref<128xi32, #tpu.memory_space<vmem>>
      %dma_start3A_92 = arith.constant 0 : i32
      %dma_start3A_93 = arith.constant 0 : i32
      %dma_start3A_94 = tpu.memref_slice %arg6[%dma_start3A_92, %dma_start3A_93] : memref<10000x128xf32, #tpu.memory_space<vmem_shared>> -> memref<10000x128xf32, #tpu.memory_space<vmem_shared>>
      tpu.enqueue_indirect_dma source(%arg7 : memref<128x128xf32, #tpu.memory_space<vmem>>) target(%dma_start3A_94 : memref<10000x128xf32, #tpu.memory_space<vmem_shared>>) offsets(%dma_start3A_91 : memref<128xi32, #tpu.memory_space<vmem>>) semaphore(%run_scoped3A_88 : memref<!tpu.dma_semaphore, #tpu.memory_space<semaphore_mem>>) {add = true}
      %dma_wait3A_95 = arith.constant 0 : i32
      %dma_wait3A_96 = tpu.memref_slice %arg9[%run_scoped3A, %dma_wait3A_95] : memref<1x128xi32, #tpu.memory_space<vmem>> -> memref<1x128xi32, #tpu.memory_space<vmem>>
      %dma_wait3A_97 = tpu.memref_squeeze %dma_wait3A_96 : memref<1x128xi32, #tpu.memory_space<vmem>> -> memref<128xi32, #tpu.memory_space<vmem>>
      %dma_wait3A_98 = arith.constant 0 : i32
      %dma_wait3A_99 = arith.constant 0 : i32
      %dma_wait3A_100 = tpu.memref_slice %arg6[%dma_wait3A_98, %dma_wait3A_99] : memref<10000x128xf32, #tpu.memory_space<vmem_shared>> -> memref<10000x128xf32, #tpu.memory_space<vmem_shared>>
      tpu.wait_indirect_dma semaphore(%run_scoped3A_88 : memref<!tpu.dma_semaphore, #tpu.memory_space<semaphore_mem>>) src(%arg7 : memref<128x128xf32, #tpu.memory_space<vmem>>) dst(%dma_wait3A_100 : memref<10000x128xf32, #tpu.memory_space<vmem_shared>>)
      tpu.yield
    }) : () -> ()
    %add3A_48 = arith.constant 9856 : i32
    %add3A_49 = arith.addi %mul3A_4, %add3A_48 : i32
    %dma_wait3A_50 = tpu.memref_slice %arg2[%add3A_49, %mul3A_0] : memref<160000x256xf32, #tpu.memory_space<hbm>> -> memref<128x128xf32, #tpu.memory_space<hbm>>
    %dma_wait3A_51 = tpu.memref_slice %arg2[%add3A_49, %mul3A_0] : memref<160000x256xf32, #tpu.memory_space<hbm>> -> memref<128x128xf32, #tpu.memory_space<hbm>>
    tpu.wait_dma2 semaphore(%arg13 : memref<!tpu.dma_semaphore, #tpu.memory_space<semaphore_mem>>) src(%dma_wait3A_51 : memref<128x128xf32, #tpu.memory_space<hbm>>) dst(%arg8 : memref<128x128xf32, #tpu.memory_space<vmem>>)
    %dma_wait3A_52 = arith.constant 0 : i32
    %dma_wait3A_53 = arith.constant 0 : i32
    %dma_wait3A_54 = tpu.memref_slice %arg10[%dma_wait3A_52, %dma_wait3A_53] : memref<1x128xi32, #tpu.memory_space<vmem>> -> memref<1x128xi32, #tpu.memory_space<vmem>>
    %dma_wait3A_55 = tpu.memref_squeeze %dma_wait3A_54 : memref<1x128xi32, #tpu.memory_space<vmem>> -> memref<128xi32, #tpu.memory_space<vmem>>
    %dma_wait3A_56 = tpu.memref_slice %arg3[%add3A_49] : memref<160000xi32, #tpu.memory_space<hbm>> -> memref<128xi32, #tpu.memory_space<hbm>>
    %dma_wait3A_57 = arith.constant 0 : i32
    %dma_wait3A_58 = tpu.memref_slice %arg10[%dma_wait3A_52, %dma_wait3A_57] : memref<1x128xi32, #tpu.memory_space<vmem>> -> memref<1x128xi32, #tpu.memory_space<vmem>>
    %dma_wait3A_59 = tpu.memref_squeeze %dma_wait3A_58 : memref<1x128xi32, #tpu.memory_space<vmem>> -> memref<128xi32, #tpu.memory_space<vmem>>
    %dma_wait3A_60 = tpu.memref_slice %arg3[%add3A_49] : memref<160000xi32, #tpu.memory_space<hbm>> -> memref<128xi32, #tpu.memory_space<hbm>>
    tpu.wait_dma2 semaphore(%arg15 : memref<!tpu.dma_semaphore, #tpu.memory_space<semaphore_mem>>) src(%dma_wait3A_60 : memref<128xi32, #tpu.memory_space<hbm>>) dst(%dma_wait3A_59 : memref<128xi32, #tpu.memory_space<vmem>>)
    %run_scoped3A_61 = arith.constant 0 : i32
    "tpu.region"() ({
      %run_scoped3A_88 = tpu.sem_alloc : memref<!tpu.dma_semaphore, #tpu.memory_space<semaphore_mem>>
      %dma_start3A_89 = arith.constant 0 : i32
      %dma_start3A_90 = tpu.memref_slice %arg10[%run_scoped3A_61, %dma_start3A_89] : memref<1x128xi32, #tpu.memory_space<vmem>> -> memref<1x128xi32, #tpu.memory_space<vmem>>
      %dma_start3A_91 = tpu.memref_squeeze %dma_start3A_90 : memref<1x128xi32, #tpu.memory_space<vmem>> -> memref<128xi32, #tpu.memory_space<vmem>>
      %dma_start3A_92 = arith.constant 0 : i32
      %dma_start3A_93 = arith.constant 0 : i32
      %dma_start3A_94 = tpu.memref_slice %arg6[%dma_start3A_92, %dma_start3A_93] : memref<10000x128xf32, #tpu.memory_space<vmem_shared>> -> memref<10000x128xf32, #tpu.memory_space<vmem_shared>>
      tpu.enqueue_indirect_dma source(%arg8 : memref<128x128xf32, #tpu.memory_space<vmem>>) target(%dma_start3A_94 : memref<10000x128xf32, #tpu.memory_space<vmem_shared>>) offsets(%dma_start3A_91 : memref<128xi32, #tpu.memory_space<vmem>>) semaphore(%run_scoped3A_88 : memref<!tpu.dma_semaphore, #tpu.memory_space<semaphore_mem>>) {add = true}
      %dma_wait3A_95 = arith.constant 0 : i32
      %dma_wait3A_96 = tpu.memref_slice %arg10[%run_scoped3A_61, %dma_wait3A_95] : memref<1x128xi32, #tpu.memory_space<vmem>> -> memref<1x128xi32, #tpu.memory_space<vmem>>
      %dma_wait3A_97 = tpu.memref_squeeze %dma_wait3A_96 : memref<1x128xi32, #tpu.memory_space<vmem>> -> memref<128xi32, #tpu.memory_space<vmem>>
      %dma_wait3A_98 = arith.constant 0 : i32
      %dma_wait3A_99 = arith.constant 0 : i32
      %dma_wait3A_100 = tpu.memref_slice %arg6[%dma_wait3A_98, %dma_wait3A_99] : memref<10000x128xf32, #tpu.memory_space<vmem_shared>> -> memref<10000x128xf32, #tpu.memory_space<vmem_shared>>
      tpu.wait_indirect_dma semaphore(%run_scoped3A_88 : memref<!tpu.dma_semaphore, #tpu.memory_space<semaphore_mem>>) src(%arg8 : memref<128x128xf32, #tpu.memory_space<vmem>>) dst(%dma_wait3A_100 : memref<10000x128xf32, #tpu.memory_space<vmem_shared>>)
      tpu.yield
    }) : () -> ()
    %add3A_62 = arith.constant 9984 : i32
    %add3A_63 = arith.addi %mul3A_4, %add3A_62 : i32
    %run_scoped3A_64 = arith.constant 0 : i32
    "tpu.region"() ({
      %run_scoped3A_88 = tpu.sem_alloc : memref<!tpu.dma_semaphore, #tpu.memory_space<semaphore_mem>>
      %dma_start3A_89 = arith.constant 0 : i32
      %dma_start3A_90 = tpu.memref_slice %arg11[%run_scoped3A_64, %dma_start3A_89] : memref<1x16xi32, #tpu.memory_space<vmem>> -> memref<1x16xi32, #tpu.memory_space<vmem>>
      %dma_start3A_91 = tpu.memref_squeeze %dma_start3A_90 : memref<1x16xi32, #tpu.memory_space<vmem>> -> memref<16xi32, #tpu.memory_space<vmem>>
      %dma_start3A_92 = tpu.memref_slice %arg3[%add3A_63] : memref<160000xi32, #tpu.memory_space<hbm>> -> memref<16xi32, #tpu.memory_space<hbm>>
      %dma_start3A_93 = arith.constant 0 : i32
      %dma_start3A_94 = tpu.memref_slice %arg11[%run_scoped3A_64, %dma_start3A_93] : memref<1x16xi32, #tpu.memory_space<vmem>> -> memref<1x16xi32, #tpu.memory_space<vmem>>
      %dma_start3A_95 = tpu.memref_squeeze %dma_start3A_94 : memref<1x16xi32, #tpu.memory_space<vmem>> -> memref<16xi32, #tpu.memory_space<vmem>>
      %dma_start3A_96 = tpu.memref_slice %arg3[%add3A_63] : memref<160000xi32, #tpu.memory_space<hbm>> -> memref<16xi32, #tpu.memory_space<hbm>>
      tpu.enqueue_dma source(%dma_start3A_96 : memref<16xi32, #tpu.memory_space<hbm>>) target(%dma_start3A_95 : memref<16xi32, #tpu.memory_space<vmem>>) target_semaphore(%run_scoped3A_88 : memref<!tpu.dma_semaphore, #tpu.memory_space<semaphore_mem>>)
      %dma_wait3A_97 = arith.constant 0 : i32
      %dma_wait3A_98 = tpu.memref_slice %arg11[%run_scoped3A_64, %dma_wait3A_97] : memref<1x16xi32, #tpu.memory_space<vmem>> -> memref<1x16xi32, #tpu.memory_space<vmem>>
      %dma_wait3A_99 = tpu.memref_squeeze %dma_wait3A_98 : memref<1x16xi32, #tpu.memory_space<vmem>> -> memref<16xi32, #tpu.memory_space<vmem>>
      %dma_wait3A_100 = tpu.memref_slice %arg3[%add3A_63] : memref<160000xi32, #tpu.memory_space<hbm>> -> memref<16xi32, #tpu.memory_space<hbm>>
      %dma_wait3A_101 = arith.constant 0 : i32
      %dma_wait3A_102 = tpu.memref_slice %arg11[%run_scoped3A_64, %dma_wait3A_101] : memref<1x16xi32, #tpu.memory_space<vmem>> -> memref<1x16xi32, #tpu.memory_space<vmem>>
      %dma_wait3A_103 = tpu.memref_squeeze %dma_wait3A_102 : memref<1x16xi32, #tpu.memory_space<vmem>> -> memref<16xi32, #tpu.memory_space<vmem>>
      %dma_wait3A_104 = tpu.memref_slice %arg3[%add3A_63] : memref<160000xi32, #tpu.memory_space<hbm>> -> memref<16xi32, #tpu.memory_space<hbm>>
      tpu.wait_dma2 semaphore(%run_scoped3A_88 : memref<!tpu.dma_semaphore, #tpu.memory_space<semaphore_mem>>) src(%dma_wait3A_104 : memref<16xi32, #tpu.memory_space<hbm>>) dst(%dma_wait3A_103 : memref<16xi32, #tpu.memory_space<vmem>>)
      tpu.yield
    }) : () -> ()
    %dma_start3A_65 = arith.constant 0 : i32
    %dma_start3A_66 = arith.constant 0 : i32
    %dma_start3A_67 = tpu.memref_slice %arg8[%dma_start3A_65, %dma_start3A_66] : memref<128x128xf32, #tpu.memory_space<vmem>> -> memref<16x128xf32, #tpu.memory_space<vmem>>
    %dma_start3A_68 = tpu.memref_slice %arg2[%add3A_63, %mul3A_0] : memref<160000x256xf32, #tpu.memory_space<hbm>> -> memref<16x128xf32, #tpu.memory_space<hbm>>
    %dma_start3A_69 = arith.constant 0 : i32
    %dma_start3A_70 = arith.constant 0 : i32
    %dma_start3A_71 = tpu.memref_slice %arg8[%dma_start3A_69, %dma_start3A_70] : memref<128x128xf32, #tpu.memory_space<vmem>> -> memref<16x128xf32, #tpu.memory_space<vmem>>
    %dma_start3A_72 = tpu.memref_slice %arg2[%add3A_63, %mul3A_0] : memref<160000x256xf32, #tpu.memory_space<hbm>> -> memref<16x128xf32, #tpu.memory_space<hbm>>
    tpu.enqueue_dma source(%dma_start3A_72 : memref<16x128xf32, #tpu.memory_space<hbm>>) target(%dma_start3A_71 : memref<16x128xf32, #tpu.memory_space<vmem>>) target_semaphore(%arg13 : memref<!tpu.dma_semaphore, #tpu.memory_space<semaphore_mem>>)
    %dma_wait3A_73 = arith.constant 0 : i32
    %dma_wait3A_74 = arith.constant 0 : i32
    %dma_wait3A_75 = tpu.memref_slice %arg8[%dma_wait3A_73, %dma_wait3A_74] : memref<128x128xf32, #tpu.memory_space<vmem>> -> memref<16x128xf32, #tpu.memory_space<vmem>>
    %dma_wait3A_76 = tpu.memref_slice %arg2[%add3A_63, %mul3A_0] : memref<160000x256xf32, #tpu.memory_space<hbm>> -> memref<16x128xf32, #tpu.memory_space<hbm>>
    %dma_wait3A_77 = arith.constant 0 : i32
    %dma_wait3A_78 = arith.constant 0 : i32
    %dma_wait3A_79 = tpu.memref_slice %arg8[%dma_wait3A_77, %dma_wait3A_78] : memref<128x128xf32, #tpu.memory_space<vmem>> -> memref<16x128xf32, #tpu.memory_space<vmem>>
    %dma_wait3A_80 = tpu.memref_slice %arg2[%add3A_63, %mul3A_0] : memref<160000x256xf32, #tpu.memory_space<hbm>> -> memref<16x128xf32, #tpu.memory_space<hbm>>
    tpu.wait_dma2 semaphore(%arg13 : memref<!tpu.dma_semaphore, #tpu.memory_space<semaphore_mem>>) src(%dma_wait3A_80 : memref<16x128xf32, #tpu.memory_space<hbm>>) dst(%dma_wait3A_79 : memref<16x128xf32, #tpu.memory_space<vmem>>)
    %run_scoped3A_81 = arith.constant 0 : i32
    "tpu.region"() ({
      %run_scoped3A_88 = tpu.sem_alloc : memref<!tpu.dma_semaphore, #tpu.memory_space<semaphore_mem>>
      %dma_start3A_89 = arith.constant 0 : i32
      %dma_start3A_90 = arith.constant 0 : i32
      %dma_start3A_91 = tpu.memref_slice %arg8[%dma_start3A_89, %dma_start3A_90] : memref<128x128xf32, #tpu.memory_space<vmem>> -> memref<16x128xf32, #tpu.memory_space<vmem>>
      %dma_start3A_92 = arith.constant 0 : i32
      %dma_start3A_93 = tpu.memref_slice %arg11[%run_scoped3A_81, %dma_start3A_92] : memref<1x16xi32, #tpu.memory_space<vmem>> -> memref<1x16xi32, #tpu.memory_space<vmem>>
      %dma_start3A_94 = tpu.memref_squeeze %dma_start3A_93 : memref<1x16xi32, #tpu.memory_space<vmem>> -> memref<16xi32, #tpu.memory_space<vmem>>
      %dma_start3A_95 = arith.constant 0 : i32
      %dma_start3A_96 = arith.constant 0 : i32
      %dma_start3A_97 = tpu.memref_slice %arg6[%dma_start3A_95, %dma_start3A_96] : memref<10000x128xf32, #tpu.memory_space<vmem_shared>> -> memref<10000x128xf32, #tpu.memory_space<vmem_shared>>
      tpu.enqueue_indirect_dma source(%dma_start3A_91 : memref<16x128xf32, #tpu.memory_space<vmem>>) target(%dma_start3A_97 : memref<10000x128xf32, #tpu.memory_space<vmem_shared>>) offsets(%dma_start3A_94 : memref<16xi32, #tpu.memory_space<vmem>>) semaphore(%run_scoped3A_88 : memref<!tpu.dma_semaphore, #tpu.memory_space<semaphore_mem>>) {add = true}
      %dma_wait3A_98 = arith.constant 0 : i32
      %dma_wait3A_99 = arith.constant 0 : i32
      %dma_wait3A_100 = tpu.memref_slice %arg8[%dma_wait3A_98, %dma_wait3A_99] : memref<128x128xf32, #tpu.memory_space<vmem>> -> memref<16x128xf32, #tpu.memory_space<vmem>>
      %dma_wait3A_101 = arith.constant 0 : i32
      %dma_wait3A_102 = tpu.memref_slice %arg11[%run_scoped3A_81, %dma_wait3A_101] : memref<1x16xi32, #tpu.memory_space<vmem>> -> memref<1x16xi32, #tpu.memory_space<vmem>>
      %dma_wait3A_103 = tpu.memref_squeeze %dma_wait3A_102 : memref<1x16xi32, #tpu.memory_space<vmem>> -> memref<16xi32, #tpu.memory_space<vmem>>
      %dma_wait3A_104 = arith.constant 0 : i32
      %dma_wait3A_105 = arith.constant 0 : i32
      %dma_wait3A_106 = tpu.memref_slice %arg6[%dma_wait3A_104, %dma_wait3A_105] : memref<10000x128xf32, #tpu.memory_space<vmem_shared>> -> memref<10000x128xf32, #tpu.memory_space<vmem_shared>>
      tpu.wait_indirect_dma semaphore(%run_scoped3A_88 : memref<!tpu.dma_semaphore, #tpu.memory_space<semaphore_mem>>) src(%dma_wait3A_100 : memref<16x128xf32, #tpu.memory_space<vmem>>) dst(%dma_wait3A_106 : memref<10000x128xf32, #tpu.memory_space<vmem_shared>>)
      tpu.yield
    }) : () -> ()
    %barrier3A_82 = arith.constant 0 : index
    tpu.barrier barrier_id(%barrier3A_82)
    "tpu.region"() ({
      %run_scoped3A_88 = tpu.sem_alloc : memref<!tpu.dma_semaphore, #tpu.memory_space<semaphore_mem>>
      %dma_start3A_89 = tpu.memref_slice %arg5[%mul3A_2, %mul3A_0] : memref<10000x256xf32, #tpu.memory_space<hbm>> -> memref<624x128xf32, #tpu.memory_space<hbm>>
      %dma_start3A_90 = arith.constant 0 : i32
      %dma_start3A_91 = tpu.memref_slice %arg6[%mul3A_2, %dma_start3A_90] : memref<10000x128xf32, #tpu.memory_space<vmem_shared>> -> memref<624x128xf32, #tpu.memory_space<vmem_shared>>
      tpu.enqueue_dma source(%dma_start3A_91 : memref<624x128xf32, #tpu.memory_space<vmem_shared>>) target(%dma_start3A_89 : memref<624x128xf32, #tpu.memory_space<hbm>>) target_semaphore(%run_scoped3A_88 : memref<!tpu.dma_semaphore, #tpu.memory_space<semaphore_mem>>)
      %dma_wait3A_92 = tpu.memref_slice %arg5[%mul3A_2, %mul3A_0] : memref<10000x256xf32, #tpu.memory_space<hbm>> -> memref<624x128xf32, #tpu.memory_space<hbm>>
      %dma_wait3A_93 = arith.constant 0 : i32
      %dma_wait3A_94 = tpu.memref_slice %arg6[%mul3A_2, %dma_wait3A_93] : memref<10000x128xf32, #tpu.memory_space<vmem_shared>> -> memref<624x128xf32, #tpu.memory_space<vmem_shared>>
      tpu.wait_dma2 semaphore(%run_scoped3A_88 : memref<!tpu.dma_semaphore, #tpu.memory_space<semaphore_mem>>) src(%dma_wait3A_94 : memref<624x128xf32, #tpu.memory_space<vmem_shared>>) dst(%dma_wait3A_92 : memref<624x128xf32, #tpu.memory_space<hbm>>)
      tpu.yield
    }) : () -> ()
    %eq3A_83 = arith.constant 15 : i32
    %eq3A_84 = arith.cmpi eq, %arg1, %eq3A_83 : i32
    %convert_element_type3A_85 = arith.extui %eq3A_84 : i1 to i32
    %cond3A_86 = arith.constant 0 : i32
    %cond3A_87 = arith.cmpi ne, %convert_element_type3A_85, %cond3A_86 : i32
    scf.if %cond3A_87 {
      "tpu.region"() ({
        %run_scoped3A_88 = tpu.sem_alloc : memref<!tpu.dma_semaphore, #tpu.memory_space<semaphore_mem>>
        %dma_start3A_89 = arith.constant 9984 : i32
        %dma_start3A_90 = tpu.memref_slice %arg5[%dma_start3A_89, %mul3A_0] : memref<10000x256xf32, #tpu.memory_space<hbm>> -> memref<16x128xf32, #tpu.memory_space<hbm>>
        %dma_start3A_91 = arith.constant 9984 : i32
        %dma_start3A_92 = arith.constant 0 : i32
        %dma_start3A_93 = tpu.memref_slice %arg6[%dma_start3A_91, %dma_start3A_92] : memref<10000x128xf32, #tpu.memory_space<vmem_shared>> -> memref<16x128xf32, #tpu.memory_space<vmem_shared>>
        tpu.enqueue_dma source(%dma_start3A_93 : memref<16x128xf32, #tpu.memory_space<vmem_shared>>) target(%dma_start3A_90 : memref<16x128xf32, #tpu.memory_space<hbm>>) target_semaphore(%run_scoped3A_88 : memref<!tpu.dma_semaphore, #tpu.memory_space<semaphore_mem>>)
        %dma_wait3A_94 = arith.constant 9984 : i32
        %dma_wait3A_95 = tpu.memref_slice %arg5[%dma_wait3A_94, %mul3A_0] : memref<10000x256xf32, #tpu.memory_space<hbm>> -> memref<16x128xf32, #tpu.memory_space<hbm>>
        %dma_wait3A_96 = arith.constant 9984 : i32
        %dma_wait3A_97 = arith.constant 0 : i32
        %dma_wait3A_98 = tpu.memref_slice %arg6[%dma_wait3A_96, %dma_wait3A_97] : memref<10000x128xf32, #tpu.memory_space<vmem_shared>> -> memref<16x128xf32, #tpu.memory_space<vmem_shared>>
        tpu.wait_dma2 semaphore(%run_scoped3A_88 : memref<!tpu.dma_semaphore, #tpu.memory_space<semaphore_mem>>) src(%dma_wait3A_98 : memref<16x128xf32, #tpu.memory_space<vmem_shared>>) dst(%dma_wait3A_95 : memref<16x128xf32, #tpu.memory_space<hbm>>)
        tpu.yield
      }) : () -> ()
    } else {
    }
    return
  }
}

module attributes {stable_mosaic.version = 14 : i64} {
  func.func @_proj_body(%arg0: i32, %arg1: memref<2000x256xf32, #tpu.memory_space<vmem>>, %arg2: memref<256x512xf32, #tpu.memory_space<vmem>>, %arg3: memref<256x512xf32, #tpu.memory_space<vmem>>, %arg4: memref<2000x512xf32, #tpu.memory_space<vmem>>, %arg5: memref<2000x512xf32, #tpu.memory_space<vmem>>) attributes {dimension_semantics = [#tpu.dimension_semantics<arbitrary>], iteration_bounds = array<i64: 5>, scalar_prefetch = 0 : i64, scratch_operands = 0 : i64, tpu.core_type = #tpu.core_type<tc>, window_params = [{transform_indices = @transform_0, window_bounds = array<i64: 2000, 256>}, {pipeline_mode = #tpu.pipeline_mode<synchronous>, transform_indices = @transform_1, window_bounds = array<i64: 256, 512>}, {pipeline_mode = #tpu.pipeline_mode<synchronous>, transform_indices = @transform_2, window_bounds = array<i64: 256, 512>}, {transform_indices = @transform_3, window_bounds = array<i64: 2000, 512>}, {transform_indices = @transform_4, window_bounds = array<i64: 2000, 512>}]} {
    %get3A = arith.constant 0 : index
    %get3A_0 = arith.constant 0 : index
    %get3A_1 = vector.load %arg1[%get3A, %get3A_0] : memref<2000x256xf32, #tpu.memory_space<vmem>>, vector<2000x256xf32>
    %get3A_2 = arith.constant 0 : index
    %get3A_3 = arith.constant 0 : index
    %get3A_4 = vector.load %arg2[%get3A_2, %get3A_3] : memref<256x512xf32, #tpu.memory_space<vmem>>, vector<256x512xf32>
    %dot_general3A = arith.constant dense<0.000000e+00> : vector<2000x512xf32>
    %dot_general3A_5 = tpu.matmul %get3A_1, %get3A_4, %dot_general3A {dimension_numbers = #tpu.dot_dimension_numbers<[1], [0], [0], [1], [0, 0, 1, 1], [], []>, transpose_lhs_hint = false} : vector<2000x256xf32>, vector<256x512xf32>, vector<2000x512xf32> -> vector<2000x512xf32>
    %swap3A = arith.constant 0 : index
    %swap3A_6 = arith.constant 0 : index
    %swap3A_7 = vector.load %arg4[%swap3A, %swap3A_6] : memref<2000x512xf32, #tpu.memory_space<vmem>>, vector<2000x512xf32>
    tpu.vector_store %arg4[%swap3A, %swap3A_6], %dot_general3A_5 {strides = array<i32>} : memref<2000x512xf32, #tpu.memory_space<vmem>>, vector<2000x512xf32>,
    %get3A_8 = arith.constant 0 : index
    %get3A_9 = arith.constant 0 : index
    %get3A_10 = vector.load %arg3[%get3A_8, %get3A_9] : memref<256x512xf32, #tpu.memory_space<vmem>>, vector<256x512xf32>
    %dot_general3A_11 = arith.constant dense<0.000000e+00> : vector<2000x512xf32>
    %dot_general3A_12 = tpu.matmul %get3A_1, %get3A_10, %dot_general3A_11 {dimension_numbers = #tpu.dot_dimension_numbers<[1], [0], [0], [1], [0, 0, 1, 1], [], []>, transpose_lhs_hint = false} : vector<2000x256xf32>, vector<256x512xf32>, vector<2000x512xf32> -> vector<2000x512xf32>
    %swap3A_13 = arith.constant 0 : index
    %swap3A_14 = arith.constant 0 : index
    %swap3A_15 = vector.load %arg5[%swap3A_13, %swap3A_14] : memref<2000x512xf32, #tpu.memory_space<vmem>>, vector<2000x512xf32>
    tpu.vector_store %arg5[%swap3A_13, %swap3A_14], %dot_general3A_12 {strides = array<i32>} : memref<2000x512xf32, #tpu.memory_space<vmem>>, vector<2000x512xf32>,
    return
  }
  func.func @transform_0(%arg0: i32) -> (i32, i32) {
    %c0_i32 = arith.constant 0 : i32
    %c0_i32_0 = arith.constant 0 : i32
    return %arg0, %c0_i32 : i32, i32
  }
  func.func @transform_1(%arg0: i32) -> (i32, i32) {
    %c0_i32 = arith.constant 0 : i32
    %c0_i32_0 = arith.constant 0 : i32
    %c0_i32_1 = arith.constant 0 : i32
    return %c0_i32, %c0_i32_0 : i32, i32
  }
  func.func @transform_2(%arg0: i32) -> (i32, i32) {
    %c0_i32 = arith.constant 0 : i32
    %c0_i32_0 = arith.constant 0 : i32
    %c0_i32_1 = arith.constant 0 : i32
    return %c0_i32, %c0_i32_0 : i32, i32
  }
  func.func @transform_3(%arg0: i32) -> (i32, i32) {
    %c0_i32 = arith.constant 0 : i32
    %c0_i32_0 = arith.constant 0 : i32
    return %arg0, %c0_i32 : i32, i32
  }
  func.func @transform_4(%arg0: i32) -> (i32, i32) {
    %c0_i32 = arith.constant 0 : i32
    %c0_i32_0 = arith.constant 0 : i32
    return %arg0, %c0_i32 : i32, i32
  }
}

module attributes {stable_mosaic.version = 14 : i64} {
  func.func @_stats1_body(%arg0: i32, %arg1: memref<2000x512xf32, #tpu.memory_space<vmem>>, %arg2: memref<2000x16xf32, #tpu.memory_space<vmem>>, %arg3: memref<16x512xf32, #tpu.memory_space<vmem>>, %arg4: memref<1x512xf32, #tpu.memory_space<vmem>>, %arg5: memref<2x512xf32, #tpu.memory_space<vmem>>) attributes {dimension_semantics = [#tpu.dimension_semantics<arbitrary>], iteration_bounds = array<i64: 80>, scalar_prefetch = 0 : i64, scratch_operands = 0 : i64, tpu.core_type = #tpu.core_type<tc>, window_params = [{transform_indices = @transform_0, window_bounds = array<i64: 2000, 512>}, {transform_indices = @transform_1, window_bounds = array<i64: 2000, 16>}, {pipeline_mode = #tpu.pipeline_mode<synchronous>, transform_indices = @transform_2, window_bounds = array<i64: 16, 512>}, {pipeline_mode = #tpu.pipeline_mode<synchronous>, transform_indices = @transform_3, window_bounds = array<i64: 1, 512>}, {pipeline_mode = #tpu.pipeline_mode<synchronous>, transform_indices = @transform_4, window_bounds = array<i64: 2, 512>}]} {
    %eq3A = arith.constant 0 : i32
    %eq3A_0 = arith.cmpi eq, %arg0, %eq3A : i32
    %convert_element_type3A = arith.extui %eq3A_0 : i1 to i32
    %cond3A = arith.constant 0 : i32
    %cond3A_1 = arith.cmpi ne, %convert_element_type3A, %cond3A : i32
    scf.if %cond3A_1 {
      %broadcast_in_dim3A_26 = arith.constant 0.000000e+00 : f32
      %broadcast_in_dim3A_27 = vector.broadcast %broadcast_in_dim3A_26 : f32 to vector<2x512xf32>
      %swap3A_28 = arith.constant 0 : index
      %swap3A_29 = arith.constant 0 : index
      %swap3A_30 = vector.load %arg5[%swap3A_28, %swap3A_29] : memref<2x512xf32, #tpu.memory_space<vmem>>, vector<2x512xf32>
      tpu.vector_store %arg5[%swap3A_28, %swap3A_29], %broadcast_in_dim3A_27 {strides = array<i32>} : memref<2x512xf32, #tpu.memory_space<vmem>>, vector<2x512xf32>,
    } else {
    }
    %get3A = arith.constant 0 : index
    %get3A_2 = arith.constant 0 : index
    %get3A_3 = vector.load %arg1[%get3A, %get3A_2] : memref<2000x512xf32, #tpu.memory_space<vmem>>, vector<2000x512xf32>
    %get3A_4 = arith.constant 0 : index
    %get3A_5 = arith.constant 0 : index
    %get3A_6 = vector.load %arg2[%get3A_4, %get3A_5] : memref<2000x16xf32, #tpu.memory_space<vmem>>, vector<2000x16xf32>
    %get3A_7 = arith.constant 0 : index
    %get3A_8 = arith.constant 0 : index
    %get3A_9 = vector.load %arg3[%get3A_7, %get3A_8] : memref<16x512xf32, #tpu.memory_space<vmem>>, vector<16x512xf32>
    %dot_general3A = arith.constant dense<0.000000e+00> : vector<2000x512xf32>
    %dot_general3A_10 = tpu.matmul %get3A_6, %get3A_9, %dot_general3A {dimension_numbers = #tpu.dot_dimension_numbers<[1], [0], [0], [1], [0, 0, 1, 1], [], []>, transpose_lhs_hint = false} : vector<2000x16xf32>, vector<16x512xf32>, vector<2000x512xf32> -> vector<2000x512xf32>
    %add3A = arith.addf %get3A_3, %dot_general3A_10 : vector<2000x512xf32>
    %get3A_11 = arith.constant 0 : index
    %get3A_12 = arith.constant 0 : index
    %get3A_13 = vector.load %arg4[%get3A_11, %get3A_12] : memref<1x512xf32, #tpu.memory_space<vmem>>, vector<1x512xf32>
    %add3A_14 = vector.broadcast %get3A_13 : vector<1x512xf32> to vector<2000x512xf32>
    %add3A_15 = arith.addf %add3A, %add3A_14 : vector<2000x512xf32>
    %get3A_16 = arith.constant 0 : index
    %get3A_17 = arith.constant 0 : index
    %get3A_18 = vector.load %arg5[%get3A_16, %get3A_17] : memref<2x512xf32, #tpu.memory_space<vmem>>, vector<2x512xf32>
    %reduce_sum3A = arith.constant dense<0.000000e+00> : vector<512xf32>
    %reduce_sum3A_19 = vector.multi_reduction <add>, %add3A_15, %reduce_sum3A [0] : vector<2000x512xf32> to vector<512xf32>
    %broadcast_in_dim3A = vector.shape_cast %reduce_sum3A_19 : vector<512xf32> to vector<1x512xf32>
    %mul3A = arith.mulf %add3A_15, %add3A_15 : vector<2000x512xf32>
    %reduce_sum3A_20 = arith.constant dense<0.000000e+00> : vector<512xf32>
    %reduce_sum3A_21 = vector.multi_reduction <add>, %mul3A, %reduce_sum3A_20 [0] : vector<2000x512xf32> to vector<512xf32>
    %broadcast_in_dim3A_22 = vector.shape_cast %reduce_sum3A_21 : vector<512xf32> to vector<1x512xf32>
    %concatenate3A = tpu.concatenate %broadcast_in_dim3A, %broadcast_in_dim3A_22 in 0 : vector<1x512xf32>, vector<1x512xf32> -> vector<2x512xf32>
    %add3A_23 = arith.addf %get3A_18, %concatenate3A : vector<2x512xf32>
    %swap3A = arith.constant 0 : index
    %swap3A_24 = arith.constant 0 : index
    %swap3A_25 = vector.load %arg5[%swap3A, %swap3A_24] : memref<2x512xf32, #tpu.memory_space<vmem>>, vector<2x512xf32>
    tpu.vector_store %arg5[%swap3A, %swap3A_24], %add3A_23 {strides = array<i32>} : memref<2x512xf32, #tpu.memory_space<vmem>>, vector<2x512xf32>,
    return
  }
  func.func @transform_0(%arg0: i32) -> (i32, i32) {
    %c0_i32 = arith.constant 0 : i32
    %c0_i32_0 = arith.constant 0 : i32
    return %arg0, %c0_i32 : i32, i32
  }
  func.func @transform_1(%arg0: i32) -> (i32, i32) {
    %c0_i32 = arith.constant 0 : i32
    %c0_i32_0 = arith.constant 0 : i32
    return %arg0, %c0_i32 : i32, i32
  }
  func.func @transform_2(%arg0: i32) -> (i32, i32) {
    %c0_i32 = arith.constant 0 : i32
    %c0_i32_0 = arith.constant 0 : i32
    %c0_i32_1 = arith.constant 0 : i32
    return %c0_i32, %c0_i32_0 : i32, i32
  }
  func.func @transform_3(%arg0: i32) -> (i32, i32) {
    %c0_i32 = arith.constant 0 : i32
    %c0_i32_0 = arith.constant 0 : i32
    %c0_i32_1 = arith.constant 0 : i32
    return %c0_i32, %c0_i32_0 : i32, i32
  }
  func.func @transform_4(%arg0: i32) -> (i32, i32) {
    %c0_i32 = arith.constant 0 : i32
    %c0_i32_0 = arith.constant 0 : i32
    %c0_i32_1 = arith.constant 0 : i32
    return %c0_i32, %c0_i32_0 : i32, i32
  }
}

module attributes {stable_mosaic.version = 14 : i64} {
  func.func @_msg_body(%arg0: i32, %arg1: memref<2000x512xf32, #tpu.memory_space<vmem>>, %arg2: memref<2000x16xf32, #tpu.memory_space<vmem>>, %arg3: memref<16x512xf32, #tpu.memory_space<vmem>>, %arg4: memref<1x512xf32, #tpu.memory_space<vmem>>, %arg5: memref<2x512xf32, #tpu.memory_space<vmem>>, %arg6: memref<1x512xf32, #tpu.memory_space<vmem>>, %arg7: memref<1x512xf32, #tpu.memory_space<vmem>>, %arg8: memref<2000x256xf32, #tpu.memory_space<vmem>>) attributes {dimension_semantics = [#tpu.dimension_semantics<arbitrary>], iteration_bounds = array<i64: 80>, scalar_prefetch = 0 : i64, scratch_operands = 0 : i64, tpu.core_type = #tpu.core_type<tc>, window_params = [{transform_indices = @transform_0, window_bounds = array<i64: 2000, 512>}, {transform_indices = @transform_1, window_bounds = array<i64: 2000, 16>}, {pipeline_mode = #tpu.pipeline_mode<synchronous>, transform_indices = @transform_2, window_bounds = array<i64: 16, 512>}, {pipeline_mode = #tpu.pipeline_mode<synchronous>, transform_indices = @transform_3, window_bounds = array<i64: 1, 512>}, {pipeline_mode = #tpu.pipeline_mode<synchronous>, transform_indices = @transform_4, window_bounds = array<i64: 2, 512>}, {pipeline_mode = #tpu.pipeline_mode<synchronous>, transform_indices = @transform_5, window_bounds = array<i64: 1, 512>}, {pipeline_mode = #tpu.pipeline_mode<synchronous>, transform_indices = @transform_6, window_bounds = array<i64: 1, 512>}, {transform_indices = @transform_7, window_bounds = array<i64: 2000, 256>}]} {
    %get3A = arith.constant 0 : index
    %get3A_0 = arith.constant 0 : index
    %get3A_1 = vector.load %arg1[%get3A, %get3A_0] : memref<2000x512xf32, #tpu.memory_space<vmem>>, vector<2000x512xf32>
    %get3A_2 = arith.constant 0 : index
    %get3A_3 = arith.constant 0 : index
    %get3A_4 = vector.load %arg2[%get3A_2, %get3A_3] : memref<2000x16xf32, #tpu.memory_space<vmem>>, vector<2000x16xf32>
    %get3A_5 = arith.constant 0 : index
    %get3A_6 = arith.constant 0 : index
    %get3A_7 = vector.load %arg3[%get3A_5, %get3A_6] : memref<16x512xf32, #tpu.memory_space<vmem>>, vector<16x512xf32>
    %dot_general3A = arith.constant dense<0.000000e+00> : vector<2000x512xf32>
    %dot_general3A_8 = tpu.matmul %get3A_4, %get3A_7, %dot_general3A {dimension_numbers = #tpu.dot_dimension_numbers<[1], [0], [0], [1], [0, 0, 1, 1], [], []>, transpose_lhs_hint = false} : vector<2000x16xf32>, vector<16x512xf32>, vector<2000x512xf32> -> vector<2000x512xf32>
    %add3A = arith.addf %get3A_1, %dot_general3A_8 : vector<2000x512xf32>
    %get3A_9 = arith.constant 0 : index
    %get3A_10 = arith.constant 0 : index
    %get3A_11 = vector.load %arg4[%get3A_9, %get3A_10] : memref<1x512xf32, #tpu.memory_space<vmem>>, vector<1x512xf32>
    %add3A_12 = vector.broadcast %get3A_11 : vector<1x512xf32> to vector<2000x512xf32>
    %add3A_13 = arith.addf %add3A, %add3A_12 : vector<2000x512xf32>
    %get3A_14 = arith.constant 0 : index
    %get3A_15 = arith.constant 0 : index
    %get3A_16 = vector.load %arg5[%get3A_14, %get3A_15] : memref<2x512xf32, #tpu.memory_space<vmem>>, vector<1x512xf32>
    %mul3A = arith.constant 6.250000e-06 : f32
    %mul3A_17 = vector.broadcast %mul3A : f32 to vector<1x512xf32>
    %mul3A_18 = arith.mulf %get3A_16, %mul3A_17 : vector<1x512xf32>
    %get3A_19 = arith.constant 1 : index
    %get3A_20 = arith.constant 0 : index
    %get3A_21 = vector.load %arg5[%get3A_19, %get3A_20] : memref<2x512xf32, #tpu.memory_space<vmem>>, vector<1x512xf32>
    %mul3A_22 = arith.constant 6.250000e-06 : f32
    %mul3A_23 = vector.broadcast %mul3A_22 : f32 to vector<1x512xf32>
    %mul3A_24 = arith.mulf %get3A_21, %mul3A_23 : vector<1x512xf32>
    %mul3A_25 = arith.mulf %mul3A_18, %mul3A_18 : vector<1x512xf32>
    %sub3A = arith.subf %mul3A_24, %mul3A_25 : vector<1x512xf32>
    %sub3A_26 = vector.broadcast %mul3A_18 : vector<1x512xf32> to vector<2000x512xf32>
    %sub3A_27 = arith.subf %add3A_13, %sub3A_26 : vector<2000x512xf32>
    %add3A_28 = arith.constant 9.99999974E-6 : f32
    %add3A_29 = vector.broadcast %add3A_28 : f32 to vector<1x512xf32>
    %add3A_30 = arith.addf %sub3A, %add3A_29 : vector<1x512xf32>
    %rsqrt3A = math.rsqrt %add3A_30 : vector<1x512xf32>
    %mul3A_31 = vector.broadcast %rsqrt3A : vector<1x512xf32> to vector<2000x512xf32>
    %mul3A_32 = arith.mulf %sub3A_27, %mul3A_31 : vector<2000x512xf32>
    %get3A_33 = arith.constant 0 : index
    %get3A_34 = arith.constant 0 : index
    %get3A_35 = vector.load %arg6[%get3A_33, %get3A_34] : memref<1x512xf32, #tpu.memory_space<vmem>>, vector<1x512xf32>
    %mul3A_36 = vector.broadcast %get3A_35 : vector<1x512xf32> to vector<2000x512xf32>
    %mul3A_37 = arith.mulf %mul3A_32, %mul3A_36 : vector<2000x512xf32>
    %get3A_38 = arith.constant 0 : index
    %get3A_39 = arith.constant 0 : index
    %get3A_40 = vector.load %arg7[%get3A_38, %get3A_39] : memref<1x512xf32, #tpu.memory_space<vmem>>, vector<1x512xf32>
    %add3A_41 = vector.broadcast %get3A_40 : vector<1x512xf32> to vector<2000x512xf32>
    %add3A_42 = arith.addf %mul3A_37, %add3A_41 : vector<2000x512xf32>
    %slice3A = vector.extract_strided_slice %add3A_42 {offsets = [0, 0], sizes = [2000, 256], strides = [1, 1]} : vector<2000x512xf32> to vector<2000x256xf32>
    %logistic3A = arith.negf %slice3A : vector<2000x256xf32>
    %logistic3A_43 = math.exp %logistic3A : vector<2000x256xf32>
    %logistic3A_44 = arith.constant 1.000000e+00 : f32
    %logistic3A_45 = vector.broadcast %logistic3A_44 : f32 to vector<2000x256xf32>
    %logistic3A_46 = arith.addf %logistic3A_45, %logistic3A_43 : vector<2000x256xf32>
    %logistic3A_47 = arith.divf %logistic3A_45, %logistic3A_46 : vector<2000x256xf32>
    %slice3A_48 = vector.extract_strided_slice %add3A_42 {offsets = [0, 256], sizes = [2000, 256], strides = [1, 1]} : vector<2000x512xf32> to vector<2000x256xf32>
    %custom_jvp_call3A = arith.constant 0.000000e+00 : f32
    %max3A = vector.broadcast %custom_jvp_call3A : f32 to vector<2000x256xf32>
    %max3A_49 = arith.maximumf %slice3A_48, %max3A : vector<2000x256xf32>
    %sub3A_50 = vector.broadcast %custom_jvp_call3A : f32 to vector<2000x256xf32>
    %sub3A_51 = arith.subf %slice3A_48, %sub3A_50 : vector<2000x256xf32>
    %ne3A = arith.cmpf one, %sub3A_51, %sub3A_51 : vector<2000x256xf32>
    %add3A_52 = vector.broadcast %custom_jvp_call3A : f32 to vector<2000x256xf32>
    %add3A_53 = arith.addf %slice3A_48, %add3A_52 : vector<2000x256xf32>
    %abs3A = math.absf %sub3A_51 : vector<2000x256xf32>
    %neg3A = arith.constant 0.000000e+00 : f32
    %neg3A_54 = vector.broadcast %neg3A : f32 to vector<2000x256xf32>
    %neg3A_55 = arith.subf %neg3A_54, %abs3A : vector<2000x256xf32>
    %exp3A = math.exp %neg3A_55 : vector<2000x256xf32>
    %log1p3A = math.log1p %exp3A : vector<2000x256xf32>
    %add3A_56 = arith.addf %max3A_49, %log1p3A : vector<2000x256xf32>
    %select_n3A = arith.select %ne3A, %add3A_53, %add3A_56 : vector<2000x256xi1>, vector<2000x256xf32>
    %mul3A_57 = arith.mulf %logistic3A_47, %select_n3A : vector<2000x256xf32>
    %swap3A = arith.constant 0 : index
    %swap3A_58 = arith.constant 0 : index
    %swap3A_59 = vector.load %arg8[%swap3A, %swap3A_58] : memref<2000x256xf32, #tpu.memory_space<vmem>>, vector<2000x256xf32>
    tpu.vector_store %arg8[%swap3A, %swap3A_58], %mul3A_57 {strides = array<i32>} : memref<2000x256xf32, #tpu.memory_space<vmem>>, vector<2000x256xf32>,
    return
  }
  func.func @transform_0(%arg0: i32) -> (i32, i32) {
    %c0_i32 = arith.constant 0 : i32
    %c0_i32_0 = arith.constant 0 : i32
    return %arg0, %c0_i32 : i32, i32
  }
  func.func @transform_1(%arg0: i32) -> (i32, i32) {
    %c0_i32 = arith.constant 0 : i32
    %c0_i32_0 = arith.constant 0 : i32
    return %arg0, %c0_i32 : i32, i32
  }
  func.func @transform_2(%arg0: i32) -> (i32, i32) {
    %c0_i32 = arith.constant 0 : i32
    %c0_i32_0 = arith.constant 0 : i32
    %c0_i32_1 = arith.constant 0 : i32
    return %c0_i32, %c0_i32_0 : i32, i32
  }
  func.func @transform_3(%arg0: i32) -> (i32, i32) {
    %c0_i32 = arith.constant 0 : i32
    %c0_i32_0 = arith.constant 0 : i32
    %c0_i32_1 = arith.constant 0 : i32
    return %c0_i32, %c0_i32_0 : i32, i32
  }
  func.func @transform_4(%arg0: i32) -> (i32, i32) {
    %c0_i32 = arith.constant 0 : i32
    %c0_i32_0 = arith.constant 0 : i32
    %c0_i32_1 = arith.constant 0 : i32
    return %c0_i32, %c0_i32_0 : i32, i32
  }
  func.func @transform_5(%arg0: i32) -> (i32, i32) {
    %c0_i32 = arith.constant 0 : i32
    %c0_i32_0 = arith.constant 0 : i32
    %c0_i32_1 = arith.constant 0 : i32
    return %c0_i32, %c0_i32_0 : i32, i32
  }
  func.func @transform_6(%arg0: i32) -> (i32, i32) {
    %c0_i32 = arith.constant 0 : i32
    %c0_i32_0 = arith.constant 0 : i32
    %c0_i32_1 = arith.constant 0 : i32
    return %c0_i32, %c0_i32_0 : i32, i32
  }
  func.func @transform_7(%arg0: i32) -> (i32, i32) {
    %c0_i32 = arith.constant 0 : i32
    %c0_i32_0 = arith.constant 0 : i32
    return %arg0, %c0_i32 : i32, i32
  }
}

module attributes {stable_mosaic.version = 14 : i64} {
  func.func @_stats2_body(%arg0: i32, %arg1: memref<2000x256xf32, #tpu.memory_space<vmem>>, %arg2: memref<2x256xf32, #tpu.memory_space<vmem>>) attributes {dimension_semantics = [#tpu.dimension_semantics<arbitrary>], iteration_bounds = array<i64: 5>, scalar_prefetch = 0 : i64, scratch_operands = 0 : i64, tpu.core_type = #tpu.core_type<tc>, window_params = [{transform_indices = @transform_0, window_bounds = array<i64: 2000, 256>}, {pipeline_mode = #tpu.pipeline_mode<synchronous>, transform_indices = @transform_1, window_bounds = array<i64: 2, 256>}]} {
    %eq3A = arith.constant 0 : i32
    %eq3A_0 = arith.cmpi eq, %arg0, %eq3A : i32
    %convert_element_type3A = arith.extui %eq3A_0 : i1 to i32
    %cond3A = arith.constant 0 : i32
    %cond3A_1 = arith.cmpi ne, %convert_element_type3A, %cond3A : i32
    scf.if %cond3A_1 {
      %broadcast_in_dim3A_13 = arith.constant 0.000000e+00 : f32
      %broadcast_in_dim3A_14 = vector.broadcast %broadcast_in_dim3A_13 : f32 to vector<2x256xf32>
      %swap3A_15 = arith.constant 0 : index
      %swap3A_16 = arith.constant 0 : index
      %swap3A_17 = vector.load %arg2[%swap3A_15, %swap3A_16] : memref<2x256xf32, #tpu.memory_space<vmem>>, vector<2x256xf32>
      tpu.vector_store %arg2[%swap3A_15, %swap3A_16], %broadcast_in_dim3A_14 {strides = array<i32>} : memref<2x256xf32, #tpu.memory_space<vmem>>, vector<2x256xf32>,
    } else {
    }
    %get3A = arith.constant 0 : index
    %get3A_2 = arith.constant 0 : index
    %get3A_3 = vector.load %arg1[%get3A, %get3A_2] : memref<2000x256xf32, #tpu.memory_space<vmem>>, vector<2000x256xf32>
    %get3A_4 = arith.constant 0 : index
    %get3A_5 = arith.constant 0 : index
    %get3A_6 = vector.load %arg2[%get3A_4, %get3A_5] : memref<2x256xf32, #tpu.memory_space<vmem>>, vector<2x256xf32>
    %reduce_sum3A = arith.constant dense<0.000000e+00> : vector<256xf32>
    %reduce_sum3A_7 = vector.multi_reduction <add>, %get3A_3, %reduce_sum3A [0] : vector<2000x256xf32> to vector<256xf32>
    %broadcast_in_dim3A = vector.shape_cast %reduce_sum3A_7 : vector<256xf32> to vector<1x256xf32>
    %mul3A = arith.mulf %get3A_3, %get3A_3 : vector<2000x256xf32>
    %reduce_sum3A_8 = arith.constant dense<0.000000e+00> : vector<256xf32>
    %reduce_sum3A_9 = vector.multi_reduction <add>, %mul3A, %reduce_sum3A_8 [0] : vector<2000x256xf32> to vector<256xf32>
    %broadcast_in_dim3A_10 = vector.shape_cast %reduce_sum3A_9 : vector<256xf32> to vector<1x256xf32>
    %concatenate3A = tpu.concatenate %broadcast_in_dim3A, %broadcast_in_dim3A_10 in 0 : vector<1x256xf32>, vector<1x256xf32> -> vector<2x256xf32>
    %add3A = arith.addf %get3A_6, %concatenate3A : vector<2x256xf32>
    %swap3A = arith.constant 0 : index
    %swap3A_11 = arith.constant 0 : index
    %swap3A_12 = vector.load %arg2[%swap3A, %swap3A_11] : memref<2x256xf32, #tpu.memory_space<vmem>>, vector<2x256xf32>
    tpu.vector_store %arg2[%swap3A, %swap3A_11], %add3A {strides = array<i32>} : memref<2x256xf32, #tpu.memory_space<vmem>>, vector<2x256xf32>,
    return
  }
  func.func @transform_0(%arg0: i32) -> (i32, i32) {
    %c0_i32 = arith.constant 0 : i32
    %c0_i32_0 = arith.constant 0 : i32
    return %arg0, %c0_i32 : i32, i32
  }
  func.func @transform_1(%arg0: i32) -> (i32, i32) {
    %c0_i32 = arith.constant 0 : i32
    %c0_i32_0 = arith.constant 0 : i32
    %c0_i32_1 = arith.constant 0 : i32
    return %c0_i32, %c0_i32_0 : i32, i32
  }
}

module attributes {stable_mosaic.version = 14 : i64} {
  func.func @_final_body(%arg0: i32, %arg1: memref<2000x256xf32, #tpu.memory_space<vmem>>, %arg2: memref<2000x256xf32, #tpu.memory_space<vmem>>, %arg3: memref<2x256xf32, #tpu.memory_space<vmem>>, %arg4: memref<1x256xf32, #tpu.memory_space<vmem>>, %arg5: memref<1x256xf32, #tpu.memory_space<vmem>>, %arg6: memref<2000x256xf32, #tpu.memory_space<vmem>>) attributes {dimension_semantics = [#tpu.dimension_semantics<arbitrary>], iteration_bounds = array<i64: 5>, scalar_prefetch = 0 : i64, scratch_operands = 0 : i64, tpu.core_type = #tpu.core_type<tc>, window_params = [{transform_indices = @transform_0, window_bounds = array<i64: 2000, 256>}, {transform_indices = @transform_1, window_bounds = array<i64: 2000, 256>}, {pipeline_mode = #tpu.pipeline_mode<synchronous>, transform_indices = @transform_2, window_bounds = array<i64: 2, 256>}, {pipeline_mode = #tpu.pipeline_mode<synchronous>, transform_indices = @transform_3, window_bounds = array<i64: 1, 256>}, {pipeline_mode = #tpu.pipeline_mode<synchronous>, transform_indices = @transform_4, window_bounds = array<i64: 1, 256>}, {transform_indices = @transform_5, window_bounds = array<i64: 2000, 256>}]} {
    %get3A = arith.constant 0 : index
    %get3A_0 = arith.constant 0 : index
    %get3A_1 = vector.load %arg3[%get3A, %get3A_0] : memref<2x256xf32, #tpu.memory_space<vmem>>, vector<1x256xf32>
    %mul3A = arith.constant 9.99999974E-5 : f32
    %mul3A_2 = vector.broadcast %mul3A : f32 to vector<1x256xf32>
    %mul3A_3 = arith.mulf %get3A_1, %mul3A_2 : vector<1x256xf32>
    %get3A_4 = arith.constant 1 : index
    %get3A_5 = arith.constant 0 : index
    %get3A_6 = vector.load %arg3[%get3A_4, %get3A_5] : memref<2x256xf32, #tpu.memory_space<vmem>>, vector<1x256xf32>
    %mul3A_7 = arith.constant 9.99999974E-5 : f32
    %mul3A_8 = vector.broadcast %mul3A_7 : f32 to vector<1x256xf32>
    %mul3A_9 = arith.mulf %get3A_6, %mul3A_8 : vector<1x256xf32>
    %mul3A_10 = arith.mulf %mul3A_3, %mul3A_3 : vector<1x256xf32>
    %sub3A = arith.subf %mul3A_9, %mul3A_10 : vector<1x256xf32>
    %get3A_11 = arith.constant 0 : index
    %get3A_12 = arith.constant 0 : index
    %get3A_13 = vector.load %arg1[%get3A_11, %get3A_12] : memref<2000x256xf32, #tpu.memory_space<vmem>>, vector<2000x256xf32>
    %sub3A_14 = vector.broadcast %mul3A_3 : vector<1x256xf32> to vector<2000x256xf32>
    %sub3A_15 = arith.subf %get3A_13, %sub3A_14 : vector<2000x256xf32>
    %add3A = arith.constant 9.99999974E-6 : f32
    %add3A_16 = vector.broadcast %add3A : f32 to vector<1x256xf32>
    %add3A_17 = arith.addf %sub3A, %add3A_16 : vector<1x256xf32>
    %rsqrt3A = math.rsqrt %add3A_17 : vector<1x256xf32>
    %mul3A_18 = vector.broadcast %rsqrt3A : vector<1x256xf32> to vector<2000x256xf32>
    %mul3A_19 = arith.mulf %sub3A_15, %mul3A_18 : vector<2000x256xf32>
    %get3A_20 = arith.constant 0 : index
    %get3A_21 = arith.constant 0 : index
    %get3A_22 = vector.load %arg4[%get3A_20, %get3A_21] : memref<1x256xf32, #tpu.memory_space<vmem>>, vector<1x256xf32>
    %mul3A_23 = vector.broadcast %get3A_22 : vector<1x256xf32> to vector<2000x256xf32>
    %mul3A_24 = arith.mulf %mul3A_19, %mul3A_23 : vector<2000x256xf32>
    %get3A_25 = arith.constant 0 : index
    %get3A_26 = arith.constant 0 : index
    %get3A_27 = vector.load %arg5[%get3A_25, %get3A_26] : memref<1x256xf32, #tpu.memory_space<vmem>>, vector<1x256xf32>
    %add3A_28 = vector.broadcast %get3A_27 : vector<1x256xf32> to vector<2000x256xf32>
    %add3A_29 = arith.addf %mul3A_24, %add3A_28 : vector<2000x256xf32>
    %get3A_30 = arith.constant 0 : index
    %get3A_31 = arith.constant 0 : index
    %get3A_32 = vector.load %arg2[%get3A_30, %get3A_31] : memref<2000x256xf32, #tpu.memory_space<vmem>>, vector<2000x256xf32>
    %add3A_33 = arith.addf %get3A_32, %add3A_29 : vector<2000x256xf32>
    %custom_jvp_call3A = arith.constant 0.000000e+00 : f32
    %max3A = vector.broadcast %custom_jvp_call3A : f32 to vector<2000x256xf32>
    %max3A_34 = arith.maximumf %add3A_33, %max3A : vector<2000x256xf32>
    %sub3A_35 = vector.broadcast %custom_jvp_call3A : f32 to vector<2000x256xf32>
    %sub3A_36 = arith.subf %add3A_33, %sub3A_35 : vector<2000x256xf32>
    %ne3A = arith.cmpf one, %sub3A_36, %sub3A_36 : vector<2000x256xf32>
    %add3A_37 = vector.broadcast %custom_jvp_call3A : f32 to vector<2000x256xf32>
    %add3A_38 = arith.addf %add3A_33, %add3A_37 : vector<2000x256xf32>
    %abs3A = math.absf %sub3A_36 : vector<2000x256xf32>
    %neg3A = arith.constant 0.000000e+00 : f32
    %neg3A_39 = vector.broadcast %neg3A : f32 to vector<2000x256xf32>
    %neg3A_40 = arith.subf %neg3A_39, %abs3A : vector<2000x256xf32>
    %exp3A = math.exp %neg3A_40 : vector<2000x256xf32>
    %log1p3A = math.log1p %exp3A : vector<2000x256xf32>
    %add3A_41 = arith.addf %max3A_34, %log1p3A : vector<2000x256xf32>
    %select_n3A = arith.select %ne3A, %add3A_38, %add3A_41 : vector<2000x256xi1>, vector<2000x256xf32>
    %swap3A = arith.constant 0 : index
    %swap3A_42 = arith.constant 0 : index
    %swap3A_43 = vector.load %arg6[%swap3A, %swap3A_42] : memref<2000x256xf32, #tpu.memory_space<vmem>>, vector<2000x256xf32>
    tpu.vector_store %arg6[%swap3A, %swap3A_42], %select_n3A {strides = array<i32>} : memref<2000x256xf32, #tpu.memory_space<vmem>>, vector<2000x256xf32>,
    return
  }
  func.func @transform_0(%arg0: i32) -> (i32, i32) {
    %c0_i32 = arith.constant 0 : i32
    %c0_i32_0 = arith.constant 0 : i32
    return %arg0, %c0_i32 : i32, i32
  }
  func.func @transform_1(%arg0: i32) -> (i32, i32) {
    %c0_i32 = arith.constant 0 : i32
    %c0_i32_0 = arith.constant 0 : i32
    return %arg0, %c0_i32 : i32, i32
  }
  func.func @transform_2(%arg0: i32) -> (i32, i32) {
    %c0_i32 = arith.constant 0 : i32
    %c0_i32_0 = arith.constant 0 : i32
    %c0_i32_1 = arith.constant 0 : i32
    return %c0_i32, %c0_i32_0 : i32, i32
  }
  func.func @transform_3(%arg0: i32) -> (i32, i32) {
    %c0_i32 = arith.constant 0 : i32
    %c0_i32_0 = arith.constant 0 : i32
    %c0_i32_1 = arith.constant 0 : i32
    return %c0_i32, %c0_i32_0 : i32, i32
  }
  func.func @transform_4(%arg0: i32) -> (i32, i32) {
    %c0_i32 = arith.constant 0 : i32
    %c0_i32_0 = arith.constant 0 : i32
    %c0_i32_1 = arith.constant 0 : i32
    return %c0_i32, %c0_i32_0 : i32, i32
  }
  func.func @transform_5(%arg0: i32) -> (i32, i32) {
    %c0_i32 = arith.constant 0 : i32
    %c0_i32_0 = arith.constant 0 : i32
    return %arg0, %c0_i32 : i32, i32
  }
}

</mosaic_0001>

<sc_bundles>
// kernel: kernel.12.cloned.1.call-start
scs
__scs_entry_jumppad:
0x0: {  	(pc) =	sbr.rel $0x88, $3  }
0x1: {  	(tag) =	ssettag $0x0;
	lr =	simm.s32 $0x1  }
0x2: {  	[smem:$0x3F97] =	sst lr;
	_ =	strace $0xD0000000  }
0x3: {  	_ = 	snop  }
0x4: {  	_ = 	snop  }
0x5: {  	_ = 	snop  }
0x6: {  	_ = 	snop  }
0x7: {  	_ = 	snop  }
__scs_overlays_trampoline_lowered:
0x8: {  	[smem:$0x3FA6] =	sst s0  }
0x9: {  	[smem:$0x3FA7] =	sst s1  }
0xa: {  	[smem:$0x3FA8] =	sst s2  }
0xb: {  	[smem:$0x3FA9] =	sst s3  }
0xc: {  	[smem:$0x3FAA] =	sst s4  }
0xd: {  	[smem:$0x3FAB] =	sst s5  }
0xe: {  	[smem:$0x3FAC] =	sst s6  }
0xf: {  	[smem:$0x3FAD] =	sst s7  }
0x10: {  	[smem:$0x3FAE] =	sst s8  }
0x11: {  	[smem:$0x3FAF] =	sst s9;
	s0 =	simm.s32 @!p0 $0x0  }
0x12: {  	s1 =	sld [smem:$0x3F95];
	s0 =	simm.s32 @p0 $0x1  }
0x13: {  	[smem:$0x3FB0] =	sst s0;
	s0 =	simm.s32 @!p1 $0x0  }
0x14: {  	s2 =	sld [smem:$0x3F94];
	s0 =	simm.s32 @p1 $0x1  }
0x15: {  	[smem:$0x3FB1] =	sst s0;
	s0 =	simm.s32 @!p2 $0x0  }
0x16: {  	s3 =	sld [smem:$0x3FDB];
	s0 =	simm.s32 @p2 $0x1  }
0x17: {  	s4 =	simm.s32 $0x1BF5;
	[smem:$0x3FB3] =	sst s0  }
0x18: {  	s0 =	sld [smem:$0x3F96];
	_ =	swait.ge [sflag:s4], $0x0  }
0x19: {  	s7 =	sld [smem:$0x3F97]  }
0x1a: {  	s8 =	sadd.s32 $0xFFFFE003, lr  }
0x1b: {  	s9 =	sadd.s32 $0xFFFFFEF7, lr;
	s5 =	simm.s32 $0xFFFFFFFF;
	p2 =	slt.u32 s8, $0xFFFFF086  }
0x1c: {  	p1 =	slt.u32 s9, $0xF7A;
	s5 =	simm.s32 @!p2 $0x0  }
0x1d: {  	s5 =	simm.s32 @p1 $0x1;
	p0 =	seq.s32 s7, s2  }
0x1e: {  	s7 =	smul.u32 @!p0 $0xF7A, s2;
	p2 =	seq.s32 @!p0 s5, $0x0  }
0x1f: {  	s9 =	smul.u32 $0xF7A, s1;
	s8 =	simm.s32 @!p0 $0x1BF5;
	p2 =	por !p2, p0  }
0x20: {  	[sflag:s8] =	ssyncset.s32 @!p0 $0xFFFFF086;
	s6 =	sadd.s32 @!p0 s3, s7;
	s7 =	simm.s32 @!p0 $0x108  }
0x21: {  	s3 =	sadd.s32 s3, s9;
	s6 =	sadd.s32 @!p0 $0x88, s6;
	s7 =	simm.s32 @p2 $0x1082  }
0x22: {  	[simem:s7], [sflag:s8] =	dma.local @!p0 [hbm:s6], $0xF7A  }
0x23: {  	s9 =	sor.u32 $0xD0000000, s2;
	s6 =	simm.s32 $0x108;
	_ =	swait.ge @!p0 [sflag:s8], $0x0  }
0x24: {  	s3 =	sadd.s32 $0x88, s3;
	s6 =	simm.s32 @!p1 $0x1082;
	[sflag:s4] =	ssyncset.s32 $0xFFFFF086  }
0x25: {  	[simem:s6], [sflag:s4] =	dma.local [hbm:s3], $0xF7A  }
0x26: {  	[smem:$0x3F97] =	sst s1;
	(tag) =	ssettag s2;
	_ =	strace s9  }
0x27: {  	s1 =	sld [smem:$0x3FA7]  }
0x28: {  	s2 =	sld [smem:$0x3FA8]  }
0x29: {  	s4 =	sld [smem:$0x3FAA]  }
0x2a: {  	p0 =	seq.s32 s5, $0x0;
	s5 =	sld [smem:$0x3FAB]  }
0x2b: {  	s6 =	sld [smem:$0x3FAC]  }
0x2c: {  	s7 =	sld [smem:$0x3FAD]  }
0x2d: {  	s3 =	simm.s32 $0x108;
	s8 =	sld [smem:$0x3FAE]  }
0x2e: {  	s3 =	simm.s32 @!p0 $0x1082;
	s9 =	sld [smem:$0x3FAF]  }
0x2f: {  	lr =	sadd.s32 s0, s3;
	s0 =	sld [smem:$0x3FA6]  }
0x30: {  	s3 =	sld [smem:$0x3FA9]  }
0x31: {  	[smem:$0x3FB2] =	sst s10  }
0x32: {  	s10 =	sld [smem:$0x3FB0];
	_ =	sdelay $0x3  }
0x33: {  	p0 =	seq.s32 s10, $0x1;
	s10 =	sld [smem:$0x3FB2];
	_ =	sdelay $0x3  }
0x34: {  	[smem:$0x3FB2] =	sst s10  }
0x35: {  	s10 =	sld [smem:$0x3FB1];
	_ =	sdelay $0x3  }
0x36: {  	p1 =	seq.s32 s10, $0x1;
	s10 =	sld [smem:$0x3FB2];
	_ =	sdelay $0x3  }
0x37: {  	[smem:$0x3FB2] =	sst s10  }
0x38: {  	s10 =	sld [smem:$0x3FB3]  }
0x39: {  	_ = 	snop;
	(pc) =	sbr.ind lr, $3  }
0x3a: {  	_ = 	snop  }
0x3b: {  	_ = 	snop  }
0x3c: {  	p2 =	seq.s32 s10, $0x1;
	s10 =	sld [smem:$0x3FB2]  }
0x3d: {  	_ =	shalt  }
0x3e: {  	_ =	shalt  }
0x3f: {  	_ =	shalt  }
0x40: {  	_ =	shalt  }
0x41: {  	_ =	shalt  }
0x42: {  	_ =	shalt  }
0x43: {  	_ =	shalt  }
0x44: {  	_ =	shalt  }
0x45: {  	_ =	shalt  }
0x46: {  	_ =	shalt  }
0x47: {  	_ =	shalt  }
0x48: {  	_ =	shalt  }
0x49: {  	_ =	shalt  }
0x4a: {  	_ =	shalt  }
0x4b: {  	_ =	shalt  }
0x4c: {  	_ =	shalt  }
0x4d: {  	_ =	shalt  }
0x4e: {  	_ =	shalt  }
0x4f: {  	_ =	shalt  }
0x50: {  	_ =	shalt  }
0x51: {  	_ =	shalt  }
0x52: {  	_ =	shalt  }
0x53: {  	_ =	shalt  }
0x54: {  	_ =	shalt  }
0x55: {  	_ =	shalt  }
0x56: {  	_ =	shalt  }
0x57: {  	_ =	shalt  }
0x58: {  	_ =	shalt  }
0x59: {  	_ =	shalt  }
0x5a: {  	_ =	shalt  }
0x5b: {  	_ =	shalt  }
0x5c: {  	_ =	shalt  }
0x5d: {  	_ =	shalt  }
0x5e: {  	_ =	shalt  }
0x5f: {  	_ =	shalt  }
0x60: {  	_ =	shalt  }
0x61: {  	_ =	shalt  }
0x62: {  	_ =	shalt  }
0x63: {  	_ =	shalt  }
0x64: {  	_ =	shalt  }
0x65: {  	_ =	shalt  }
0x66: {  	_ =	shalt  }
0x67: {  	_ =	shalt  }
0x68: {  	_ =	shalt  }
0x69: {  	_ =	shalt  }
0x6a: {  	_ =	shalt  }
0x6b: {  	_ =	shalt  }
0x6c: {  	_ =	shalt  }
0x6d: {  	_ =	shalt  }
0x6e: {  	_ =	shalt  }
0x6f: {  	_ =	shalt  }
0x70: {  	_ =	shalt  }
0x71: {  	_ =	shalt  }
0x72: {  	_ =	shalt  }
0x73: {  	_ =	shalt  }
0x74: {  	_ =	shalt  }
0x75: {  	_ =	shalt  }
0x76: {  	_ =	shalt  }
0x77: {  	_ =	shalt  }
0x78: {  	_ =	shalt  }
0x79: {  	_ =	shalt  }
0x7a: {  	_ =	shalt  }
0x7b: {  	_ =	shalt  }
0x7c: {  	_ =	shalt  }
0x7d: {  	_ =	shalt  }
0x7e: {  	_ =	shalt  }
0x7f: {  	_ =	shalt  }
0x80: {  	_ =	shalt  }
0x81: {  	_ =	shalt  }
0x82: {  	_ =	shalt  }
0x83: {  	_ =	shalt  }
0x84: {  	_ =	shalt  }
0x85: {  	_ =	shalt  }
0x86: {  	_ =	shalt  }
0x87: {  	_ =	shalt  }
.Lfunc_end0:
.L_simem_size_0:
called_computation.1_lowered:
.L_overlay_start_0:
0x88: {  	s2 =	sld [smem:$0x3FD9]  }
0x89: {  	s3 =	sld [smem:$0x3FFE];
	_ =	sdelay $0x1  }
0x8a: {  	s1 =	srdreg.scid  }
0x8b: {  	s0 =	sand.u32 $0x1, s1  }
0x8c: {  	s17 =	sshll.u32 s0, $0xA;
	s2 =	sadd.s32 s3, s2  }
0x8d: {  	s2 =	sadd.s32 s2, s17  }
0x8e: {  	[smem:$0x3FBE] =	sst s2  }
0x8f: {  	_ = 	snop  }
0x90: {  	s2 =	sld [smem:$0x3FC7]  }
0x91: {  	s18 =	sld [smem:$0x3FD0];
	(tm) =	ssettm $0x1  }
0x92: {  	s4 =	sld [smem:$0x3FFB];
	_ =	sdelay $0x3  }
0x93: {  	_ =	strace s4  }
0x94: {  	s4 =	sld [smem:$0x3FFC];
	_ =	sdelay $0x3  }
0x95: {  	_ =	strace s4  }
0x96: {  	s4 =	sld [smem:$0x3FFD];
	_ =	sdelay $0x3  }
0x97: {  	_ =	strace s4  }
0x98: {  	_ =	strace $0x8FFFFFFF  }
0x99: {  	s19 =	sld [smem:$0x3FDB];
	_ =	sdelay $0x1  }
0x9a: {  	s5 =	simm.s32 $_scs_section_size  }
0x9b: {  	s6 =	simm.s32 $_size__tile_overlayer_lowered;
	s7 =	simm.s32 $_tile_overlayer_lowered  }
0x9c: {  	s22 =	simm.s32 $0x1BFF;
	s21 =	sshll.u32 s7, $0x1;
	s4 =	sadd.s32 s5, s19  }
0x9d: {  	s8 =	simm.s32 $0x0;
	s20 =	sshll.u32 s6, $0x1;
	s6 =	sadd.s32 s21, s4  }
0x9e: {  	[timem:s8], [sflag:s22] =	dma.local [hbm:s6], s20  }
0x9f: {  	_ =	swait.ge [sflag:s22], s20  }
0xa0: {  	s5 =	ssub.s32 $0x0, s20;
	[sflag:s22] =	ssyncset.done $0x0  }
0xa1: {  	[sflag:s22] =	ssyncadd.s32 s5;
	_ =	sdelay $0x1  }
0xa2: {  	s23 =	simm.s32 $0x1B8B  }
0xa3: {  	_ =	swait.ge [sflag:s23], $0x1  }
0xa4: {  	[sflag:s23] =	ssyncset.done $0x0  }
0xa5: {  	s25 =	simm.s32 $0x1B8E;
	s24 =	sld [smem:$0x3FFE];
	[sflag:s23] =	ssyncadd.s32 $0xFFFFFFFF  }
0xa6: {  	s26 =	simm.s32 $execute0_lowered;
	[smem:$0x3FD2] =	sst s25  }
0xa7: {  	s6 =	sshll.u32 s26, $0x1;
	_ =	strace $0x80000049;
	[dreg:$0x1] =	wrdreg $0xFFFFFFFF  }
0xa8: {  	s28 =	simm.s32 $_size_execute0_lowered;
	s4 =	sadd.s32 s4, s6;
	[dreg:$0x0] =	wrdreg $0x0  }
0xa9: {  	s6 =	sshll.u32 s28, $0x1;
	[dreg:$0x2] =	wrdreg s4  }
0xaa: {  	[dreg:$0x3] =	wrdreg s6  }
0xab: {  	[dreg:$0x4] =	wrdreg $0xC0  }
0xac: {  	_ =	task [dreg:s8], $0x5FFFF  }
0xad: {  	[dreg:$0x1] =	wrdreg $0xFFFFFFFF  }
0xae: {  	[dreg:$0x0] =	wrdreg $0x60  }
0xaf: {  	[dreg:$0x2] =	wrdreg s24  }
0xb0: {  	[dreg:$0x3] =	wrdreg s2  }
0xb1: {  	[dreg:$0x4] =	wrdreg s18  }
0xb2: {  	[dreg:$0x5] =	wrdreg $0x0  }
0xb3: {  	[dreg:$0x6] =	wrdreg $0x9  }
0xb4: {  	_ =	task.clear_ibuf [dreg:s8], $0x7FFFF;
	_ =	strace $0x90000049  }
0xb5: {  	s29 =	simm.s32 $0x9;
	_ =	strace $0x8000004B  }
0xb6: {  	_ =	swait.ge [sflag:s29], $0x1  }
0xb7: {  	[sflag:s29] =	ssyncadd.s32 $0xFFFFFFFF  }
0xb8: {  	_ =	strace $0x9000004B  }
0xb9: {  	_ =	sfence  }
0xba: {  	s30 =	sld [smem:$0x0];
	_ =	sdelay $0x2  }
0xbb: {  	s31 =	sshll.u32 s1, $0xD;
	s1 =	sshrl.u32 s1, $0x2  }
0xbc: {  	s3 =	sand.u32 $0x4000, s31;
	s1 =	sadd.s32 s1, s30  }
0xbd: {  	s0 =	sor.u32 s3, s0;
	s1 =	sshll.u32 s1, $0x11  }
0xbe: {  	s0 =	sor.u32 s1, s0  }
0xbf: {  	s0 =	sadd.s32 $0x8F2B, s0  }
0xc0: {  	[sflag:s0] =	ssyncadd.remote.s32 $0x1  }
0xc1: {  	_ =	sfence.sel $0xFFFF  }
0xc2: {  	[dreg:$0x0] =	wrdreg $0xFFFFFFFF;
	(pc) =	sbr.abs _section_cstart, $3  }
0xc3: {  	[dreg:$0x1] =	wrdreg $0xFFFFFFFF  }
0xc4: {  	_ =	task.clear_ibuf [dreg:s8], $0x2FFFF;
	_ =	strace $0x9FFFFFFF  }
0xc5: {  	(tm) =	ssettm $0x7FFFFFFF  }
tec
execute0_lowered:
.L_overlay_start_1:
0x0: {  	(tag) =	ssettag $0x1  }
0x1: {  	s0 =	rddreg [dreg:$0x0]  }
0x2: {  	s2 =	rddreg [dreg:$0x1]  }
0x3: {  	s6 =	rddreg [dreg:$0x2]  }
0x4: {  	s1 =	rddreg [dreg:$0x3];
	s3 =	simm.s32 $0x0  }
0x5: {  	s4 =	srdreg.scid;
	s15 =	stileid.u32;
	s28 =	simm.s32 $0x1B900  }
0x6: {  	s29 =	simm.s32 $0x1;
	s30 =	simm.s32 $0x3;
	s31 =	simm.s32 $0x80  }
0x7: {  	[smem:$0x7FF] =	sst s3;
	s7 =	sand.u32 $0x1, s4;
	s9 =	smul.u32 $0x271000, s15  }
0x8: {  	s4 =	sadd.s32 $0xD6F600, s0;
	s11 =	smul.u32 $0x2710, s15;
	s5 =	sadd.s32 $0x1E00, s0  }
0x9: {  	s13 =	smul.u32 $0x4E000, s15;
	s25 =	sshll.u32 s15, $0x6;
	s16 =	sadd.s32 $0x138000, s1  }
0xa: {  	s18 =	smul.u32 $0x27000, s15;
	p0 =	sne.s32 s15, $0xF;
	_ =	strace $0x8000004A  }
0xb: {  	s8 =	ssub.s32 $0x2, s7;
	s12 =	sshll.u32 s7, $0xA;
	[dreg:$0x8] =	wrdreg s16  }
0xc: {  	s7 =	sshll.u32 s7, $0x7;
	s10 =	sshrl.u32 s8, $0x1;
	s21 =	sshrl.u32 s11, $0x3  }
0xd: {  	s23 =	sadd.s32 $0x2680, s11;
	s24 =	sshrl.u32 s13, $0x2;
	s11 =	sadd.s32 $0x2700, s11  }
0xe: {  	s7 =	sadd.s32 s7, s6;
	s0 =	ssub.s32 s8, s10;
	s8 =	sor.u32 s12, s9  }
0xf: {  	s22 =	sadd.s32 s2, s21;
	s14 =	sshll.u32 s23, $0x8;
	s10 =	sshrl.u32 s23, $0x3  }
0x10: {  	s17 =	sshll.u32 s11, $0x8;
	s11 =	sshrl.u32 s11, $0x3;
	s21 =	sor.u32 s12, s18  }
0x11: {  	s23 =	sadd.s32 $0x4E000, s7;
	s7 =	simm.s32 $0x0;
	s9 =	sshrl.u32 s8, $0x3  }
0x12: {  	[dreg:$0x6] =	wrdreg s22;
	s26 =	sor.u32 s12, s14;
	s10 =	sadd.s32 s2, s10  }
0x13: {  	s19 =	sadd.s32 s2, s11;
	s22 =	smul.u32 $0x4E2, s15;
	[dreg:$0xe] =	wrdreg s23  }
0x14: {  	s18 =	sadd.s32 $0x10000, s8;
	s23 =	simm.s32 $0x13880;
	[dreg:$0xa] =	wrdreg s10  }
0x15: {  	s9 =	sadd.s32 s4, s9;
	s13 =	sshrl.u32 s26, $0x3;
	[dreg:$0xb] =	wrdreg s19  }
0x16: {  	[dreg:$0x5] =	wrdreg s9;
	s9 =	sadd.s32 s24, s1;
	s13 =	sadd.s32 s4, s13  }
0x17: {  	s24 =	sadd.s32 $0x8000, s8;
	[dreg:$0x7] =	wrdreg s9;
	s9 =	sor.u32 $0x1C05, s25  }
0x18: {  	[dreg:$0x9] =	wrdreg s13;
	s13 =	sor.u32 s12, s17;
	s17 =	smax.u32 s0, $0x1  }
0x19: {  	s25 =	sadd.s32 s22, s2;
	s26 =	sshrl.u32 s24, $0x3;
	s22 =	simm.s32 $0x800  }
0x1a: {  	s24 =	simm.s32 $0x1B880;
	s0 =	simm.s32 $0x2;
	s20 =	sshrl.u32 s13, $0x3  }
0x1b: {  	s2 =	simm.s32 $0x4;
	s19 =	sadd.s32 $0x20, s25;
	s10 =	sadd.s32 s4, s20  }
0x1c: {  	s25 =	simm.s32 $0x5;
	[dreg:$0xc] =	wrdreg s10;
	s10 =	sshrl.u32 s21, $0x3  }
0x1d: {  	s20 =	sadd.s32 s26, s4;
	s26 =	simm.s32 $0x17880;
	s6 =	sadd.s32 s6, s10  }
0x1e: {  	s21 =	simm.s32 $0x400;
	[dreg:$0xd] =	wrdreg s6;
	s6 =	simm.s32 $0x1B980  }
.LBB2_1:
0x1f: {  	s8 =	rddreg [dreg:$0x5]  }
0x20: {  	s13 =	rddreg [dreg:$0x7]  }
0x21: {  	[tilespmem:s23], [sflag:$0x1] =	stream.strided.gather [hbm4b:s8+s21], $0x4000, s22, s21, $0x38;
	[tilespmem:$0x1BA00] =	vst v63  }
0x22: {  	s12 =	rddreg [dreg:$0x6];
	s10 =	sshrl.u32 s13, $0x3  }
0x23: {  	[tilespmem:s24], [sflag:$0x3] =	stream.linear.gather [hbm4b:s12+s3], $0x80, $0x38;
	[tilespmem:$0x1BA00] =	vst v63  }
0x24: {  	[spmem:s10], [sflag:s9] =	dma.local [hbm:s5], $0x2700  }
0x25: {  	_ =	swait.ge [sflag:s25], $0x2700  }
0x26: {  	[sflag:s25] =	ssyncset.done $0x0;
	s8 =	rddreg [dreg:$0x8]  }
0x27: {  	s11 =	simm.s32 @!p0 $0x5;
	[sflag:s25] =	ssyncadd.s32 $0xFFFFD900;
	s8 =	sshrl.u32 @!p0 s8, $0x3  }
0x28: {  	[spmem:s8], [sflag:s9] =	dma.local @!p0 [hbm:s5], $0x100  }
0x29: {  	_ =	swait.ge @!p0 [sflag:s11], $0x100  }
0x2a: {  	[sflag:s11] =	ssyncset.done @!p0 $0x0  }
0x2b: {  	[sflag:s11] =	ssyncadd.s32 @!p0 $0xFFFFFF00  }
0x2c: {  	s14 =	sadd.s32 $0x0, s20;
	[bflag:$0x0] =	sbarrier.arrive $0xFFFF  }
0x2d: {  	[tilespmem:s26], [sflag:$0x2] =	stream.strided.gather [hbm4b:s14+s21], $0x4000, s22, s21, $0x38;
	[tilespmem:$0x1BA00] =	vst v63  }
0x2e: {  	s15 =	sadd.s32 $0xFFFFFFF0, s19  }
0x2f: {  	[tilespmem:s28], [sflag:$0x4] =	stream.linear.gather [hbm4b:s15+s3], $0x80, $0x38;
	[tilespmem:$0x1BA00] =	vst v63  }
0x30: {  	_ =	swait.ge [sflag:s29], $0x4000  }
0x31: {  	[sflag:s29] =	ssyncset.done $0x0  }
0x32: {  	[sflag:s29] =	ssyncadd.s32 $0xFFFFC000  }
0x33: {  	_ =	swait.ge [sflag:s30], $0x80  }
0x34: {  	[sflag:s30] =	ssyncset.done $0x0  }
0x35: {  	[sflag:s30] =	ssyncadd.s32 $0xFFFFFF80  }
0x36: {  	[spmem:s1] =	stream.indirect.scatter.add.f32 [tilespmem:s23], [sflag:$0x5], $0x80, s24, s31, $0xb8;
	[tilespmem:$0x1BA00] =	vst v63  }
0x37: {  	_ =	swait.ge [sflag:s25], $0x4000  }
0x38: {  	s16 =	sshrl.u32 s18, $0x3;
	[sflag:s25] =	ssyncset.done $0x0  }
0x39: {  	s11 =	sadd.s32 s4, s16;
	[sflag:s25] =	ssyncadd.s32 $0xFFFFC000  }
0x3a: {  	[tilespmem:s23], [sflag:$0x1] =	stream.strided.gather [hbm4b:s11+s21], $0x4000, s22, s21, $0x38;
	[tilespmem:$0x1BA00] =	vst v63  }
0x3b: {  	_ = 	snop  }
0x3c: {  	[tilespmem:s24], [sflag:$0x3] =	stream.linear.gather [hbm4b:s19+s3], $0x80, $0x38;
	[tilespmem:$0x1BA00] =	vst v63  }
0x3d: {  	_ =	swait.ge [sflag:s0], $0x4000  }
0x3e: {  	[sflag:s0] =	ssyncset.done $0x0  }
0x3f: {  	[sflag:s0] =	ssyncadd.s32 $0xFFFFC000  }
0x40: {  	_ =	swait.ge [sflag:s2], $0x80  }
0x41: {  	[sflag:s2] =	ssyncset.done $0x0  }
0x42: {  	[sflag:s2] =	ssyncadd.s32 $0xFFFFFF80  }
0x43: {  	[spmem:s1] =	stream.indirect.scatter.add.f32 [tilespmem:s26], [sflag:$0x5], $0x80, s28, s31, $0xb8;
	[tilespmem:$0x1BA00] =	vst v63  }
0x44: {  	s13 =	simm.s32 $0x2000;
	s12 =	sadd.s32 $0x10000, s18;
	_ =	swait.ge [sflag:s25], $0x4000  }
0x45: {  	s14 =	simm.s32 $0x4000;
	s11 =	sadd.s32 $0x20, s19;
	[sflag:s25] =	ssyncset.done $0x0  }
.LBB2_2:
0x46: {  	s15 =	sadd.s32 s13, s20  }
0x47: {  	[sflag:s25] =	ssyncadd.s32 $0xFFFFC000;
	s13 =	smov.u32 s14;
	s16 =	sadd.s32 $0x2000, s14  }
0x48: {  	[tilespmem:s26], [sflag:$0x2] =	stream.strided.gather [hbm4b:s15+s21], $0x4000, s22, s21, $0x38;
	[tilespmem:$0x1BA00] =	vst v63  }
0x49: {  	p1 =	sne.s32 s14, $0x4A000;
	s14 =	sadd.s32 $0xFFFFFFF0, s11  }
0x4a: {  	[tilespmem:s28], [sflag:$0x4] =	stream.linear.gather [hbm4b:s14+s3], $0x80, $0x38;
	[tilespmem:$0x1BA00] =	vst v63  }
0x4b: {  	_ =	swait.ge [sflag:s29], $0x4000  }
0x4c: {  	[sflag:s29] =	ssyncset.done $0x0  }
0x4d: {  	[sflag:s29] =	ssyncadd.s32 $0xFFFFC000  }
0x4e: {  	_ =	swait.ge [sflag:s30], $0x80  }
0x4f: {  	[sflag:s30] =	ssyncset.done $0x0  }
0x50: {  	[sflag:s30] =	ssyncadd.s32 $0xFFFFFF80  }
0x51: {  	[spmem:s1] =	stream.indirect.scatter.add.f32 [tilespmem:s23], [sflag:$0x5], $0x80, s24, s31, $0xb8;
	[tilespmem:$0x1BA00] =	vst v63  }
0x52: {  	_ =	swait.ge [sflag:s25], $0x4000  }
0x53: {  	s14 =	sshrl.u32 s12, $0x3;
	[sflag:s25] =	ssyncset.done $0x0  }
0x54: {  	s14 =	sadd.s32 s4, s14;
	[sflag:s25] =	ssyncadd.s32 $0xFFFFC000  }
0x55: {  	[tilespmem:s23], [sflag:$0x1] =	stream.strided.gather [hbm4b:s14+s21], $0x4000, s22, s21, $0x38;
	[tilespmem:$0x1BA00] =	vst v63  }
0x56: {  	_ = 	snop  }
0x57: {  	[tilespmem:s24], [sflag:$0x3] =	stream.linear.gather [hbm4b:s11+s3], $0x80, $0x38;
	[tilespmem:$0x1BA00] =	vst v63  }
0x58: {  	_ =	swait.ge [sflag:s0], $0x4000  }
0x59: {  	[sflag:s0] =	ssyncset.done $0x0  }
0x5a: {  	[sflag:s0] =	ssyncadd.s32 $0xFFFFC000  }
0x5b: {  	_ =	swait.ge [sflag:s2], $0x80  }
.Ltmp0:
0x5c: {  	[sflag:s2] =	ssyncset.done $0x0;
	(pc) =	sbr.rel @p1 .LBB2_2-.Ltmp0, $4  }
0x5d: {  	[sflag:s2] =	ssyncadd.s32 $0xFFFFFF80  }
0x5e: {  	[spmem:s1] =	stream.indirect.scatter.add.f32 [tilespmem:s26], [sflag:$0x5], $0x80, s28, s31, $0xb8;
	[tilespmem:$0x1BA00] =	vst v63  }
0x5f: {  	s12 =	sadd.s32 $0x10000, s12;
	_ =	swait.ge [sflag:s25], $0x4000  }
0x60: {  	s14 =	smov.u32 s16;
	s11 =	sadd.s32 $0x20, s11;
	[sflag:s25] =	ssyncset.done $0x0  }
0x61: {  	s13 =	sadd.s32 s13, s20;
	[sflag:s25] =	ssyncadd.s32 $0xFFFFC000  }
0x62: {  	[tilespmem:s26], [sflag:$0x2] =	stream.strided.gather [hbm4b:s13+s21], $0x4000, s22, s21, $0x38;
	[tilespmem:$0x1BA00] =	vst v63  }
0x63: {  	s16 =	sadd.s32 $0xFFFFFFF0, s11  }
0x64: {  	[tilespmem:s28], [sflag:$0x4] =	stream.linear.gather [hbm4b:s16+s3], $0x80, $0x38;
	[tilespmem:$0x1BA00] =	vst v63  }
0x65: {  	_ =	swait.ge [sflag:s29], $0x4000  }
0x66: {  	[sflag:s29] =	ssyncset.done $0x0  }
0x67: {  	[sflag:s29] =	ssyncadd.s32 $0xFFFFC000  }
0x68: {  	_ =	swait.ge [sflag:s30], $0x80  }
0x69: {  	[sflag:s30] =	ssyncset.done $0x0  }
0x6a: {  	[sflag:s30] =	ssyncadd.s32 $0xFFFFFF80  }
0x6b: {  	[spmem:s1] =	stream.indirect.scatter.add.f32 [tilespmem:s23], [sflag:$0x5], $0x80, s24, s31, $0xb8;
	[tilespmem:$0x1BA00] =	vst v63  }
0x6c: {  	_ =	swait.ge [sflag:s25], $0x4000  }
0x6d: {  	s12 =	sshrl.u32 s12, $0x3;
	[sflag:s25] =	ssyncset.done $0x0  }
0x6e: {  	s12 =	sadd.s32 s4, s12;
	[sflag:s25] =	ssyncadd.s32 $0xFFFFC000  }
0x6f: {  	[tilespmem:s23], [sflag:$0x1] =	stream.strided.gather [hbm4b:s12+s21], $0x4000, s22, s21, $0x38;
	[tilespmem:$0x1BA00] =	vst v63  }
0x70: {  	_ = 	snop  }
0x71: {  	[tilespmem:s24], [sflag:$0x3] =	stream.linear.gather [hbm4b:s11+s3], $0x80, $0x38;
	[tilespmem:$0x1BA00] =	vst v63  }
0x72: {  	_ =	swait.ge [sflag:s0], $0x4000  }
0x73: {  	[sflag:s0] =	ssyncset.done $0x0  }
0x74: {  	[sflag:s0] =	ssyncadd.s32 $0xFFFFC000  }
0x75: {  	_ =	swait.ge [sflag:s2], $0x80  }
0x76: {  	[sflag:s2] =	ssyncset.done $0x0  }
0x77: {  	[sflag:s2] =	ssyncadd.s32 $0xFFFFFF80  }
0x78: {  	[spmem:s1] =	stream.indirect.scatter.add.f32 [tilespmem:s26], [sflag:$0x5], $0x80, s28, s31, $0xb8;
	[tilespmem:$0x1BA00] =	vst v63  }
0x79: {  	_ =	swait.ge [sflag:s25], $0x4000  }
0x7a: {  	[sflag:s25] =	ssyncset.done $0x0  }
0x7b: {  	s14 =	rddreg [dreg:$0x9];
	[sflag:s25] =	ssyncadd.s32 $0xFFFFC000  }
0x7c: {  	[tilespmem:s26], [sflag:$0x2] =	stream.strided.gather [hbm4b:s14+s21], $0x4000, s22, s21, $0x38;
	[tilespmem:$0x1BA00] =	vst v63  }
0x7d: {  	s15 =	rddreg [dreg:$0xa]  }
0x7e: {  	[tilespmem:s28], [sflag:$0x4] =	stream.linear.gather [hbm4b:s15+s3], $0x80, $0x38;
	[tilespmem:$0x1BA00] =	vst v63  }
0x7f: {  	_ =	swait.ge [sflag:s29], $0x4000  }
0x80: {  	[sflag:s29] =	ssyncset.done $0x0  }
0x81: {  	[sflag:s29] =	ssyncadd.s32 $0xFFFFC000  }
0x82: {  	_ =	swait.ge [sflag:s30], $0x80  }
0x83: {  	[sflag:s30] =	ssyncset.done $0x0  }
0x84: {  	[sflag:s30] =	ssyncadd.s32 $0xFFFFFF80  }
0x85: {  	[spmem:s1] =	stream.indirect.scatter.add.f32 [tilespmem:s23], [sflag:$0x5], $0x80, s24, s31, $0xb8;
	[tilespmem:$0x1BA00] =	vst v63  }
0x86: {  	_ =	swait.ge [sflag:s25], $0x4000  }
0x87: {  	[sflag:s25] =	ssyncset.done $0x0  }
0x88: {  	[sflag:s25] =	ssyncadd.s32 $0xFFFFC000  }
0x89: {  	_ =	swait.ge [sflag:s0], $0x4000  }
0x8a: {  	[sflag:s0] =	ssyncset.done $0x0  }
0x8b: {  	[sflag:s0] =	ssyncadd.s32 $0xFFFFC000  }
0x8c: {  	_ =	swait.ge [sflag:s2], $0x80  }
0x8d: {  	[sflag:s2] =	ssyncset.done $0x0  }
0x8e: {  	[sflag:s2] =	ssyncadd.s32 $0xFFFFFF80  }
0x8f: {  	[spmem:s1] =	stream.indirect.scatter.add.f32 [tilespmem:s26], [sflag:$0x5], $0x80, s28, s31, $0xb8;
	[tilespmem:$0x1BA00] =	vst v63  }
0x90: {  	_ =	swait.ge [sflag:s25], $0x4000  }
0x91: {  	[sflag:s25] =	ssyncset.done $0x0  }
0x92: {  	s16 =	rddreg [dreg:$0xb];
	[sflag:s25] =	ssyncadd.s32 $0xFFFFC000  }
0x93: {  	[tilespmem:s6], [sflag:$0x5] =	stream.linear.gather [hbm4b:s16+s3], $0x10, $0x38;
	[tilespmem:$0x1BA00] =	vst v63  }
0x94: {  	_ =	swait.ge [sflag:s25], $0x10  }
0x95: {  	[sflag:s25] =	ssyncset.done $0x0  }
0x96: {  	s12 =	rddreg [dreg:$0xc];
	[sflag:s25] =	ssyncadd.s32 $0xFFFFFFF0  }
0x97: {  	[tilespmem:s26], [sflag:$0x2] =	stream.strided.gather [hbm4b:s12+s21], $0x800, s22, s21, $0x38;
	[tilespmem:$0x1BA00] =	vst v63  }
0x98: {  	_ =	swait.ge [sflag:s0], $0x800  }
0x99: {  	[sflag:s0] =	ssyncset.done $0x0  }
0x9a: {  	s13 =	simm.s32 $0x10;
	[sflag:s0] =	ssyncadd.s32 $0xFFFFF800  }
0x9b: {  	[spmem:s1] =	stream.indirect.scatter.add.f32 [tilespmem:s26], [sflag:$0x5], $0x80, s6, s13, $0xb8;
	[tilespmem:$0x1BA00] =	vst v63  }
0x9c: {  	_ =	swait.ge [sflag:s25], $0x800  }
0x9d: {  	[sflag:s25] =	ssyncset.done $0x0  }
0x9e: {  	[sflag:s25] =	ssyncadd.s32 $0xFFFFF800  }
0x9f: {  	s7 =	sadd.s32 $0x1, s7;
	[bflag:$0x0] =	sbarrier.arrive $0xFFFF  }
0xa0: {  	s15 =	simm.s32 $0x8;
	s16 =	simm.s32 $0x100;
	s14 =	rddreg [dreg:$0xd]  }
0xa1: {  	[hbm:s14@s16], [sflag:s9] =	dma.strided [spmem:s10@s31], $0x2700, s15, $0x10   }
0xa2: {  	p1 =	sne.s32 s7, s17;
	_ =	swait.ge [sflag:s25], $0x2700  }
0xa3: {  	s11 =	simm.s32 @!p0 $0x100;
	s12 =	simm.s32 @!p0 $0x80;
	[sflag:s25] =	ssyncset.done $0x0  }
0xa4: {  	s10 =	simm.s32 @!p0 $0x8;
	s13 =	rddreg [dreg:$0xe];
	[sflag:s25] =	ssyncadd.s32 $0xFFFFD900  }
0xa5: {  	[hbm:s13@s11], [sflag:s9] =	dma.strided @!p0 [spmem:s8@s12], $0x100, s10, $0x10   }
.Ltmp1:
0xa6: {  	_ = 	snop;
	(pc) =	sbr.rel @p1 .LBB2_1-.Ltmp1, $4  }
0xa7: {  	s8 =	simm.s32 @!p0 $0x5  }
0xa8: {  	_ =	swait.ge @!p0 [sflag:s8], $0x100  }
0xa9: {  	[sflag:s8] =	ssyncset.done @!p0 $0x0  }
0xaa: {  	[sflag:s8] =	ssyncadd.s32 @!p0 $0xFFFFFF00  }
0xab: {  	_ =	sfence.sel $0x180000  }
0xac: {  	[bflag:$0x0] =	sbarrier.arrive $0xFFFF  }
0xad: {  	_ =	strace $0x9000004A  }
0xae: {  	s0 =	stileid.u32;
	[bflag:$0x2] =	sbarrier.arrive $0xFFFF  }
0xaf: {  	p0 =	sne.s32 s0, $0x0;
	s0 =	rddreg [dreg:$0x4]  }
0xb0: {  	s0 =	sadd.s32 @!p0 $0x100000, s0  }
0xb1: {  	[sflag:s0] =	ssyncadd.tile.s32 @!p0 $0x1;
	_ =	shalt  }
.Lfunc_end2:
_tile_overlayer_lowered:
.L_overlay_start_2:
0xb2: {  	(tag) =	ssettag $0x2  }
0xb3: {  	s0 =	rddreg [dreg:$0x0];
	s2 =	stileid.u32  }
0xb4: {  	s1 =	rddreg [dreg:$0x1];
	p0 =	sne.s32 s2, $0x0  }
0xb5: {  	s3 =	rddreg [dreg:$0x2];
	[bflag:$0x3] =	sbarrier.arrive $0xFFFF;
	s2 =	simm.s32 @!p0 $0x1C05  }
0xb6: {  	[timem:s3], [sflag:s2] =	dma.local @!p0 [hbm:s0], s1  }
0xb7: {  	s0 =	simm.s32 @!p0 $0x5  }
0xb8: {  	_ =	swait.ge @!p0 [sflag:s0], s1  }
0xb9: {  	s1 =	ssub.s32 @!p0 $0x0, s1;
	[sflag:s0] =	ssyncset.done @!p0 $0x0  }
0xba: {  	[sflag:s0] =	ssyncadd.s32 @!p0 s1  }
0xbb: {  	[bflag:$0x3] =	sbarrier.arrive $0xFFFF  }
0xbc: {  	_ =	shalt  }

// kernel: kernel.9.cloned.1.call-start
scs
__scs_entry_jumppad:
0x0: {  	(pc) =	sbr.rel $0x88, $3  }
0x1: {  	(tag) =	ssettag $0x0;
	lr =	simm.s32 $0x1  }
0x2: {  	[smem:$0x3F97] =	sst lr;
	_ =	strace $0xD0000000  }
0x3: {  	_ = 	snop  }
0x4: {  	_ = 	snop  }
0x5: {  	_ = 	snop  }
0x6: {  	_ = 	snop  }
0x7: {  	_ = 	snop  }
__scs_overlays_trampoline_lowered:
0x8: {  	[smem:$0x3FA6] =	sst s0  }
0x9: {  	[smem:$0x3FA7] =	sst s1  }
0xa: {  	[smem:$0x3FA8] =	sst s2  }
0xb: {  	[smem:$0x3FA9] =	sst s3  }
0xc: {  	[smem:$0x3FAA] =	sst s4  }
0xd: {  	[smem:$0x3FAB] =	sst s5  }
0xe: {  	[smem:$0x3FAC] =	sst s6  }
0xf: {  	[smem:$0x3FAD] =	sst s7  }
0x10: {  	[smem:$0x3FAE] =	sst s8  }
0x11: {  	[smem:$0x3FAF] =	sst s9;
	s0 =	simm.s32 @!p0 $0x0  }
0x12: {  	s1 =	sld [smem:$0x3F95];
	s0 =	simm.s32 @p0 $0x1  }
0x13: {  	[smem:$0x3FB0] =	sst s0;
	s0 =	simm.s32 @!p1 $0x0  }
0x14: {  	s2 =	sld [smem:$0x3F94];
	s0 =	simm.s32 @p1 $0x1  }
0x15: {  	[smem:$0x3FB1] =	sst s0;
	s0 =	simm.s32 @!p2 $0x0  }
0x16: {  	s3 =	sld [smem:$0x3FDB];
	s0 =	simm.s32 @p2 $0x1  }
0x17: {  	s4 =	simm.s32 $0x1BF5;
	[smem:$0x3FB3] =	sst s0  }
0x18: {  	s0 =	sld [smem:$0x3F96];
	_ =	swait.ge [sflag:s4], $0x0  }
0x19: {  	s7 =	sld [smem:$0x3F97]  }
0x1a: {  	s8 =	sadd.s32 $0xFFFFE003, lr  }
0x1b: {  	s9 =	sadd.s32 $0xFFFFFEF7, lr;
	s5 =	simm.s32 $0xFFFFFFFF;
	p2 =	slt.u32 s8, $0xFFFFF086  }
0x1c: {  	p1 =	slt.u32 s9, $0xF7A;
	s5 =	simm.s32 @!p2 $0x0  }
0x1d: {  	s5 =	simm.s32 @p1 $0x1;
	p0 =	seq.s32 s7, s2  }
0x1e: {  	s7 =	smul.u32 @!p0 $0xF7A, s2;
	p2 =	seq.s32 @!p0 s5, $0x0  }
0x1f: {  	s9 =	smul.u32 $0xF7A, s1;
	s8 =	simm.s32 @!p0 $0x1BF5;
	p2 =	por !p2, p0  }
0x20: {  	[sflag:s8] =	ssyncset.s32 @!p0 $0xFFFFF086;
	s6 =	sadd.s32 @!p0 s3, s7;
	s7 =	simm.s32 @!p0 $0x108  }
0x21: {  	s3 =	sadd.s32 s3, s9;
	s6 =	sadd.s32 @!p0 $0x88, s6;
	s7 =	simm.s32 @p2 $0x1082  }
0x22: {  	[simem:s7], [sflag:s8] =	dma.local @!p0 [hbm:s6], $0xF7A  }
0x23: {  	s9 =	sor.u32 $0xD0000000, s2;
	s6 =	simm.s32 $0x108;
	_ =	swait.ge @!p0 [sflag:s8], $0x0  }
0x24: {  	s3 =	sadd.s32 $0x88, s3;
	s6 =	simm.s32 @!p1 $0x1082;
	[sflag:s4] =	ssyncset.s32 $0xFFFFF086  }
0x25: {  	[simem:s6], [sflag:s4] =	dma.local [hbm:s3], $0xF7A  }
0x26: {  	[smem:$0x3F97] =	sst s1;
	(tag) =	ssettag s2;
	_ =	strace s9  }
0x27: {  	s1 =	sld [smem:$0x3FA7]  }
0x28: {  	s2 =	sld [smem:$0x3FA8]  }
0x29: {  	s4 =	sld [smem:$0x3FAA]  }
0x2a: {  	p0 =	seq.s32 s5, $0x0;
	s5 =	sld [smem:$0x3FAB]  }
0x2b: {  	s6 =	sld [smem:$0x3FAC]  }
0x2c: {  	s7 =	sld [smem:$0x3FAD]  }
0x2d: {  	s3 =	simm.s32 $0x108;
	s8 =	sld [smem:$0x3FAE]  }
0x2e: {  	s3 =	simm.s32 @!p0 $0x1082;
	s9 =	sld [smem:$0x3FAF]  }
0x2f: {  	lr =	sadd.s32 s0, s3;
	s0 =	sld [smem:$0x3FA6]  }
0x30: {  	s3 =	sld [smem:$0x3FA9]  }
0x31: {  	[smem:$0x3FB2] =	sst s10  }
0x32: {  	s10 =	sld [smem:$0x3FB0];
	_ =	sdelay $0x3  }
0x33: {  	p0 =	seq.s32 s10, $0x1;
	s10 =	sld [smem:$0x3FB2];
	_ =	sdelay $0x3  }
0x34: {  	[smem:$0x3FB2] =	sst s10  }
0x35: {  	s10 =	sld [smem:$0x3FB1];
	_ =	sdelay $0x3  }
0x36: {  	p1 =	seq.s32 s10, $0x1;
	s10 =	sld [smem:$0x3FB2];
	_ =	sdelay $0x3  }
0x37: {  	[smem:$0x3FB2] =	sst s10  }
0x38: {  	s10 =	sld [smem:$0x3FB3]  }
0x39: {  	_ = 	snop;
	(pc) =	sbr.ind lr, $3  }
0x3a: {  	_ = 	snop  }
0x3b: {  	_ = 	snop  }
0x3c: {  	p2 =	seq.s32 s10, $0x1;
	s10 =	sld [smem:$0x3FB2]  }
0x3d: {  	_ =	shalt  }
0x3e: {  	_ =	shalt  }
0x3f: {  	_ =	shalt  }
0x40: {  	_ =	shalt  }
0x41: {  	_ =	shalt  }
0x42: {  	_ =	shalt  }
0x43: {  	_ =	shalt  }
0x44: {  	_ =	shalt  }
0x45: {  	_ =	shalt  }
0x46: {  	_ =	shalt  }
0x47: {  	_ =	shalt  }
0x48: {  	_ =	shalt  }
0x49: {  	_ =	shalt  }
0x4a: {  	_ =	shalt  }
0x4b: {  	_ =	shalt  }
0x4c: {  	_ =	shalt  }
0x4d: {  	_ =	shalt  }
0x4e: {  	_ =	shalt  }
0x4f: {  	_ =	shalt  }
0x50: {  	_ =	shalt  }
0x51: {  	_ =	shalt  }
0x52: {  	_ =	shalt  }
0x53: {  	_ =	shalt  }
0x54: {  	_ =	shalt  }
0x55: {  	_ =	shalt  }
0x56: {  	_ =	shalt  }
0x57: {  	_ =	shalt  }
0x58: {  	_ =	shalt  }
0x59: {  	_ =	shalt  }
0x5a: {  	_ =	shalt  }
0x5b: {  	_ =	shalt  }
0x5c: {  	_ =	shalt  }
0x5d: {  	_ =	shalt  }
0x5e: {  	_ =	shalt  }
0x5f: {  	_ =	shalt  }
0x60: {  	_ =	shalt  }
0x61: {  	_ =	shalt  }
0x62: {  	_ =	shalt  }
0x63: {  	_ =	shalt  }
0x64: {  	_ =	shalt  }
0x65: {  	_ =	shalt  }
0x66: {  	_ =	shalt  }
0x67: {  	_ =	shalt  }
0x68: {  	_ =	shalt  }
0x69: {  	_ =	shalt  }
0x6a: {  	_ =	shalt  }
0x6b: {  	_ =	shalt  }
0x6c: {  	_ =	shalt  }
0x6d: {  	_ =	shalt  }
0x6e: {  	_ =	shalt  }
0x6f: {  	_ =	shalt  }
0x70: {  	_ =	shalt  }
0x71: {  	_ =	shalt  }
0x72: {  	_ =	shalt  }
0x73: {  	_ =	shalt  }
0x74: {  	_ =	shalt  }
0x75: {  	_ =	shalt  }
0x76: {  	_ =	shalt  }
0x77: {  	_ =	shalt  }
0x78: {  	_ =	shalt  }
0x79: {  	_ =	shalt  }
0x7a: {  	_ =	shalt  }
0x7b: {  	_ =	shalt  }
0x7c: {  	_ =	shalt  }
0x7d: {  	_ =	shalt  }
0x7e: {  	_ =	shalt  }
0x7f: {  	_ =	shalt  }
0x80: {  	_ =	shalt  }
0x81: {  	_ =	shalt  }
0x82: {  	_ =	shalt  }
0x83: {  	_ =	shalt  }
0x84: {  	_ =	shalt  }
0x85: {  	_ =	shalt  }
0x86: {  	_ =	shalt  }
0x87: {  	_ =	shalt  }
.Lfunc_end0:
.L_simem_size_0:
called_computation_lowered:
.L_overlay_start_0:
0x88: {  	s2 =	sld [smem:$0x3FD9]  }
0x89: {  	s3 =	sld [smem:$0x3FFE];
	_ =	sdelay $0x1  }
0x8a: {  	s1 =	srdreg.scid  }
0x8b: {  	s0 =	sand.u32 $0x1, s1  }
0x8c: {  	s17 =	sshll.u32 s0, $0xA;
	s2 =	sadd.s32 s3, s2  }
0x8d: {  	s2 =	sadd.s32 s2, s17  }
0x8e: {  	[smem:$0x3FBE] =	sst s2  }
0x8f: {  	_ = 	snop  }
0x90: {  	s2 =	sld [smem:$0x3FC7]  }
0x91: {  	s18 =	sld [smem:$0x3FC6];
	(tm) =	ssettm $0x1  }
0x92: {  	s4 =	sld [smem:$0x3FFB];
	_ =	sdelay $0x3  }
0x93: {  	_ =	strace s4  }
0x94: {  	s4 =	sld [smem:$0x3FFC];
	_ =	sdelay $0x3  }
0x95: {  	_ =	strace s4  }
0x96: {  	s4 =	sld [smem:$0x3FFD];
	_ =	sdelay $0x3  }
0x97: {  	_ =	strace s4  }
0x98: {  	_ =	strace $0x8FFFFFFF  }
0x99: {  	s19 =	sld [smem:$0x3FDB];
	_ =	sdelay $0x1  }
0x9a: {  	s5 =	simm.s32 $_scs_section_size  }
0x9b: {  	s6 =	simm.s32 $_size__tile_overlayer_lowered;
	s7 =	simm.s32 $_tile_overlayer_lowered  }
0x9c: {  	s22 =	simm.s32 $0x1BFF;
	s21 =	sshll.u32 s7, $0x1;
	s4 =	sadd.s32 s5, s19  }
0x9d: {  	s8 =	simm.s32 $0x0;
	s20 =	sshll.u32 s6, $0x1;
	s6 =	sadd.s32 s21, s4  }
0x9e: {  	[timem:s8], [sflag:s22] =	dma.local [hbm:s6], s20  }
0x9f: {  	_ =	swait.ge [sflag:s22], s20  }
0xa0: {  	s5 =	ssub.s32 $0x0, s20;
	[sflag:s22] =	ssyncset.done $0x0  }
0xa1: {  	[sflag:s22] =	ssyncadd.s32 s5;
	_ =	sdelay $0x1  }
0xa2: {  	s23 =	simm.s32 $0x1B8B  }
0xa3: {  	_ =	swait.ge [sflag:s23], $0x1  }
0xa4: {  	[sflag:s23] =	ssyncset.done $0x0  }
0xa5: {  	s25 =	simm.s32 $0x1B8E;
	s24 =	sld [smem:$0x3FFE];
	[sflag:s23] =	ssyncadd.s32 $0xFFFFFFFF  }
0xa6: {  	s26 =	simm.s32 $execute0_lowered;
	[smem:$0x3FD2] =	sst s25  }
0xa7: {  	s6 =	sshll.u32 s26, $0x1;
	_ =	strace $0x80000046;
	[dreg:$0x1] =	wrdreg $0xFFFFFFFF  }
0xa8: {  	s28 =	simm.s32 $_size_execute0_lowered;
	s4 =	sadd.s32 s4, s6;
	[dreg:$0x0] =	wrdreg $0x0  }
0xa9: {  	s6 =	sshll.u32 s28, $0x1;
	[dreg:$0x2] =	wrdreg s4  }
0xaa: {  	[dreg:$0x3] =	wrdreg s6  }
0xab: {  	[dreg:$0x4] =	wrdreg $0xC0  }
0xac: {  	_ =	task [dreg:s8], $0x5FFFF  }
0xad: {  	[dreg:$0x1] =	wrdreg $0xFFFFFFFF  }
0xae: {  	[dreg:$0x0] =	wrdreg $0x60  }
0xaf: {  	[dreg:$0x2] =	wrdreg s24  }
0xb0: {  	[dreg:$0x3] =	wrdreg s2  }
0xb1: {  	[dreg:$0x4] =	wrdreg s18  }
0xb2: {  	[dreg:$0x5] =	wrdreg $0x9  }
0xb3: {  	_ =	task.clear_ibuf [dreg:s8], $0x6FFFF;
	_ =	strace $0x90000046  }
0xb4: {  	s29 =	simm.s32 $0x9;
	_ =	strace $0x80000048  }
0xb5: {  	_ =	swait.ge [sflag:s29], $0x1  }
0xb6: {  	[sflag:s29] =	ssyncadd.s32 $0xFFFFFFFF  }
0xb7: {  	_ =	strace $0x90000048  }
0xb8: {  	_ =	sfence  }
0xb9: {  	s30 =	sld [smem:$0x0];
	_ =	sdelay $0x2  }
0xba: {  	s31 =	sshll.u32 s1, $0xD;
	s1 =	sshrl.u32 s1, $0x2  }
0xbb: {  	s3 =	sand.u32 $0x4000, s31;
	s1 =	sadd.s32 s1, s30  }
0xbc: {  	s0 =	sor.u32 s3, s0;
	s1 =	sshll.u32 s1, $0x11  }
0xbd: {  	s0 =	sor.u32 s1, s0  }
0xbe: {  	s0 =	sadd.s32 $0x8F2B, s0  }
0xbf: {  	[sflag:s0] =	ssyncadd.remote.s32 $0x1  }
0xc0: {  	_ =	sfence.sel $0xFFFF  }
0xc1: {  	[dreg:$0x0] =	wrdreg $0xFFFFFFFF;
	(pc) =	sbr.abs _section_cstart, $3  }
0xc2: {  	[dreg:$0x1] =	wrdreg $0xFFFFFFFF  }
0xc3: {  	_ =	task.clear_ibuf [dreg:s8], $0x2FFFF;
	_ =	strace $0x9FFFFFFF  }
0xc4: {  	(tm) =	ssettm $0x7FFFFFFF  }
0xc5: {  	_ =	shalt  }
tec
execute0_lowered:
.L_overlay_start_1:
0x0: {  	(tag) =	ssettag $0x1  }
0x1: {  	s0 =	rddreg [dreg:$0x0]  }
0x2: {  	s1 =	rddreg [dreg:$0x1]  }
0x3: {  	s7 =	rddreg [dreg:$0x2];
	s2 =	simm.s32 $0x0  }
0x4: {  	s3 =	srdreg.scid;
	s5 =	stileid.u32;
	s15 =	simm.s32 $0x2800  }
0x5: {  	s28 =	simm.s32 $0x8800;
	s29 =	simm.s32 $0x9000;
	s30 =	simm.s32 $0x9800  }
0x6: {  	s31 =	simm.s32 $0xA000;
	s14 =	simm.s32 $0xB800;
	s12 =	simm.s32 $0x1  }
0x7: {  	s13 =	simm.s32 $0x2;
	s11 =	simm.s32 $0x5;
	s16 =	simm.s32 $0x3  }
0x8: {  	s17 =	simm.s32 $0x4;
	s4 =	sand.u32 $0x1, s3;
	s21 =	sshll.u32 s5, $0x1  }
0x9: {  	s19 =	simm.s32 $0x0;
	[smem:$0x7FF] =	sst s2;
	s6 =	sor.u32 s4, s21  }
0xa: {  	s3 =	sadd.s32 $0x1E00, s0;
	s8 =	ssub.s32 $0x2, s4;
	s4 =	smul.u32 $0x1388, s6  }
0xb: {  	s5 =	sadd.s32 $0x9E200, s0;
	s9 =	sshrl.u32 s8, $0x1;
	s10 =	smul.u32 $0x271000, s6  }
0xc: {  	_ =	strace $0x80000047;
	s6 =	sadd.s32 $0x13A600, s0;
	s8 =	ssub.s32 s8, s9  }
0xd: {  	s9 =	sadd.s32 $0x1F00, s0;
	s22 =	sshrl.u32 s4, $0x3;
	s24 =	sshrl.u32 s10, $0x3  }
0xe: {  	s10 =	sadd.s32 $0x9E300, s0;
	s26 =	smax.u32 s8, $0x1;
	s8 =	simm.s32 $0xC800  }
0xf: {  	s1 =	sadd.s32 s1, s22;
	s23 =	sadd.s32 s7, s22;
	[dreg:$0x7] =	wrdreg s26  }
0x10: {  	v2 =	vlaneseq.u32;
	s25 =	sadd.s32 s6, s24;
	s26 =	simm.s32 $0x8000;
	[dreg:$0x4] =	wrdreg s1  }
0x11: {  	vm0 =	vmmov $0xffff;
	v1 =	vshrl.u32 v2, $0x3;
	s7 =	simm.s32 $0xC000;
	[dreg:$0x5] =	wrdreg s23;
	s0 =	sadd.s32 $0x4D800, s25  }
0x12: {  	v0 =	vand.u32 $0x7, v2;
	v2 =	vor.u32 $0x8, v2;
	v1 =	vmul.u32 $0x8, v1;
	s1 =	simm.s32 $0xB000;
	[dreg:$0x6] =	wrdreg s0;
	s0 =	simm.s32 $0xA800  }
.LBB2_1:
0x13: {  	[dreg:$0x8] =	wrdreg s19  }
0x14: {  	s18 =	rddreg [dreg:$0x4];
	s21 =	simm.s32 $0x7  }
0x15: {  	[tilespmem:s2], [sflag:$0x7] =	stream.linear.gather [hbm4b:s18+s2], $0x1388, $0x38;
	[tilespmem:$0x16800] =	vst v63  }
0x16: {  	_ =	swait.ge [sflag:s21], $0x1388  }
0x17: {  	[sflag:s21] =	ssyncset.done $0x0  }
0x18: {  	s20 =	simm.s32 $0x1400;
	s22 =	rddreg [dreg:$0x5];
	[sflag:s21] =	ssyncadd.s32 $0xFFFFEC78  }
0x19: {  	[tilespmem:s20], [sflag:$0x7] =	stream.linear.gather [hbm4b:s22+s2], $0x1388, $0x38;
	[tilespmem:$0x16800] =	vst v63  }
0x1a: {  	_ =	swait.ge [sflag:s21], $0x1388  }
0x1b: {  	[sflag:s21] =	ssyncset.done $0x0  }
0x1c: {  	[sflag:s21] =	ssyncadd.s32 $0xFFFFEC78  }
0x1d: {  	v3 =	vld [tilespmem:$0x0];
	_ =	sdelay $0x4  }
0x1e: {  	v4 =	vshll.u32 v3, $0x2  }
0x1f: {  	v3 =	vand.u32 $0x7, v3;
	v4 =	vand.u32 $0xFFFFFFE0, v4  }
0x20: {  	v3 =	vor.u32 v3, v4  }
0x21: {  	v4 =	vperm.xlane v3, v0;
	_ =	sdelay $0x1  }
0x22: {  	v4 =	vadd.s32 v1, v4;
	_ =	sdelay $0x1  }
0x23: {  	v3 =	vperm.xlane v3, v2;
	_ =	sdelay $0x1  }
0x24: {  	v3 =	vadd.s32 v1, v3  }
0x25: {  	[tilespmem:s15], [sflag:$0x1] =	stream.indirect_vreg.gather [hbm4b:s3+s2], $0x80, v4, vm0, $0xb8;
	[tilespmem:$0x16800] =	vst v63  }
0x26: {  	s23 =	simm.s32 $0x3000  }
0x27: {  	[tilespmem:s23], [sflag:$0x1] =	stream.indirect_vreg.gather [hbm4b:s9+s2], $0x80, v4, vm0, $0xb8;
	[tilespmem:$0x16800] =	vst v63  }
0x28: {  	s24 =	simm.s32 $0x3800  }
0x29: {  	[tilespmem:s24], [sflag:$0x1] =	stream.indirect_vreg.gather [hbm4b:s3+s2], $0x80, v3, vm0, $0xb8;
	[tilespmem:$0x16800] =	vst v63  }
0x2a: {  	s25 =	simm.s32 $0x4000  }
0x2b: {  	[tilespmem:s25], [sflag:$0x1] =	stream.indirect_vreg.gather [hbm4b:s9+s2], $0x80, v3, vm0, $0xb8;
	[tilespmem:$0x16800] =	vst v63  }
0x2c: {  	v3 =	vld [tilespmem:$0x10];
	_ =	sdelay $0x4  }
0x2d: {  	v59 =	vshll.u32 v3, $0x2  }
0x2e: {  	v3 =	vand.u32 $0x7, v3;
	v4 =	vand.u32 $0xFFFFFFE0, v59  }
0x2f: {  	v3 =	vor.u32 v3, v4  }
0x30: {  	v4 =	vperm.xlane v3, v0;
	_ =	sdelay $0x1  }
0x31: {  	v4 =	vadd.s32 v1, v4;
	_ =	sdelay $0x1  }
0x32: {  	v3 =	vperm.xlane v3, v2;
	_ =	sdelay $0x1  }
0x33: {  	s19 =	simm.s32 $0x4800;
	v3 =	vadd.s32 v1, v3  }
0x34: {  	[tilespmem:s19], [sflag:$0x1] =	stream.indirect_vreg.gather [hbm4b:s3+s2], $0x80, v4, vm0, $0xb8;
	[tilespmem:$0x16800] =	vst v63  }
0x35: {  	s20 =	simm.s32 $0x5000  }
0x36: {  	[tilespmem:s20], [sflag:$0x1] =	stream.indirect_vreg.gather [hbm4b:s9+s2], $0x80, v4, vm0, $0xb8;
	[tilespmem:$0x16800] =	vst v63  }
0x37: {  	s21 =	simm.s32 $0x5800  }
0x38: {  	[tilespmem:s21], [sflag:$0x1] =	stream.indirect_vreg.gather [hbm4b:s3+s2], $0x80, v3, vm0, $0xb8;
	[tilespmem:$0x16800] =	vst v63  }
0x39: {  	s22 =	simm.s32 $0x6000  }
0x3a: {  	[tilespmem:s22], [sflag:$0x1] =	stream.indirect_vreg.gather [hbm4b:s9+s2], $0x80, v3, vm0, $0xb8;
	[tilespmem:$0x16800] =	vst v63  }
0x3b: {  	v3 =	vld.msk [tilespmem:$0x20], $0xff;
	_ =	sdelay $0x4  }
0x3c: {  	v60 =	vshll.u32 v3, $0x2  }
0x3d: {  	v3 =	vand.u32 $0x7, v3;
	v4 =	vand.u32 $0xFFFFFFE0, v60  }
0x3e: {  	v3 =	vor.u32 v3, v4  }
0x3f: {  	v3 =	vperm.xlane v3, v0;
	_ =	sdelay $0x1  }
0x40: {  	v3 =	vadd.s32 v1, v3;
	_ =	sdelay $0x3  }
0x41: {  	s23 =	simm.s32 $0x6800  }
0x42: {  	[tilespmem:s23], [sflag:$0x1] =	stream.indirect_vreg.gather [hbm4b:s3+s2], $0x80, v3, vm0, $0xb8;
	[tilespmem:$0x16800] =	vst v63  }
0x43: {  	s24 =	simm.s32 $0x7000  }
0x44: {  	[tilespmem:s24], [sflag:$0x1] =	stream.indirect_vreg.gather [hbm4b:s9+s2], $0x80, v3, vm0, $0xb8;
	[tilespmem:$0x16800] =	vst v63  }
0x45: {  	v3 =	vld [tilespmem:$0x1400];
	_ =	sdelay $0x4  }
0x46: {  	v61 =	vshll.u32 v3, $0x2  }
0x47: {  	v3 =	vand.u32 $0x7, v3;
	v4 =	vand.u32 $0xFFFFFFE0, v61  }
0x48: {  	v3 =	vor.u32 v3, v4  }
0x49: {  	v4 =	vperm.xlane v3, v0;
	_ =	sdelay $0x1  }
0x4a: {  	v4 =	vadd.s32 v1, v4;
	_ =	sdelay $0x1  }
0x4b: {  	v3 =	vperm.xlane v3, v2;
	_ =	sdelay $0x1  }
0x4c: {  	s25 =	simm.s32 $0x7800;
	v3 =	vadd.s32 v1, v3  }
0x4d: {  	[tilespmem:s25], [sflag:$0x2] =	stream.indirect_vreg.gather [hbm4b:s5+s2], $0x80, v4, vm0, $0xb8;
	[tilespmem:$0x16800] =	vst v63  }
0x4e: {  	_ = 	snop  }
0x4f: {  	[tilespmem:s26], [sflag:$0x2] =	stream.indirect_vreg.gather [hbm4b:s10+s2], $0x80, v4, vm0, $0xb8;
	[tilespmem:$0x16800] =	vst v63  }
0x50: {  	_ = 	snop  }
0x51: {  	[tilespmem:s28], [sflag:$0x2] =	stream.indirect_vreg.gather [hbm4b:s5+s2], $0x80, v3, vm0, $0xb8;
	[tilespmem:$0x16800] =	vst v63  }
0x52: {  	_ = 	snop  }
0x53: {  	[tilespmem:s29], [sflag:$0x2] =	stream.indirect_vreg.gather [hbm4b:s10+s2], $0x80, v3, vm0, $0xb8;
	[tilespmem:$0x16800] =	vst v63  }
0x54: {  	v3 =	vld [tilespmem:$0x1410];
	_ =	sdelay $0x4  }
0x55: {  	v62 =	vshll.u32 v3, $0x2  }
0x56: {  	v3 =	vand.u32 $0x7, v3;
	v4 =	vand.u32 $0xFFFFFFE0, v62  }
0x57: {  	v3 =	vor.u32 v3, v4  }
0x58: {  	v4 =	vperm.xlane v3, v0;
	_ =	sdelay $0x1  }
0x59: {  	v4 =	vadd.s32 v1, v4;
	_ =	sdelay $0x1  }
0x5a: {  	v3 =	vperm.xlane v3, v2;
	_ =	sdelay $0x1  }
0x5b: {  	v3 =	vadd.s32 v1, v3  }
0x5c: {  	[tilespmem:s30], [sflag:$0x2] =	stream.indirect_vreg.gather [hbm4b:s5+s2], $0x80, v4, vm0, $0xb8;
	[tilespmem:$0x16800] =	vst v63  }
0x5d: {  	_ = 	snop  }
0x5e: {  	[tilespmem:s31], [sflag:$0x2] =	stream.indirect_vreg.gather [hbm4b:s10+s2], $0x80, v4, vm0, $0xb8;
	[tilespmem:$0x16800] =	vst v63  }
0x5f: {  	_ = 	snop  }
0x60: {  	[tilespmem:s0], [sflag:$0x2] =	stream.indirect_vreg.gather [hbm4b:s5+s2], $0x80, v3, vm0, $0xb8;
	[tilespmem:$0x16800] =	vst v63  }
0x61: {  	_ = 	snop  }
0x62: {  	[tilespmem:s1], [sflag:$0x2] =	stream.indirect_vreg.gather [hbm4b:s10+s2], $0x80, v3, vm0, $0xb8;
	[tilespmem:$0x16800] =	vst v63  }
0x63: {  	v3 =	vld.msk [tilespmem:$0x1420], $0xff;
	_ =	sdelay $0x4  }
0x64: {  	v63 =	vshll.u32 v3, $0x2  }
0x65: {  	v3 =	vand.u32 $0x7, v3;
	v4 =	vand.u32 $0xFFFFFFE0, v63  }
0x66: {  	v3 =	vor.u32 v3, v4  }
0x67: {  	v3 =	vperm.xlane v3, v0;
	_ =	sdelay $0x1  }
0x68: {  	v3 =	vadd.s32 v1, v3;
	_ =	sdelay $0x4  }
0x69: {  	[tilespmem:s14], [sflag:$0x2] =	stream.indirect_vreg.gather [hbm4b:s5+s2], $0x80, v3, vm0, $0xb8;
	[tilespmem:$0x16800] =	vst v63  }
0x6a: {  	s18 =	simm.s32 $0x0  }
0x6b: {  	[tilespmem:s7], [sflag:$0x2] =	stream.indirect_vreg.gather [hbm4b:s10+s2], $0x80, v3, vm0, $0xb8;
	[tilespmem:$0x16800] =	vst v63  }
.LBB2_2:
0x6c: {  	p0 =	seq.s32 s18, $0x0  }
0x6d: {  	s19 =	simm.s32 @!p0 $0x6  }
0x6e: {  	_ =	swait.ge @!p0 [sflag:s19], $0x5000  }
0x6f: {  	s20 =	smul.u32 $0x50, s18;
	[sflag:s19] =	ssyncset.done @!p0 $0x0  }
0x70: {  	[sflag:s19] =	ssyncadd.s32 @!p0 $0xFFFFB000  }
0x71: {  	v3 =	vld [tilespmem:s20+$0x28];
	_ =	sdelay $0x4  }
0x72: {  	v4 =	vshll.u32 v3, $0x2  }
0x73: {  	v3 =	vand.u32 $0x7, v3;
	v4 =	vand.u32 $0xFFFFFFE0, v4  }
0x74: {  	v3 =	vor.u32 v3, v4  }
0x75: {  	v4 =	vperm.xlane v3, v0;
	_ =	sdelay $0x1  }
0x76: {  	v4 =	vadd.s32 v1, v4;
	_ =	sdelay $0x1  }
0x77: {  	v3 =	vperm.xlane v3, v2;
	_ =	sdelay $0x1  }
0x78: {  	s19 =	simm.s32 $0x0;
	v3 =	vadd.s32 v1, v3  }
0x79: {  	[tilespmem:s8], [sflag:$0x3] =	stream.indirect_vreg.gather [hbm4b:s3+s19], $0x80, v4, vm0, $0xb8;
	[tilespmem:$0x16800] =	vst v63  }
0x7a: {  	s21 =	simm.s32 $0xD000  }
0x7b: {  	[tilespmem:s21], [sflag:$0x3] =	stream.indirect_vreg.gather [hbm4b:s9+s19], $0x80, v4, vm0, $0xb8;
	[tilespmem:$0x16800] =	vst v63  }
0x7c: {  	s23 =	simm.s32 $0xD800  }
0x7d: {  	[tilespmem:s23], [sflag:$0x3] =	stream.indirect_vreg.gather [hbm4b:s3+s19], $0x80, v3, vm0, $0xb8;
	[tilespmem:$0x16800] =	vst v63  }
0x7e: {  	s24 =	simm.s32 $0xE000  }
0x7f: {  	[tilespmem:s24], [sflag:$0x3] =	stream.indirect_vreg.gather [hbm4b:s9+s19], $0x80, v3, vm0, $0xb8;
	[tilespmem:$0x16800] =	vst v63  }
0x80: {  	v3 =	vld [tilespmem:s20+$0x38];
	_ =	sdelay $0x4  }
0x81: {  	v4 =	vshll.u32 v3, $0x2  }
0x82: {  	v3 =	vand.u32 $0x7, v3;
	v4 =	vand.u32 $0xFFFFFFE0, v4  }
0x83: {  	v3 =	vor.u32 v3, v4  }
0x84: {  	v4 =	vperm.xlane v3, v0;
	_ =	sdelay $0x1  }
0x85: {  	v4 =	vadd.s32 v1, v4;
	_ =	sdelay $0x1  }
0x86: {  	v3 =	vperm.xlane v3, v2;
	_ =	sdelay $0x1  }
0x87: {  	s25 =	simm.s32 $0xE800;
	v3 =	vadd.s32 v1, v3  }
0x88: {  	[tilespmem:s25], [sflag:$0x3] =	stream.indirect_vreg.gather [hbm4b:s3+s19], $0x80, v4, vm0, $0xb8;
	[tilespmem:$0x16800] =	vst v63  }
0x89: {  	s22 =	simm.s32 $0xF000  }
0x8a: {  	[tilespmem:s22], [sflag:$0x3] =	stream.indirect_vreg.gather [hbm4b:s9+s19], $0x80, v4, vm0, $0xb8;
	[tilespmem:$0x16800] =	vst v63  }
0x8b: {  	s23 =	simm.s32 $0xF800  }
0x8c: {  	[tilespmem:s23], [sflag:$0x3] =	stream.indirect_vreg.gather [hbm4b:s3+s19], $0x80, v3, vm0, $0xb8;
	[tilespmem:$0x16800] =	vst v63  }
0x8d: {  	s24 =	simm.s32 $0x10000  }
0x8e: {  	[tilespmem:s24], [sflag:$0x3] =	stream.indirect_vreg.gather [hbm4b:s9+s19], $0x80, v3, vm0, $0xb8;
	[tilespmem:$0x16800] =	vst v63  }
0x8f: {  	v3 =	vld.msk [tilespmem:s20+$0x48], $0xff;
	_ =	sdelay $0x4  }
0x90: {  	v4 =	vshll.u32 v3, $0x2  }
0x91: {  	v3 =	vand.u32 $0x7, v3;
	v4 =	vand.u32 $0xFFFFFFE0, v4  }
0x92: {  	v3 =	vor.u32 v3, v4  }
0x93: {  	v3 =	vperm.xlane v3, v0;
	_ =	sdelay $0x1  }
0x94: {  	v3 =	vadd.s32 v1, v3;
	_ =	sdelay $0x3  }
0x95: {  	s25 =	simm.s32 $0x10800  }
0x96: {  	[tilespmem:s25], [sflag:$0x3] =	stream.indirect_vreg.gather [hbm4b:s3+s19], $0x80, v3, vm0, $0xb8;
	[tilespmem:$0x16800] =	vst v63  }
0x97: {  	s22 =	simm.s32 $0x11000  }
0x98: {  	[tilespmem:s22], [sflag:$0x3] =	stream.indirect_vreg.gather [hbm4b:s9+s19], $0x80, v3, vm0, $0xb8;
	[tilespmem:$0x16800] =	vst v63  }
0x99: {  	v3 =	vld [tilespmem:s20+$0x1428];
	_ =	sdelay $0x4  }
0x9a: {  	v4 =	vshll.u32 v3, $0x2  }
0x9b: {  	v3 =	vand.u32 $0x7, v3;
	v4 =	vand.u32 $0xFFFFFFE0, v4  }
0x9c: {  	v3 =	vor.u32 v3, v4  }
0x9d: {  	v4 =	vperm.xlane v3, v0;
	_ =	sdelay $0x1  }
0x9e: {  	v4 =	vadd.s32 v1, v4;
	_ =	sdelay $0x1  }
0x9f: {  	v3 =	vperm.xlane v3, v2;
	_ =	sdelay $0x1  }
0xa0: {  	s23 =	simm.s32 $0x11800;
	v3 =	vadd.s32 v1, v3  }
0xa1: {  	[tilespmem:s23], [sflag:$0x4] =	stream.indirect_vreg.gather [hbm4b:s5+s19], $0x80, v4, vm0, $0xb8;
	[tilespmem:$0x16800] =	vst v63  }
0xa2: {  	s24 =	simm.s32 $0x12000  }
0xa3: {  	[tilespmem:s24], [sflag:$0x4] =	stream.indirect_vreg.gather [hbm4b:s10+s19], $0x80, v4, vm0, $0xb8;
	[tilespmem:$0x16800] =	vst v63  }
0xa4: {  	s25 =	simm.s32 $0x12800  }
0xa5: {  	[tilespmem:s25], [sflag:$0x4] =	stream.indirect_vreg.gather [hbm4b:s5+s19], $0x80, v3, vm0, $0xb8;
	[tilespmem:$0x16800] =	vst v63  }
0xa6: {  	s22 =	simm.s32 $0x13000  }
0xa7: {  	[tilespmem:s22], [sflag:$0x4] =	stream.indirect_vreg.gather [hbm4b:s10+s19], $0x80, v3, vm0, $0xb8;
	[tilespmem:$0x16800] =	vst v63  }
0xa8: {  	v3 =	vld [tilespmem:s20+$0x1438];
	_ =	sdelay $0x4  }
0xa9: {  	v4 =	vshll.u32 v3, $0x2  }
0xaa: {  	v3 =	vand.u32 $0x7, v3;
	v4 =	vand.u32 $0xFFFFFFE0, v4  }
0xab: {  	v3 =	vor.u32 v3, v4  }
0xac: {  	v4 =	vperm.xlane v3, v0;
	_ =	sdelay $0x1  }
0xad: {  	v4 =	vadd.s32 v1, v4;
	_ =	sdelay $0x1  }
0xae: {  	v3 =	vperm.xlane v3, v2;
	_ =	sdelay $0x1  }
0xaf: {  	s23 =	simm.s32 $0x13800;
	v3 =	vadd.s32 v1, v3  }
0xb0: {  	[tilespmem:s23], [sflag:$0x4] =	stream.indirect_vreg.gather [hbm4b:s5+s19], $0x80, v4, vm0, $0xb8;
	[tilespmem:$0x16800] =	vst v63  }
0xb1: {  	s24 =	simm.s32 $0x14000  }
0xb2: {  	[tilespmem:s24], [sflag:$0x4] =	stream.indirect_vreg.gather [hbm4b:s10+s19], $0x80, v4, vm0, $0xb8;
	[tilespmem:$0x16800] =	vst v63  }
0xb3: {  	s25 =	simm.s32 $0x14800  }
0xb4: {  	[tilespmem:s25], [sflag:$0x4] =	stream.indirect_vreg.gather [hbm4b:s5+s19], $0x80, v3, vm0, $0xb8;
	[tilespmem:$0x16800] =	vst v63  }
0xb5: {  	s22 =	simm.s32 $0x15000  }
0xb6: {  	[tilespmem:s22], [sflag:$0x4] =	stream.indirect_vreg.gather [hbm4b:s10+s19], $0x80, v3, vm0, $0xb8;
	[tilespmem:$0x16800] =	vst v63  }
0xb7: {  	v3 =	vld.msk [tilespmem:s20+$0x1448], $0xff;
	_ =	sdelay $0x4  }
0xb8: {  	v4 =	vshll.u32 v3, $0x2  }
0xb9: {  	v3 =	vand.u32 $0x7, v3;
	v4 =	vand.u32 $0xFFFFFFE0, v4  }
0xba: {  	v3 =	vor.u32 v3, v4  }
0xbb: {  	v3 =	vperm.xlane v3, v0;
	_ =	sdelay $0x1  }
0xbc: {  	v3 =	vadd.s32 v1, v3;
	_ =	sdelay $0x3  }
0xbd: {  	s23 =	simm.s32 $0x15800  }
0xbe: {  	[tilespmem:s23], [sflag:$0x4] =	stream.indirect_vreg.gather [hbm4b:s5+s19], $0x80, v3, vm0, $0xb8;
	[tilespmem:$0x16800] =	vst v63  }
0xbf: {  	s24 =	simm.s32 $0x16000  }
0xc0: {  	[tilespmem:s24], [sflag:$0x4] =	stream.indirect_vreg.gather [hbm4b:s10+s19], $0x80, v3, vm0, $0xb8;
	[tilespmem:$0x16800] =	vst v63  }
0xc1: {  	_ =	swait.ge [sflag:s12], $0x5000  }
0xc2: {  	[sflag:s12] =	ssyncset.done $0x0  }
0xc3: {  	[sflag:s12] =	ssyncadd.s32 $0xFFFFB000  }
0xc4: {  	_ =	swait.ge [sflag:s13], $0x5000  }
0xc5: {  	s25 =	sand.u32 $0x7000, s19;
	s19 =	sand.u32 $0x380, s19;
	[sflag:s13] =	ssyncset.done $0x0  }
0xc6: {  	s21 =	sor.u32 s19, s25;
	[sflag:s13] =	ssyncadd.s32 $0xFFFFB000  }
0xc7: {  	v10 =	vld [tilespmem:s21+$0x7800]  }
0xc8: {  	v11 =	vld [tilespmem:s21+$0x7810]  }
0xc9: {  	v12 =	vld [tilespmem:s21+$0x7820]  }
0xca: {  	v13 =	vld [tilespmem:s21+$0x7830]  }
0xcb: {  	v14 =	vld [tilespmem:s21+$0x7840]  }
0xcc: {  	v15 =	vld [tilespmem:s21+$0x7850]  }
0xcd: {  	v16 =	vld [tilespmem:s21+$0x7860]  }
0xce: {  	v17 =	vld [tilespmem:s21+$0x7870]  }
0xcf: {  	v18 =	vld [tilespmem:s21+$0x7C00]  }
0xd0: {  	v19 =	vld [tilespmem:s21+$0x7C10]  }
0xd1: {  	v20 =	vld [tilespmem:s21+$0x7C20]  }
0xd2: {  	v21 =	vld [tilespmem:s21+$0x7C30]  }
0xd3: {  	v22 =	vld [tilespmem:s21+$0x7C40]  }
0xd4: {  	v23 =	vld [tilespmem:s21+$0x7C50]  }
0xd5: {  	v24 =	vld [tilespmem:s21+$0x7C60]  }
0xd6: {  	v25 =	vld [tilespmem:s21+$0x7C70]  }
0xd7: {  	v26 =	vld [tilespmem:s21+$0x8000]  }
0xd8: {  	v27 =	vld [tilespmem:s21+$0x8010]  }
0xd9: {  	v28 =	vld [tilespmem:s21+$0x8020]  }
0xda: {  	v29 =	vld [tilespmem:s21+$0x8030]  }
0xdb: {  	v30 =	vld [tilespmem:s21+$0x8040]  }
0xdc: {  	v31 =	vld [tilespmem:s21+$0x8050]  }
0xdd: {  	v32 =	vld [tilespmem:s21+$0x8060]  }
0xde: {  	v33 =	vld [tilespmem:s21+$0x8070]  }
0xdf: {  	v34 =	vld [tilespmem:s21+$0x8400]  }
0xe0: {  	v9 =	vld [tilespmem:s21+$0x8410]  }
0xe1: {  	v8 =	vld [tilespmem:s21+$0x8420]  }
0xe2: {  	v7 =	vld [tilespmem:s21+$0x8430]  }
0xe3: {  	v6 =	vld [tilespmem:s21+$0x8440]  }
0xe4: {  	v5 =	vld [tilespmem:s21+$0x8450]  }
0xe5: {  	v4 =	vld [tilespmem:s21+$0x8460]  }
0xe6: {  	v3 =	vld [tilespmem:s21+$0x8470]  }
0xe7: {  	v35 =	vld [tilespmem:s21+$0x2800]  }
0xe8: {  	v36 =	vld [tilespmem:s21+$0x2810]  }
0xe9: {  	v37 =	vld [tilespmem:s21+$0x2820]  }
0xea: {  	v38 =	vld [tilespmem:s21+$0x2830]  }
0xeb: {  	v39 =	vld [tilespmem:s21+$0x2840]  }
0xec: {  	v62 =	vld [tilespmem:s21+$0x2850];
	v10 =	vadd.f32 v10, v35  }
0xed: {  	v63 =	vld [tilespmem:s21+$0x2860];
	v11 =	vadd.f32 v11, v36  }
0xee: {  	[tilespmem:s21+$0x2800] =	vst v10;
	v10 =	vadd.f32 v12, v37;
	v12 =	vld [tilespmem:s21+$0x2870]  }
0xef: {  	[tilespmem:s21+$0x2810] =	vst v11;
	v11 =	vadd.f32 v13, v38;
	v13 =	vld [tilespmem:s21+$0x2C00]  }
0xf0: {  	[tilespmem:s21+$0x2820] =	vst v10;
	v10 =	vadd.f32 v14, v39;
	v14 =	vld [tilespmem:s21+$0x2C10]  }
0xf1: {  	[tilespmem:s21+$0x2830] =	vst v11;
	v11 =	vadd.f32 v15, v62;
	v15 =	vld [tilespmem:s21+$0x2C20]  }
0xf2: {  	[tilespmem:s21+$0x2840] =	vst v10;
	v10 =	vadd.f32 v16, v63;
	v16 =	vld [tilespmem:s21+$0x2C30]  }
0xf3: {  	[tilespmem:s21+$0x2850] =	vst v11;
	v11 =	vadd.f32 v17, v12;
	v12 =	vld [tilespmem:s21+$0x2C40]  }
0xf4: {  	[tilespmem:s21+$0x2860] =	vst v10;
	v10 =	vadd.f32 v18, v13;
	v13 =	vld [tilespmem:s21+$0x2C50]  }
0xf5: {  	[tilespmem:s21+$0x2870] =	vst v11;
	v11 =	vadd.f32 v19, v14;
	v14 =	vld [tilespmem:s21+$0x2C60]  }
0xf6: {  	[tilespmem:s21+$0x2C00] =	vst v10;
	v10 =	vadd.f32 v20, v15;
	v15 =	vld [tilespmem:s21+$0x2C70]  }
0xf7: {  	[tilespmem:s21+$0x2C10] =	vst v11;
	v11 =	vadd.f32 v21, v16;
	v16 =	vld [tilespmem:s21+$0x3000]  }
0xf8: {  	[tilespmem:s21+$0x2C20] =	vst v10;
	v10 =	vadd.f32 v22, v12;
	v12 =	vld [tilespmem:s21+$0x3010]  }
0xf9: {  	[tilespmem:s21+$0x2C30] =	vst v11;
	v11 =	vadd.f32 v23, v13;
	v13 =	vld [tilespmem:s21+$0x3020]  }
0xfa: {  	[tilespmem:s21+$0x2C40] =	vst v10;
	v10 =	vadd.f32 v24, v14;
	v14 =	vld [tilespmem:s21+$0x3030]  }
0xfb: {  	[tilespmem:s21+$0x2C50] =	vst v11;
	v11 =	vadd.f32 v25, v15;
	v15 =	vld [tilespmem:s21+$0x3040]  }
0xfc: {  	[tilespmem:s21+$0x2C60] =	vst v10;
	v10 =	vadd.f32 v26, v16;
	v16 =	vld [tilespmem:s21+$0x3050]  }
0xfd: {  	v17 =	vld [tilespmem:s21+$0x3060];
	[tilespmem:s21+$0x2C70] =	vst v11;
	v11 =	vadd.f32 v27, v12  }
0xfe: {  	v18 =	vld [tilespmem:s21+$0x3070];
	[tilespmem:s21+$0x3000] =	vst v10;
	v10 =	vadd.f32 v28, v13  }
0xff: {  	[tilespmem:s21+$0x3010] =	vst v11;
	v11 =	vadd.f32 v29, v14;
	v14 =	vld [tilespmem:s21+$0x3400]  }
0x100: {  	v13 =	vld [tilespmem:s21+$0x3410];
	[tilespmem:s21+$0x3020] =	vst v10;
	v10 =	vadd.f32 v30, v15  }
0x101: {  	v12 =	vld [tilespmem:s21+$0x3420];
	[tilespmem:s21+$0x3030] =	vst v11;
	v11 =	vadd.f32 v31, v16  }
0x102: {  	v15 =	vadd.f32 v32, v17;
	[tilespmem:s21+$0x3040] =	vst v10;
	v10 =	vld [tilespmem:s21+$0x3430]  }
0x103: {  	v16 =	vadd.f32 v33, v18;
	[tilespmem:s21+$0x3050] =	vst v11;
	v11 =	vld [tilespmem:s21+$0x3440]  }
0x104: {  	s22 =	simm.s32 $0x80;
	s23 =	simm.s32 $0x200;
	s19 =	sadd.s32 $0x28, s20;
	[tilespmem:s21+$0x3060] =	vst v15;
	v15 =	vadd.f32 v34, v14;
	v14 =	vld [tilespmem:s21+$0x3450]  }
.LBB2_3:
0x105: {  	s24 =	sand.u32 $0x7000, s23;
	s25 =	sand.u32 $0x380, s22;
	p0 =	sne.s32 s23, $0x4E00;
	[tilespmem:s21+$0x3070] =	vst v16;
	v9 =	vadd.f32 v9, v13;
	v13 =	vld [tilespmem:s21+$0x3460]  }
0x106: {  	s24 =	sor.u32 s25, s24;
	[tilespmem:s21+$0x3400] =	vst v15;
	v8 =	vadd.f32 v8, v12;
	v12 =	vld [tilespmem:s21+$0x3470]  }
0x107: {  	v15 =	vld [tilespmem:s24+$0x7800];
	[tilespmem:s21+$0x3410] =	vst v9;
	v7 =	vadd.f32 v7, v10  }
0x108: {  	v10 =	vld [tilespmem:s24+$0x7810];
	[tilespmem:s21+$0x3420] =	vst v8;
	v6 =	vadd.f32 v6, v11  }
0x109: {  	v11 =	vld [tilespmem:s24+$0x7820];
	[tilespmem:s21+$0x3430] =	vst v7;
	v5 =	vadd.f32 v5, v14  }
0x10a: {  	v14 =	vld [tilespmem:s24+$0x7830];
	[tilespmem:s21+$0x3440] =	vst v6;
	v4 =	vadd.f32 v4, v13  }
0x10b: {  	v13 =	vld [tilespmem:s24+$0x7840];
	[tilespmem:s21+$0x3450] =	vst v5;
	v3 =	vadd.f32 v3, v12  }
0x10c: {  	v12 =	vld [tilespmem:s24+$0x7850];
	[tilespmem:s21+$0x3460] =	vst v4  }
0x10d: {  	v16 =	vld [tilespmem:s24+$0x7860];
	[tilespmem:s21+$0x3470] =	vst v3;
	s21 =	smov.u32 s24  }
0x10e: {  	v17 =	vld [tilespmem:s21+$0x7870]  }
0x10f: {  	v18 =	vld [tilespmem:s21+$0x7C00]  }
0x110: {  	v19 =	vld [tilespmem:s21+$0x7C10]  }
0x111: {  	v20 =	vld [tilespmem:s21+$0x7C20]  }
0x112: {  	v21 =	vld [tilespmem:s21+$0x7C30]  }
0x113: {  	v22 =	vld [tilespmem:s21+$0x7C40]  }
0x114: {  	v23 =	vld [tilespmem:s21+$0x7C50]  }
0x115: {  	v24 =	vld [tilespmem:s21+$0x7C60]  }
0x116: {  	v25 =	vld [tilespmem:s21+$0x7C70]  }
0x117: {  	v26 =	vld [tilespmem:s21+$0x8000]  }
0x118: {  	v27 =	vld [tilespmem:s21+$0x8010]  }
0x119: {  	v28 =	vld [tilespmem:s21+$0x8020]  }
0x11a: {  	v29 =	vld [tilespmem:s21+$0x8030]  }
0x11b: {  	v30 =	vld [tilespmem:s21+$0x8040]  }
0x11c: {  	v31 =	vld [tilespmem:s21+$0x8050]  }
0x11d: {  	v32 =	vld [tilespmem:s21+$0x8060]  }
0x11e: {  	v33 =	vld [tilespmem:s21+$0x8070]  }
0x11f: {  	v34 =	vld [tilespmem:s21+$0x8400]  }
0x120: {  	v9 =	vld [tilespmem:s21+$0x8410]  }
0x121: {  	v8 =	vld [tilespmem:s21+$0x8420]  }
0x122: {  	v7 =	vld [tilespmem:s21+$0x8430]  }
0x123: {  	v6 =	vld [tilespmem:s21+$0x8440]  }
0x124: {  	v5 =	vld [tilespmem:s21+$0x8450]  }
0x125: {  	v4 =	vld [tilespmem:s21+$0x8460]  }
0x126: {  	v3 =	vld [tilespmem:s21+$0x8470]  }
0x127: {  	v35 =	vld [tilespmem:s21+$0x2800]  }
0x128: {  	v36 =	vld [tilespmem:s21+$0x2810]  }
0x129: {  	v37 =	vld [tilespmem:s21+$0x2820]  }
0x12a: {  	v38 =	vld [tilespmem:s21+$0x2830]  }
0x12b: {  	v39 =	vld [tilespmem:s21+$0x2840]  }
0x12c: {  	v15 =	vadd.f32 v15, v35;
	v35 =	vld [tilespmem:s21+$0x2850]  }
0x12d: {  	v10 =	vadd.f32 v10, v36;
	v36 =	vld [tilespmem:s21+$0x2860]  }
0x12e: {  	[tilespmem:s21+$0x2800] =	vst v15;
	v11 =	vadd.f32 v11, v37;
	v15 =	vld [tilespmem:s21+$0x2870]  }
0x12f: {  	[tilespmem:s21+$0x2810] =	vst v10;
	v10 =	vadd.f32 v14, v38;
	v14 =	vld [tilespmem:s21+$0x2C00]  }
0x130: {  	[tilespmem:s21+$0x2820] =	vst v11;
	v11 =	vadd.f32 v13, v39;
	v13 =	vld [tilespmem:s21+$0x2C10]  }
0x131: {  	[tilespmem:s21+$0x2830] =	vst v10;
	v10 =	vadd.f32 v12, v35;
	v12 =	vld [tilespmem:s21+$0x2C20]  }
0x132: {  	[tilespmem:s21+$0x2840] =	vst v11;
	v11 =	vadd.f32 v16, v36;
	v16 =	vld [tilespmem:s21+$0x2C30]  }
0x133: {  	[tilespmem:s21+$0x2850] =	vst v10;
	v10 =	vadd.f32 v17, v15;
	v15 =	vld [tilespmem:s21+$0x2C40]  }
0x134: {  	[tilespmem:s21+$0x2860] =	vst v11;
	v11 =	vadd.f32 v18, v14;
	v14 =	vld [tilespmem:s21+$0x2C50]  }
0x135: {  	[tilespmem:s21+$0x2870] =	vst v10;
	v10 =	vadd.f32 v19, v13;
	v13 =	vld [tilespmem:s21+$0x2C60]  }
0x136: {  	[tilespmem:s21+$0x2C00] =	vst v11;
	v11 =	vadd.f32 v20, v12;
	v12 =	vld [tilespmem:s21+$0x2C70]  }
0x137: {  	[tilespmem:s21+$0x2C10] =	vst v10;
	v10 =	vadd.f32 v21, v16;
	v16 =	vld [tilespmem:s21+$0x3000]  }
0x138: {  	[tilespmem:s21+$0x2C20] =	vst v11;
	v11 =	vadd.f32 v22, v15;
	v15 =	vld [tilespmem:s21+$0x3010]  }
0x139: {  	[tilespmem:s21+$0x2C30] =	vst v10;
	v10 =	vadd.f32 v23, v14;
	v14 =	vld [tilespmem:s21+$0x3020]  }
0x13a: {  	[tilespmem:s21+$0x2C40] =	vst v11;
	v11 =	vadd.f32 v24, v13;
	v13 =	vld [tilespmem:s21+$0x3030]  }
0x13b: {  	[tilespmem:s21+$0x2C50] =	vst v10;
	v10 =	vadd.f32 v25, v12;
	v12 =	vld [tilespmem:s21+$0x3040]  }
0x13c: {  	[tilespmem:s21+$0x2C60] =	vst v11;
	v11 =	vadd.f32 v26, v16;
	v16 =	vld [tilespmem:s21+$0x3050]  }
0x13d: {  	[tilespmem:s21+$0x2C70] =	vst v10;
	v10 =	vadd.f32 v27, v15;
	v15 =	vld [tilespmem:s21+$0x3060]  }
0x13e: {  	[tilespmem:s21+$0x3000] =	vst v11;
	v11 =	vadd.f32 v28, v14;
	v14 =	vld [tilespmem:s21+$0x3070]  }
0x13f: {  	[tilespmem:s21+$0x3010] =	vst v10;
	v10 =	vadd.f32 v29, v13;
	v17 =	vld [tilespmem:s21+$0x3400]  }
.Ltmp0:
0x140: {  	[tilespmem:s21+$0x3020] =	vst v11;
	v11 =	vadd.f32 v30, v12;
	v13 =	vld [tilespmem:s21+$0x3410];
	(pc) =	sbr.rel @p0 .LBB2_3-.Ltmp0, $4  }
0x141: {  	[tilespmem:s21+$0x3030] =	vst v10;
	v16 =	vadd.f32 v31, v16;
	v12 =	vld [tilespmem:s21+$0x3420]  }
0x142: {  	[tilespmem:s21+$0x3040] =	vst v11;
	v15 =	vadd.f32 v32, v15;
	v10 =	vld [tilespmem:s21+$0x3430]  }
0x143: {  	[tilespmem:s21+$0x3050] =	vst v16;
	v16 =	vadd.f32 v33, v14;
	v11 =	vld [tilespmem:s21+$0x3440]  }
0x144: {  	s22 =	sadd.s32 $0x80, s22;
	s23 =	sadd.s32 $0x200, s23;
	[tilespmem:s21+$0x3060] =	vst v15;
	v15 =	vadd.f32 v34, v17;
	v14 =	vld [tilespmem:s21+$0x3450]  }
0x145: {  	[tilespmem:s21+$0x3070] =	vst v16;
	v9 =	vadd.f32 v9, v13;
	v13 =	vld [tilespmem:s21+$0x3460]  }
0x146: {  	[tilespmem:s21+$0x3400] =	vst v15;
	v8 =	vadd.f32 v8, v12;
	v12 =	vld [tilespmem:s21+$0x3470]  }
0x147: {  	[tilespmem:s21+$0x3410] =	vst v9;
	v7 =	vadd.f32 v7, v10  }
0x148: {  	[tilespmem:s21+$0x3420] =	vst v8;
	v6 =	vadd.f32 v6, v11  }
0x149: {  	[tilespmem:s21+$0x3430] =	vst v7;
	v5 =	vadd.f32 v5, v14  }
0x14a: {  	[tilespmem:s21+$0x3440] =	vst v6;
	v4 =	vadd.f32 v4, v13  }
0x14b: {  	s22 =	sadd.s32 s4, s20;
	[tilespmem:s21+$0x3450] =	vst v5;
	v3 =	vadd.f32 v3, v12  }
0x14c: {  	s22 =	sshll.u32 s22, $0x6;
	[tilespmem:s21+$0x3460] =	vst v4  }
0x14d: {  	s22 =	sadd.s32 s6, s22;
	[tilespmem:s21+$0x3470] =	vst v3;
	s21 =	simm.s32 $0x0  }
0x14e: {  	[hbm4b:s22+s21] =	stream.linear.scatter [tilespmem:s15], [sflag:$0x5], $0x5000, $0x38;
	[tilespmem:$0x16800] =	vst v63  }
0x14f: {  	_ =	swait.ge [sflag:s11], $0x5000  }
0x150: {  	[sflag:s11] =	ssyncset.done $0x0  }
0x151: {  	[sflag:s11] =	ssyncadd.s32 $0xFFFFB000  }
0x152: {  	v3 =	vld [tilespmem:s20+$0x50];
	_ =	sdelay $0x4  }
0x153: {  	v4 =	vshll.u32 v3, $0x2  }
0x154: {  	v3 =	vand.u32 $0x7, v3;
	v4 =	vand.u32 $0xFFFFFFE0, v4  }
0x155: {  	v3 =	vor.u32 v3, v4  }
0x156: {  	v4 =	vperm.xlane v3, v0;
	_ =	sdelay $0x1  }
0x157: {  	v4 =	vadd.s32 v1, v4;
	_ =	sdelay $0x1  }
0x158: {  	v3 =	vperm.xlane v3, v2;
	_ =	sdelay $0x1  }
0x159: {  	v3 =	vadd.s32 v1, v3  }
0x15a: {  	[tilespmem:s15], [sflag:$0x1] =	stream.indirect_vreg.gather [hbm4b:s3+s21], $0x80, v4, vm0, $0xb8;
	[tilespmem:$0x16800] =	vst v63  }
0x15b: {  	s24 =	simm.s32 $0x3000  }
0x15c: {  	[tilespmem:s24], [sflag:$0x1] =	stream.indirect_vreg.gather [hbm4b:s9+s21], $0x80, v4, vm0, $0xb8;
	[tilespmem:$0x16800] =	vst v63  }
0x15d: {  	s25 =	simm.s32 $0x3800  }
0x15e: {  	[tilespmem:s25], [sflag:$0x1] =	stream.indirect_vreg.gather [hbm4b:s3+s21], $0x80, v3, vm0, $0xb8;
	[tilespmem:$0x16800] =	vst v63  }
0x15f: {  	s23 =	simm.s32 $0x4000  }
0x160: {  	[tilespmem:s23], [sflag:$0x1] =	stream.indirect_vreg.gather [hbm4b:s9+s21], $0x80, v3, vm0, $0xb8;
	[tilespmem:$0x16800] =	vst v63  }
0x161: {  	v3 =	vld [tilespmem:s20+$0x60];
	_ =	sdelay $0x4  }
0x162: {  	v4 =	vshll.u32 v3, $0x2  }
0x163: {  	v3 =	vand.u32 $0x7, v3;
	v4 =	vand.u32 $0xFFFFFFE0, v4  }
0x164: {  	v3 =	vor.u32 v3, v4  }
0x165: {  	v4 =	vperm.xlane v3, v0;
	_ =	sdelay $0x1  }
0x166: {  	v4 =	vadd.s32 v1, v4;
	_ =	sdelay $0x1  }
0x167: {  	v3 =	vperm.xlane v3, v2;
	_ =	sdelay $0x1  }
0x168: {  	s24 =	simm.s32 $0x4800;
	v3 =	vadd.s32 v1, v3  }
0x169: {  	[tilespmem:s24], [sflag:$0x1] =	stream.indirect_vreg.gather [hbm4b:s3+s21], $0x80, v4, vm0, $0xb8;
	[tilespmem:$0x16800] =	vst v63  }
0x16a: {  	s25 =	simm.s32 $0x5000  }
0x16b: {  	[tilespmem:s25], [sflag:$0x1] =	stream.indirect_vreg.gather [hbm4b:s9+s21], $0x80, v4, vm0, $0xb8;
	[tilespmem:$0x16800] =	vst v63  }
0x16c: {  	s23 =	simm.s32 $0x5800  }
0x16d: {  	[tilespmem:s23], [sflag:$0x1] =	stream.indirect_vreg.gather [hbm4b:s3+s21], $0x80, v3, vm0, $0xb8;
	[tilespmem:$0x16800] =	vst v63  }
0x16e: {  	s24 =	simm.s32 $0x6000  }
0x16f: {  	[tilespmem:s24], [sflag:$0x1] =	stream.indirect_vreg.gather [hbm4b:s9+s21], $0x80, v3, vm0, $0xb8;
	[tilespmem:$0x16800] =	vst v63  }
0x170: {  	v3 =	vld.msk [tilespmem:s20+$0x70], $0xff;
	_ =	sdelay $0x4  }
0x171: {  	v4 =	vshll.u32 v3, $0x2  }
0x172: {  	v3 =	vand.u32 $0x7, v3;
	v4 =	vand.u32 $0xFFFFFFE0, v4  }
0x173: {  	v3 =	vor.u32 v3, v4  }
0x174: {  	v3 =	vperm.xlane v3, v0;
	_ =	sdelay $0x1  }
0x175: {  	v3 =	vadd.s32 v1, v3;
	_ =	sdelay $0x3  }
0x176: {  	s25 =	simm.s32 $0x6800  }
0x177: {  	[tilespmem:s25], [sflag:$0x1] =	stream.indirect_vreg.gather [hbm4b:s3+s21], $0x80, v3, vm0, $0xb8;
	[tilespmem:$0x16800] =	vst v63  }
0x178: {  	s23 =	simm.s32 $0x7000  }
0x179: {  	[tilespmem:s23], [sflag:$0x1] =	stream.indirect_vreg.gather [hbm4b:s9+s21], $0x80, v3, vm0, $0xb8;
	[tilespmem:$0x16800] =	vst v63  }
0x17a: {  	v3 =	vld [tilespmem:s20+$0x1450];
	_ =	sdelay $0x4  }
0x17b: {  	v4 =	vshll.u32 v3, $0x2  }
0x17c: {  	v3 =	vand.u32 $0x7, v3;
	v4 =	vand.u32 $0xFFFFFFE0, v4  }
0x17d: {  	v3 =	vor.u32 v3, v4  }
0x17e: {  	v4 =	vperm.xlane v3, v0;
	_ =	sdelay $0x1  }
0x17f: {  	v4 =	vadd.s32 v1, v4;
	_ =	sdelay $0x1  }
0x180: {  	v3 =	vperm.xlane v3, v2;
	_ =	sdelay $0x1  }
0x181: {  	s24 =	simm.s32 $0x7800;
	v3 =	vadd.s32 v1, v3  }
0x182: {  	[tilespmem:s24], [sflag:$0x2] =	stream.indirect_vreg.gather [hbm4b:s5+s21], $0x80, v4, vm0, $0xb8;
	[tilespmem:$0x16800] =	vst v63  }
0x183: {  	_ = 	snop  }
0x184: {  	[tilespmem:s26], [sflag:$0x2] =	stream.indirect_vreg.gather [hbm4b:s10+s21], $0x80, v4, vm0, $0xb8;
	[tilespmem:$0x16800] =	vst v63  }
0x185: {  	_ = 	snop  }
0x186: {  	[tilespmem:s28], [sflag:$0x2] =	stream.indirect_vreg.gather [hbm4b:s5+s21], $0x80, v3, vm0, $0xb8;
	[tilespmem:$0x16800] =	vst v63  }
0x187: {  	_ = 	snop  }
0x188: {  	[tilespmem:s29], [sflag:$0x2] =	stream.indirect_vreg.gather [hbm4b:s10+s21], $0x80, v3, vm0, $0xb8;
	[tilespmem:$0x16800] =	vst v63  }
0x189: {  	v3 =	vld [tilespmem:s20+$0x1460];
	_ =	sdelay $0x4  }
0x18a: {  	v4 =	vshll.u32 v3, $0x2  }
0x18b: {  	v3 =	vand.u32 $0x7, v3;
	v4 =	vand.u32 $0xFFFFFFE0, v4  }
0x18c: {  	v3 =	vor.u32 v3, v4  }
0x18d: {  	v4 =	vperm.xlane v3, v0;
	_ =	sdelay $0x1  }
0x18e: {  	v4 =	vadd.s32 v1, v4;
	_ =	sdelay $0x1  }
0x18f: {  	v3 =	vperm.xlane v3, v2;
	_ =	sdelay $0x1  }
0x190: {  	v3 =	vadd.s32 v1, v3  }
0x191: {  	[tilespmem:s30], [sflag:$0x2] =	stream.indirect_vreg.gather [hbm4b:s5+s21], $0x80, v4, vm0, $0xb8;
	[tilespmem:$0x16800] =	vst v63  }
0x192: {  	_ = 	snop  }
0x193: {  	[tilespmem:s31], [sflag:$0x2] =	stream.indirect_vreg.gather [hbm4b:s10+s21], $0x80, v4, vm0, $0xb8;
	[tilespmem:$0x16800] =	vst v63  }
0x194: {  	_ = 	snop  }
0x195: {  	[tilespmem:s0], [sflag:$0x2] =	stream.indirect_vreg.gather [hbm4b:s5+s21], $0x80, v3, vm0, $0xb8;
	[tilespmem:$0x16800] =	vst v63  }
0x196: {  	_ = 	snop  }
0x197: {  	[tilespmem:s1], [sflag:$0x2] =	stream.indirect_vreg.gather [hbm4b:s10+s21], $0x80, v3, vm0, $0xb8;
	[tilespmem:$0x16800] =	vst v63  }
0x198: {  	v3 =	vld.msk [tilespmem:s20+$0x1470], $0xff;
	_ =	sdelay $0x4  }
0x199: {  	v4 =	vshll.u32 v3, $0x2  }
0x19a: {  	v3 =	vand.u32 $0x7, v3;
	v4 =	vand.u32 $0xFFFFFFE0, v4  }
0x19b: {  	v3 =	vor.u32 v3, v4  }
0x19c: {  	v3 =	vperm.xlane v3, v0;
	_ =	sdelay $0x1  }
0x19d: {  	v3 =	vadd.s32 v1, v3;
	_ =	sdelay $0x4  }
0x19e: {  	[tilespmem:s14], [sflag:$0x2] =	stream.indirect_vreg.gather [hbm4b:s5+s21], $0x80, v3, vm0, $0xb8;
	[tilespmem:$0x16800] =	vst v63  }
0x19f: {  	_ = 	snop  }
0x1a0: {  	[tilespmem:s7], [sflag:$0x2] =	stream.indirect_vreg.gather [hbm4b:s10+s21], $0x80, v3, vm0, $0xb8;
	[tilespmem:$0x16800] =	vst v63  }
0x1a1: {  	_ =	swait.ge [sflag:s16], $0x5000  }
0x1a2: {  	[sflag:s16] =	ssyncset.done $0x0  }
0x1a3: {  	[sflag:s16] =	ssyncadd.s32 $0xFFFFB000  }
0x1a4: {  	_ =	swait.ge [sflag:s17], $0x5000  }
0x1a5: {  	s25 =	sand.u32 $0x7000, s21;
	s21 =	sand.u32 $0x380, s21;
	[sflag:s17] =	ssyncset.done $0x0  }
0x1a6: {  	s20 =	sor.u32 s21, s25;
	[sflag:s17] =	ssyncadd.s32 $0xFFFFB000  }
0x1a7: {  	v10 =	vld [tilespmem:s20+$0x11800]  }
0x1a8: {  	v11 =	vld [tilespmem:s20+$0x11810]  }
0x1a9: {  	v12 =	vld [tilespmem:s20+$0x11820]  }
0x1aa: {  	v13 =	vld [tilespmem:s20+$0x11830]  }
0x1ab: {  	v14 =	vld [tilespmem:s20+$0x11840]  }
0x1ac: {  	v15 =	vld [tilespmem:s20+$0x11850]  }
0x1ad: {  	v16 =	vld [tilespmem:s20+$0x11860]  }
0x1ae: {  	v17 =	vld [tilespmem:s20+$0x11870]  }
0x1af: {  	v18 =	vld [tilespmem:s20+$0x11C00]  }
0x1b0: {  	v19 =	vld [tilespmem:s20+$0x11C10]  }
0x1b1: {  	v20 =	vld [tilespmem:s20+$0x11C20]  }
0x1b2: {  	v21 =	vld [tilespmem:s20+$0x11C30]  }
0x1b3: {  	v22 =	vld [tilespmem:s20+$0x11C40]  }
0x1b4: {  	v23 =	vld [tilespmem:s20+$0x11C50]  }
0x1b5: {  	v24 =	vld [tilespmem:s20+$0x11C60]  }
0x1b6: {  	v25 =	vld [tilespmem:s20+$0x11C70]  }
0x1b7: {  	v26 =	vld [tilespmem:s20+$0x12000]  }
0x1b8: {  	v27 =	vld [tilespmem:s20+$0x12010]  }
0x1b9: {  	v28 =	vld [tilespmem:s20+$0x12020]  }
0x1ba: {  	v29 =	vld [tilespmem:s20+$0x12030]  }
0x1bb: {  	v30 =	vld [tilespmem:s20+$0x12040]  }
0x1bc: {  	v31 =	vld [tilespmem:s20+$0x12050]  }
0x1bd: {  	v32 =	vld [tilespmem:s20+$0x12060]  }
0x1be: {  	v33 =	vld [tilespmem:s20+$0x12070]  }
0x1bf: {  	v34 =	vld [tilespmem:s20+$0x12400]  }
0x1c0: {  	v9 =	vld [tilespmem:s20+$0x12410]  }
0x1c1: {  	v8 =	vld [tilespmem:s20+$0x12420]  }
0x1c2: {  	v7 =	vld [tilespmem:s20+$0x12430]  }
0x1c3: {  	v6 =	vld [tilespmem:s20+$0x12440]  }
0x1c4: {  	v5 =	vld [tilespmem:s20+$0x12450]  }
0x1c5: {  	v4 =	vld [tilespmem:s20+$0x12460]  }
0x1c6: {  	v3 =	vld [tilespmem:s20+$0x12470]  }
0x1c7: {  	v35 =	vld [tilespmem:s20+$0xC800]  }
0x1c8: {  	v36 =	vld [tilespmem:s20+$0xC810]  }
0x1c9: {  	v37 =	vld [tilespmem:s20+$0xC820]  }
0x1ca: {  	v38 =	vld [tilespmem:s20+$0xC830]  }
0x1cb: {  	v39 =	vld [tilespmem:s20+$0xC840]  }
0x1cc: {  	v62 =	vld [tilespmem:s20+$0xC850];
	v10 =	vadd.f32 v10, v35  }
0x1cd: {  	v63 =	vld [tilespmem:s20+$0xC860];
	v11 =	vadd.f32 v11, v36  }
0x1ce: {  	[tilespmem:s20+$0xC800] =	vst v10;
	v10 =	vadd.f32 v12, v37;
	v12 =	vld [tilespmem:s20+$0xC870]  }
0x1cf: {  	[tilespmem:s20+$0xC810] =	vst v11;
	v11 =	vadd.f32 v13, v38;
	v13 =	vld [tilespmem:s20+$0xCC00]  }
0x1d0: {  	[tilespmem:s20+$0xC820] =	vst v10;
	v10 =	vadd.f32 v14, v39;
	v14 =	vld [tilespmem:s20+$0xCC10]  }
0x1d1: {  	[tilespmem:s20+$0xC830] =	vst v11;
	v11 =	vadd.f32 v15, v62;
	v15 =	vld [tilespmem:s20+$0xCC20]  }
0x1d2: {  	[tilespmem:s20+$0xC840] =	vst v10;
	v10 =	vadd.f32 v16, v63;
	v16 =	vld [tilespmem:s20+$0xCC30]  }
0x1d3: {  	[tilespmem:s20+$0xC850] =	vst v11;
	v11 =	vadd.f32 v17, v12;
	v12 =	vld [tilespmem:s20+$0xCC40]  }
0x1d4: {  	[tilespmem:s20+$0xC860] =	vst v10;
	v10 =	vadd.f32 v18, v13;
	v13 =	vld [tilespmem:s20+$0xCC50]  }
0x1d5: {  	[tilespmem:s20+$0xC870] =	vst v11;
	v11 =	vadd.f32 v19, v14;
	v14 =	vld [tilespmem:s20+$0xCC60]  }
0x1d6: {  	[tilespmem:s20+$0xCC00] =	vst v10;
	v10 =	vadd.f32 v20, v15;
	v15 =	vld [tilespmem:s20+$0xCC70]  }
0x1d7: {  	[tilespmem:s20+$0xCC10] =	vst v11;
	v11 =	vadd.f32 v21, v16;
	v16 =	vld [tilespmem:s20+$0xD000]  }
0x1d8: {  	[tilespmem:s20+$0xCC20] =	vst v10;
	v10 =	vadd.f32 v22, v12;
	v12 =	vld [tilespmem:s20+$0xD010]  }
0x1d9: {  	[tilespmem:s20+$0xCC30] =	vst v11;
	v11 =	vadd.f32 v23, v13;
	v13 =	vld [tilespmem:s20+$0xD020]  }
0x1da: {  	[tilespmem:s20+$0xCC40] =	vst v10;
	v10 =	vadd.f32 v24, v14;
	v14 =	vld [tilespmem:s20+$0xD030]  }
0x1db: {  	[tilespmem:s20+$0xCC50] =	vst v11;
	v11 =	vadd.f32 v25, v15;
	v15 =	vld [tilespmem:s20+$0xD040]  }
0x1dc: {  	[tilespmem:s20+$0xCC60] =	vst v10;
	v10 =	vadd.f32 v26, v16;
	v16 =	vld [tilespmem:s20+$0xD050]  }
0x1dd: {  	v17 =	vld [tilespmem:s20+$0xD060];
	[tilespmem:s20+$0xCC70] =	vst v11;
	v11 =	vadd.f32 v27, v12  }
0x1de: {  	v18 =	vld [tilespmem:s20+$0xD070];
	[tilespmem:s20+$0xD000] =	vst v10;
	v10 =	vadd.f32 v28, v13  }
0x1df: {  	[tilespmem:s20+$0xD010] =	vst v11;
	v11 =	vadd.f32 v29, v14;
	v14 =	vld [tilespmem:s20+$0xD400]  }
0x1e0: {  	v13 =	vld [tilespmem:s20+$0xD410];
	[tilespmem:s20+$0xD020] =	vst v10;
	v10 =	vadd.f32 v30, v15  }
0x1e1: {  	v12 =	vld [tilespmem:s20+$0xD420];
	[tilespmem:s20+$0xD030] =	vst v11;
	v11 =	vadd.f32 v31, v16  }
0x1e2: {  	v15 =	vadd.f32 v32, v17;
	[tilespmem:s20+$0xD040] =	vst v10;
	v10 =	vld [tilespmem:s20+$0xD430]  }
0x1e3: {  	v16 =	vadd.f32 v33, v18;
	[tilespmem:s20+$0xD050] =	vst v11;
	v11 =	vld [tilespmem:s20+$0xD440]  }
0x1e4: {  	s22 =	simm.s32 $0x200;
	s21 =	simm.s32 $0x80;
	[tilespmem:s20+$0xD060] =	vst v15;
	v15 =	vadd.f32 v34, v14;
	v14 =	vld [tilespmem:s20+$0xD450]  }
.LBB2_5:
0x1e5: {  	s23 =	sand.u32 $0x7000, s22;
	s24 =	sand.u32 $0x380, s21;
	p0 =	sne.s32 s22, $0x4E00;
	[tilespmem:s20+$0xD070] =	vst v16;
	v9 =	vadd.f32 v9, v13;
	v13 =	vld [tilespmem:s20+$0xD460]  }
0x1e6: {  	s23 =	sor.u32 s24, s23;
	[tilespmem:s20+$0xD400] =	vst v15;
	v8 =	vadd.f32 v8, v12;
	v12 =	vld [tilespmem:s20+$0xD470]  }
0x1e7: {  	v15 =	vld [tilespmem:s23+$0x11800];
	[tilespmem:s20+$0xD410] =	vst v9;
	v7 =	vadd.f32 v7, v10  }
0x1e8: {  	v10 =	vld [tilespmem:s23+$0x11810];
	[tilespmem:s20+$0xD420] =	vst v8;
	v6 =	vadd.f32 v6, v11  }
0x1e9: {  	v11 =	vld [tilespmem:s23+$0x11820];
	[tilespmem:s20+$0xD430] =	vst v7;
	v5 =	vadd.f32 v5, v14  }
0x1ea: {  	v14 =	vld [tilespmem:s23+$0x11830];
	[tilespmem:s20+$0xD440] =	vst v6;
	v4 =	vadd.f32 v4, v13  }
0x1eb: {  	v13 =	vld [tilespmem:s23+$0x11840];
	[tilespmem:s20+$0xD450] =	vst v5;
	v3 =	vadd.f32 v3, v12  }
0x1ec: {  	v12 =	vld [tilespmem:s23+$0x11850];
	[tilespmem:s20+$0xD460] =	vst v4  }
0x1ed: {  	v16 =	vld [tilespmem:s23+$0x11860];
	[tilespmem:s20+$0xD470] =	vst v3;
	s20 =	smov.u32 s23  }
0x1ee: {  	v17 =	vld [tilespmem:s20+$0x11870]  }
0x1ef: {  	v18 =	vld [tilespmem:s20+$0x11C00]  }
0x1f0: {  	v19 =	vld [tilespmem:s20+$0x11C10]  }
0x1f1: {  	v20 =	vld [tilespmem:s20+$0x11C20]  }
0x1f2: {  	v21 =	vld [tilespmem:s20+$0x11C30]  }
0x1f3: {  	v22 =	vld [tilespmem:s20+$0x11C40]  }
0x1f4: {  	v23 =	vld [tilespmem:s20+$0x11C50]  }
0x1f5: {  	v24 =	vld [tilespmem:s20+$0x11C60]  }
0x1f6: {  	v25 =	vld [tilespmem:s20+$0x11C70]  }
0x1f7: {  	v26 =	vld [tilespmem:s20+$0x12000]  }
0x1f8: {  	v27 =	vld [tilespmem:s20+$0x12010]  }
0x1f9: {  	v28 =	vld [tilespmem:s20+$0x12020]  }
0x1fa: {  	v29 =	vld [tilespmem:s20+$0x12030]  }
0x1fb: {  	v30 =	vld [tilespmem:s20+$0x12040]  }
0x1fc: {  	v31 =	vld [tilespmem:s20+$0x12050]  }
0x1fd: {  	v32 =	vld [tilespmem:s20+$0x12060]  }
0x1fe: {  	v33 =	vld [tilespmem:s20+$0x12070]  }
0x1ff: {  	v34 =	vld [tilespmem:s20+$0x12400]  }
0x200: {  	v9 =	vld [tilespmem:s20+$0x12410]  }
0x201: {  	v8 =	vld [tilespmem:s20+$0x12420]  }
0x202: {  	v7 =	vld [tilespmem:s20+$0x12430]  }
0x203: {  	v6 =	vld [tilespmem:s20+$0x12440]  }
0x204: {  	v5 =	vld [tilespmem:s20+$0x12450]  }
0x205: {  	v4 =	vld [tilespmem:s20+$0x12460]  }
0x206: {  	v3 =	vld [tilespmem:s20+$0x12470]  }
0x207: {  	v35 =	vld [tilespmem:s20+$0xC800]  }
0x208: {  	v36 =	vld [tilespmem:s20+$0xC810]  }
0x209: {  	v37 =	vld [tilespmem:s20+$0xC820]  }
0x20a: {  	v38 =	vld [tilespmem:s20+$0xC830]  }
0x20b: {  	v39 =	vld [tilespmem:s20+$0xC840]  }
0x20c: {  	v15 =	vadd.f32 v15, v35;
	v35 =	vld [tilespmem:s20+$0xC850]  }
0x20d: {  	v10 =	vadd.f32 v10, v36;
	v36 =	vld [tilespmem:s20+$0xC860]  }
0x20e: {  	[tilespmem:s20+$0xC800] =	vst v15;
	v11 =	vadd.f32 v11, v37;
	v15 =	vld [tilespmem:s20+$0xC870]  }
0x20f: {  	[tilespmem:s20+$0xC810] =	vst v10;
	v10 =	vadd.f32 v14, v38;
	v14 =	vld [tilespmem:s20+$0xCC00]  }
0x210: {  	[tilespmem:s20+$0xC820] =	vst v11;
	v11 =	vadd.f32 v13, v39;
	v13 =	vld [tilespmem:s20+$0xCC10]  }
0x211: {  	[tilespmem:s20+$0xC830] =	vst v10;
	v10 =	vadd.f32 v12, v35;
	v12 =	vld [tilespmem:s20+$0xCC20]  }
0x212: {  	[tilespmem:s20+$0xC840] =	vst v11;
	v11 =	vadd.f32 v16, v36;
	v16 =	vld [tilespmem:s20+$0xCC30]  }
0x213: {  	[tilespmem:s20+$0xC850] =	vst v10;
	v10 =	vadd.f32 v17, v15;
	v15 =	vld [tilespmem:s20+$0xCC40]  }
0x214: {  	[tilespmem:s20+$0xC860] =	vst v11;
	v11 =	vadd.f32 v18, v14;
	v14 =	vld [tilespmem:s20+$0xCC50]  }
0x215: {  	[tilespmem:s20+$0xC870] =	vst v10;
	v10 =	vadd.f32 v19, v13;
	v13 =	vld [tilespmem:s20+$0xCC60]  }
0x216: {  	[tilespmem:s20+$0xCC00] =	vst v11;
	v11 =	vadd.f32 v20, v12;
	v12 =	vld [tilespmem:s20+$0xCC70]  }
0x217: {  	[tilespmem:s20+$0xCC10] =	vst v10;
	v10 =	vadd.f32 v21, v16;
	v16 =	vld [tilespmem:s20+$0xD000]  }
0x218: {  	[tilespmem:s20+$0xCC20] =	vst v11;
	v11 =	vadd.f32 v22, v15;
	v15 =	vld [tilespmem:s20+$0xD010]  }
0x219: {  	[tilespmem:s20+$0xCC30] =	vst v10;
	v10 =	vadd.f32 v23, v14;
	v14 =	vld [tilespmem:s20+$0xD020]  }
0x21a: {  	[tilespmem:s20+$0xCC40] =	vst v11;
	v11 =	vadd.f32 v24, v13;
	v13 =	vld [tilespmem:s20+$0xD030]  }
0x21b: {  	[tilespmem:s20+$0xCC50] =	vst v10;
	v10 =	vadd.f32 v25, v12;
	v12 =	vld [tilespmem:s20+$0xD040]  }
0x21c: {  	[tilespmem:s20+$0xCC60] =	vst v11;
	v11 =	vadd.f32 v26, v16;
	v16 =	vld [tilespmem:s20+$0xD050]  }
0x21d: {  	[tilespmem:s20+$0xCC70] =	vst v10;
	v10 =	vadd.f32 v27, v15;
	v15 =	vld [tilespmem:s20+$0xD060]  }
0x21e: {  	[tilespmem:s20+$0xD000] =	vst v11;
	v11 =	vadd.f32 v28, v14;
	v14 =	vld [tilespmem:s20+$0xD070]  }
0x21f: {  	[tilespmem:s20+$0xD010] =	vst v10;
	v10 =	vadd.f32 v29, v13;
	v17 =	vld [tilespmem:s20+$0xD400]  }
.Ltmp1:
0x220: {  	[tilespmem:s20+$0xD020] =	vst v11;
	v11 =	vadd.f32 v30, v12;
	v13 =	vld [tilespmem:s20+$0xD410];
	(pc) =	sbr.rel @p0 .LBB2_5-.Ltmp1, $4  }
0x221: {  	[tilespmem:s20+$0xD030] =	vst v10;
	v16 =	vadd.f32 v31, v16;
	v12 =	vld [tilespmem:s20+$0xD420]  }
0x222: {  	[tilespmem:s20+$0xD040] =	vst v11;
	v15 =	vadd.f32 v32, v15;
	v10 =	vld [tilespmem:s20+$0xD430]  }
0x223: {  	[tilespmem:s20+$0xD050] =	vst v16;
	v16 =	vadd.f32 v33, v14;
	v11 =	vld [tilespmem:s20+$0xD440]  }
0x224: {  	s21 =	sadd.s32 $0x80, s21;
	s22 =	sadd.s32 $0x200, s22;
	[tilespmem:s20+$0xD060] =	vst v15;
	v15 =	vadd.f32 v34, v17;
	v14 =	vld [tilespmem:s20+$0xD450]  }
0x225: {  	[tilespmem:s20+$0xD070] =	vst v16;
	v9 =	vadd.f32 v9, v13;
	v62 =	vld [tilespmem:s20+$0xD460]  }
0x226: {  	v63 =	vld [tilespmem:s20+$0xD470];
	[tilespmem:s20+$0xD400] =	vst v15;
	v8 =	vadd.f32 v8, v12  }
0x227: {  	[tilespmem:s20+$0xD410] =	vst v9;
	v7 =	vadd.f32 v7, v10  }
0x228: {  	s18 =	sadd.s32 $0x1, s18;
	[tilespmem:s20+$0xD420] =	vst v8;
	v6 =	vadd.f32 v6, v11  }
0x229: {  	p0 =	sne.s32 s18, $0x3E;
	[tilespmem:s20+$0xD430] =	vst v7;
	v5 =	vadd.f32 v5, v14  }
.Ltmp2:
0x22a: {  	[tilespmem:s20+$0xD440] =	vst v6;
	v4 =	vadd.f32 v4, v62;
	(pc) =	sbr.rel @p0 .LBB2_2-.Ltmp2, $4  }
0x22b: {  	s19 =	sadd.s32 s4, s19;
	v3 =	vadd.f32 v3, v63;
	[tilespmem:s20+$0xD450] =	vst v5  }
0x22c: {  	s19 =	sshll.u32 s19, $0x6;
	[tilespmem:s20+$0xD460] =	vst v4  }
0x22d: {  	s19 =	sadd.s32 s6, s19;
	[tilespmem:s20+$0xD470] =	vst v3  }
0x22e: {  	[hbm4b:s19+s2] =	stream.linear.scatter [tilespmem:s8], [sflag:$0x6], $0x5000, $0x38;
	[tilespmem:$0x16800] =	vst v63  }
0x22f: {  	s18 =	simm.s32 $0x6  }
0x230: {  	_ =	swait.ge [sflag:s18], $0x5000  }
0x231: {  	[sflag:s18] =	ssyncset.done $0x0  }
0x232: {  	[sflag:s18] =	ssyncadd.s32 $0xFFFFB000  }
0x233: {  	_ =	swait.ge [sflag:s12], $0x5000  }
0x234: {  	[sflag:s12] =	ssyncset.done $0x0  }
0x235: {  	[sflag:s12] =	ssyncadd.s32 $0xFFFFB000  }
0x236: {  	s25 =	simm.s32 $0x0;
	_ =	swait.ge [sflag:s13], $0x5000  }
0x237: {  	s19 =	sand.u32 $0x7000, s25;
	s18 =	sand.u32 $0x380, s25;
	[sflag:s13] =	ssyncset.done $0x0  }
0x238: {  	s18 =	sor.u32 s18, s19;
	[sflag:s13] =	ssyncadd.s32 $0xFFFFB000  }
0x239: {  	v10 =	vld [tilespmem:s18+$0x7800]  }
0x23a: {  	v11 =	vld [tilespmem:s18+$0x7810]  }
0x23b: {  	v12 =	vld [tilespmem:s18+$0x7820]  }
0x23c: {  	v13 =	vld [tilespmem:s18+$0x7830]  }
0x23d: {  	v14 =	vld [tilespmem:s18+$0x7840]  }
0x23e: {  	v15 =	vld [tilespmem:s18+$0x7850]  }
0x23f: {  	v16 =	vld [tilespmem:s18+$0x7860]  }
0x240: {  	v17 =	vld [tilespmem:s18+$0x7870]  }
0x241: {  	v18 =	vld [tilespmem:s18+$0x7C00]  }
0x242: {  	v19 =	vld [tilespmem:s18+$0x7C10]  }
0x243: {  	v20 =	vld [tilespmem:s18+$0x7C20]  }
0x244: {  	v21 =	vld [tilespmem:s18+$0x7C30]  }
0x245: {  	v22 =	vld [tilespmem:s18+$0x7C40]  }
0x246: {  	v23 =	vld [tilespmem:s18+$0x7C50]  }
0x247: {  	v24 =	vld [tilespmem:s18+$0x7C60]  }
0x248: {  	v25 =	vld [tilespmem:s18+$0x7C70]  }
0x249: {  	v26 =	vld [tilespmem:s18+$0x8000]  }
0x24a: {  	v27 =	vld [tilespmem:s18+$0x8010]  }
0x24b: {  	v28 =	vld [tilespmem:s18+$0x8020]  }
0x24c: {  	v29 =	vld [tilespmem:s18+$0x8030]  }
0x24d: {  	v30 =	vld [tilespmem:s18+$0x8040]  }
0x24e: {  	v31 =	vld [tilespmem:s18+$0x8050]  }
0x24f: {  	v32 =	vld [tilespmem:s18+$0x8060]  }
0x250: {  	v33 =	vld [tilespmem:s18+$0x8070]  }
0x251: {  	v34 =	vld [tilespmem:s18+$0x8400]  }
0x252: {  	v9 =	vld [tilespmem:s18+$0x8410]  }
0x253: {  	v8 =	vld [tilespmem:s18+$0x8420]  }
0x254: {  	v7 =	vld [tilespmem:s18+$0x8430]  }
0x255: {  	v6 =	vld [tilespmem:s18+$0x8440]  }
0x256: {  	v5 =	vld [tilespmem:s18+$0x8450]  }
0x257: {  	v4 =	vld [tilespmem:s18+$0x8460]  }
0x258: {  	v3 =	vld [tilespmem:s18+$0x8470]  }
0x259: {  	v35 =	vld [tilespmem:s18+$0x2800]  }
0x25a: {  	v36 =	vld [tilespmem:s18+$0x2810]  }
0x25b: {  	v37 =	vld [tilespmem:s18+$0x2820]  }
0x25c: {  	v38 =	vld [tilespmem:s18+$0x2830]  }
0x25d: {  	v39 =	vld [tilespmem:s18+$0x2840]  }
0x25e: {  	v62 =	vld [tilespmem:s18+$0x2850];
	v10 =	vadd.f32 v10, v35  }
0x25f: {  	v63 =	vld [tilespmem:s18+$0x2860];
	v11 =	vadd.f32 v11, v36  }
0x260: {  	[tilespmem:s18+$0x2800] =	vst v10;
	v10 =	vadd.f32 v12, v37;
	v12 =	vld [tilespmem:s18+$0x2870]  }
0x261: {  	[tilespmem:s18+$0x2810] =	vst v11;
	v11 =	vadd.f32 v13, v38;
	v13 =	vld [tilespmem:s18+$0x2C00]  }
0x262: {  	[tilespmem:s18+$0x2820] =	vst v10;
	v10 =	vadd.f32 v14, v39;
	v14 =	vld [tilespmem:s18+$0x2C10]  }
0x263: {  	[tilespmem:s18+$0x2830] =	vst v11;
	v11 =	vadd.f32 v15, v62;
	v15 =	vld [tilespmem:s18+$0x2C20]  }
0x264: {  	[tilespmem:s18+$0x2840] =	vst v10;
	v10 =	vadd.f32 v16, v63;
	v16 =	vld [tilespmem:s18+$0x2C30]  }
0x265: {  	[tilespmem:s18+$0x2850] =	vst v11;
	v11 =	vadd.f32 v17, v12;
	v12 =	vld [tilespmem:s18+$0x2C40]  }
0x266: {  	[tilespmem:s18+$0x2860] =	vst v10;
	v10 =	vadd.f32 v18, v13;
	v13 =	vld [tilespmem:s18+$0x2C50]  }
0x267: {  	[tilespmem:s18+$0x2870] =	vst v11;
	v11 =	vadd.f32 v19, v14;
	v14 =	vld [tilespmem:s18+$0x2C60]  }
0x268: {  	[tilespmem:s18+$0x2C00] =	vst v10;
	v10 =	vadd.f32 v20, v15;
	v15 =	vld [tilespmem:s18+$0x2C70]  }
0x269: {  	[tilespmem:s18+$0x2C10] =	vst v11;
	v11 =	vadd.f32 v21, v16;
	v16 =	vld [tilespmem:s18+$0x3000]  }
0x26a: {  	[tilespmem:s18+$0x2C20] =	vst v10;
	v10 =	vadd.f32 v22, v12;
	v12 =	vld [tilespmem:s18+$0x3010]  }
0x26b: {  	[tilespmem:s18+$0x2C30] =	vst v11;
	v11 =	vadd.f32 v23, v13;
	v13 =	vld [tilespmem:s18+$0x3020]  }
0x26c: {  	[tilespmem:s18+$0x2C40] =	vst v10;
	v10 =	vadd.f32 v24, v14;
	v14 =	vld [tilespmem:s18+$0x3030]  }
0x26d: {  	[tilespmem:s18+$0x2C50] =	vst v11;
	v11 =	vadd.f32 v25, v15;
	v15 =	vld [tilespmem:s18+$0x3040]  }
0x26e: {  	[tilespmem:s18+$0x2C60] =	vst v10;
	v10 =	vadd.f32 v26, v16;
	v16 =	vld [tilespmem:s18+$0x3050]  }
0x26f: {  	v17 =	vld [tilespmem:s18+$0x3060];
	[tilespmem:s18+$0x2C70] =	vst v11;
	v11 =	vadd.f32 v27, v12  }
0x270: {  	v18 =	vld [tilespmem:s18+$0x3070];
	[tilespmem:s18+$0x3000] =	vst v10;
	v10 =	vadd.f32 v28, v13  }
0x271: {  	[tilespmem:s18+$0x3010] =	vst v11;
	v11 =	vadd.f32 v29, v14;
	v14 =	vld [tilespmem:s18+$0x3400]  }
0x272: {  	v13 =	vld [tilespmem:s18+$0x3410];
	[tilespmem:s18+$0x3020] =	vst v10;
	v10 =	vadd.f32 v30, v15  }
0x273: {  	v12 =	vld [tilespmem:s18+$0x3420];
	[tilespmem:s18+$0x3030] =	vst v11;
	v11 =	vadd.f32 v31, v16  }
0x274: {  	v15 =	vadd.f32 v32, v17;
	[tilespmem:s18+$0x3040] =	vst v10;
	v10 =	vld [tilespmem:s18+$0x3430]  }
0x275: {  	v16 =	vadd.f32 v33, v18;
	[tilespmem:s18+$0x3050] =	vst v11;
	v11 =	vld [tilespmem:s18+$0x3440]  }
0x276: {  	s20 =	simm.s32 $0x200;
	s19 =	simm.s32 $0x80;
	[tilespmem:s18+$0x3060] =	vst v15;
	v15 =	vadd.f32 v34, v14;
	v14 =	vld [tilespmem:s18+$0x3450]  }
.LBB2_8:
0x277: {  	s21 =	sand.u32 $0x7000, s20;
	s22 =	sand.u32 $0x380, s19;
	p0 =	sne.s32 s20, $0x4E00;
	[tilespmem:s18+$0x3070] =	vst v16;
	v9 =	vadd.f32 v9, v13;
	v13 =	vld [tilespmem:s18+$0x3460]  }
0x278: {  	s21 =	sor.u32 s22, s21;
	[tilespmem:s18+$0x3400] =	vst v15;
	v8 =	vadd.f32 v8, v12;
	v12 =	vld [tilespmem:s18+$0x3470]  }
0x279: {  	v15 =	vld [tilespmem:s21+$0x7800];
	[tilespmem:s18+$0x3410] =	vst v9;
	v7 =	vadd.f32 v7, v10  }
0x27a: {  	v10 =	vld [tilespmem:s21+$0x7810];
	[tilespmem:s18+$0x3420] =	vst v8;
	v6 =	vadd.f32 v6, v11  }
0x27b: {  	v11 =	vld [tilespmem:s21+$0x7820];
	[tilespmem:s18+$0x3430] =	vst v7;
	v5 =	vadd.f32 v5, v14  }
0x27c: {  	v14 =	vld [tilespmem:s21+$0x7830];
	[tilespmem:s18+$0x3440] =	vst v6;
	v4 =	vadd.f32 v4, v13  }
0x27d: {  	v13 =	vld [tilespmem:s21+$0x7840];
	[tilespmem:s18+$0x3450] =	vst v5;
	v3 =	vadd.f32 v3, v12  }
0x27e: {  	v12 =	vld [tilespmem:s21+$0x7850];
	[tilespmem:s18+$0x3460] =	vst v4  }
0x27f: {  	v16 =	vld [tilespmem:s21+$0x7860];
	[tilespmem:s18+$0x3470] =	vst v3;
	s18 =	smov.u32 s21  }
0x280: {  	v17 =	vld [tilespmem:s18+$0x7870]  }
0x281: {  	v18 =	vld [tilespmem:s18+$0x7C00]  }
0x282: {  	v19 =	vld [tilespmem:s18+$0x7C10]  }
0x283: {  	v20 =	vld [tilespmem:s18+$0x7C20]  }
0x284: {  	v21 =	vld [tilespmem:s18+$0x7C30]  }
0x285: {  	v22 =	vld [tilespmem:s18+$0x7C40]  }
0x286: {  	v23 =	vld [tilespmem:s18+$0x7C50]  }
0x287: {  	v24 =	vld [tilespmem:s18+$0x7C60]  }
0x288: {  	v25 =	vld [tilespmem:s18+$0x7C70]  }
0x289: {  	v26 =	vld [tilespmem:s18+$0x8000]  }
0x28a: {  	v27 =	vld [tilespmem:s18+$0x8010]  }
0x28b: {  	v28 =	vld [tilespmem:s18+$0x8020]  }
0x28c: {  	v29 =	vld [tilespmem:s18+$0x8030]  }
0x28d: {  	v30 =	vld [tilespmem:s18+$0x8040]  }
0x28e: {  	v31 =	vld [tilespmem:s18+$0x8050]  }
0x28f: {  	v32 =	vld [tilespmem:s18+$0x8060]  }
0x290: {  	v33 =	vld [tilespmem:s18+$0x8070]  }
0x291: {  	v34 =	vld [tilespmem:s18+$0x8400]  }
0x292: {  	v9 =	vld [tilespmem:s18+$0x8410]  }
0x293: {  	v8 =	vld [tilespmem:s18+$0x8420]  }
0x294: {  	v7 =	vld [tilespmem:s18+$0x8430]  }
0x295: {  	v6 =	vld [tilespmem:s18+$0x8440]  }
0x296: {  	v5 =	vld [tilespmem:s18+$0x8450]  }
0x297: {  	v4 =	vld [tilespmem:s18+$0x8460]  }
0x298: {  	v3 =	vld [tilespmem:s18+$0x8470]  }
0x299: {  	v35 =	vld [tilespmem:s18+$0x2800]  }
0x29a: {  	v36 =	vld [tilespmem:s18+$0x2810]  }
0x29b: {  	v37 =	vld [tilespmem:s18+$0x2820]  }
0x29c: {  	v38 =	vld [tilespmem:s18+$0x2830]  }
0x29d: {  	v39 =	vld [tilespmem:s18+$0x2840]  }
0x29e: {  	v15 =	vadd.f32 v15, v35;
	v35 =	vld [tilespmem:s18+$0x2850]  }
0x29f: {  	v10 =	vadd.f32 v10, v36;
	v36 =	vld [tilespmem:s18+$0x2860]  }
0x2a0: {  	[tilespmem:s18+$0x2800] =	vst v15;
	v11 =	vadd.f32 v11, v37;
	v15 =	vld [tilespmem:s18+$0x2870]  }
0x2a1: {  	[tilespmem:s18+$0x2810] =	vst v10;
	v10 =	vadd.f32 v14, v38;
	v14 =	vld [tilespmem:s18+$0x2C00]  }
0x2a2: {  	[tilespmem:s18+$0x2820] =	vst v11;
	v11 =	vadd.f32 v13, v39;
	v13 =	vld [tilespmem:s18+$0x2C10]  }
0x2a3: {  	[tilespmem:s18+$0x2830] =	vst v10;
	v10 =	vadd.f32 v12, v35;
	v12 =	vld [tilespmem:s18+$0x2C20]  }
0x2a4: {  	[tilespmem:s18+$0x2840] =	vst v11;
	v11 =	vadd.f32 v16, v36;
	v16 =	vld [tilespmem:s18+$0x2C30]  }
0x2a5: {  	[tilespmem:s18+$0x2850] =	vst v10;
	v10 =	vadd.f32 v17, v15;
	v15 =	vld [tilespmem:s18+$0x2C40]  }
0x2a6: {  	[tilespmem:s18+$0x2860] =	vst v11;
	v11 =	vadd.f32 v18, v14;
	v14 =	vld [tilespmem:s18+$0x2C50]  }
0x2a7: {  	[tilespmem:s18+$0x2870] =	vst v10;
	v10 =	vadd.f32 v19, v13;
	v13 =	vld [tilespmem:s18+$0x2C60]  }
0x2a8: {  	[tilespmem:s18+$0x2C00] =	vst v11;
	v11 =	vadd.f32 v20, v12;
	v12 =	vld [tilespmem:s18+$0x2C70]  }
0x2a9: {  	[tilespmem:s18+$0x2C10] =	vst v10;
	v10 =	vadd.f32 v21, v16;
	v16 =	vld [tilespmem:s18+$0x3000]  }
0x2aa: {  	[tilespmem:s18+$0x2C20] =	vst v11;
	v11 =	vadd.f32 v22, v15;
	v15 =	vld [tilespmem:s18+$0x3010]  }
0x2ab: {  	[tilespmem:s18+$0x2C30] =	vst v10;
	v10 =	vadd.f32 v23, v14;
	v14 =	vld [tilespmem:s18+$0x3020]  }
0x2ac: {  	[tilespmem:s18+$0x2C40] =	vst v11;
	v11 =	vadd.f32 v24, v13;
	v13 =	vld [tilespmem:s18+$0x3030]  }
0x2ad: {  	[tilespmem:s18+$0x2C50] =	vst v10;
	v10 =	vadd.f32 v25, v12;
	v12 =	vld [tilespmem:s18+$0x3040]  }
0x2ae: {  	[tilespmem:s18+$0x2C60] =	vst v11;
	v11 =	vadd.f32 v26, v16;
	v16 =	vld [tilespmem:s18+$0x3050]  }
0x2af: {  	[tilespmem:s18+$0x2C70] =	vst v10;
	v10 =	vadd.f32 v27, v15;
	v15 =	vld [tilespmem:s18+$0x3060]  }
0x2b0: {  	[tilespmem:s18+$0x3000] =	vst v11;
	v11 =	vadd.f32 v28, v14;
	v14 =	vld [tilespmem:s18+$0x3070]  }
0x2b1: {  	[tilespmem:s18+$0x3010] =	vst v10;
	v10 =	vadd.f32 v29, v13;
	v17 =	vld [tilespmem:s18+$0x3400]  }
.Ltmp3:
0x2b2: {  	[tilespmem:s18+$0x3020] =	vst v11;
	v11 =	vadd.f32 v30, v12;
	v13 =	vld [tilespmem:s18+$0x3410];
	(pc) =	sbr.rel @p0 .LBB2_8-.Ltmp3, $4  }
0x2b3: {  	[tilespmem:s18+$0x3030] =	vst v10;
	v16 =	vadd.f32 v31, v16;
	v12 =	vld [tilespmem:s18+$0x3420]  }
0x2b4: {  	[tilespmem:s18+$0x3040] =	vst v11;
	v15 =	vadd.f32 v32, v15;
	v10 =	vld [tilespmem:s18+$0x3430]  }
0x2b5: {  	[tilespmem:s18+$0x3050] =	vst v16;
	v16 =	vadd.f32 v33, v14;
	v11 =	vld [tilespmem:s18+$0x3440]  }
0x2b6: {  	s19 =	sadd.s32 $0x80, s19;
	s20 =	sadd.s32 $0x200, s20;
	[tilespmem:s18+$0x3060] =	vst v15;
	v15 =	vadd.f32 v34, v17;
	v14 =	vld [tilespmem:s18+$0x3450]  }
0x2b7: {  	[tilespmem:s18+$0x3070] =	vst v16;
	v9 =	vadd.f32 v9, v13;
	v62 =	vld [tilespmem:s18+$0x3460]  }
0x2b8: {  	v63 =	vld [tilespmem:s18+$0x3470];
	[tilespmem:s18+$0x3400] =	vst v15;
	v8 =	vadd.f32 v8, v12  }
0x2b9: {  	[tilespmem:s18+$0x3410] =	vst v9;
	v7 =	vadd.f32 v7, v10  }
0x2ba: {  	[tilespmem:s18+$0x3420] =	vst v8;
	v6 =	vadd.f32 v6, v11  }
0x2bb: {  	[tilespmem:s18+$0x3430] =	vst v7;
	v5 =	vadd.f32 v5, v14  }
0x2bc: {  	[tilespmem:s18+$0x3440] =	vst v6;
	v4 =	vadd.f32 v4, v62  }
0x2bd: {  	v3 =	vadd.f32 v3, v63;
	[tilespmem:s18+$0x3450] =	vst v5  }
0x2be: {  	[tilespmem:s18+$0x3460] =	vst v4  }
0x2bf: {  	s24 =	rddreg [dreg:$0x6];
	[tilespmem:s18+$0x3470] =	vst v3  }
0x2c0: {  	[hbm4b:s24+s2] =	stream.linear.scatter [tilespmem:s15], [sflag:$0x5], $0x5000, $0x38;
	[tilespmem:$0x16800] =	vst v63  }
0x2c1: {  	_ =	swait.ge [sflag:s11], $0x5000  }
0x2c2: {  	s19 =	rddreg [dreg:$0x8]  }
0x2c3: {  	s25 =	rddreg [dreg:$0x7];
	s19 =	sadd.s32 $0x1, s19  }
0x2c4: {  	p0 =	sne.s32 s19, s25  }
.Ltmp4:
0x2c5: {  	_ = 	snop;
	(pc) =	sbr.rel @p0 .LBB2_1-.Ltmp4, $3  }
0x2c6: {  	_ =	sdelay $0x1  }
0x2c7: {  	[sflag:s11] =	ssyncset.done $0x0  }
0x2c8: {  	[sflag:s11] =	ssyncadd.s32 $0xFFFFB000  }
0x2c9: {  	_ =	sfence.sel $0x180000  }
0x2ca: {  	[bflag:$0x0] =	sbarrier.arrive $0xFFFF  }
0x2cb: {  	_ =	strace $0x90000047  }
0x2cc: {  	s0 =	stileid.u32;
	[bflag:$0x2] =	sbarrier.arrive $0xFFFF  }
0x2cd: {  	p0 =	sne.s32 s0, $0x0;
	s0 =	rddreg [dreg:$0x3]  }
0x2ce: {  	s0 =	sadd.s32 @!p0 $0x100000, s0  }
0x2cf: {  	[sflag:s0] =	ssyncadd.tile.s32 @!p0 $0x1;
	_ =	shalt  }
.Lfunc_end2:
_tile_overlayer_lowered:
.L_overlay_start_2:
0x2d0: {  	(tag) =	ssettag $0x2  }
0x2d1: {  	s0 =	rddreg [dreg:$0x0];
	s2 =	stileid.u32  }
0x2d2: {  	s1 =	rddreg [dreg:$0x1];
	p0 =	sne.s32 s2, $0x0  }
0x2d3: {  	s3 =	rddreg [dreg:$0x2];
	[bflag:$0x3] =	sbarrier.arrive $0xFFFF;
	s2 =	simm.s32 @!p0 $0x1C07  }
0x2d4: {  	[timem:s3], [sflag:s2] =	dma.local @!p0 [hbm:s0], s1  }
0x2d5: {  	s0 =	simm.s32 @!p0 $0x7  }
0x2d6: {  	_ =	swait.ge @!p0 [sflag:s0], s1  }
0x2d7: {  	s1 =	ssub.s32 @!p0 $0x0, s1;
	[sflag:s0] =	ssyncset.done @!p0 $0x0  }
0x2d8: {  	[sflag:s0] =	ssyncadd.s32 @!p0 s1  }
0x2d9: {  	[bflag:$0x3] =	sbarrier.arrive $0xFFFF  }
0x2da: {  	_ =	shalt  }

</sc_bundles>
